<compile_context>
chip_gen: v7x
topology: tpu7x:2x2x1
jax: 0.10.2.dev20260603
libtpu: 0.0.44.dev20260713+nightly
codegen_flags: <defaults>
</compile_context>

<pallas_src>
import jax
import jax.numpy as jnp
from jax import lax
from jax.experimental import pallas as pl
from jax.experimental.pallas import tpu as pltpu
from jax.experimental.pallas import tpu_sc as plsc

N = 10000
D = 128
DH = 64
E = 320000
DOUT = 64

NC, NS = 2, 16
C = 128
NCHUNK = 2560
CPT = NCHUNK // NS
EPAD = NCHUNK * C
NROWS = 10112
RPT = NROWS // NS

_TC_BLK = 2000


def _sc_edge_body(p0_hbm, p1_hbm, q0_hbm, q1_hbm, srcm, tgtm, z64, z16, ones16,
                  hs0_out, hs1_out, dg_out,
                  src_all, tgt_all, p_bufs, q_bufs, ones_v, hsh, hdg,
                  sem_p0, sem_p1, sem_q0, sem_q1):
    c = lax.axis_index("c")
    s = lax.axis_index("s")
    base_row = s * RPT

    pltpu.sync_copy(z64, hsh.at[pl.ds(base_row, RPT)])
    pltpu.sync_copy(z16, hdg.at[pl.ds(base_row, RPT)])
    pltpu.sync_copy(ones16, ones_v)
    pltpu.sync_copy(srcm.at[pl.ds(s * CPT, CPT)], src_all)
    pltpu.sync_copy(tgtm.at[pl.ds(s * CPT, CPT)], tgt_all)
    plsc.subcore_barrier()

    sems_p = (sem_p0, sem_p1)
    sems_q = (sem_q0, sem_q1)

    def chunk_loop(p_src, q_src, deg_parity):
        pltpu.async_copy(p_src.at[src_all.at[0]], p_bufs.at[0], sem_p0)
        pltpu.async_copy(q_src.at[tgt_all.at[0]], q_bufs.at[0], sem_q0)

        def outer(j, carry):
            for b in range(2):
                jj = 2 * j + b
                p_v = p_bufs.at[b]
                q_v = q_bufs.at[b]
                nb = 1 - b
                pltpu.make_async_copy(
                    p_src.at[src_all.at[jj]], p_v, sems_p[b]).wait()
                pltpu.make_async_copy(
                    q_src.at[tgt_all.at[jj]], q_v, sems_q[b]).wait()

                @pl.when(jj + 1 < CPT)
                def _():
                    pltpu.async_copy(
                        p_src.at[src_all.at[jj + 1]], p_bufs.at[nb], sems_p[nb])
                    pltpu.async_copy(
                        q_src.at[tgt_all.at[jj + 1]], q_bufs.at[nb], sems_q[nb])

                def relu_row(i, carry2):
                    for cc in range(DH // 16):
                        sl = pl.ds(cc * 16, 16)
                        p_v[i, sl] = jnp.maximum(p_v[i, sl] + q_v[i, sl], 0.0)
                    return carry2
                lax.fori_loop(0, C, relu_row, 0, unroll=4)

                tgt_idx = tgt_all.at[jj]
                pltpu.sync_copy(p_v, hsh.at[tgt_idx], add=True)
                if b == 0:
                    is_deg = (deg_parity == 0)
                else:
                    is_deg = (deg_parity == 1)
                if is_deg:
                    pltpu.sync_copy(ones_v, hdg.at[tgt_idx], add=True)
            return carry
        lax.fori_loop(0, CPT // 2, outer, 0)

    @pl.when(c == 0)
    def _():
        chunk_loop(p0_hbm, q0_hbm, 0)

    @pl.when(c != 0)
    def _():
        chunk_loop(p1_hbm, q1_hbm, 1)

    plsc.subcore_barrier()

    sl_rows = pl.ds(base_row, RPT)

    @pl.when(c == 0)
    def _():
        pltpu.sync_copy(hsh.at[sl_rows], hs0_out.at[sl_rows])

    @pl.when(c != 0)
    def _():
        pltpu.sync_copy(hsh.at[sl_rows], hs1_out.at[sl_rows])

    pltpu.sync_copy(hdg.at[sl_rows], dg_out.at[pl.ds(c * NROWS + base_row, RPT)])


_sc_edge = pl.kernel(
    _sc_edge_body,
    out_type=(
        jax.ShapeDtypeStruct((NROWS, DH), jnp.float32),
        jax.ShapeDtypeStruct((NROWS, DH), jnp.float32),
        jax.ShapeDtypeStruct((NC * NROWS, 16), jnp.float32),
    ),
    mesh=plsc.VectorSubcoreMesh(
        core_axis_name="c", subcore_axis_name="s",
        num_cores=NC, num_subcores=NS,
    ),
    compiler_params=pltpu.CompilerParams(use_tc_tiling_on_sc=False),
    scratch_types=[
        pltpu.VMEM((CPT, C), jnp.int32),
        pltpu.VMEM((CPT, C), jnp.int32),
        pltpu.VMEM((2, C, DH), jnp.float32),
        pltpu.VMEM((2, C, DH), jnp.float32),
        pltpu.VMEM((C, 16), jnp.float32),
        pltpu.VMEM_SHARED((NROWS, DH), jnp.float32),
        pltpu.VMEM_SHARED((NROWS, 16), jnp.float32),
        pltpu.SemaphoreType.DMA,
        pltpu.SemaphoreType.DMA,
        pltpu.SemaphoreType.DMA,
        pltpu.SemaphoreType.DMA,
    ],
)


def _tc1_body(x_ref, wa0_ref, wa1_ref, wb0_ref, wb1_ref, b10_ref, b11_ref,
              p0_ref, p1_ref, q0_ref, q1_ref):
    x = x_ref[...]
    p0_ref[...] = jnp.dot(x, wa0_ref[...], preferred_element_type=jnp.float32)
    p1_ref[...] = jnp.dot(x, wa1_ref[...], preferred_element_type=jnp.float32)
    q0_ref[...] = (jnp.dot(x, wb0_ref[...], preferred_element_type=jnp.float32)
                   + b10_ref[...])
    q1_ref[...] = (jnp.dot(x, wb1_ref[...], preferred_element_type=jnp.float32)
                   + b11_ref[...])


def _tc2_body(h0_ref, h1_ref, d0_ref, d1_ref, x_ref,
              w2t_ref, w2b_ref, w3a_ref, w3b_ref, b3_ref, w4_ref, b2_ref,
              b4_ref, out_ref):
    dv = d0_ref[...] + d1_ref[...]
    deg = dv[:, :1]
    agg = (jnp.dot(h0_ref[...], w2t_ref[...], preferred_element_type=jnp.float32)
           + jnp.dot(h1_ref[...], w2b_ref[...], preferred_element_type=jnp.float32)
           + deg * b2_ref[...])
    u = jnp.maximum(
        jnp.dot(x_ref[...], w3a_ref[...], preferred_element_type=jnp.float32)
        + jnp.dot(agg, w3b_ref[...], preferred_element_type=jnp.float32)
        + b3_ref[...], 0.0)
    out_ref[...] = (jnp.dot(u, w4_ref[...], preferred_element_type=jnp.float32)
                    + b4_ref[...])


def _row_blk(i):
    return (i, 0)


def _full(i):
    return (0, 0)


_tc1 = pl.pallas_call(
    _tc1_body,
    grid=(N // _TC_BLK,),
    in_specs=[
        pl.BlockSpec((_TC_BLK, D), _row_blk),
        pl.BlockSpec((D, DH), _full),
        pl.BlockSpec((D, DH), _full),
        pl.BlockSpec((D, DH), _full),
        pl.BlockSpec((D, DH), _full),
        pl.BlockSpec((1, DH), _full),
        pl.BlockSpec((1, DH), _full),
    ],
    out_specs=[
        pl.BlockSpec((_TC_BLK, DH), _row_blk),
        pl.BlockSpec((_TC_BLK, DH), _row_blk),
        pl.BlockSpec((_TC_BLK, DH), _row_blk),
        pl.BlockSpec((_TC_BLK, DH), _row_blk),
    ],
    out_shape=[
        jax.ShapeDtypeStruct((N, DH), jnp.float32),
        jax.ShapeDtypeStruct((N, DH), jnp.float32),
        jax.ShapeDtypeStruct((N, DH), jnp.float32),
        jax.ShapeDtypeStruct((N, DH), jnp.float32),
    ],
)

_tc2 = pl.pallas_call(
    _tc2_body,
    grid=(N // _TC_BLK,),
    in_specs=[
        pl.BlockSpec((_TC_BLK, DH), _row_blk),
        pl.BlockSpec((_TC_BLK, DH), _row_blk),
        pl.BlockSpec((_TC_BLK, 16), _row_blk),
        pl.BlockSpec((_TC_BLK, 16), _row_blk),
        pl.BlockSpec((_TC_BLK, D), _row_blk),
        pl.BlockSpec((DH, D), _full),
        pl.BlockSpec((DH, D), _full),
        pl.BlockSpec((D, D), _full),
        pl.BlockSpec((D, D), _full),
        pl.BlockSpec((1, D), _full),
        pl.BlockSpec((D, DOUT), _full),
        pl.BlockSpec((1, D), _full),
        pl.BlockSpec((1, DOUT), _full),
    ],
    out_specs=pl.BlockSpec((_TC_BLK, DOUT), _row_blk),
    out_shape=jax.ShapeDtypeStruct((N, DOUT), jnp.float32),
)


@jax.jit
def _run(x, src, tgt, W1, b1, W2, b2, W3, b3, W4, b4):
    pad = EPAD - E
    srcm = jnp.concatenate([src, jnp.zeros((pad,), jnp.int32)]).reshape(NCHUNK, C)
    tgtm = jnp.concatenate([tgt, jnp.full((pad,), N, jnp.int32)]).reshape(NCHUNK, C)

    w1t = W1.T
    wa, wb = w1t[:D], w1t[D:]
    p0, p1, q0, q1 = _tc1(x, wa[:, :DH], wa[:, DH:], wb[:, :DH], wb[:, DH:],
                          b1[:DH].reshape(1, DH), b1[DH:].reshape(1, DH))

    z64 = jnp.zeros((RPT, DH), jnp.float32)
    z16 = jnp.zeros((RPT, 16), jnp.float32)
    ones16 = jnp.ones((C, 16), jnp.float32)
    hs0, hs1, dg = _sc_edge(p0, p1, q0, q1, srcm, tgtm, z64, z16, ones16)

    w2t = W2.T
    w3t = W3.T
    out = _tc2(hs0, hs1, dg[:NROWS], dg[NROWS:], x,
               w2t[:DH], w2t[DH:], w3t[:D], w3t[D:], b3.reshape(1, D),
               W4.T, b2.reshape(1, D), b4.reshape(1, DOUT))
    return out


def kernel(node_features, edge_index, W1, b1, W2, b2, W3, b3, W4, b4):
    ei = edge_index.astype(jnp.int32)
    return _run(node_features, ei[0], ei[1], W1, b1, W2, b2, W3, b3, W4, b4)

# --- scband reference (transcript-rebuilt; emitter-appended) ---
"""Pipeline reference for scband-graph-neural-network-encoder-49220325212176 (READ-ONLY COPY).

The authoritative reference and input builder live on the scoring server;
editing this copy changes nothing except your own understanding.
"""

import jax, jax.numpy as jnp
import numpy as np

N = 10000
E = 320000
D = 128
DOUT = 64

def setup_inputs(seed: int = 0) -> dict:
    key = jax.random.key(seed)
    ks = jax.random.split(key, 10)
    node_features = jax.random.normal(ks[0], (N, D), dtype=jnp.float32)
    edge_index = jax.random.randint(ks[1], (2, E), 0, N, dtype=jnp.int64)
    s = 1.0 / np.sqrt(2 * D)
    W1 = jax.random.uniform(ks[2], (D, 2 * D), minval=-s, maxval=s, dtype=jnp.float32)
    b1 = jax.random.uniform(ks[3], (D,), minval=-s, maxval=s, dtype=jnp.float32)
    s2 = 1.0 / np.sqrt(D)
    W2 = jax.random.uniform(ks[4], (D, D), minval=-s2, maxval=s2, dtype=jnp.float32)
    b2 = jax.random.uniform(ks[5], (D,), minval=-s2, maxval=s2, dtype=jnp.float32)
    W3 = jax.random.uniform(ks[6], (D, 2 * D), minval=-s, maxval=s, dtype=jnp.float32)
    b3 = jax.random.uniform(ks[7], (D,), minval=-s, maxval=s, dtype=jnp.float32)
    W4 = jax.random.uniform(ks[8], (DOUT, D), minval=-s2, maxval=s2, dtype=jnp.float32)
    b4 = jax.random.uniform(ks[9], (DOUT,), minval=-s2, maxval=s2, dtype=jnp.float32)
    return {"node_features": node_features, "edge_index": edge_index, "W1": W1, "b1": b1, "W2": W2, "b2": b2, "W3": W3, "b3": b3, "W4": W4, "b4": b4}

def reference(node_features, edge_index, W1, b1, W2, b2, W3, b3, W4, b4):
    src = edge_index[0]
    tgt = edge_index[1]
    source_features = jnp.take(node_features, src, axis=0)
    target_features = jnp.take(node_features, tgt, axis=0)
    edge_features = jnp.concatenate([source_features, target_features], axis=1)
    h = jax.nn.relu(edge_features @ W1.T + b1)
    messages = h @ W2.T + b2
    num_nodes = node_features.shape[0]
    aggregated = jnp.zeros((num_nodes, D), dtype=node_features.dtype).at[tgt].add(messages)
    updated_input = jnp.concatenate([node_features, aggregated], axis=1)
    u = jax.nn.relu(updated_input @ W3.T + b3)
    updated_features = u @ W4.T + b4
    return updated_features

if __name__ == "__main__":
    import jax
    _d = setup_inputs()
    print(jax.jit(kernel)(*tuple(_d.values())))

</pallas_src>

<mosaic_0001>
#map = affine_map<(d0, d1) -> (0, 0)>
module attributes {stable_mosaic.version = 14 : i64} {
  func.func @_sc_edge_body(%arg0: i32, %arg1: i32, %arg2: memref<10000x64xf32, #tpu.memory_space<hbm>>, %arg3: memref<10000x64xf32, #tpu.memory_space<hbm>>, %arg4: memref<10000x64xf32, #tpu.memory_space<hbm>>, %arg5: memref<10000x64xf32, #tpu.memory_space<hbm>>, %arg6: memref<2560x128xi32, #tpu.memory_space<hbm>>, %arg7: memref<2560x128xi32, #tpu.memory_space<hbm>>, %arg8: memref<632x64xf32, #tpu.memory_space<hbm>>, %arg9: memref<632x16xf32, #tpu.memory_space<hbm>>, %arg10: memref<128x16xf32, #tpu.memory_space<hbm>>, %arg11: memref<10112x64xf32, #tpu.memory_space<hbm>>, %arg12: memref<10112x64xf32, #tpu.memory_space<hbm>>, %arg13: memref<20224x16xf32, #tpu.memory_space<hbm>>, %arg14: memref<160x128xi32, #tpu.memory_space<vmem>>, %arg15: memref<160x128xi32, #tpu.memory_space<vmem>>, %arg16: memref<2x128x64xf32, #tpu.memory_space<vmem>>, %arg17: memref<2x128x64xf32, #tpu.memory_space<vmem>>, %arg18: memref<128x16xf32, #tpu.memory_space<vmem>>, %arg19: memref<10112x64xf32, #tpu.memory_space<vmem_shared>>, %arg20: memref<10112x16xf32, #tpu.memory_space<vmem_shared>>, %arg21: memref<!tpu.dma_semaphore, #tpu.memory_space<semaphore_mem>>, %arg22: memref<!tpu.dma_semaphore, #tpu.memory_space<semaphore_mem>>, %arg23: memref<!tpu.dma_semaphore, #tpu.memory_space<semaphore_mem>>, %arg24: memref<!tpu.dma_semaphore, #tpu.memory_space<semaphore_mem>>) attributes {dimension_semantics = [#tpu.dimension_semantics<core_parallel>, #tpu.dimension_semantics<subcore_parallel>], iteration_bounds = array<i64: 2, 16>, scalar_prefetch = 0 : i64, scratch_operands = 11 : i64, tpu.core_type = #tpu.core_type<sc_vector_subcore>, window_params = [{transform_indices = #map}, {transform_indices = #map}, {transform_indices = #map}, {transform_indices = #map}, {transform_indices = #map}, {transform_indices = #map}, {transform_indices = #map}, {transform_indices = #map}, {transform_indices = #map}, {transform_indices = #map}, {transform_indices = #map}, {transform_indices = #map}]} {
    %mul3A = arith.constant 632 : i32
    %mul3A_0 = arith.muli %arg1, %mul3A : i32
    "tpu.region"() ({
      %run_scoped3A = tpu.sem_alloc : memref<!tpu.dma_semaphore, #tpu.memory_space<semaphore_mem>>
      %dma_start3A = arith.constant 0 : i32
      %dma_start3A_24 = tpu.memref_slice %arg19[%mul3A_0, %dma_start3A] : memref<10112x64xf32, #tpu.memory_space<vmem_shared>> -> memref<632x64xf32, #tpu.memory_space<vmem_shared>>
      tpu.enqueue_dma source(%arg8 : memref<632x64xf32, #tpu.memory_space<hbm>>) target(%dma_start3A_24 : memref<632x64xf32, #tpu.memory_space<vmem_shared>>) target_semaphore(%run_scoped3A : memref<!tpu.dma_semaphore, #tpu.memory_space<semaphore_mem>>)
      %dma_wait3A = arith.constant 0 : i32
      %dma_wait3A_25 = tpu.memref_slice %arg19[%mul3A_0, %dma_wait3A] : memref<10112x64xf32, #tpu.memory_space<vmem_shared>> -> memref<632x64xf32, #tpu.memory_space<vmem_shared>>
      tpu.wait_dma2 semaphore(%run_scoped3A : memref<!tpu.dma_semaphore, #tpu.memory_space<semaphore_mem>>) src(%arg8 : memref<632x64xf32, #tpu.memory_space<hbm>>) dst(%dma_wait3A_25 : memref<632x64xf32, #tpu.memory_space<vmem_shared>>)
      tpu.yield
    }) : () -> ()
    "tpu.region"() ({
      %run_scoped3A = tpu.sem_alloc : memref<!tpu.dma_semaphore, #tpu.memory_space<semaphore_mem>>
      %dma_start3A = arith.constant 0 : i32
      %dma_start3A_24 = tpu.memref_slice %arg20[%mul3A_0, %dma_start3A] : memref<10112x16xf32, #tpu.memory_space<vmem_shared>> -> memref<632x16xf32, #tpu.memory_space<vmem_shared>>
      tpu.enqueue_dma source(%arg9 : memref<632x16xf32, #tpu.memory_space<hbm>>) target(%dma_start3A_24 : memref<632x16xf32, #tpu.memory_space<vmem_shared>>) target_semaphore(%run_scoped3A : memref<!tpu.dma_semaphore, #tpu.memory_space<semaphore_mem>>)
      %dma_wait3A = arith.constant 0 : i32
      %dma_wait3A_25 = tpu.memref_slice %arg20[%mul3A_0, %dma_wait3A] : memref<10112x16xf32, #tpu.memory_space<vmem_shared>> -> memref<632x16xf32, #tpu.memory_space<vmem_shared>>
      tpu.wait_dma2 semaphore(%run_scoped3A : memref<!tpu.dma_semaphore, #tpu.memory_space<semaphore_mem>>) src(%arg9 : memref<632x16xf32, #tpu.memory_space<hbm>>) dst(%dma_wait3A_25 : memref<632x16xf32, #tpu.memory_space<vmem_shared>>)
      tpu.yield
    }) : () -> ()
    "tpu.region"() ({
      %run_scoped3A = tpu.sem_alloc : memref<!tpu.dma_semaphore, #tpu.memory_space<semaphore_mem>>
      tpu.enqueue_dma source(%arg10 : memref<128x16xf32, #tpu.memory_space<hbm>>) target(%arg18 : memref<128x16xf32, #tpu.memory_space<vmem>>) target_semaphore(%run_scoped3A : memref<!tpu.dma_semaphore, #tpu.memory_space<semaphore_mem>>)
      tpu.wait_dma2 semaphore(%run_scoped3A : memref<!tpu.dma_semaphore, #tpu.memory_space<semaphore_mem>>) src(%arg10 : memref<128x16xf32, #tpu.memory_space<hbm>>) dst(%arg18 : memref<128x16xf32, #tpu.memory_space<vmem>>)
      tpu.yield
    }) : () -> ()
    %mul3A_1 = arith.constant 160 : i32
    %mul3A_2 = arith.muli %arg1, %mul3A_1 : i32
    "tpu.region"() ({
      %run_scoped3A = tpu.sem_alloc : memref<!tpu.dma_semaphore, #tpu.memory_space<semaphore_mem>>
      %dma_start3A = arith.constant 0 : i32
      %dma_start3A_24 = tpu.memref_slice %arg6[%mul3A_2, %dma_start3A] : memref<2560x128xi32, #tpu.memory_space<hbm>> -> memref<160x128xi32, #tpu.memory_space<hbm>>
      %dma_start3A_25 = arith.constant 0 : i32
      %dma_start3A_26 = tpu.memref_slice %arg6[%mul3A_2, %dma_start3A_25] : memref<2560x128xi32, #tpu.memory_space<hbm>> -> memref<160x128xi32, #tpu.memory_space<hbm>>
      tpu.enqueue_dma source(%dma_start3A_26 : memref<160x128xi32, #tpu.memory_space<hbm>>) target(%arg14 : memref<160x128xi32, #tpu.memory_space<vmem>>) target_semaphore(%run_scoped3A : memref<!tpu.dma_semaphore, #tpu.memory_space<semaphore_mem>>)
      %dma_wait3A = arith.constant 0 : i32
      %dma_wait3A_27 = tpu.memref_slice %arg6[%mul3A_2, %dma_wait3A] : memref<2560x128xi32, #tpu.memory_space<hbm>> -> memref<160x128xi32, #tpu.memory_space<hbm>>
      %dma_wait3A_28 = arith.constant 0 : i32
      %dma_wait3A_29 = tpu.memref_slice %arg6[%mul3A_2, %dma_wait3A_28] : memref<2560x128xi32, #tpu.memory_space<hbm>> -> memref<160x128xi32, #tpu.memory_space<hbm>>
      tpu.wait_dma2 semaphore(%run_scoped3A : memref<!tpu.dma_semaphore, #tpu.memory_space<semaphore_mem>>) src(%dma_wait3A_29 : memref<160x128xi32, #tpu.memory_space<hbm>>) dst(%arg14 : memref<160x128xi32, #tpu.memory_space<vmem>>)
      tpu.yield
    }) : () -> ()
    %mul3A_3 = arith.constant 160 : i32
    %mul3A_4 = arith.muli %arg1, %mul3A_3 : i32
    "tpu.region"() ({
      %run_scoped3A = tpu.sem_alloc : memref<!tpu.dma_semaphore, #tpu.memory_space<semaphore_mem>>
      %dma_start3A = arith.constant 0 : i32
      %dma_start3A_24 = tpu.memref_slice %arg7[%mul3A_4, %dma_start3A] : memref<2560x128xi32, #tpu.memory_space<hbm>> -> memref<160x128xi32, #tpu.memory_space<hbm>>
      %dma_start3A_25 = arith.constant 0 : i32
      %dma_start3A_26 = tpu.memref_slice %arg7[%mul3A_4, %dma_start3A_25] : memref<2560x128xi32, #tpu.memory_space<hbm>> -> memref<160x128xi32, #tpu.memory_space<hbm>>
      tpu.enqueue_dma source(%dma_start3A_26 : memref<160x128xi32, #tpu.memory_space<hbm>>) target(%arg15 : memref<160x128xi32, #tpu.memory_space<vmem>>) target_semaphore(%run_scoped3A : memref<!tpu.dma_semaphore, #tpu.memory_space<semaphore_mem>>)
      %dma_wait3A = arith.constant 0 : i32
      %dma_wait3A_27 = tpu.memref_slice %arg7[%mul3A_4, %dma_wait3A] : memref<2560x128xi32, #tpu.memory_space<hbm>> -> memref<160x128xi32, #tpu.memory_space<hbm>>
      %dma_wait3A_28 = arith.constant 0 : i32
      %dma_wait3A_29 = tpu.memref_slice %arg7[%mul3A_4, %dma_wait3A_28] : memref<2560x128xi32, #tpu.memory_space<hbm>> -> memref<160x128xi32, #tpu.memory_space<hbm>>
      tpu.wait_dma2 semaphore(%run_scoped3A : memref<!tpu.dma_semaphore, #tpu.memory_space<semaphore_mem>>) src(%dma_wait3A_29 : memref<160x128xi32, #tpu.memory_space<hbm>>) dst(%arg15 : memref<160x128xi32, #tpu.memory_space<vmem>>)
      tpu.yield
    }) : () -> ()
    %barrier3A = arith.constant 0 : index
    tpu.barrier barrier_id(%barrier3A)
    %eq3A = arith.constant 0 : i32
    %eq3A_5 = arith.cmpi eq, %arg0, %eq3A : i32
    %convert_element_type3A = arith.extui %eq3A_5 : i1 to i32
    %cond3A = arith.constant 0 : i32
    %cond3A_6 = arith.cmpi ne, %convert_element_type3A, %cond3A : i32
    scf.if %cond3A_6 {
      %dma_start3A = arith.constant 0 : i32
      %dma_start3A_24 = arith.constant 0 : i32
      %dma_start3A_25 = arith.constant 0 : i32
      %dma_start3A_26 = arith.constant 0 : i32
      %dma_start3A_27 = tpu.memref_slice %arg16[%dma_start3A_24, %dma_start3A_25, %dma_start3A_26] : memref<2x128x64xf32, #tpu.memory_space<vmem>> -> memref<1x128x64xf32, #tpu.memory_space<vmem>>
      %dma_start3A_28 = tpu.memref_squeeze %dma_start3A_27 : memref<1x128x64xf32, #tpu.memory_space<vmem>> -> memref<128x64xf32, #tpu.memory_space<vmem>>
      %dma_start3A_29 = arith.constant 0 : i32
      %dma_start3A_30 = tpu.memref_slice %arg14[%dma_start3A, %dma_start3A_29] : memref<160x128xi32, #tpu.memory_space<vmem>> -> memref<1x128xi32, #tpu.memory_space<vmem>>
      %dma_start3A_31 = tpu.memref_squeeze %dma_start3A_30 : memref<1x128xi32, #tpu.memory_space<vmem>> -> memref<128xi32, #tpu.memory_space<vmem>>
      %dma_start3A_32 = arith.constant 0 : i32
      %dma_start3A_33 = arith.constant 0 : i32
      %dma_start3A_34 = tpu.memref_slice %arg2[%dma_start3A_32, %dma_start3A_33] : memref<10000x64xf32, #tpu.memory_space<hbm>> -> memref<10000x64xf32, #tpu.memory_space<hbm>>
      tpu.enqueue_indirect_dma source(%dma_start3A_34 : memref<10000x64xf32, #tpu.memory_space<hbm>>) target(%dma_start3A_28 : memref<128x64xf32, #tpu.memory_space<vmem>>) offsets(%dma_start3A_31 : memref<128xi32, #tpu.memory_space<vmem>>) semaphore(%arg21 : memref<!tpu.dma_semaphore, #tpu.memory_space<semaphore_mem>>)
      %dma_start3A_35 = arith.constant 0 : i32
      %dma_start3A_36 = arith.constant 0 : i32
      %dma_start3A_37 = arith.constant 0 : i32
      %dma_start3A_38 = arith.constant 0 : i32
      %dma_start3A_39 = tpu.memref_slice %arg17[%dma_start3A_36, %dma_start3A_37, %dma_start3A_38] : memref<2x128x64xf32, #tpu.memory_space<vmem>> -> memref<1x128x64xf32, #tpu.memory_space<vmem>>
      %dma_start3A_40 = tpu.memref_squeeze %dma_start3A_39 : memref<1x128x64xf32, #tpu.memory_space<vmem>> -> memref<128x64xf32, #tpu.memory_space<vmem>>
      %dma_start3A_41 = arith.constant 0 : i32
      %dma_start3A_42 = tpu.memref_slice %arg15[%dma_start3A_35, %dma_start3A_41] : memref<160x128xi32, #tpu.memory_space<vmem>> -> memref<1x128xi32, #tpu.memory_space<vmem>>
      %dma_start3A_43 = tpu.memref_squeeze %dma_start3A_42 : memref<1x128xi32, #tpu.memory_space<vmem>> -> memref<128xi32, #tpu.memory_space<vmem>>
      %dma_start3A_44 = arith.constant 0 : i32
      %dma_start3A_45 = arith.constant 0 : i32
      %dma_start3A_46 = tpu.memref_slice %arg4[%dma_start3A_44, %dma_start3A_45] : memref<10000x64xf32, #tpu.memory_space<hbm>> -> memref<10000x64xf32, #tpu.memory_space<hbm>>
      tpu.enqueue_indirect_dma source(%dma_start3A_46 : memref<10000x64xf32, #tpu.memory_space<hbm>>) target(%dma_start3A_40 : memref<128x64xf32, #tpu.memory_space<vmem>>) offsets(%dma_start3A_43 : memref<128xi32, #tpu.memory_space<vmem>>) semaphore(%arg23 : memref<!tpu.dma_semaphore, #tpu.memory_space<semaphore_mem>>)
      %scan3A = arith.constant 0 : i32
      %scan3A_47 = arith.constant 0 : i32
      %scan3A_48 = arith.constant 80 : i32
      %scan3A_49 = arith.addi %scan3A_47, %scan3A_48 : i32
      %scan3A_50 = arith.constant 1 : i32
      scf.for %scan3A_52 = %scan3A_47 to %scan3A_49 step %scan3A_50  : i32 {
        %mul3A_53 = arith.constant 2 : i32
        %mul3A_54 = arith.muli %mul3A_53, %scan3A_52 : i32
        %add3A_55 = arith.constant 0 : i32
        %add3A_56 = arith.addi %mul3A_54, %add3A_55 : i32
        %dma_wait3A = arith.constant 0 : i32
        %dma_wait3A_57 = arith.constant 0 : i32
        %dma_wait3A_58 = arith.constant 0 : i32
        %dma_wait3A_59 = tpu.memref_slice %arg16[%dma_wait3A, %dma_wait3A_57, %dma_wait3A_58] : memref<2x128x64xf32, #tpu.memory_space<vmem>> -> memref<1x128x64xf32, #tpu.memory_space<vmem>>
        %dma_wait3A_60 = tpu.memref_squeeze %dma_wait3A_59 : memref<1x128x64xf32, #tpu.memory_space<vmem>> -> memref<128x64xf32, #tpu.memory_space<vmem>>
        %dma_wait3A_61 = arith.constant 0 : i32
        %dma_wait3A_62 = tpu.memref_slice %arg14[%add3A_56, %dma_wait3A_61] : memref<160x128xi32, #tpu.memory_space<vmem>> -> memref<1x128xi32, #tpu.memory_space<vmem>>
        %dma_wait3A_63 = tpu.memref_squeeze %dma_wait3A_62 : memref<1x128xi32, #tpu.memory_space<vmem>> -> memref<128xi32, #tpu.memory_space<vmem>>
        %dma_wait3A_64 = arith.constant 0 : i32
        %dma_wait3A_65 = arith.constant 0 : i32
        %dma_wait3A_66 = tpu.memref_slice %arg2[%dma_wait3A_64, %dma_wait3A_65] : memref<10000x64xf32, #tpu.memory_space<hbm>> -> memref<10000x64xf32, #tpu.memory_space<hbm>>
        tpu.wait_indirect_dma semaphore(%arg21 : memref<!tpu.dma_semaphore, #tpu.memory_space<semaphore_mem>>) src(%dma_wait3A_66 : memref<10000x64xf32, #tpu.memory_space<hbm>>) dst(%dma_wait3A_60 : memref<128x64xf32, #tpu.memory_space<vmem>>)
        %dma_wait3A_67 = arith.constant 0 : i32
        %dma_wait3A_68 = arith.constant 0 : i32
        %dma_wait3A_69 = arith.constant 0 : i32
        %dma_wait3A_70 = tpu.memref_slice %arg17[%dma_wait3A_67, %dma_wait3A_68, %dma_wait3A_69] : memref<2x128x64xf32, #tpu.memory_space<vmem>> -> memref<1x128x64xf32, #tpu.memory_space<vmem>>
        %dma_wait3A_71 = tpu.memref_squeeze %dma_wait3A_70 : memref<1x128x64xf32, #tpu.memory_space<vmem>> -> memref<128x64xf32, #tpu.memory_space<vmem>>
        %dma_wait3A_72 = arith.constant 0 : i32
        %dma_wait3A_73 = tpu.memref_slice %arg15[%add3A_56, %dma_wait3A_72] : memref<160x128xi32, #tpu.memory_space<vmem>> -> memref<1x128xi32, #tpu.memory_space<vmem>>
        %dma_wait3A_74 = tpu.memref_squeeze %dma_wait3A_73 : memref<1x128xi32, #tpu.memory_space<vmem>> -> memref<128xi32, #tpu.memory_space<vmem>>
        %dma_wait3A_75 = arith.constant 0 : i32
        %dma_wait3A_76 = arith.constant 0 : i32
        %dma_wait3A_77 = tpu.memref_slice %arg4[%dma_wait3A_75, %dma_wait3A_76] : memref<10000x64xf32, #tpu.memory_space<hbm>> -> memref<10000x64xf32, #tpu.memory_space<hbm>>
        tpu.wait_indirect_dma semaphore(%arg23 : memref<!tpu.dma_semaphore, #tpu.memory_space<semaphore_mem>>) src(%dma_wait3A_77 : memref<10000x64xf32, #tpu.memory_space<hbm>>) dst(%dma_wait3A_71 : memref<128x64xf32, #tpu.memory_space<vmem>>)
        %add3A_78 = arith.constant 1 : i32
        %add3A_79 = arith.addi %add3A_56, %add3A_78 : i32
        %lt3A = arith.constant 160 : i32
        %lt3A_80 = arith.cmpi slt, %add3A_79, %lt3A : i32
        %convert_element_type3A_81 = arith.extui %lt3A_80 : i1 to i32
        %cond3A_82 = arith.constant 0 : i32
        %cond3A_83 = arith.cmpi ne, %convert_element_type3A_81, %cond3A_82 : i32
        scf.if %cond3A_83 {
          %add3A_134 = arith.constant 1 : i32
          %add3A_135 = arith.addi %add3A_56, %add3A_134 : i32
          %dma_start3A_136 = arith.constant 1 : i32
          %dma_start3A_137 = arith.constant 0 : i32
          %dma_start3A_138 = arith.constant 0 : i32
          %dma_start3A_139 = tpu.memref_slice %arg16[%dma_start3A_136, %dma_start3A_137, %dma_start3A_138] : memref<2x128x64xf32, #tpu.memory_space<vmem>> -> memref<1x128x64xf32, #tpu.memory_space<vmem>>
          %dma_start3A_140 = tpu.memref_squeeze %dma_start3A_139 : memref<1x128x64xf32, #tpu.memory_space<vmem>> -> memref<128x64xf32, #tpu.memory_space<vmem>>
          %dma_start3A_141 = arith.constant 0 : i32
          %dma_start3A_142 = tpu.memref_slice %arg14[%add3A_135, %dma_start3A_141] : memref<160x128xi32, #tpu.memory_space<vmem>> -> memref<1x128xi32, #tpu.memory_space<vmem>>
          %dma_start3A_143 = tpu.memref_squeeze %dma_start3A_142 : memref<1x128xi32, #tpu.memory_space<vmem>> -> memref<128xi32, #tpu.memory_space<vmem>>
          %dma_start3A_144 = arith.constant 0 : i32
          %dma_start3A_145 = arith.constant 0 : i32
          %dma_start3A_146 = tpu.memref_slice %arg2[%dma_start3A_144, %dma_start3A_145] : memref<10000x64xf32, #tpu.memory_space<hbm>> -> memref<10000x64xf32, #tpu.memory_space<hbm>>
          tpu.enqueue_indirect_dma source(%dma_start3A_146 : memref<10000x64xf32, #tpu.memory_space<hbm>>) target(%dma_start3A_140 : memref<128x64xf32, #tpu.memory_space<vmem>>) offsets(%dma_start3A_143 : memref<128xi32, #tpu.memory_space<vmem>>) semaphore(%arg22 : memref<!tpu.dma_semaphore, #tpu.memory_space<semaphore_mem>>)
          %add3A_147 = arith.constant 1 : i32
          %add3A_148 = arith.addi %add3A_56, %add3A_147 : i32
          %dma_start3A_149 = arith.constant 1 : i32
          %dma_start3A_150 = arith.constant 0 : i32
          %dma_start3A_151 = arith.constant 0 : i32
          %dma_start3A_152 = tpu.memref_slice %arg17[%dma_start3A_149, %dma_start3A_150, %dma_start3A_151] : memref<2x128x64xf32, #tpu.memory_space<vmem>> -> memref<1x128x64xf32, #tpu.memory_space<vmem>>
          %dma_start3A_153 = tpu.memref_squeeze %dma_start3A_152 : memref<1x128x64xf32, #tpu.memory_space<vmem>> -> memref<128x64xf32, #tpu.memory_space<vmem>>
          %dma_start3A_154 = arith.constant 0 : i32
          %dma_start3A_155 = tpu.memref_slice %arg15[%add3A_148, %dma_start3A_154] : memref<160x128xi32, #tpu.memory_space<vmem>> -> memref<1x128xi32, #tpu.memory_space<vmem>>
          %dma_start3A_156 = tpu.memref_squeeze %dma_start3A_155 : memref<1x128xi32, #tpu.memory_space<vmem>> -> memref<128xi32, #tpu.memory_space<vmem>>
          %dma_start3A_157 = arith.constant 0 : i32
          %dma_start3A_158 = arith.constant 0 : i32
          %dma_start3A_159 = tpu.memref_slice %arg4[%dma_start3A_157, %dma_start3A_158] : memref<10000x64xf32, #tpu.memory_space<hbm>> -> memref<10000x64xf32, #tpu.memory_space<hbm>>
          tpu.enqueue_indirect_dma source(%dma_start3A_159 : memref<10000x64xf32, #tpu.memory_space<hbm>>) target(%dma_start3A_153 : memref<128x64xf32, #tpu.memory_space<vmem>>) offsets(%dma_start3A_156 : memref<128xi32, #tpu.memory_space<vmem>>) semaphore(%arg24 : memref<!tpu.dma_semaphore, #tpu.memory_space<semaphore_mem>>)
        } else {
        }
        %scan3A_84 = arith.constant 0 : i32
        %scan3A_85 = arith.constant 0 : i32
        %scan3A_86 = arith.constant 0 : i32
        %scan3A_87 = arith.constant 0 : i32
        %scan3A_88 = arith.constant 128 : i32
        %scan3A_89 = arith.addi %scan3A_87, %scan3A_88 : i32
        %scan3A_90 = arith.constant 4 : i32
        scf.for %scan3A_134 = %scan3A_87 to %scan3A_89 step %scan3A_90  : i32 {
          %get3A = arith.constant 0 : i32
          %get3A_135 = arith.constant 0 : i32
          %get3A_136 = tpu.memref_slice %arg16[%scan3A_85, %get3A, %get3A_135] : memref<2x128x64xf32, #tpu.memory_space<vmem>> -> memref<1x128x64xf32, #tpu.memory_space<vmem>>
          %get3A_137 = tpu.memref_squeeze %get3A_136 : memref<1x128x64xf32, #tpu.memory_space<vmem>> -> memref<128x64xf32, #tpu.memory_space<vmem>>
          %get3A_138 = arith.index_cast %scan3A_134 : i32 to index
          %get3A_139 = arith.constant 0 : index
          %get3A_140 = tpu.vector_load %get3A_137[%get3A_138, %get3A_139] {strides = array<i32>} : memref<128x64xf32, #tpu.memory_space<vmem>>, vector<1x16xf32>,
          %get3A_141 = vector.shape_cast %get3A_140 : vector<1x16xf32> to vector<16xf32>
          %get3A_142 = arith.constant 0 : i32
          %get3A_143 = arith.constant 0 : i32
          %get3A_144 = tpu.memref_slice %arg17[%scan3A_86, %get3A_142, %get3A_143] : memref<2x128x64xf32, #tpu.memory_space<vmem>> -> memref<1x128x64xf32, #tpu.memory_space<vmem>>
          %get3A_145 = tpu.memref_squeeze %get3A_144 : memref<1x128x64xf32, #tpu.memory_space<vmem>> -> memref<128x64xf32, #tpu.memory_space<vmem>>
          %get3A_146 = arith.index_cast %scan3A_134 : i32 to index
          %get3A_147 = arith.constant 0 : index
          %get3A_148 = tpu.vector_load %get3A_145[%get3A_146, %get3A_147] {strides = array<i32>} : memref<128x64xf32, #tpu.memory_space<vmem>>, vector<1x16xf32>,
          %get3A_149 = vector.shape_cast %get3A_148 : vector<1x16xf32> to vector<16xf32>
          %add3A_150 = arith.addf %get3A_141, %get3A_149 : vector<16xf32>
          %max3A = arith.constant 0.000000e+00 : f32
          %max3A_151 = vector.broadcast %max3A : f32 to vector<16xf32>
          %max3A_152 = arith.maximumf %add3A_150, %max3A_151 : vector<16xf32>
          %swap3A = arith.constant 0 : i32
          %swap3A_153 = arith.constant 0 : i32
          %swap3A_154 = tpu.memref_slice %arg16[%scan3A_85, %swap3A, %swap3A_153] : memref<2x128x64xf32, #tpu.memory_space<vmem>> -> memref<1x128x64xf32, #tpu.memory_space<vmem>>
          %swap3A_155 = tpu.memref_squeeze %swap3A_154 : memref<1x128x64xf32, #tpu.memory_space<vmem>> -> memref<128x64xf32, #tpu.memory_space<vmem>>
          %swap3A_156 = arith.index_cast %scan3A_134 : i32 to index
          %swap3A_157 = arith.constant 0 : index
          %swap3A_158 = tpu.vector_load %swap3A_155[%swap3A_156, %swap3A_157] {strides = array<i32>} : memref<128x64xf32, #tpu.memory_space<vmem>>, vector<1x16xf32>,
          %swap3A_159 = vector.shape_cast %swap3A_158 : vector<1x16xf32> to vector<16xf32>
          %swap3A_160 = vector.shape_cast %max3A_152 : vector<16xf32> to vector<1x16xf32>
          tpu.vector_store %swap3A_155[%swap3A_156, %swap3A_157], %swap3A_160 {strides = array<i32>} : memref<128x64xf32, #tpu.memory_space<vmem>>, vector<1x16xf32>,
          %get3A_161 = arith.constant 0 : i32
          %get3A_162 = arith.constant 0 : i32
          %get3A_163 = tpu.memref_slice %arg16[%scan3A_85, %get3A_161, %get3A_162] : memref<2x128x64xf32, #tpu.memory_space<vmem>> -> memref<1x128x64xf32, #tpu.memory_space<vmem>>
          %get3A_164 = tpu.memref_squeeze %get3A_163 : memref<1x128x64xf32, #tpu.memory_space<vmem>> -> memref<128x64xf32, #tpu.memory_space<vmem>>
          %get3A_165 = arith.index_cast %scan3A_134 : i32 to index
          %get3A_166 = arith.constant 16 : index
          %get3A_167 = tpu.vector_load %get3A_164[%get3A_165, %get3A_166] {strides = array<i32>} : memref<128x64xf32, #tpu.memory_space<vmem>>, vector<1x16xf32>,
          %get3A_168 = vector.shape_cast %get3A_167 : vector<1x16xf32> to vector<16xf32>
          %get3A_169 = arith.constant 0 : i32
          %get3A_170 = arith.constant 0 : i32
          %get3A_171 = tpu.memref_slice %arg17[%scan3A_86, %get3A_169, %get3A_170] : memref<2x128x64xf32, #tpu.memory_space<vmem>> -> memref<1x128x64xf32, #tpu.memory_space<vmem>>
          %get3A_172 = tpu.memref_squeeze %get3A_171 : memref<1x128x64xf32, #tpu.memory_space<vmem>> -> memref<128x64xf32, #tpu.memory_space<vmem>>
          %get3A_173 = arith.index_cast %scan3A_134 : i32 to index
          %get3A_174 = arith.constant 16 : index
          %get3A_175 = tpu.vector_load %get3A_172[%get3A_173, %get3A_174] {strides = array<i32>} : memref<128x64xf32, #tpu.memory_space<vmem>>, vector<1x16xf32>,
          %get3A_176 = vector.shape_cast %get3A_175 : vector<1x16xf32> to vector<16xf32>
          %add3A_177 = arith.addf %get3A_168, %get3A_176 : vector<16xf32>
          %max3A_178 = arith.constant 0.000000e+00 : f32
          %max3A_179 = vector.broadcast %max3A_178 : f32 to vector<16xf32>
          %max3A_180 = arith.maximumf %add3A_177, %max3A_179 : vector<16xf32>
          %swap3A_181 = arith.constant 0 : i32
          %swap3A_182 = arith.constant 0 : i32
          %swap3A_183 = tpu.memref_slice %arg16[%scan3A_85, %swap3A_181, %swap3A_182] : memref<2x128x64xf32, #tpu.memory_space<vmem>> -> memref<1x128x64xf32, #tpu.memory_space<vmem>>
          %swap3A_184 = tpu.memref_squeeze %swap3A_183 : memref<1x128x64xf32, #tpu.memory_space<vmem>> -> memref<128x64xf32, #tpu.memory_space<vmem>>
          %swap3A_185 = arith.index_cast %scan3A_134 : i32 to index
          %swap3A_186 = arith.constant 16 : index
          %swap3A_187 = tpu.vector_load %swap3A_184[%swap3A_185, %swap3A_186] {strides = array<i32>} : memref<128x64xf32, #tpu.memory_space<vmem>>, vector<1x16xf32>,
          %swap3A_188 = vector.shape_cast %swap3A_187 : vector<1x16xf32> to vector<16xf32>
          %swap3A_189 = vector.shape_cast %max3A_180 : vector<16xf32> to vector<1x16xf32>
          tpu.vector_store %swap3A_184[%swap3A_185, %swap3A_186], %swap3A_189 {strides = array<i32>} : memref<128x64xf32, #tpu.memory_space<vmem>>, vector<1x16xf32>,
          %get3A_190 = arith.constant 0 : i32
          %get3A_191 = arith.constant 0 : i32
          %get3A_192 = tpu.memref_slice %arg16[%scan3A_85, %get3A_190, %get3A_191] : memref<2x128x64xf32, #tpu.memory_space<vmem>> -> memref<1x128x64xf32, #tpu.memory_space<vmem>>
          %get3A_193 = tpu.memref_squeeze %get3A_192 : memref<1x128x64xf32, #tpu.memory_space<vmem>> -> memref<128x64xf32, #tpu.memory_space<vmem>>
          %get3A_194 = arith.index_cast %scan3A_134 : i32 to index
          %get3A_195 = arith.constant 32 : index
          %get3A_196 = tpu.vector_load %get3A_193[%get3A_194, %get3A_195] {strides = array<i32>} : memref<128x64xf32, #tpu.memory_space<vmem>>, vector<1x16xf32>,
          %get3A_197 = vector.shape_cast %get3A_196 : vector<1x16xf32> to vector<16xf32>
          %get3A_198 = arith.constant 0 : i32
          %get3A_199 = arith.constant 0 : i32
          %get3A_200 = tpu.memref_slice %arg17[%scan3A_86, %get3A_198, %get3A_199] : memref<2x128x64xf32, #tpu.memory_space<vmem>> -> memref<1x128x64xf32, #tpu.memory_space<vmem>>
          %get3A_201 = tpu.memref_squeeze %get3A_200 : memref<1x128x64xf32, #tpu.memory_space<vmem>> -> memref<128x64xf32, #tpu.memory_space<vmem>>
          %get3A_202 = arith.index_cast %scan3A_134 : i32 to index
          %get3A_203 = arith.constant 32 : index
          %get3A_204 = tpu.vector_load %get3A_201[%get3A_202, %get3A_203] {strides = array<i32>} : memref<128x64xf32, #tpu.memory_space<vmem>>, vector<1x16xf32>,
          %get3A_205 = vector.shape_cast %get3A_204 : vector<1x16xf32> to vector<16xf32>
          %add3A_206 = arith.addf %get3A_197, %get3A_205 : vector<16xf32>
          %max3A_207 = arith.constant 0.000000e+00 : f32
          %max3A_208 = vector.broadcast %max3A_207 : f32 to vector<16xf32>
          %max3A_209 = arith.maximumf %add3A_206, %max3A_208 : vector<16xf32>
          %swap3A_210 = arith.constant 0 : i32
          %swap3A_211 = arith.constant 0 : i32
          %swap3A_212 = tpu.memref_slice %arg16[%scan3A_85, %swap3A_210, %swap3A_211] : memref<2x128x64xf32, #tpu.memory_space<vmem>> -> memref<1x128x64xf32, #tpu.memory_space<vmem>>
          %swap3A_213 = tpu.memref_squeeze %swap3A_212 : memref<1x128x64xf32, #tpu.memory_space<vmem>> -> memref<128x64xf32, #tpu.memory_space<vmem>>
          %swap3A_214 = arith.index_cast %scan3A_134 : i32 to index
          %swap3A_215 = arith.constant 32 : index
          %swap3A_216 = tpu.vector_load %swap3A_213[%swap3A_214, %swap3A_215] {strides = array<i32>} : memref<128x64xf32, #tpu.memory_space<vmem>>, vector<1x16xf32>,
          %swap3A_217 = vector.shape_cast %swap3A_216 : vector<1x16xf32> to vector<16xf32>
          %swap3A_218 = vector.shape_cast %max3A_209 : vector<16xf32> to vector<1x16xf32>
          tpu.vector_store %swap3A_213[%swap3A_214, %swap3A_215], %swap3A_218 {strides = array<i32>} : memref<128x64xf32, #tpu.memory_space<vmem>>, vector<1x16xf32>,
          %get3A_219 = arith.constant 0 : i32
          %get3A_220 = arith.constant 0 : i32
          %get3A_221 = tpu.memref_slice %arg16[%scan3A_85, %get3A_219, %get3A_220] : memref<2x128x64xf32, #tpu.memory_space<vmem>> -> memref<1x128x64xf32, #tpu.memory_space<vmem>>
          %get3A_222 = tpu.memref_squeeze %get3A_221 : memref<1x128x64xf32, #tpu.memory_space<vmem>> -> memref<128x64xf32, #tpu.memory_space<vmem>>
          %get3A_223 = arith.index_cast %scan3A_134 : i32 to index
          %get3A_224 = arith.constant 48 : index
          %get3A_225 = tpu.vector_load %get3A_222[%get3A_223, %get3A_224] {strides = array<i32>} : memref<128x64xf32, #tpu.memory_space<vmem>>, vector<1x16xf32>,
          %get3A_226 = vector.shape_cast %get3A_225 : vector<1x16xf32> to vector<16xf32>
          %get3A_227 = arith.constant 0 : i32
          %get3A_228 = arith.constant 0 : i32
          %get3A_229 = tpu.memref_slice %arg17[%scan3A_86, %get3A_227, %get3A_228] : memref<2x128x64xf32, #tpu.memory_space<vmem>> -> memref<1x128x64xf32, #tpu.memory_space<vmem>>
          %get3A_230 = tpu.memref_squeeze %get3A_229 : memref<1x128x64xf32, #tpu.memory_space<vmem>> -> memref<128x64xf32, #tpu.memory_space<vmem>>
          %get3A_231 = arith.index_cast %scan3A_134 : i32 to index
          %get3A_232 = arith.constant 48 : index
          %get3A_233 = tpu.vector_load %get3A_230[%get3A_231, %get3A_232] {strides = array<i32>} : memref<128x64xf32, #tpu.memory_space<vmem>>, vector<1x16xf32>,
          %get3A_234 = vector.shape_cast %get3A_233 : vector<1x16xf32> to vector<16xf32>
          %add3A_235 = arith.addf %get3A_226, %get3A_234 : vector<16xf32>
          %max3A_236 = arith.constant 0.000000e+00 : f32
          %max3A_237 = vector.broadcast %max3A_236 : f32 to vector<16xf32>
          %max3A_238 = arith.maximumf %add3A_235, %max3A_237 : vector<16xf32>
          %swap3A_239 = arith.constant 0 : i32
          %swap3A_240 = arith.constant 0 : i32
          %swap3A_241 = tpu.memref_slice %arg16[%scan3A_85, %swap3A_239, %swap3A_240] : memref<2x128x64xf32, #tpu.memory_space<vmem>> -> memref<1x128x64xf32, #tpu.memory_space<vmem>>
          %swap3A_242 = tpu.memref_squeeze %swap3A_241 : memref<1x128x64xf32, #tpu.memory_space<vmem>> -> memref<128x64xf32, #tpu.memory_space<vmem>>
          %swap3A_243 = arith.index_cast %scan3A_134 : i32 to index
          %swap3A_244 = arith.constant 48 : index
          %swap3A_245 = tpu.vector_load %swap3A_242[%swap3A_243, %swap3A_244] {strides = array<i32>} : memref<128x64xf32, #tpu.memory_space<vmem>>, vector<1x16xf32>,
          %swap3A_246 = vector.shape_cast %swap3A_245 : vector<1x16xf32> to vector<16xf32>
          %swap3A_247 = vector.shape_cast %max3A_238 : vector<16xf32> to vector<1x16xf32>
          tpu.vector_store %swap3A_242[%swap3A_243, %swap3A_244], %swap3A_247 {strides = array<i32>} : memref<128x64xf32, #tpu.memory_space<vmem>>, vector<1x16xf32>,
          %scan3A_248 = arith.constant 1 : i32
          %scan3A_249 = arith.addi %scan3A_134, %scan3A_248 : i32
          %get3A_250 = arith.constant 0 : i32
          %get3A_251 = arith.constant 0 : i32
          %get3A_252 = tpu.memref_slice %arg16[%scan3A_85, %get3A_250, %get3A_251] : memref<2x128x64xf32, #tpu.memory_space<vmem>> -> memref<1x128x64xf32, #tpu.memory_space<vmem>>
          %get3A_253 = tpu.memref_squeeze %get3A_252 : memref<1x128x64xf32, #tpu.memory_space<vmem>> -> memref<128x64xf32, #tpu.memory_space<vmem>>
          %get3A_254 = arith.index_cast %scan3A_249 : i32 to index
          %get3A_255 = arith.constant 0 : index
          %get3A_256 = tpu.vector_load %get3A_253[%get3A_254, %get3A_255] {strides = array<i32>} : memref<128x64xf32, #tpu.memory_space<vmem>>, vector<1x16xf32>,
          %get3A_257 = vector.shape_cast %get3A_256 : vector<1x16xf32> to vector<16xf32>
          %get3A_258 = arith.constant 0 : i32
          %get3A_259 = arith.constant 0 : i32
          %get3A_260 = tpu.memref_slice %arg17[%scan3A_86, %get3A_258, %get3A_259] : memref<2x128x64xf32, #tpu.memory_space<vmem>> -> memref<1x128x64xf32, #tpu.memory_space<vmem>>
          %get3A_261 = tpu.memref_squeeze %get3A_260 : memref<1x128x64xf32, #tpu.memory_space<vmem>> -> memref<128x64xf32, #tpu.memory_space<vmem>>
          %get3A_262 = arith.index_cast %scan3A_249 : i32 to index
          %get3A_263 = arith.constant 0 : index
          %get3A_264 = tpu.vector_load %get3A_261[%get3A_262, %get3A_263] {strides = array<i32>} : memref<128x64xf32, #tpu.memory_space<vmem>>, vector<1x16xf32>,
          %get3A_265 = vector.shape_cast %get3A_264 : vector<1x16xf32> to vector<16xf32>
          %add3A_266 = arith.addf %get3A_257, %get3A_265 : vector<16xf32>
          %max3A_267 = arith.constant 0.000000e+00 : f32
          %max3A_268 = vector.broadcast %max3A_267 : f32 to vector<16xf32>
          %max3A_269 = arith.maximumf %add3A_266, %max3A_268 : vector<16xf32>
          %swap3A_270 = arith.constant 0 : i32
          %swap3A_271 = arith.constant 0 : i32
          %swap3A_272 = tpu.memref_slice %arg16[%scan3A_85, %swap3A_270, %swap3A_271] : memref<2x128x64xf32, #tpu.memory_space<vmem>> -> memref<1x128x64xf32, #tpu.memory_space<vmem>>
          %swap3A_273 = tpu.memref_squeeze %swap3A_272 : memref<1x128x64xf32, #tpu.memory_space<vmem>> -> memref<128x64xf32, #tpu.memory_space<vmem>>
          %swap3A_274 = arith.index_cast %scan3A_249 : i32 to index
          %swap3A_275 = arith.constant 0 : index
          %swap3A_276 = tpu.vector_load %swap3A_273[%swap3A_274, %swap3A_275] {strides = array<i32>} : memref<128x64xf32, #tpu.memory_space<vmem>>, vector<1x16xf32>,
          %swap3A_277 = vector.shape_cast %swap3A_276 : vector<1x16xf32> to vector<16xf32>
          %swap3A_278 = vector.shape_cast %max3A_269 : vector<16xf32> to vector<1x16xf32>
          tpu.vector_store %swap3A_273[%swap3A_274, %swap3A_275], %swap3A_278 {strides = array<i32>} : memref<128x64xf32, #tpu.memory_space<vmem>>, vector<1x16xf32>,
          %get3A_279 = arith.constant 0 : i32
          %get3A_280 = arith.constant 0 : i32
          %get3A_281 = tpu.memref_slice %arg16[%scan3A_85, %get3A_279, %get3A_280] : memref<2x128x64xf32, #tpu.memory_space<vmem>> -> memref<1x128x64xf32, #tpu.memory_space<vmem>>
          %get3A_282 = tpu.memref_squeeze %get3A_281 : memref<1x128x64xf32, #tpu.memory_space<vmem>> -> memref<128x64xf32, #tpu.memory_space<vmem>>
          %get3A_283 = arith.index_cast %scan3A_249 : i32 to index
          %get3A_284 = arith.constant 16 : index
          %get3A_285 = tpu.vector_load %get3A_282[%get3A_283, %get3A_284] {strides = array<i32>} : memref<128x64xf32, #tpu.memory_space<vmem>>, vector<1x16xf32>,
          %get3A_286 = vector.shape_cast %get3A_285 : vector<1x16xf32> to vector<16xf32>
          %get3A_287 = arith.constant 0 : i32
          %get3A_288 = arith.constant 0 : i32
          %get3A_289 = tpu.memref_slice %arg17[%scan3A_86, %get3A_287, %get3A_288] : memref<2x128x64xf32, #tpu.memory_space<vmem>> -> memref<1x128x64xf32, #tpu.memory_space<vmem>>
          %get3A_290 = tpu.memref_squeeze %get3A_289 : memref<1x128x64xf32, #tpu.memory_space<vmem>> -> memref<128x64xf32, #tpu.memory_space<vmem>>
          %get3A_291 = arith.index_cast %scan3A_249 : i32 to index
          %get3A_292 = arith.constant 16 : index
          %get3A_293 = tpu.vector_load %get3A_290[%get3A_291, %get3A_292] {strides = array<i32>} : memref<128x64xf32, #tpu.memory_space<vmem>>, vector<1x16xf32>,
          %get3A_294 = vector.shape_cast %get3A_293 : vector<1x16xf32> to vector<16xf32>
          %add3A_295 = arith.addf %get3A_286, %get3A_294 : vector<16xf32>
          %max3A_296 = arith.constant 0.000000e+00 : f32
          %max3A_297 = vector.broadcast %max3A_296 : f32 to vector<16xf32>
          %max3A_298 = arith.maximumf %add3A_295, %max3A_297 : vector<16xf32>
          %swap3A_299 = arith.constant 0 : i32
          %swap3A_300 = arith.constant 0 : i32
          %swap3A_301 = tpu.memref_slice %arg16[%scan3A_85, %swap3A_299, %swap3A_300] : memref<2x128x64xf32, #tpu.memory_space<vmem>> -> memref<1x128x64xf32, #tpu.memory_space<vmem>>
          %swap3A_302 = tpu.memref_squeeze %swap3A_301 : memref<1x128x64xf32, #tpu.memory_space<vmem>> -> memref<128x64xf32, #tpu.memory_space<vmem>>
          %swap3A_303 = arith.index_cast %scan3A_249 : i32 to index
          %swap3A_304 = arith.constant 16 : index
          %swap3A_305 = tpu.vector_load %swap3A_302[%swap3A_303, %swap3A_304] {strides = array<i32>} : memref<128x64xf32, #tpu.memory_space<vmem>>, vector<1x16xf32>,
          %swap3A_306 = vector.shape_cast %swap3A_305 : vector<1x16xf32> to vector<16xf32>
          %swap3A_307 = vector.shape_cast %max3A_298 : vector<16xf32> to vector<1x16xf32>
          tpu.vector_store %swap3A_302[%swap3A_303, %swap3A_304], %swap3A_307 {strides = array<i32>} : memref<128x64xf32, #tpu.memory_space<vmem>>, vector<1x16xf32>,
          %get3A_308 = arith.constant 0 : i32
          %get3A_309 = arith.constant 0 : i32
          %get3A_310 = tpu.memref_slice %arg16[%scan3A_85, %get3A_308, %get3A_309] : memref<2x128x64xf32, #tpu.memory_space<vmem>> -> memref<1x128x64xf32, #tpu.memory_space<vmem>>
          %get3A_311 = tpu.memref_squeeze %get3A_310 : memref<1x128x64xf32, #tpu.memory_space<vmem>> -> memref<128x64xf32, #tpu.memory_space<vmem>>
          %get3A_312 = arith.index_cast %scan3A_249 : i32 to index
          %get3A_313 = arith.constant 32 : index
          %get3A_314 = tpu.vector_load %get3A_311[%get3A_312, %get3A_313] {strides = array<i32>} : memref<128x64xf32, #tpu.memory_space<vmem>>, vector<1x16xf32>,
          %get3A_315 = vector.shape_cast %get3A_314 : vector<1x16xf32> to vector<16xf32>
          %get3A_316 = arith.constant 0 : i32
          %get3A_317 = arith.constant 0 : i32
          %get3A_318 = tpu.memref_slice %arg17[%scan3A_86, %get3A_316, %get3A_317] : memref<2x128x64xf32, #tpu.memory_space<vmem>> -> memref<1x128x64xf32, #tpu.memory_space<vmem>>
          %get3A_319 = tpu.memref_squeeze %get3A_318 : memref<1x128x64xf32, #tpu.memory_space<vmem>> -> memref<128x64xf32, #tpu.memory_space<vmem>>
          %get3A_320 = arith.index_cast %scan3A_249 : i32 to index
          %get3A_321 = arith.constant 32 : index
          %get3A_322 = tpu.vector_load %get3A_319[%get3A_320, %get3A_321] {strides = array<i32>} : memref<128x64xf32, #tpu.memory_space<vmem>>, vector<1x16xf32>,
          %get3A_323 = vector.shape_cast %get3A_322 : vector<1x16xf32> to vector<16xf32>
          %add3A_324 = arith.addf %get3A_315, %get3A_323 : vector<16xf32>
          %max3A_325 = arith.constant 0.000000e+00 : f32
          %max3A_326 = vector.broadcast %max3A_325 : f32 to vector<16xf32>
          %max3A_327 = arith.maximumf %add3A_324, %max3A_326 : vector<16xf32>
          %swap3A_328 = arith.constant 0 : i32
          %swap3A_329 = arith.constant 0 : i32
          %swap3A_330 = tpu.memref_slice %arg16[%scan3A_85, %swap3A_328, %swap3A_329] : memref<2x128x64xf32, #tpu.memory_space<vmem>> -> memref<1x128x64xf32, #tpu.memory_space<vmem>>
          %swap3A_331 = tpu.memref_squeeze %swap3A_330 : memref<1x128x64xf32, #tpu.memory_space<vmem>> -> memref<128x64xf32, #tpu.memory_space<vmem>>
          %swap3A_332 = arith.index_cast %scan3A_249 : i32 to index
          %swap3A_333 = arith.constant 32 : index
          %swap3A_334 = tpu.vector_load %swap3A_331[%swap3A_332, %swap3A_333] {strides = array<i32>} : memref<128x64xf32, #tpu.memory_space<vmem>>, vector<1x16xf32>,
          %swap3A_335 = vector.shape_cast %swap3A_334 : vector<1x16xf32> to vector<16xf32>
          %swap3A_336 = vector.shape_cast %max3A_327 : vector<16xf32> to vector<1x16xf32>
          tpu.vector_store %swap3A_331[%swap3A_332, %swap3A_333], %swap3A_336 {strides = array<i32>} : memref<128x64xf32, #tpu.memory_space<vmem>>, vector<1x16xf32>,
          %get3A_337 = arith.constant 0 : i32
          %get3A_338 = arith.constant 0 : i32
          %get3A_339 = tpu.memref_slice %arg16[%scan3A_85, %get3A_337, %get3A_338] : memref<2x128x64xf32, #tpu.memory_space<vmem>> -> memref<1x128x64xf32, #tpu.memory_space<vmem>>
          %get3A_340 = tpu.memref_squeeze %get3A_339 : memref<1x128x64xf32, #tpu.memory_space<vmem>> -> memref<128x64xf32, #tpu.memory_space<vmem>>
          %get3A_341 = arith.index_cast %scan3A_249 : i32 to index
          %get3A_342 = arith.constant 48 : index
          %get3A_343 = tpu.vector_load %get3A_340[%get3A_341, %get3A_342] {strides = array<i32>} : memref<128x64xf32, #tpu.memory_space<vmem>>, vector<1x16xf32>,
          %get3A_344 = vector.shape_cast %get3A_343 : vector<1x16xf32> to vector<16xf32>
          %get3A_345 = arith.constant 0 : i32
          %get3A_346 = arith.constant 0 : i32
          %get3A_347 = tpu.memref_slice %arg17[%scan3A_86, %get3A_345, %get3A_346] : memref<2x128x64xf32, #tpu.memory_space<vmem>> -> memref<1x128x64xf32, #tpu.memory_space<vmem>>
          %get3A_348 = tpu.memref_squeeze %get3A_347 : memref<1x128x64xf32, #tpu.memory_space<vmem>> -> memref<128x64xf32, #tpu.memory_space<vmem>>
          %get3A_349 = arith.index_cast %scan3A_249 : i32 to index
          %get3A_350 = arith.constant 48 : index
          %get3A_351 = tpu.vector_load %get3A_348[%get3A_349, %get3A_350] {strides = array<i32>} : memref<128x64xf32, #tpu.memory_space<vmem>>, vector<1x16xf32>,
          %get3A_352 = vector.shape_cast %get3A_351 : vector<1x16xf32> to vector<16xf32>
          %add3A_353 = arith.addf %get3A_344, %get3A_352 : vector<16xf32>
          %max3A_354 = arith.constant 0.000000e+00 : f32
          %max3A_355 = vector.broadcast %max3A_354 : f32 to vector<16xf32>
          %max3A_356 = arith.maximumf %add3A_353, %max3A_355 : vector<16xf32>
          %swap3A_357 = arith.constant 0 : i32
          %swap3A_358 = arith.constant 0 : i32
          %swap3A_359 = tpu.memref_slice %arg16[%scan3A_85, %swap3A_357, %swap3A_358] : memref<2x128x64xf32, #tpu.memory_space<vmem>> -> memref<1x128x64xf32, #tpu.memory_space<vmem>>
          %swap3A_360 = tpu.memref_squeeze %swap3A_359 : memref<1x128x64xf32, #tpu.memory_space<vmem>> -> memref<128x64xf32, #tpu.memory_space<vmem>>
          %swap3A_361 = arith.index_cast %scan3A_249 : i32 to index
          %swap3A_362 = arith.constant 48 : index
          %swap3A_363 = tpu.vector_load %swap3A_360[%swap3A_361, %swap3A_362] {strides = array<i32>} : memref<128x64xf32, #tpu.memory_space<vmem>>, vector<1x16xf32>,
          %swap3A_364 = vector.shape_cast %swap3A_363 : vector<1x16xf32> to vector<16xf32>
          %swap3A_365 = vector.shape_cast %max3A_356 : vector<16xf32> to vector<1x16xf32>
          tpu.vector_store %swap3A_360[%swap3A_361, %swap3A_362], %swap3A_365 {strides = array<i32>} : memref<128x64xf32, #tpu.memory_space<vmem>>, vector<1x16xf32>,
          %scan3A_366 = arith.constant 2 : i32
          %scan3A_367 = arith.addi %scan3A_134, %scan3A_366 : i32
          %get3A_368 = arith.constant 0 : i32
          %get3A_369 = arith.constant 0 : i32
          %get3A_370 = tpu.memref_slice %arg16[%scan3A_85, %get3A_368, %get3A_369] : memref<2x128x64xf32, #tpu.memory_space<vmem>> -> memref<1x128x64xf32, #tpu.memory_space<vmem>>
          %get3A_371 = tpu.memref_squeeze %get3A_370 : memref<1x128x64xf32, #tpu.memory_space<vmem>> -> memref<128x64xf32, #tpu.memory_space<vmem>>
          %get3A_372 = arith.index_cast %scan3A_367 : i32 to index
          %get3A_373 = arith.constant 0 : index
          %get3A_374 = tpu.vector_load %get3A_371[%get3A_372, %get3A_373] {strides = array<i32>} : memref<128x64xf32, #tpu.memory_space<vmem>>, vector<1x16xf32>,
          %get3A_375 = vector.shape_cast %get3A_374 : vector<1x16xf32> to vector<16xf32>
          %get3A_376 = arith.constant 0 : i32
          %get3A_377 = arith.constant 0 : i32
          %get3A_378 = tpu.memref_slice %arg17[%scan3A_86, %get3A_376, %get3A_377] : memref<2x128x64xf32, #tpu.memory_space<vmem>> -> memref<1x128x64xf32, #tpu.memory_space<vmem>>
          %get3A_379 = tpu.memref_squeeze %get3A_378 : memref<1x128x64xf32, #tpu.memory_space<vmem>> -> memref<128x64xf32, #tpu.memory_space<vmem>>
          %get3A_380 = arith.index_cast %scan3A_367 : i32 to index
          %get3A_381 = arith.constant 0 : index
          %get3A_382 = tpu.vector_load %get3A_379[%get3A_380, %get3A_381] {strides = array<i32>} : memref<128x64xf32, #tpu.memory_space<vmem>>, vector<1x16xf32>,
          %get3A_383 = vector.shape_cast %get3A_382 : vector<1x16xf32> to vector<16xf32>
          %add3A_384 = arith.addf %get3A_375, %get3A_383 : vector<16xf32>
          %max3A_385 = arith.constant 0.000000e+00 : f32
          %max3A_386 = vector.broadcast %max3A_385 : f32 to vector<16xf32>
          %max3A_387 = arith.maximumf %add3A_384, %max3A_386 : vector<16xf32>
          %swap3A_388 = arith.constant 0 : i32
          %swap3A_389 = arith.constant 0 : i32
          %swap3A_390 = tpu.memref_slice %arg16[%scan3A_85, %swap3A_388, %swap3A_389] : memref<2x128x64xf32, #tpu.memory_space<vmem>> -> memref<1x128x64xf32, #tpu.memory_space<vmem>>
          %swap3A_391 = tpu.memref_squeeze %swap3A_390 : memref<1x128x64xf32, #tpu.memory_space<vmem>> -> memref<128x64xf32, #tpu.memory_space<vmem>>
          %swap3A_392 = arith.index_cast %scan3A_367 : i32 to index
          %swap3A_393 = arith.constant 0 : index
          %swap3A_394 = tpu.vector_load %swap3A_391[%swap3A_392, %swap3A_393] {strides = array<i32>} : memref<128x64xf32, #tpu.memory_space<vmem>>, vector<1x16xf32>,
          %swap3A_395 = vector.shape_cast %swap3A_394 : vector<1x16xf32> to vector<16xf32>
          %swap3A_396 = vector.shape_cast %max3A_387 : vector<16xf32> to vector<1x16xf32>
          tpu.vector_store %swap3A_391[%swap3A_392, %swap3A_393], %swap3A_396 {strides = array<i32>} : memref<128x64xf32, #tpu.memory_space<vmem>>, vector<1x16xf32>,
          %get3A_397 = arith.constant 0 : i32
          %get3A_398 = arith.constant 0 : i32
          %get3A_399 = tpu.memref_slice %arg16[%scan3A_85, %get3A_397, %get3A_398] : memref<2x128x64xf32, #tpu.memory_space<vmem>> -> memref<1x128x64xf32, #tpu.memory_space<vmem>>
          %get3A_400 = tpu.memref_squeeze %get3A_399 : memref<1x128x64xf32, #tpu.memory_space<vmem>> -> memref<128x64xf32, #tpu.memory_space<vmem>>
          %get3A_401 = arith.index_cast %scan3A_367 : i32 to index
          %get3A_402 = arith.constant 16 : index
          %get3A_403 = tpu.vector_load %get3A_400[%get3A_401, %get3A_402] {strides = array<i32>} : memref<128x64xf32, #tpu.memory_space<vmem>>, vector<1x16xf32>,
          %get3A_404 = vector.shape_cast %get3A_403 : vector<1x16xf32> to vector<16xf32>
          %get3A_405 = arith.constant 0 : i32
          %get3A_406 = arith.constant 0 : i32
          %get3A_407 = tpu.memref_slice %arg17[%scan3A_86, %get3A_405, %get3A_406] : memref<2x128x64xf32, #tpu.memory_space<vmem>> -> memref<1x128x64xf32, #tpu.memory_space<vmem>>
          %get3A_408 = tpu.memref_squeeze %get3A_407 : memref<1x128x64xf32, #tpu.memory_space<vmem>> -> memref<128x64xf32, #tpu.memory_space<vmem>>
          %get3A_409 = arith.index_cast %scan3A_367 : i32 to index
          %get3A_410 = arith.constant 16 : index
          %get3A_411 = tpu.vector_load %get3A_408[%get3A_409, %get3A_410] {strides = array<i32>} : memref<128x64xf32, #tpu.memory_space<vmem>>, vector<1x16xf32>,
          %get3A_412 = vector.shape_cast %get3A_411 : vector<1x16xf32> to vector<16xf32>
          %add3A_413 = arith.addf %get3A_404, %get3A_412 : vector<16xf32>
          %max3A_414 = arith.constant 0.000000e+00 : f32
          %max3A_415 = vector.broadcast %max3A_414 : f32 to vector<16xf32>
          %max3A_416 = arith.maximumf %add3A_413, %max3A_415 : vector<16xf32>
          %swap3A_417 = arith.constant 0 : i32
          %swap3A_418 = arith.constant 0 : i32
          %swap3A_419 = tpu.memref_slice %arg16[%scan3A_85, %swap3A_417, %swap3A_418] : memref<2x128x64xf32, #tpu.memory_space<vmem>> -> memref<1x128x64xf32, #tpu.memory_space<vmem>>
          %swap3A_420 = tpu.memref_squeeze %swap3A_419 : memref<1x128x64xf32, #tpu.memory_space<vmem>> -> memref<128x64xf32, #tpu.memory_space<vmem>>
          %swap3A_421 = arith.index_cast %scan3A_367 : i32 to index
          %swap3A_422 = arith.constant 16 : index
          %swap3A_423 = tpu.vector_load %swap3A_420[%swap3A_421, %swap3A_422] {strides = array<i32>} : memref<128x64xf32, #tpu.memory_space<vmem>>, vector<1x16xf32>,
          %swap3A_424 = vector.shape_cast %swap3A_423 : vector<1x16xf32> to vector<16xf32>
          %swap3A_425 = vector.shape_cast %max3A_416 : vector<16xf32> to vector<1x16xf32>
          tpu.vector_store %swap3A_420[%swap3A_421, %swap3A_422], %swap3A_425 {strides = array<i32>} : memref<128x64xf32, #tpu.memory_space<vmem>>, vector<1x16xf32>,
          %get3A_426 = arith.constant 0 : i32
          %get3A_427 = arith.constant 0 : i32
          %get3A_428 = tpu.memref_slice %arg16[%scan3A_85, %get3A_426, %get3A_427] : memref<2x128x64xf32, #tpu.memory_space<vmem>> -> memref<1x128x64xf32, #tpu.memory_space<vmem>>
          %get3A_429 = tpu.memref_squeeze %get3A_428 : memref<1x128x64xf32, #tpu.memory_space<vmem>> -> memref<128x64xf32, #tpu.memory_space<vmem>>
          %get3A_430 = arith.index_cast %scan3A_367 : i32 to index
          %get3A_431 = arith.constant 32 : index
          %get3A_432 = tpu.vector_load %get3A_429[%get3A_430, %get3A_431] {strides = array<i32>} : memref<128x64xf32, #tpu.memory_space<vmem>>, vector<1x16xf32>,
          %get3A_433 = vector.shape_cast %get3A_432 : vector<1x16xf32> to vector<16xf32>
          %get3A_434 = arith.constant 0 : i32
          %get3A_435 = arith.constant 0 : i32
          %get3A_436 = tpu.memref_slice %arg17[%scan3A_86, %get3A_434, %get3A_435] : memref<2x128x64xf32, #tpu.memory_space<vmem>> -> memref<1x128x64xf32, #tpu.memory_space<vmem>>
          %get3A_437 = tpu.memref_squeeze %get3A_436 : memref<1x128x64xf32, #tpu.memory_space<vmem>> -> memref<128x64xf32, #tpu.memory_space<vmem>>
          %get3A_438 = arith.index_cast %scan3A_367 : i32 to index
          %get3A_439 = arith.constant 32 : index
          %get3A_440 = tpu.vector_load %get3A_437[%get3A_438, %get3A_439] {strides = array<i32>} : memref<128x64xf32, #tpu.memory_space<vmem>>, vector<1x16xf32>,
          %get3A_441 = vector.shape_cast %get3A_440 : vector<1x16xf32> to vector<16xf32>
          %add3A_442 = arith.addf %get3A_433, %get3A_441 : vector<16xf32>
          %max3A_443 = arith.constant 0.000000e+00 : f32
          %max3A_444 = vector.broadcast %max3A_443 : f32 to vector<16xf32>
          %max3A_445 = arith.maximumf %add3A_442, %max3A_444 : vector<16xf32>
          %swap3A_446 = arith.constant 0 : i32
          %swap3A_447 = arith.constant 0 : i32
          %swap3A_448 = tpu.memref_slice %arg16[%scan3A_85, %swap3A_446, %swap3A_447] : memref<2x128x64xf32, #tpu.memory_space<vmem>> -> memref<1x128x64xf32, #tpu.memory_space<vmem>>
          %swap3A_449 = tpu.memref_squeeze %swap3A_448 : memref<1x128x64xf32, #tpu.memory_space<vmem>> -> memref<128x64xf32, #tpu.memory_space<vmem>>
          %swap3A_450 = arith.index_cast %scan3A_367 : i32 to index
          %swap3A_451 = arith.constant 32 : index
          %swap3A_452 = tpu.vector_load %swap3A_449[%swap3A_450, %swap3A_451] {strides = array<i32>} : memref<128x64xf32, #tpu.memory_space<vmem>>, vector<1x16xf32>,
          %swap3A_453 = vector.shape_cast %swap3A_452 : vector<1x16xf32> to vector<16xf32>
          %swap3A_454 = vector.shape_cast %max3A_445 : vector<16xf32> to vector<1x16xf32>
          tpu.vector_store %swap3A_449[%swap3A_450, %swap3A_451], %swap3A_454 {strides = array<i32>} : memref<128x64xf32, #tpu.memory_space<vmem>>, vector<1x16xf32>,
          %get3A_455 = arith.constant 0 : i32
          %get3A_456 = arith.constant 0 : i32
          %get3A_457 = tpu.memref_slice %arg16[%scan3A_85, %get3A_455, %get3A_456] : memref<2x128x64xf32, #tpu.memory_space<vmem>> -> memref<1x128x64xf32, #tpu.memory_space<vmem>>
          %get3A_458 = tpu.memref_squeeze %get3A_457 : memref<1x128x64xf32, #tpu.memory_space<vmem>> -> memref<128x64xf32, #tpu.memory_space<vmem>>
          %get3A_459 = arith.index_cast %scan3A_367 : i32 to index
          %get3A_460 = arith.constant 48 : index
          %get3A_461 = tpu.vector_load %get3A_458[%get3A_459, %get3A_460] {strides = array<i32>} : memref<128x64xf32, #tpu.memory_space<vmem>>, vector<1x16xf32>,
          %get3A_462 = vector.shape_cast %get3A_461 : vector<1x16xf32> to vector<16xf32>
          %get3A_463 = arith.constant 0 : i32
          %get3A_464 = arith.constant 0 : i32
          %get3A_465 = tpu.memref_slice %arg17[%scan3A_86, %get3A_463, %get3A_464] : memref<2x128x64xf32, #tpu.memory_space<vmem>> -> memref<1x128x64xf32, #tpu.memory_space<vmem>>
          %get3A_466 = tpu.memref_squeeze %get3A_465 : memref<1x128x64xf32, #tpu.memory_space<vmem>> -> memref<128x64xf32, #tpu.memory_space<vmem>>
          %get3A_467 = arith.index_cast %scan3A_367 : i32 to index
          %get3A_468 = arith.constant 48 : index
          %get3A_469 = tpu.vector_load %get3A_466[%get3A_467, %get3A_468] {strides = array<i32>} : memref<128x64xf32, #tpu.memory_space<vmem>>, vector<1x16xf32>,
          %get3A_470 = vector.shape_cast %get3A_469 : vector<1x16xf32> to vector<16xf32>
          %add3A_471 = arith.addf %get3A_462, %get3A_470 : vector<16xf32>
          %max3A_472 = arith.constant 0.000000e+00 : f32
          %max3A_473 = vector.broadcast %max3A_472 : f32 to vector<16xf32>
          %max3A_474 = arith.maximumf %add3A_471, %max3A_473 : vector<16xf32>
          %swap3A_475 = arith.constant 0 : i32
          %swap3A_476 = arith.constant 0 : i32
          %swap3A_477 = tpu.memref_slice %arg16[%scan3A_85, %swap3A_475, %swap3A_476] : memref<2x128x64xf32, #tpu.memory_space<vmem>> -> memref<1x128x64xf32, #tpu.memory_space<vmem>>
          %swap3A_478 = tpu.memref_squeeze %swap3A_477 : memref<1x128x64xf32, #tpu.memory_space<vmem>> -> memref<128x64xf32, #tpu.memory_space<vmem>>
          %swap3A_479 = arith.index_cast %scan3A_367 : i32 to index
          %swap3A_480 = arith.constant 48 : index
          %swap3A_481 = tpu.vector_load %swap3A_478[%swap3A_479, %swap3A_480] {strides = array<i32>} : memref<128x64xf32, #tpu.memory_space<vmem>>, vector<1x16xf32>,
          %swap3A_482 = vector.shape_cast %swap3A_481 : vector<1x16xf32> to vector<16xf32>
          %swap3A_483 = vector.shape_cast %max3A_474 : vector<16xf32> to vector<1x16xf32>
          tpu.vector_store %swap3A_478[%swap3A_479, %swap3A_480], %swap3A_483 {strides = array<i32>} : memref<128x64xf32, #tpu.memory_space<vmem>>, vector<1x16xf32>,
          %scan3A_484 = arith.constant 3 : i32
          %scan3A_485 = arith.addi %scan3A_134, %scan3A_484 : i32
          %get3A_486 = arith.constant 0 : i32
          %get3A_487 = arith.constant 0 : i32
          %get3A_488 = tpu.memref_slice %arg16[%scan3A_85, %get3A_486, %get3A_487] : memref<2x128x64xf32, #tpu.memory_space<vmem>> -> memref<1x128x64xf32, #tpu.memory_space<vmem>>
          %get3A_489 = tpu.memref_squeeze %get3A_488 : memref<1x128x64xf32, #tpu.memory_space<vmem>> -> memref<128x64xf32, #tpu.memory_space<vmem>>
          %get3A_490 = arith.index_cast %scan3A_485 : i32 to index
          %get3A_491 = arith.constant 0 : index
          %get3A_492 = tpu.vector_load %get3A_489[%get3A_490, %get3A_491] {strides = array<i32>} : memref<128x64xf32, #tpu.memory_space<vmem>>, vector<1x16xf32>,
          %get3A_493 = vector.shape_cast %get3A_492 : vector<1x16xf32> to vector<16xf32>
          %get3A_494 = arith.constant 0 : i32
          %get3A_495 = arith.constant 0 : i32
          %get3A_496 = tpu.memref_slice %arg17[%scan3A_86, %get3A_494, %get3A_495] : memref<2x128x64xf32, #tpu.memory_space<vmem>> -> memref<1x128x64xf32, #tpu.memory_space<vmem>>
          %get3A_497 = tpu.memref_squeeze %get3A_496 : memref<1x128x64xf32, #tpu.memory_space<vmem>> -> memref<128x64xf32, #tpu.memory_space<vmem>>
          %get3A_498 = arith.index_cast %scan3A_485 : i32 to index
          %get3A_499 = arith.constant 0 : index
          %get3A_500 = tpu.vector_load %get3A_497[%get3A_498, %get3A_499] {strides = array<i32>} : memref<128x64xf32, #tpu.memory_space<vmem>>, vector<1x16xf32>,
          %get3A_501 = vector.shape_cast %get3A_500 : vector<1x16xf32> to vector<16xf32>
          %add3A_502 = arith.addf %get3A_493, %get3A_501 : vector<16xf32>
          %max3A_503 = arith.constant 0.000000e+00 : f32
          %max3A_504 = vector.broadcast %max3A_503 : f32 to vector<16xf32>
          %max3A_505 = arith.maximumf %add3A_502, %max3A_504 : vector<16xf32>
          %swap3A_506 = arith.constant 0 : i32
          %swap3A_507 = arith.constant 0 : i32
          %swap3A_508 = tpu.memref_slice %arg16[%scan3A_85, %swap3A_506, %swap3A_507] : memref<2x128x64xf32, #tpu.memory_space<vmem>> -> memref<1x128x64xf32, #tpu.memory_space<vmem>>
          %swap3A_509 = tpu.memref_squeeze %swap3A_508 : memref<1x128x64xf32, #tpu.memory_space<vmem>> -> memref<128x64xf32, #tpu.memory_space<vmem>>
          %swap3A_510 = arith.index_cast %scan3A_485 : i32 to index
          %swap3A_511 = arith.constant 0 : index
          %swap3A_512 = tpu.vector_load %swap3A_509[%swap3A_510, %swap3A_511] {strides = array<i32>} : memref<128x64xf32, #tpu.memory_space<vmem>>, vector<1x16xf32>,
          %swap3A_513 = vector.shape_cast %swap3A_512 : vector<1x16xf32> to vector<16xf32>
          %swap3A_514 = vector.shape_cast %max3A_505 : vector<16xf32> to vector<1x16xf32>
          tpu.vector_store %swap3A_509[%swap3A_510, %swap3A_511], %swap3A_514 {strides = array<i32>} : memref<128x64xf32, #tpu.memory_space<vmem>>, vector<1x16xf32>,
          %get3A_515 = arith.constant 0 : i32
          %get3A_516 = arith.constant 0 : i32
          %get3A_517 = tpu.memref_slice %arg16[%scan3A_85, %get3A_515, %get3A_516] : memref<2x128x64xf32, #tpu.memory_space<vmem>> -> memref<1x128x64xf32, #tpu.memory_space<vmem>>
          %get3A_518 = tpu.memref_squeeze %get3A_517 : memref<1x128x64xf32, #tpu.memory_space<vmem>> -> memref<128x64xf32, #tpu.memory_space<vmem>>
          %get3A_519 = arith.index_cast %scan3A_485 : i32 to index
          %get3A_520 = arith.constant 16 : index
          %get3A_521 = tpu.vector_load %get3A_518[%get3A_519, %get3A_520] {strides = array<i32>} : memref<128x64xf32, #tpu.memory_space<vmem>>, vector<1x16xf32>,
          %get3A_522 = vector.shape_cast %get3A_521 : vector<1x16xf32> to vector<16xf32>
          %get3A_523 = arith.constant 0 : i32
          %get3A_524 = arith.constant 0 : i32
          %get3A_525 = tpu.memref_slice %arg17[%scan3A_86, %get3A_523, %get3A_524] : memref<2x128x64xf32, #tpu.memory_space<vmem>> -> memref<1x128x64xf32, #tpu.memory_space<vmem>>
          %get3A_526 = tpu.memref_squeeze %get3A_525 : memref<1x128x64xf32, #tpu.memory_space<vmem>> -> memref<128x64xf32, #tpu.memory_space<vmem>>
          %get3A_527 = arith.index_cast %scan3A_485 : i32 to index
          %get3A_528 = arith.constant 16 : index
          %get3A_529 = tpu.vector_load %get3A_526[%get3A_527, %get3A_528] {strides = array<i32>} : memref<128x64xf32, #tpu.memory_space<vmem>>, vector<1x16xf32>,
          %get3A_530 = vector.shape_cast %get3A_529 : vector<1x16xf32> to vector<16xf32>
          %add3A_531 = arith.addf %get3A_522, %get3A_530 : vector<16xf32>
          %max3A_532 = arith.constant 0.000000e+00 : f32
          %max3A_533 = vector.broadcast %max3A_532 : f32 to vector<16xf32>
          %max3A_534 = arith.maximumf %add3A_531, %max3A_533 : vector<16xf32>
          %swap3A_535 = arith.constant 0 : i32
          %swap3A_536 = arith.constant 0 : i32
          %swap3A_537 = tpu.memref_slice %arg16[%scan3A_85, %swap3A_535, %swap3A_536] : memref<2x128x64xf32, #tpu.memory_space<vmem>> -> memref<1x128x64xf32, #tpu.memory_space<vmem>>
          %swap3A_538 = tpu.memref_squeeze %swap3A_537 : memref<1x128x64xf32, #tpu.memory_space<vmem>> -> memref<128x64xf32, #tpu.memory_space<vmem>>
          %swap3A_539 = arith.index_cast %scan3A_485 : i32 to index
          %swap3A_540 = arith.constant 16 : index
          %swap3A_541 = tpu.vector_load %swap3A_538[%swap3A_539, %swap3A_540] {strides = array<i32>} : memref<128x64xf32, #tpu.memory_space<vmem>>, vector<1x16xf32>,
          %swap3A_542 = vector.shape_cast %swap3A_541 : vector<1x16xf32> to vector<16xf32>
          %swap3A_543 = vector.shape_cast %max3A_534 : vector<16xf32> to vector<1x16xf32>
          tpu.vector_store %swap3A_538[%swap3A_539, %swap3A_540], %swap3A_543 {strides = array<i32>} : memref<128x64xf32, #tpu.memory_space<vmem>>, vector<1x16xf32>,
          %get3A_544 = arith.constant 0 : i32
          %get3A_545 = arith.constant 0 : i32
          %get3A_546 = tpu.memref_slice %arg16[%scan3A_85, %get3A_544, %get3A_545] : memref<2x128x64xf32, #tpu.memory_space<vmem>> -> memref<1x128x64xf32, #tpu.memory_space<vmem>>
          %get3A_547 = tpu.memref_squeeze %get3A_546 : memref<1x128x64xf32, #tpu.memory_space<vmem>> -> memref<128x64xf32, #tpu.memory_space<vmem>>
          %get3A_548 = arith.index_cast %scan3A_485 : i32 to index
          %get3A_549 = arith.constant 32 : index
          %get3A_550 = tpu.vector_load %get3A_547[%get3A_548, %get3A_549] {strides = array<i32>} : memref<128x64xf32, #tpu.memory_space<vmem>>, vector<1x16xf32>,
          %get3A_551 = vector.shape_cast %get3A_550 : vector<1x16xf32> to vector<16xf32>
          %get3A_552 = arith.constant 0 : i32
          %get3A_553 = arith.constant 0 : i32
          %get3A_554 = tpu.memref_slice %arg17[%scan3A_86, %get3A_552, %get3A_553] : memref<2x128x64xf32, #tpu.memory_space<vmem>> -> memref<1x128x64xf32, #tpu.memory_space<vmem>>
          %get3A_555 = tpu.memref_squeeze %get3A_554 : memref<1x128x64xf32, #tpu.memory_space<vmem>> -> memref<128x64xf32, #tpu.memory_space<vmem>>
          %get3A_556 = arith.index_cast %scan3A_485 : i32 to index
          %get3A_557 = arith.constant 32 : index
          %get3A_558 = tpu.vector_load %get3A_555[%get3A_556, %get3A_557] {strides = array<i32>} : memref<128x64xf32, #tpu.memory_space<vmem>>, vector<1x16xf32>,
          %get3A_559 = vector.shape_cast %get3A_558 : vector<1x16xf32> to vector<16xf32>
          %add3A_560 = arith.addf %get3A_551, %get3A_559 : vector<16xf32>
          %max3A_561 = arith.constant 0.000000e+00 : f32
          %max3A_562 = vector.broadcast %max3A_561 : f32 to vector<16xf32>
          %max3A_563 = arith.maximumf %add3A_560, %max3A_562 : vector<16xf32>
          %swap3A_564 = arith.constant 0 : i32
          %swap3A_565 = arith.constant 0 : i32
          %swap3A_566 = tpu.memref_slice %arg16[%scan3A_85, %swap3A_564, %swap3A_565] : memref<2x128x64xf32, #tpu.memory_space<vmem>> -> memref<1x128x64xf32, #tpu.memory_space<vmem>>
          %swap3A_567 = tpu.memref_squeeze %swap3A_566 : memref<1x128x64xf32, #tpu.memory_space<vmem>> -> memref<128x64xf32, #tpu.memory_space<vmem>>
          %swap3A_568 = arith.index_cast %scan3A_485 : i32 to index
          %swap3A_569 = arith.constant 32 : index
          %swap3A_570 = tpu.vector_load %swap3A_567[%swap3A_568, %swap3A_569] {strides = array<i32>} : memref<128x64xf32, #tpu.memory_space<vmem>>, vector<1x16xf32>,
          %swap3A_571 = vector.shape_cast %swap3A_570 : vector<1x16xf32> to vector<16xf32>
          %swap3A_572 = vector.shape_cast %max3A_563 : vector<16xf32> to vector<1x16xf32>
          tpu.vector_store %swap3A_567[%swap3A_568, %swap3A_569], %swap3A_572 {strides = array<i32>} : memref<128x64xf32, #tpu.memory_space<vmem>>, vector<1x16xf32>,
          %get3A_573 = arith.constant 0 : i32
          %get3A_574 = arith.constant 0 : i32
          %get3A_575 = tpu.memref_slice %arg16[%scan3A_85, %get3A_573, %get3A_574] : memref<2x128x64xf32, #tpu.memory_space<vmem>> -> memref<1x128x64xf32, #tpu.memory_space<vmem>>
          %get3A_576 = tpu.memref_squeeze %get3A_575 : memref<1x128x64xf32, #tpu.memory_space<vmem>> -> memref<128x64xf32, #tpu.memory_space<vmem>>
          %get3A_577 = arith.index_cast %scan3A_485 : i32 to index
          %get3A_578 = arith.constant 48 : index
          %get3A_579 = tpu.vector_load %get3A_576[%get3A_577, %get3A_578] {strides = array<i32>} : memref<128x64xf32, #tpu.memory_space<vmem>>, vector<1x16xf32>,
          %get3A_580 = vector.shape_cast %get3A_579 : vector<1x16xf32> to vector<16xf32>
          %get3A_581 = arith.constant 0 : i32
          %get3A_582 = arith.constant 0 : i32
          %get3A_583 = tpu.memref_slice %arg17[%scan3A_86, %get3A_581, %get3A_582] : memref<2x128x64xf32, #tpu.memory_space<vmem>> -> memref<1x128x64xf32, #tpu.memory_space<vmem>>
          %get3A_584 = tpu.memref_squeeze %get3A_583 : memref<1x128x64xf32, #tpu.memory_space<vmem>> -> memref<128x64xf32, #tpu.memory_space<vmem>>
          %get3A_585 = arith.index_cast %scan3A_485 : i32 to index
          %get3A_586 = arith.constant 48 : index
          %get3A_587 = tpu.vector_load %get3A_584[%get3A_585, %get3A_586] {strides = array<i32>} : memref<128x64xf32, #tpu.memory_space<vmem>>, vector<1x16xf32>,
          %get3A_588 = vector.shape_cast %get3A_587 : vector<1x16xf32> to vector<16xf32>
          %add3A_589 = arith.addf %get3A_580, %get3A_588 : vector<16xf32>
          %max3A_590 = arith.constant 0.000000e+00 : f32
          %max3A_591 = vector.broadcast %max3A_590 : f32 to vector<16xf32>
          %max3A_592 = arith.maximumf %add3A_589, %max3A_591 : vector<16xf32>
          %swap3A_593 = arith.constant 0 : i32
          %swap3A_594 = arith.constant 0 : i32
          %swap3A_595 = tpu.memref_slice %arg16[%scan3A_85, %swap3A_593, %swap3A_594] : memref<2x128x64xf32, #tpu.memory_space<vmem>> -> memref<1x128x64xf32, #tpu.memory_space<vmem>>
          %swap3A_596 = tpu.memref_squeeze %swap3A_595 : memref<1x128x64xf32, #tpu.memory_space<vmem>> -> memref<128x64xf32, #tpu.memory_space<vmem>>
          %swap3A_597 = arith.index_cast %scan3A_485 : i32 to index
          %swap3A_598 = arith.constant 48 : index
          %swap3A_599 = tpu.vector_load %swap3A_596[%swap3A_597, %swap3A_598] {strides = array<i32>} : memref<128x64xf32, #tpu.memory_space<vmem>>, vector<1x16xf32>,
          %swap3A_600 = vector.shape_cast %swap3A_599 : vector<1x16xf32> to vector<16xf32>
          %swap3A_601 = vector.shape_cast %max3A_592 : vector<16xf32> to vector<1x16xf32>
          tpu.vector_store %swap3A_596[%swap3A_597, %swap3A_598], %swap3A_601 {strides = array<i32>} : memref<128x64xf32, #tpu.memory_space<vmem>>, vector<1x16xf32>,
        }
        %scan3A_91 = arith.constant 128 : i32
        %run_scoped3A = arith.constant 0 : i32
        "tpu.region"() ({
          %run_scoped3A_134 = tpu.sem_alloc : memref<!tpu.dma_semaphore, #tpu.memory_space<semaphore_mem>>
          %dma_start3A_135 = arith.constant 0 : i32
          %dma_start3A_136 = arith.constant 0 : i32
          %dma_start3A_137 = tpu.memref_slice %arg16[%run_scoped3A, %dma_start3A_135, %dma_start3A_136] : memref<2x128x64xf32, #tpu.memory_space<vmem>> -> memref<1x128x64xf32, #tpu.memory_space<vmem>>
          %dma_start3A_138 = tpu.memref_squeeze %dma_start3A_137 : memref<1x128x64xf32, #tpu.memory_space<vmem>> -> memref<128x64xf32, #tpu.memory_space<vmem>>
          %dma_start3A_139 = arith.constant 0 : i32
          %dma_start3A_140 = tpu.memref_slice %arg15[%add3A_56, %dma_start3A_139] : memref<160x128xi32, #tpu.memory_space<vmem>> -> memref<1x128xi32, #tpu.memory_space<vmem>>
          %dma_start3A_141 = tpu.memref_squeeze %dma_start3A_140 : memref<1x128xi32, #tpu.memory_space<vmem>> -> memref<128xi32, #tpu.memory_space<vmem>>
          %dma_start3A_142 = arith.constant 0 : i32
          %dma_start3A_143 = arith.constant 0 : i32
          %dma_start3A_144 = tpu.memref_slice %arg19[%dma_start3A_142, %dma_start3A_143] : memref<10112x64xf32, #tpu.memory_space<vmem_shared>> -> memref<10112x64xf32, #tpu.memory_space<vmem_shared>>
          tpu.enqueue_indirect_dma source(%dma_start3A_138 : memref<128x64xf32, #tpu.memory_space<vmem>>) target(%dma_start3A_144 : memref<10112x64xf32, #tpu.memory_space<vmem_shared>>) offsets(%dma_start3A_141 : memref<128xi32, #tpu.memory_space<vmem>>) semaphore(%run_scoped3A_134 : memref<!tpu.dma_semaphore, #tpu.memory_space<semaphore_mem>>) {add = true}
          %dma_wait3A_145 = arith.constant 0 : i32
          %dma_wait3A_146 = arith.constant 0 : i32
          %dma_wait3A_147 = tpu.memref_slice %arg16[%run_scoped3A, %dma_wait3A_145, %dma_wait3A_146] : memref<2x128x64xf32, #tpu.memory_space<vmem>> -> memref<1x128x64xf32, #tpu.memory_space<vmem>>
          %dma_wait3A_148 = tpu.memref_squeeze %dma_wait3A_147 : memref<1x128x64xf32, #tpu.memory_space<vmem>> -> memref<128x64xf32, #tpu.memory_space<vmem>>
          %dma_wait3A_149 = arith.constant 0 : i32
          %dma_wait3A_150 = tpu.memref_slice %arg15[%add3A_56, %dma_wait3A_149] : memref<160x128xi32, #tpu.memory_space<vmem>> -> memref<1x128xi32, #tpu.memory_space<vmem>>
          %dma_wait3A_151 = tpu.memref_squeeze %dma_wait3A_150 : memref<1x128xi32, #tpu.memory_space<vmem>> -> memref<128xi32, #tpu.memory_space<vmem>>
          %dma_wait3A_152 = arith.constant 0 : i32
          %dma_wait3A_153 = arith.constant 0 : i32
          %dma_wait3A_154 = tpu.memref_slice %arg19[%dma_wait3A_152, %dma_wait3A_153] : memref<10112x64xf32, #tpu.memory_space<vmem_shared>> -> memref<10112x64xf32, #tpu.memory_space<vmem_shared>>
          tpu.wait_indirect_dma semaphore(%run_scoped3A_134 : memref<!tpu.dma_semaphore, #tpu.memory_space<semaphore_mem>>) src(%dma_wait3A_148 : memref<128x64xf32, #tpu.memory_space<vmem>>) dst(%dma_wait3A_154 : memref<10112x64xf32, #tpu.memory_space<vmem_shared>>)
          tpu.yield
        }) : () -> ()
        "tpu.region"() ({
          %run_scoped3A_134 = tpu.sem_alloc : memref<!tpu.dma_semaphore, #tpu.memory_space<semaphore_mem>>
          %dma_start3A_135 = arith.constant 0 : i32
          %dma_start3A_136 = tpu.memref_slice %arg15[%add3A_56, %dma_start3A_135] : memref<160x128xi32, #tpu.memory_space<vmem>> -> memref<1x128xi32, #tpu.memory_space<vmem>>
          %dma_start3A_137 = tpu.memref_squeeze %dma_start3A_136 : memref<1x128xi32, #tpu.memory_space<vmem>> -> memref<128xi32, #tpu.memory_space<vmem>>
          %dma_start3A_138 = arith.constant 0 : i32
          %dma_start3A_139 = arith.constant 0 : i32
          %dma_start3A_140 = tpu.memref_slice %arg20[%dma_start3A_138, %dma_start3A_139] : memref<10112x16xf32, #tpu.memory_space<vmem_shared>> -> memref<10112x16xf32, #tpu.memory_space<vmem_shared>>
          tpu.enqueue_indirect_dma source(%arg18 : memref<128x16xf32, #tpu.memory_space<vmem>>) target(%dma_start3A_140 : memref<10112x16xf32, #tpu.memory_space<vmem_shared>>) offsets(%dma_start3A_137 : memref<128xi32, #tpu.memory_space<vmem>>) semaphore(%run_scoped3A_134 : memref<!tpu.dma_semaphore, #tpu.memory_space<semaphore_mem>>) {add = true}
          %dma_wait3A_141 = arith.constant 0 : i32
          %dma_wait3A_142 = tpu.memref_slice %arg15[%add3A_56, %dma_wait3A_141] : memref<160x128xi32, #tpu.memory_space<vmem>> -> memref<1x128xi32, #tpu.memory_space<vmem>>
          %dma_wait3A_143 = tpu.memref_squeeze %dma_wait3A_142 : memref<1x128xi32, #tpu.memory_space<vmem>> -> memref<128xi32, #tpu.memory_space<vmem>>
          %dma_wait3A_144 = arith.constant 0 : i32
          %dma_wait3A_145 = arith.constant 0 : i32
          %dma_wait3A_146 = tpu.memref_slice %arg20[%dma_wait3A_144, %dma_wait3A_145] : memref<10112x16xf32, #tpu.memory_space<vmem_shared>> -> memref<10112x16xf32, #tpu.memory_space<vmem_shared>>
          tpu.wait_indirect_dma semaphore(%run_scoped3A_134 : memref<!tpu.dma_semaphore, #tpu.memory_space<semaphore_mem>>) src(%arg18 : memref<128x16xf32, #tpu.memory_space<vmem>>) dst(%dma_wait3A_146 : memref<10112x16xf32, #tpu.memory_space<vmem_shared>>)
          tpu.yield
        }) : () -> ()
        %mul3A_92 = arith.constant 2 : i32
        %mul3A_93 = arith.muli %mul3A_92, %scan3A_52 : i32
        %add3A_94 = arith.constant 1 : i32
        %add3A_95 = arith.addi %mul3A_93, %add3A_94 : i32
        %dma_wait3A_96 = arith.constant 1 : i32
        %dma_wait3A_97 = arith.constant 0 : i32
        %dma_wait3A_98 = arith.constant 0 : i32
        %dma_wait3A_99 = tpu.memref_slice %arg16[%dma_wait3A_96, %dma_wait3A_97, %dma_wait3A_98] : memref<2x128x64xf32, #tpu.memory_space<vmem>> -> memref<1x128x64xf32, #tpu.memory_space<vmem>>
        %dma_wait3A_100 = tpu.memref_squeeze %dma_wait3A_99 : memref<1x128x64xf32, #tpu.memory_space<vmem>> -> memref<128x64xf32, #tpu.memory_space<vmem>>
        %dma_wait3A_101 = arith.constant 0 : i32
        %dma_wait3A_102 = tpu.memref_slice %arg14[%add3A_95, %dma_wait3A_101] : memref<160x128xi32, #tpu.memory_space<vmem>> -> memref<1x128xi32, #tpu.memory_space<vmem>>
        %dma_wait3A_103 = tpu.memref_squeeze %dma_wait3A_102 : memref<1x128xi32, #tpu.memory_space<vmem>> -> memref<128xi32, #tpu.memory_space<vmem>>
        %dma_wait3A_104 = arith.constant 0 : i32
        %dma_wait3A_105 = arith.constant 0 : i32
        %dma_wait3A_106 = tpu.memref_slice %arg2[%dma_wait3A_104, %dma_wait3A_105] : memref<10000x64xf32, #tpu.memory_space<hbm>> -> memref<10000x64xf32, #tpu.memory_space<hbm>>
        tpu.wait_indirect_dma semaphore(%arg22 : memref<!tpu.dma_semaphore, #tpu.memory_space<semaphore_mem>>) src(%dma_wait3A_106 : memref<10000x64xf32, #tpu.memory_space<hbm>>) dst(%dma_wait3A_100 : memref<128x64xf32, #tpu.memory_space<vmem>>)
        %dma_wait3A_107 = arith.constant 1 : i32
        %dma_wait3A_108 = arith.constant 0 : i32
        %dma_wait3A_109 = arith.constant 0 : i32
        %dma_wait3A_110 = tpu.memref_slice %arg17[%dma_wait3A_107, %dma_wait3A_108, %dma_wait3A_109] : memref<2x128x64xf32, #tpu.memory_space<vmem>> -> memref<1x128x64xf32, #tpu.memory_space<vmem>>
        %dma_wait3A_111 = tpu.memref_squeeze %dma_wait3A_110 : memref<1x128x64xf32, #tpu.memory_space<vmem>> -> memref<128x64xf32, #tpu.memory_space<vmem>>
        %dma_wait3A_112 = arith.constant 0 : i32
        %dma_wait3A_113 = tpu.memref_slice %arg15[%add3A_95, %dma_wait3A_112] : memref<160x128xi32, #tpu.memory_space<vmem>> -> memref<1x128xi32, #tpu.memory_space<vmem>>
        %dma_wait3A_114 = tpu.memref_squeeze %dma_wait3A_113 : memref<1x128xi32, #tpu.memory_space<vmem>> -> memref<128xi32, #tpu.memory_space<vmem>>
        %dma_wait3A_115 = arith.constant 0 : i32
        %dma_wait3A_116 = arith.constant 0 : i32
        %dma_wait3A_117 = tpu.memref_slice %arg4[%dma_wait3A_115, %dma_wait3A_116] : memref<10000x64xf32, #tpu.memory_space<hbm>> -> memref<10000x64xf32, #tpu.memory_space<hbm>>
        tpu.wait_indirect_dma semaphore(%arg24 : memref<!tpu.dma_semaphore, #tpu.memory_space<semaphore_mem>>) src(%dma_wait3A_117 : memref<10000x64xf32, #tpu.memory_space<hbm>>) dst(%dma_wait3A_111 : memref<128x64xf32, #tpu.memory_space<vmem>>)
        %add3A_118 = arith.constant 1 : i32
        %add3A_119 = arith.addi %add3A_95, %add3A_118 : i32
        %lt3A_120 = arith.constant 160 : i32
        %lt3A_121 = arith.cmpi slt, %add3A_119, %lt3A_120 : i32
        %convert_element_type3A_122 = arith.extui %lt3A_121 : i1 to i32
        %cond3A_123 = arith.constant 0 : i32
        %cond3A_124 = arith.cmpi ne, %convert_element_type3A_122, %cond3A_123 : i32
        scf.if %cond3A_124 {
          %add3A_134 = arith.constant 1 : i32
          %add3A_135 = arith.addi %add3A_95, %add3A_134 : i32
          %dma_start3A_136 = arith.constant 0 : i32
          %dma_start3A_137 = arith.constant 0 : i32
          %dma_start3A_138 = arith.constant 0 : i32
          %dma_start3A_139 = tpu.memref_slice %arg16[%dma_start3A_136, %dma_start3A_137, %dma_start3A_138] : memref<2x128x64xf32, #tpu.memory_space<vmem>> -> memref<1x128x64xf32, #tpu.memory_space<vmem>>
          %dma_start3A_140 = tpu.memref_squeeze %dma_start3A_139 : memref<1x128x64xf32, #tpu.memory_space<vmem>> -> memref<128x64xf32, #tpu.memory_space<vmem>>
          %dma_start3A_141 = arith.constant 0 : i32
          %dma_start3A_142 = tpu.memref_slice %arg14[%add3A_135, %dma_start3A_141] : memref<160x128xi32, #tpu.memory_space<vmem>> -> memref<1x128xi32, #tpu.memory_space<vmem>>
          %dma_start3A_143 = tpu.memref_squeeze %dma_start3A_142 : memref<1x128xi32, #tpu.memory_space<vmem>> -> memref<128xi32, #tpu.memory_space<vmem>>
          %dma_start3A_144 = arith.constant 0 : i32
          %dma_start3A_145 = arith.constant 0 : i32
          %dma_start3A_146 = tpu.memref_slice %arg2[%dma_start3A_144, %dma_start3A_145] : memref<10000x64xf32, #tpu.memory_space<hbm>> -> memref<10000x64xf32, #tpu.memory_space<hbm>>
          tpu.enqueue_indirect_dma source(%dma_start3A_146 : memref<10000x64xf32, #tpu.memory_space<hbm>>) target(%dma_start3A_140 : memref<128x64xf32, #tpu.memory_space<vmem>>) offsets(%dma_start3A_143 : memref<128xi32, #tpu.memory_space<vmem>>) semaphore(%arg21 : memref<!tpu.dma_semaphore, #tpu.memory_space<semaphore_mem>>)
          %add3A_147 = arith.constant 1 : i32
          %add3A_148 = arith.addi %add3A_95, %add3A_147 : i32
          %dma_start3A_149 = arith.constant 0 : i32
          %dma_start3A_150 = arith.constant 0 : i32
          %dma_start3A_151 = arith.constant 0 : i32
          %dma_start3A_152 = tpu.memref_slice %arg17[%dma_start3A_149, %dma_start3A_150, %dma_start3A_151] : memref<2x128x64xf32, #tpu.memory_space<vmem>> -> memref<1x128x64xf32, #tpu.memory_space<vmem>>
          %dma_start3A_153 = tpu.memref_squeeze %dma_start3A_152 : memref<1x128x64xf32, #tpu.memory_space<vmem>> -> memref<128x64xf32, #tpu.memory_space<vmem>>
          %dma_start3A_154 = arith.constant 0 : i32
          %dma_start3A_155 = tpu.memref_slice %arg15[%add3A_148, %dma_start3A_154] : memref<160x128xi32, #tpu.memory_space<vmem>> -> memref<1x128xi32, #tpu.memory_space<vmem>>
          %dma_start3A_156 = tpu.memref_squeeze %dma_start3A_155 : memref<1x128xi32, #tpu.memory_space<vmem>> -> memref<128xi32, #tpu.memory_space<vmem>>
          %dma_start3A_157 = arith.constant 0 : i32
          %dma_start3A_158 = arith.constant 0 : i32
          %dma_start3A_159 = tpu.memref_slice %arg4[%dma_start3A_157, %dma_start3A_158] : memref<10000x64xf32, #tpu.memory_space<hbm>> -> memref<10000x64xf32, #tpu.memory_space<hbm>>
          tpu.enqueue_indirect_dma source(%dma_start3A_159 : memref<10000x64xf32, #tpu.memory_space<hbm>>) target(%dma_start3A_153 : memref<128x64xf32, #tpu.memory_space<vmem>>) offsets(%dma_start3A_156 : memref<128xi32, #tpu.memory_space<vmem>>) semaphore(%arg23 : memref<!tpu.dma_semaphore, #tpu.memory_space<semaphore_mem>>)
        } else {
        }
        %scan3A_125 = arith.constant 0 : i32
        %scan3A_126 = arith.constant 1 : i32
        %scan3A_127 = arith.constant 1 : i32
        %scan3A_128 = arith.constant 0 : i32
        %scan3A_129 = arith.constant 128 : i32
        %scan3A_130 = arith.addi %scan3A_128, %scan3A_129 : i32
        %scan3A_131 = arith.constant 4 : i32
        scf.for %scan3A_134 = %scan3A_128 to %scan3A_130 step %scan3A_131  : i32 {
          %get3A = arith.constant 0 : i32
          %get3A_135 = arith.constant 0 : i32
          %get3A_136 = tpu.memref_slice %arg16[%scan3A_126, %get3A, %get3A_135] : memref<2x128x64xf32, #tpu.memory_space<vmem>> -> memref<1x128x64xf32, #tpu.memory_space<vmem>>
          %get3A_137 = tpu.memref_squeeze %get3A_136 : memref<1x128x64xf32, #tpu.memory_space<vmem>> -> memref<128x64xf32, #tpu.memory_space<vmem>>
          %get3A_138 = arith.index_cast %scan3A_134 : i32 to index
          %get3A_139 = arith.constant 0 : index
          %get3A_140 = tpu.vector_load %get3A_137[%get3A_138, %get3A_139] {strides = array<i32>} : memref<128x64xf32, #tpu.memory_space<vmem>>, vector<1x16xf32>,
          %get3A_141 = vector.shape_cast %get3A_140 : vector<1x16xf32> to vector<16xf32>
          %get3A_142 = arith.constant 0 : i32
          %get3A_143 = arith.constant 0 : i32
          %get3A_144 = tpu.memref_slice %arg17[%scan3A_127, %get3A_142, %get3A_143] : memref<2x128x64xf32, #tpu.memory_space<vmem>> -> memref<1x128x64xf32, #tpu.memory_space<vmem>>
          %get3A_145 = tpu.memref_squeeze %get3A_144 : memref<1x128x64xf32, #tpu.memory_space<vmem>> -> memref<128x64xf32, #tpu.memory_space<vmem>>
          %get3A_146 = arith.index_cast %scan3A_134 : i32 to index
          %get3A_147 = arith.constant 0 : index
          %get3A_148 = tpu.vector_load %get3A_145[%get3A_146, %get3A_147] {strides = array<i32>} : memref<128x64xf32, #tpu.memory_space<vmem>>, vector<1x16xf32>,
          %get3A_149 = vector.shape_cast %get3A_148 : vector<1x16xf32> to vector<16xf32>
          %add3A_150 = arith.addf %get3A_141, %get3A_149 : vector<16xf32>
          %max3A = arith.constant 0.000000e+00 : f32
          %max3A_151 = vector.broadcast %max3A : f32 to vector<16xf32>
          %max3A_152 = arith.maximumf %add3A_150, %max3A_151 : vector<16xf32>
          %swap3A = arith.constant 0 : i32
          %swap3A_153 = arith.constant 0 : i32
          %swap3A_154 = tpu.memref_slice %arg16[%scan3A_126, %swap3A, %swap3A_153] : memref<2x128x64xf32, #tpu.memory_space<vmem>> -> memref<1x128x64xf32, #tpu.memory_space<vmem>>
          %swap3A_155 = tpu.memref_squeeze %swap3A_154 : memref<1x128x64xf32, #tpu.memory_space<vmem>> -> memref<128x64xf32, #tpu.memory_space<vmem>>
          %swap3A_156 = arith.index_cast %scan3A_134 : i32 to index
          %swap3A_157 = arith.constant 0 : index
          %swap3A_158 = tpu.vector_load %swap3A_155[%swap3A_156, %swap3A_157] {strides = array<i32>} : memref<128x64xf32, #tpu.memory_space<vmem>>, vector<1x16xf32>,
          %swap3A_159 = vector.shape_cast %swap3A_158 : vector<1x16xf32> to vector<16xf32>
          %swap3A_160 = vector.shape_cast %max3A_152 : vector<16xf32> to vector<1x16xf32>
          tpu.vector_store %swap3A_155[%swap3A_156, %swap3A_157], %swap3A_160 {strides = array<i32>} : memref<128x64xf32, #tpu.memory_space<vmem>>, vector<1x16xf32>,
          %get3A_161 = arith.constant 0 : i32
          %get3A_162 = arith.constant 0 : i32
          %get3A_163 = tpu.memref_slice %arg16[%scan3A_126, %get3A_161, %get3A_162] : memref<2x128x64xf32, #tpu.memory_space<vmem>> -> memref<1x128x64xf32, #tpu.memory_space<vmem>>
          %get3A_164 = tpu.memref_squeeze %get3A_163 : memref<1x128x64xf32, #tpu.memory_space<vmem>> -> memref<128x64xf32, #tpu.memory_space<vmem>>
          %get3A_165 = arith.index_cast %scan3A_134 : i32 to index
          %get3A_166 = arith.constant 16 : index
          %get3A_167 = tpu.vector_load %get3A_164[%get3A_165, %get3A_166] {strides = array<i32>} : memref<128x64xf32, #tpu.memory_space<vmem>>, vector<1x16xf32>,
          %get3A_168 = vector.shape_cast %get3A_167 : vector<1x16xf32> to vector<16xf32>
          %get3A_169 = arith.constant 0 : i32
          %get3A_170 = arith.constant 0 : i32
          %get3A_171 = tpu.memref_slice %arg17[%scan3A_127, %get3A_169, %get3A_170] : memref<2x128x64xf32, #tpu.memory_space<vmem>> -> memref<1x128x64xf32, #tpu.memory_space<vmem>>
          %get3A_172 = tpu.memref_squeeze %get3A_171 : memref<1x128x64xf32, #tpu.memory_space<vmem>> -> memref<128x64xf32, #tpu.memory_space<vmem>>
          %get3A_173 = arith.index_cast %scan3A_134 : i32 to index
          %get3A_174 = arith.constant 16 : index
          %get3A_175 = tpu.vector_load %get3A_172[%get3A_173, %get3A_174] {strides = array<i32>} : memref<128x64xf32, #tpu.memory_space<vmem>>, vector<1x16xf32>,
          %get3A_176 = vector.shape_cast %get3A_175 : vector<1x16xf32> to vector<16xf32>
          %add3A_177 = arith.addf %get3A_168, %get3A_176 : vector<16xf32>
          %max3A_178 = arith.constant 0.000000e+00 : f32
          %max3A_179 = vector.broadcast %max3A_178 : f32 to vector<16xf32>
          %max3A_180 = arith.maximumf %add3A_177, %max3A_179 : vector<16xf32>
          %swap3A_181 = arith.constant 0 : i32
          %swap3A_182 = arith.constant 0 : i32
          %swap3A_183 = tpu.memref_slice %arg16[%scan3A_126, %swap3A_181, %swap3A_182] : memref<2x128x64xf32, #tpu.memory_space<vmem>> -> memref<1x128x64xf32, #tpu.memory_space<vmem>>
          %swap3A_184 = tpu.memref_squeeze %swap3A_183 : memref<1x128x64xf32, #tpu.memory_space<vmem>> -> memref<128x64xf32, #tpu.memory_space<vmem>>
          %swap3A_185 = arith.index_cast %scan3A_134 : i32 to index
          %swap3A_186 = arith.constant 16 : index
          %swap3A_187 = tpu.vector_load %swap3A_184[%swap3A_185, %swap3A_186] {strides = array<i32>} : memref<128x64xf32, #tpu.memory_space<vmem>>, vector<1x16xf32>,
          %swap3A_188 = vector.shape_cast %swap3A_187 : vector<1x16xf32> to vector<16xf32>
          %swap3A_189 = vector.shape_cast %max3A_180 : vector<16xf32> to vector<1x16xf32>
          tpu.vector_store %swap3A_184[%swap3A_185, %swap3A_186], %swap3A_189 {strides = array<i32>} : memref<128x64xf32, #tpu.memory_space<vmem>>, vector<1x16xf32>,
          %get3A_190 = arith.constant 0 : i32
          %get3A_191 = arith.constant 0 : i32
          %get3A_192 = tpu.memref_slice %arg16[%scan3A_126, %get3A_190, %get3A_191] : memref<2x128x64xf32, #tpu.memory_space<vmem>> -> memref<1x128x64xf32, #tpu.memory_space<vmem>>
          %get3A_193 = tpu.memref_squeeze %get3A_192 : memref<1x128x64xf32, #tpu.memory_space<vmem>> -> memref<128x64xf32, #tpu.memory_space<vmem>>
          %get3A_194 = arith.index_cast %scan3A_134 : i32 to index
          %get3A_195 = arith.constant 32 : index
          %get3A_196 = tpu.vector_load %get3A_193[%get3A_194, %get3A_195] {strides = array<i32>} : memref<128x64xf32, #tpu.memory_space<vmem>>, vector<1x16xf32>,
          %get3A_197 = vector.shape_cast %get3A_196 : vector<1x16xf32> to vector<16xf32>
          %get3A_198 = arith.constant 0 : i32
          %get3A_199 = arith.constant 0 : i32
          %get3A_200 = tpu.memref_slice %arg17[%scan3A_127, %get3A_198, %get3A_199] : memref<2x128x64xf32, #tpu.memory_space<vmem>> -> memref<1x128x64xf32, #tpu.memory_space<vmem>>
          %get3A_201 = tpu.memref_squeeze %get3A_200 : memref<1x128x64xf32, #tpu.memory_space<vmem>> -> memref<128x64xf32, #tpu.memory_space<vmem>>
          %get3A_202 = arith.index_cast %scan3A_134 : i32 to index
          %get3A_203 = arith.constant 32 : index
          %get3A_204 = tpu.vector_load %get3A_201[%get3A_202, %get3A_203] {strides = array<i32>} : memref<128x64xf32, #tpu.memory_space<vmem>>, vector<1x16xf32>,
          %get3A_205 = vector.shape_cast %get3A_204 : vector<1x16xf32> to vector<16xf32>
          %add3A_206 = arith.addf %get3A_197, %get3A_205 : vector<16xf32>
          %max3A_207 = arith.constant 0.000000e+00 : f32
          %max3A_208 = vector.broadcast %max3A_207 : f32 to vector<16xf32>
          %max3A_209 = arith.maximumf %add3A_206, %max3A_208 : vector<16xf32>
          %swap3A_210 = arith.constant 0 : i32
          %swap3A_211 = arith.constant 0 : i32
          %swap3A_212 = tpu.memref_slice %arg16[%scan3A_126, %swap3A_210, %swap3A_211] : memref<2x128x64xf32, #tpu.memory_space<vmem>> -> memref<1x128x64xf32, #tpu.memory_space<vmem>>
          %swap3A_213 = tpu.memref_squeeze %swap3A_212 : memref<1x128x64xf32, #tpu.memory_space<vmem>> -> memref<128x64xf32, #tpu.memory_space<vmem>>
          %swap3A_214 = arith.index_cast %scan3A_134 : i32 to index
          %swap3A_215 = arith.constant 32 : index
          %swap3A_216 = tpu.vector_load %swap3A_213[%swap3A_214, %swap3A_215] {strides = array<i32>} : memref<128x64xf32, #tpu.memory_space<vmem>>, vector<1x16xf32>,
          %swap3A_217 = vector.shape_cast %swap3A_216 : vector<1x16xf32> to vector<16xf32>
          %swap3A_218 = vector.shape_cast %max3A_209 : vector<16xf32> to vector<1x16xf32>
          tpu.vector_store %swap3A_213[%swap3A_214, %swap3A_215], %swap3A_218 {strides = array<i32>} : memref<128x64xf32, #tpu.memory_space<vmem>>, vector<1x16xf32>,
          %get3A_219 = arith.constant 0 : i32
          %get3A_220 = arith.constant 0 : i32
          %get3A_221 = tpu.memref_slice %arg16[%scan3A_126, %get3A_219, %get3A_220] : memref<2x128x64xf32, #tpu.memory_space<vmem>> -> memref<1x128x64xf32, #tpu.memory_space<vmem>>
          %get3A_222 = tpu.memref_squeeze %get3A_221 : memref<1x128x64xf32, #tpu.memory_space<vmem>> -> memref<128x64xf32, #tpu.memory_space<vmem>>
          %get3A_223 = arith.index_cast %scan3A_134 : i32 to index
          %get3A_224 = arith.constant 48 : index
          %get3A_225 = tpu.vector_load %get3A_222[%get3A_223, %get3A_224] {strides = array<i32>} : memref<128x64xf32, #tpu.memory_space<vmem>>, vector<1x16xf32>,
          %get3A_226 = vector.shape_cast %get3A_225 : vector<1x16xf32> to vector<16xf32>
          %get3A_227 = arith.constant 0 : i32
          %get3A_228 = arith.constant 0 : i32
          %get3A_229 = tpu.memref_slice %arg17[%scan3A_127, %get3A_227, %get3A_228] : memref<2x128x64xf32, #tpu.memory_space<vmem>> -> memref<1x128x64xf32, #tpu.memory_space<vmem>>
          %get3A_230 = tpu.memref_squeeze %get3A_229 : memref<1x128x64xf32, #tpu.memory_space<vmem>> -> memref<128x64xf32, #tpu.memory_space<vmem>>
          %get3A_231 = arith.index_cast %scan3A_134 : i32 to index
          %get3A_232 = arith.constant 48 : index
          %get3A_233 = tpu.vector_load %get3A_230[%get3A_231, %get3A_232] {strides = array<i32>} : memref<128x64xf32, #tpu.memory_space<vmem>>, vector<1x16xf32>,
          %get3A_234 = vector.shape_cast %get3A_233 : vector<1x16xf32> to vector<16xf32>
          %add3A_235 = arith.addf %get3A_226, %get3A_234 : vector<16xf32>
          %max3A_236 = arith.constant 0.000000e+00 : f32
          %max3A_237 = vector.broadcast %max3A_236 : f32 to vector<16xf32>
          %max3A_238 = arith.maximumf %add3A_235, %max3A_237 : vector<16xf32>
          %swap3A_239 = arith.constant 0 : i32
          %swap3A_240 = arith.constant 0 : i32
          %swap3A_241 = tpu.memref_slice %arg16[%scan3A_126, %swap3A_239, %swap3A_240] : memref<2x128x64xf32, #tpu.memory_space<vmem>> -> memref<1x128x64xf32, #tpu.memory_space<vmem>>
          %swap3A_242 = tpu.memref_squeeze %swap3A_241 : memref<1x128x64xf32, #tpu.memory_space<vmem>> -> memref<128x64xf32, #tpu.memory_space<vmem>>
          %swap3A_243 = arith.index_cast %scan3A_134 : i32 to index
          %swap3A_244 = arith.constant 48 : index
          %swap3A_245 = tpu.vector_load %swap3A_242[%swap3A_243, %swap3A_244] {strides = array<i32>} : memref<128x64xf32, #tpu.memory_space<vmem>>, vector<1x16xf32>,
          %swap3A_246 = vector.shape_cast %swap3A_245 : vector<1x16xf32> to vector<16xf32>
          %swap3A_247 = vector.shape_cast %max3A_238 : vector<16xf32> to vector<1x16xf32>
          tpu.vector_store %swap3A_242[%swap3A_243, %swap3A_244], %swap3A_247 {strides = array<i32>} : memref<128x64xf32, #tpu.memory_space<vmem>>, vector<1x16xf32>,
          %scan3A_248 = arith.constant 1 : i32
          %scan3A_249 = arith.addi %scan3A_134, %scan3A_248 : i32
          %get3A_250 = arith.constant 0 : i32
          %get3A_251 = arith.constant 0 : i32
          %get3A_252 = tpu.memref_slice %arg16[%scan3A_126, %get3A_250, %get3A_251] : memref<2x128x64xf32, #tpu.memory_space<vmem>> -> memref<1x128x64xf32, #tpu.memory_space<vmem>>
          %get3A_253 = tpu.memref_squeeze %get3A_252 : memref<1x128x64xf32, #tpu.memory_space<vmem>> -> memref<128x64xf32, #tpu.memory_space<vmem>>
          %get3A_254 = arith.index_cast %scan3A_249 : i32 to index
          %get3A_255 = arith.constant 0 : index
          %get3A_256 = tpu.vector_load %get3A_253[%get3A_254, %get3A_255] {strides = array<i32>} : memref<128x64xf32, #tpu.memory_space<vmem>>, vector<1x16xf32>,
          %get3A_257 = vector.shape_cast %get3A_256 : vector<1x16xf32> to vector<16xf32>
          %get3A_258 = arith.constant 0 : i32
          %get3A_259 = arith.constant 0 : i32
          %get3A_260 = tpu.memref_slice %arg17[%scan3A_127, %get3A_258, %get3A_259] : memref<2x128x64xf32, #tpu.memory_space<vmem>> -> memref<1x128x64xf32, #tpu.memory_space<vmem>>
          %get3A_261 = tpu.memref_squeeze %get3A_260 : memref<1x128x64xf32, #tpu.memory_space<vmem>> -> memref<128x64xf32, #tpu.memory_space<vmem>>
          %get3A_262 = arith.index_cast %scan3A_249 : i32 to index
          %get3A_263 = arith.constant 0 : index
          %get3A_264 = tpu.vector_load %get3A_261[%get3A_262, %get3A_263] {strides = array<i32>} : memref<128x64xf32, #tpu.memory_space<vmem>>, vector<1x16xf32>,
          %get3A_265 = vector.shape_cast %get3A_264 : vector<1x16xf32> to vector<16xf32>
          %add3A_266 = arith.addf %get3A_257, %get3A_265 : vector<16xf32>
          %max3A_267 = arith.constant 0.000000e+00 : f32
          %max3A_268 = vector.broadcast %max3A_267 : f32 to vector<16xf32>
          %max3A_269 = arith.maximumf %add3A_266, %max3A_268 : vector<16xf32>
          %swap3A_270 = arith.constant 0 : i32
          %swap3A_271 = arith.constant 0 : i32
          %swap3A_272 = tpu.memref_slice %arg16[%scan3A_126, %swap3A_270, %swap3A_271] : memref<2x128x64xf32, #tpu.memory_space<vmem>> -> memref<1x128x64xf32, #tpu.memory_space<vmem>>
          %swap3A_273 = tpu.memref_squeeze %swap3A_272 : memref<1x128x64xf32, #tpu.memory_space<vmem>> -> memref<128x64xf32, #tpu.memory_space<vmem>>
          %swap3A_274 = arith.index_cast %scan3A_249 : i32 to index
          %swap3A_275 = arith.constant 0 : index
          %swap3A_276 = tpu.vector_load %swap3A_273[%swap3A_274, %swap3A_275] {strides = array<i32>} : memref<128x64xf32, #tpu.memory_space<vmem>>, vector<1x16xf32>,
          %swap3A_277 = vector.shape_cast %swap3A_276 : vector<1x16xf32> to vector<16xf32>
          %swap3A_278 = vector.shape_cast %max3A_269 : vector<16xf32> to vector<1x16xf32>
          tpu.vector_store %swap3A_273[%swap3A_274, %swap3A_275], %swap3A_278 {strides = array<i32>} : memref<128x64xf32, #tpu.memory_space<vmem>>, vector<1x16xf32>,
          %get3A_279 = arith.constant 0 : i32
          %get3A_280 = arith.constant 0 : i32
          %get3A_281 = tpu.memref_slice %arg16[%scan3A_126, %get3A_279, %get3A_280] : memref<2x128x64xf32, #tpu.memory_space<vmem>> -> memref<1x128x64xf32, #tpu.memory_space<vmem>>
          %get3A_282 = tpu.memref_squeeze %get3A_281 : memref<1x128x64xf32, #tpu.memory_space<vmem>> -> memref<128x64xf32, #tpu.memory_space<vmem>>
          %get3A_283 = arith.index_cast %scan3A_249 : i32 to index
          %get3A_284 = arith.constant 16 : index
          %get3A_285 = tpu.vector_load %get3A_282[%get3A_283, %get3A_284] {strides = array<i32>} : memref<128x64xf32, #tpu.memory_space<vmem>>, vector<1x16xf32>,
          %get3A_286 = vector.shape_cast %get3A_285 : vector<1x16xf32> to vector<16xf32>
          %get3A_287 = arith.constant 0 : i32
          %get3A_288 = arith.constant 0 : i32
          %get3A_289 = tpu.memref_slice %arg17[%scan3A_127, %get3A_287, %get3A_288] : memref<2x128x64xf32, #tpu.memory_space<vmem>> -> memref<1x128x64xf32, #tpu.memory_space<vmem>>
          %get3A_290 = tpu.memref_squeeze %get3A_289 : memref<1x128x64xf32, #tpu.memory_space<vmem>> -> memref<128x64xf32, #tpu.memory_space<vmem>>
          %get3A_291 = arith.index_cast %scan3A_249 : i32 to index
          %get3A_292 = arith.constant 16 : index
          %get3A_293 = tpu.vector_load %get3A_290[%get3A_291, %get3A_292] {strides = array<i32>} : memref<128x64xf32, #tpu.memory_space<vmem>>, vector<1x16xf32>,
          %get3A_294 = vector.shape_cast %get3A_293 : vector<1x16xf32> to vector<16xf32>
          %add3A_295 = arith.addf %get3A_286, %get3A_294 : vector<16xf32>
          %max3A_296 = arith.constant 0.000000e+00 : f32
          %max3A_297 = vector.broadcast %max3A_296 : f32 to vector<16xf32>
          %max3A_298 = arith.maximumf %add3A_295, %max3A_297 : vector<16xf32>
          %swap3A_299 = arith.constant 0 : i32
          %swap3A_300 = arith.constant 0 : i32
          %swap3A_301 = tpu.memref_slice %arg16[%scan3A_126, %swap3A_299, %swap3A_300] : memref<2x128x64xf32, #tpu.memory_space<vmem>> -> memref<1x128x64xf32, #tpu.memory_space<vmem>>
          %swap3A_302 = tpu.memref_squeeze %swap3A_301 : memref<1x128x64xf32, #tpu.memory_space<vmem>> -> memref<128x64xf32, #tpu.memory_space<vmem>>
          %swap3A_303 = arith.index_cast %scan3A_249 : i32 to index
          %swap3A_304 = arith.constant 16 : index
          %swap3A_305 = tpu.vector_load %swap3A_302[%swap3A_303, %swap3A_304] {strides = array<i32>} : memref<128x64xf32, #tpu.memory_space<vmem>>, vector<1x16xf32>,
          %swap3A_306 = vector.shape_cast %swap3A_305 : vector<1x16xf32> to vector<16xf32>
          %swap3A_307 = vector.shape_cast %max3A_298 : vector<16xf32> to vector<1x16xf32>
          tpu.vector_store %swap3A_302[%swap3A_303, %swap3A_304], %swap3A_307 {strides = array<i32>} : memref<128x64xf32, #tpu.memory_space<vmem>>, vector<1x16xf32>,
          %get3A_308 = arith.constant 0 : i32
          %get3A_309 = arith.constant 0 : i32
          %get3A_310 = tpu.memref_slice %arg16[%scan3A_126, %get3A_308, %get3A_309] : memref<2x128x64xf32, #tpu.memory_space<vmem>> -> memref<1x128x64xf32, #tpu.memory_space<vmem>>
          %get3A_311 = tpu.memref_squeeze %get3A_310 : memref<1x128x64xf32, #tpu.memory_space<vmem>> -> memref<128x64xf32, #tpu.memory_space<vmem>>
          %get3A_312 = arith.index_cast %scan3A_249 : i32 to index
          %get3A_313 = arith.constant 32 : index
          %get3A_314 = tpu.vector_load %get3A_311[%get3A_312, %get3A_313] {strides = array<i32>} : memref<128x64xf32, #tpu.memory_space<vmem>>, vector<1x16xf32>,
          %get3A_315 = vector.shape_cast %get3A_314 : vector<1x16xf32> to vector<16xf32>
          %get3A_316 = arith.constant 0 : i32
          %get3A_317 = arith.constant 0 : i32
          %get3A_318 = tpu.memref_slice %arg17[%scan3A_127, %get3A_316, %get3A_317] : memref<2x128x64xf32, #tpu.memory_space<vmem>> -> memref<1x128x64xf32, #tpu.memory_space<vmem>>
          %get3A_319 = tpu.memref_squeeze %get3A_318 : memref<1x128x64xf32, #tpu.memory_space<vmem>> -> memref<128x64xf32, #tpu.memory_space<vmem>>
          %get3A_320 = arith.index_cast %scan3A_249 : i32 to index
          %get3A_321 = arith.constant 32 : index
          %get3A_322 = tpu.vector_load %get3A_319[%get3A_320, %get3A_321] {strides = array<i32>} : memref<128x64xf32, #tpu.memory_space<vmem>>, vector<1x16xf32>,
          %get3A_323 = vector.shape_cast %get3A_322 : vector<1x16xf32> to vector<16xf32>
          %add3A_324 = arith.addf %get3A_315, %get3A_323 : vector<16xf32>
          %max3A_325 = arith.constant 0.000000e+00 : f32
          %max3A_326 = vector.broadcast %max3A_325 : f32 to vector<16xf32>
          %max3A_327 = arith.maximumf %add3A_324, %max3A_326 : vector<16xf32>
          %swap3A_328 = arith.constant 0 : i32
          %swap3A_329 = arith.constant 0 : i32
          %swap3A_330 = tpu.memref_slice %arg16[%scan3A_126, %swap3A_328, %swap3A_329] : memref<2x128x64xf32, #tpu.memory_space<vmem>> -> memref<1x128x64xf32, #tpu.memory_space<vmem>>
          %swap3A_331 = tpu.memref_squeeze %swap3A_330 : memref<1x128x64xf32, #tpu.memory_space<vmem>> -> memref<128x64xf32, #tpu.memory_space<vmem>>
          %swap3A_332 = arith.index_cast %scan3A_249 : i32 to index
          %swap3A_333 = arith.constant 32 : index
          %swap3A_334 = tpu.vector_load %swap3A_331[%swap3A_332, %swap3A_333] {strides = array<i32>} : memref<128x64xf32, #tpu.memory_space<vmem>>, vector<1x16xf32>,
          %swap3A_335 = vector.shape_cast %swap3A_334 : vector<1x16xf32> to vector<16xf32>
          %swap3A_336 = vector.shape_cast %max3A_327 : vector<16xf32> to vector<1x16xf32>
          tpu.vector_store %swap3A_331[%swap3A_332, %swap3A_333], %swap3A_336 {strides = array<i32>} : memref<128x64xf32, #tpu.memory_space<vmem>>, vector<1x16xf32>,
          %get3A_337 = arith.constant 0 : i32
          %get3A_338 = arith.constant 0 : i32
          %get3A_339 = tpu.memref_slice %arg16[%scan3A_126, %get3A_337, %get3A_338] : memref<2x128x64xf32, #tpu.memory_space<vmem>> -> memref<1x128x64xf32, #tpu.memory_space<vmem>>
          %get3A_340 = tpu.memref_squeeze %get3A_339 : memref<1x128x64xf32, #tpu.memory_space<vmem>> -> memref<128x64xf32, #tpu.memory_space<vmem>>
          %get3A_341 = arith.index_cast %scan3A_249 : i32 to index
          %get3A_342 = arith.constant 48 : index
          %get3A_343 = tpu.vector_load %get3A_340[%get3A_341, %get3A_342] {strides = array<i32>} : memref<128x64xf32, #tpu.memory_space<vmem>>, vector<1x16xf32>,
          %get3A_344 = vector.shape_cast %get3A_343 : vector<1x16xf32> to vector<16xf32>
          %get3A_345 = arith.constant 0 : i32
          %get3A_346 = arith.constant 0 : i32
          %get3A_347 = tpu.memref_slice %arg17[%scan3A_127, %get3A_345, %get3A_346] : memref<2x128x64xf32, #tpu.memory_space<vmem>> -> memref<1x128x64xf32, #tpu.memory_space<vmem>>
          %get3A_348 = tpu.memref_squeeze %get3A_347 : memref<1x128x64xf32, #tpu.memory_space<vmem>> -> memref<128x64xf32, #tpu.memory_space<vmem>>
          %get3A_349 = arith.index_cast %scan3A_249 : i32 to index
          %get3A_350 = arith.constant 48 : index
          %get3A_351 = tpu.vector_load %get3A_348[%get3A_349, %get3A_350] {strides = array<i32>} : memref<128x64xf32, #tpu.memory_space<vmem>>, vector<1x16xf32>,
          %get3A_352 = vector.shape_cast %get3A_351 : vector<1x16xf32> to vector<16xf32>
          %add3A_353 = arith.addf %get3A_344, %get3A_352 : vector<16xf32>
          %max3A_354 = arith.constant 0.000000e+00 : f32
          %max3A_355 = vector.broadcast %max3A_354 : f32 to vector<16xf32>
          %max3A_356 = arith.maximumf %add3A_353, %max3A_355 : vector<16xf32>
          %swap3A_357 = arith.constant 0 : i32
          %swap3A_358 = arith.constant 0 : i32
          %swap3A_359 = tpu.memref_slice %arg16[%scan3A_126, %swap3A_357, %swap3A_358] : memref<2x128x64xf32, #tpu.memory_space<vmem>> -> memref<1x128x64xf32, #tpu.memory_space<vmem>>
          %swap3A_360 = tpu.memref_squeeze %swap3A_359 : memref<1x128x64xf32, #tpu.memory_space<vmem>> -> memref<128x64xf32, #tpu.memory_space<vmem>>
          %swap3A_361 = arith.index_cast %scan3A_249 : i32 to index
          %swap3A_362 = arith.constant 48 : index
          %swap3A_363 = tpu.vector_load %swap3A_360[%swap3A_361, %swap3A_362] {strides = array<i32>} : memref<128x64xf32, #tpu.memory_space<vmem>>, vector<1x16xf32>,
          %swap3A_364 = vector.shape_cast %swap3A_363 : vector<1x16xf32> to vector<16xf32>
          %swap3A_365 = vector.shape_cast %max3A_356 : vector<16xf32> to vector<1x16xf32>
          tpu.vector_store %swap3A_360[%swap3A_361, %swap3A_362], %swap3A_365 {strides = array<i32>} : memref<128x64xf32, #tpu.memory_space<vmem>>, vector<1x16xf32>,
          %scan3A_366 = arith.constant 2 : i32
          %scan3A_367 = arith.addi %scan3A_134, %scan3A_366 : i32
          %get3A_368 = arith.constant 0 : i32
          %get3A_369 = arith.constant 0 : i32
          %get3A_370 = tpu.memref_slice %arg16[%scan3A_126, %get3A_368, %get3A_369] : memref<2x128x64xf32, #tpu.memory_space<vmem>> -> memref<1x128x64xf32, #tpu.memory_space<vmem>>
          %get3A_371 = tpu.memref_squeeze %get3A_370 : memref<1x128x64xf32, #tpu.memory_space<vmem>> -> memref<128x64xf32, #tpu.memory_space<vmem>>
          %get3A_372 = arith.index_cast %scan3A_367 : i32 to index
          %get3A_373 = arith.constant 0 : index
          %get3A_374 = tpu.vector_load %get3A_371[%get3A_372, %get3A_373] {strides = array<i32>} : memref<128x64xf32, #tpu.memory_space<vmem>>, vector<1x16xf32>,
          %get3A_375 = vector.shape_cast %get3A_374 : vector<1x16xf32> to vector<16xf32>
          %get3A_376 = arith.constant 0 : i32
          %get3A_377 = arith.constant 0 : i32
          %get3A_378 = tpu.memref_slice %arg17[%scan3A_127, %get3A_376, %get3A_377] : memref<2x128x64xf32, #tpu.memory_space<vmem>> -> memref<1x128x64xf32, #tpu.memory_space<vmem>>
          %get3A_379 = tpu.memref_squeeze %get3A_378 : memref<1x128x64xf32, #tpu.memory_space<vmem>> -> memref<128x64xf32, #tpu.memory_space<vmem>>
          %get3A_380 = arith.index_cast %scan3A_367 : i32 to index
          %get3A_381 = arith.constant 0 : index
          %get3A_382 = tpu.vector_load %get3A_379[%get3A_380, %get3A_381] {strides = array<i32>} : memref<128x64xf32, #tpu.memory_space<vmem>>, vector<1x16xf32>,
          %get3A_383 = vector.shape_cast %get3A_382 : vector<1x16xf32> to vector<16xf32>
          %add3A_384 = arith.addf %get3A_375, %get3A_383 : vector<16xf32>
          %max3A_385 = arith.constant 0.000000e+00 : f32
          %max3A_386 = vector.broadcast %max3A_385 : f32 to vector<16xf32>
          %max3A_387 = arith.maximumf %add3A_384, %max3A_386 : vector<16xf32>
          %swap3A_388 = arith.constant 0 : i32
          %swap3A_389 = arith.constant 0 : i32
          %swap3A_390 = tpu.memref_slice %arg16[%scan3A_126, %swap3A_388, %swap3A_389] : memref<2x128x64xf32, #tpu.memory_space<vmem>> -> memref<1x128x64xf32, #tpu.memory_space<vmem>>
          %swap3A_391 = tpu.memref_squeeze %swap3A_390 : memref<1x128x64xf32, #tpu.memory_space<vmem>> -> memref<128x64xf32, #tpu.memory_space<vmem>>
          %swap3A_392 = arith.index_cast %scan3A_367 : i32 to index
          %swap3A_393 = arith.constant 0 : index
          %swap3A_394 = tpu.vector_load %swap3A_391[%swap3A_392, %swap3A_393] {strides = array<i32>} : memref<128x64xf32, #tpu.memory_space<vmem>>, vector<1x16xf32>,
          %swap3A_395 = vector.shape_cast %swap3A_394 : vector<1x16xf32> to vector<16xf32>
          %swap3A_396 = vector.shape_cast %max3A_387 : vector<16xf32> to vector<1x16xf32>
          tpu.vector_store %swap3A_391[%swap3A_392, %swap3A_393], %swap3A_396 {strides = array<i32>} : memref<128x64xf32, #tpu.memory_space<vmem>>, vector<1x16xf32>,
          %get3A_397 = arith.constant 0 : i32
          %get3A_398 = arith.constant 0 : i32
          %get3A_399 = tpu.memref_slice %arg16[%scan3A_126, %get3A_397, %get3A_398] : memref<2x128x64xf32, #tpu.memory_space<vmem>> -> memref<1x128x64xf32, #tpu.memory_space<vmem>>
          %get3A_400 = tpu.memref_squeeze %get3A_399 : memref<1x128x64xf32, #tpu.memory_space<vmem>> -> memref<128x64xf32, #tpu.memory_space<vmem>>
          %get3A_401 = arith.index_cast %scan3A_367 : i32 to index
          %get3A_402 = arith.constant 16 : index
          %get3A_403 = tpu.vector_load %get3A_400[%get3A_401, %get3A_402] {strides = array<i32>} : memref<128x64xf32, #tpu.memory_space<vmem>>, vector<1x16xf32>,
          %get3A_404 = vector.shape_cast %get3A_403 : vector<1x16xf32> to vector<16xf32>
          %get3A_405 = arith.constant 0 : i32
          %get3A_406 = arith.constant 0 : i32
          %get3A_407 = tpu.memref_slice %arg17[%scan3A_127, %get3A_405, %get3A_406] : memref<2x128x64xf32, #tpu.memory_space<vmem>> -> memref<1x128x64xf32, #tpu.memory_space<vmem>>
          %get3A_408 = tpu.memref_squeeze %get3A_407 : memref<1x128x64xf32, #tpu.memory_space<vmem>> -> memref<128x64xf32, #tpu.memory_space<vmem>>
          %get3A_409 = arith.index_cast %scan3A_367 : i32 to index
          %get3A_410 = arith.constant 16 : index
          %get3A_411 = tpu.vector_load %get3A_408[%get3A_409, %get3A_410] {strides = array<i32>} : memref<128x64xf32, #tpu.memory_space<vmem>>, vector<1x16xf32>,
          %get3A_412 = vector.shape_cast %get3A_411 : vector<1x16xf32> to vector<16xf32>
          %add3A_413 = arith.addf %get3A_404, %get3A_412 : vector<16xf32>
          %max3A_414 = arith.constant 0.000000e+00 : f32
          %max3A_415 = vector.broadcast %max3A_414 : f32 to vector<16xf32>
          %max3A_416 = arith.maximumf %add3A_413, %max3A_415 : vector<16xf32>
          %swap3A_417 = arith.constant 0 : i32
          %swap3A_418 = arith.constant 0 : i32
          %swap3A_419 = tpu.memref_slice %arg16[%scan3A_126, %swap3A_417, %swap3A_418] : memref<2x128x64xf32, #tpu.memory_space<vmem>> -> memref<1x128x64xf32, #tpu.memory_space<vmem>>
          %swap3A_420 = tpu.memref_squeeze %swap3A_419 : memref<1x128x64xf32, #tpu.memory_space<vmem>> -> memref<128x64xf32, #tpu.memory_space<vmem>>
          %swap3A_421 = arith.index_cast %scan3A_367 : i32 to index
          %swap3A_422 = arith.constant 16 : index
          %swap3A_423 = tpu.vector_load %swap3A_420[%swap3A_421, %swap3A_422] {strides = array<i32>} : memref<128x64xf32, #tpu.memory_space<vmem>>, vector<1x16xf32>,
          %swap3A_424 = vector.shape_cast %swap3A_423 : vector<1x16xf32> to vector<16xf32>
          %swap3A_425 = vector.shape_cast %max3A_416 : vector<16xf32> to vector<1x16xf32>
          tpu.vector_store %swap3A_420[%swap3A_421, %swap3A_422], %swap3A_425 {strides = array<i32>} : memref<128x64xf32, #tpu.memory_space<vmem>>, vector<1x16xf32>,
          %get3A_426 = arith.constant 0 : i32
          %get3A_427 = arith.constant 0 : i32
          %get3A_428 = tpu.memref_slice %arg16[%scan3A_126, %get3A_426, %get3A_427] : memref<2x128x64xf32, #tpu.memory_space<vmem>> -> memref<1x128x64xf32, #tpu.memory_space<vmem>>
          %get3A_429 = tpu.memref_squeeze %get3A_428 : memref<1x128x64xf32, #tpu.memory_space<vmem>> -> memref<128x64xf32, #tpu.memory_space<vmem>>
          %get3A_430 = arith.index_cast %scan3A_367 : i32 to index
          %get3A_431 = arith.constant 32 : index
          %get3A_432 = tpu.vector_load %get3A_429[%get3A_430, %get3A_431] {strides = array<i32>} : memref<128x64xf32, #tpu.memory_space<vmem>>, vector<1x16xf32>,
          %get3A_433 = vector.shape_cast %get3A_432 : vector<1x16xf32> to vector<16xf32>
          %get3A_434 = arith.constant 0 : i32
          %get3A_435 = arith.constant 0 : i32
          %get3A_436 = tpu.memref_slice %arg17[%scan3A_127, %get3A_434, %get3A_435] : memref<2x128x64xf32, #tpu.memory_space<vmem>> -> memref<1x128x64xf32, #tpu.memory_space<vmem>>
          %get3A_437 = tpu.memref_squeeze %get3A_436 : memref<1x128x64xf32, #tpu.memory_space<vmem>> -> memref<128x64xf32, #tpu.memory_space<vmem>>
          %get3A_438 = arith.index_cast %scan3A_367 : i32 to index
          %get3A_439 = arith.constant 32 : index
          %get3A_440 = tpu.vector_load %get3A_437[%get3A_438, %get3A_439] {strides = array<i32>} : memref<128x64xf32, #tpu.memory_space<vmem>>, vector<1x16xf32>,
          %get3A_441 = vector.shape_cast %get3A_440 : vector<1x16xf32> to vector<16xf32>
          %add3A_442 = arith.addf %get3A_433, %get3A_441 : vector<16xf32>
          %max3A_443 = arith.constant 0.000000e+00 : f32
          %max3A_444 = vector.broadcast %max3A_443 : f32 to vector<16xf32>
          %max3A_445 = arith.maximumf %add3A_442, %max3A_444 : vector<16xf32>
          %swap3A_446 = arith.constant 0 : i32
          %swap3A_447 = arith.constant 0 : i32
          %swap3A_448 = tpu.memref_slice %arg16[%scan3A_126, %swap3A_446, %swap3A_447] : memref<2x128x64xf32, #tpu.memory_space<vmem>> -> memref<1x128x64xf32, #tpu.memory_space<vmem>>
          %swap3A_449 = tpu.memref_squeeze %swap3A_448 : memref<1x128x64xf32, #tpu.memory_space<vmem>> -> memref<128x64xf32, #tpu.memory_space<vmem>>
          %swap3A_450 = arith.index_cast %scan3A_367 : i32 to index
          %swap3A_451 = arith.constant 32 : index
          %swap3A_452 = tpu.vector_load %swap3A_449[%swap3A_450, %swap3A_451] {strides = array<i32>} : memref<128x64xf32, #tpu.memory_space<vmem>>, vector<1x16xf32>,
          %swap3A_453 = vector.shape_cast %swap3A_452 : vector<1x16xf32> to vector<16xf32>
          %swap3A_454 = vector.shape_cast %max3A_445 : vector<16xf32> to vector<1x16xf32>
          tpu.vector_store %swap3A_449[%swap3A_450, %swap3A_451], %swap3A_454 {strides = array<i32>} : memref<128x64xf32, #tpu.memory_space<vmem>>, vector<1x16xf32>,
          %get3A_455 = arith.constant 0 : i32
          %get3A_456 = arith.constant 0 : i32
          %get3A_457 = tpu.memref_slice %arg16[%scan3A_126, %get3A_455, %get3A_456] : memref<2x128x64xf32, #tpu.memory_space<vmem>> -> memref<1x128x64xf32, #tpu.memory_space<vmem>>
          %get3A_458 = tpu.memref_squeeze %get3A_457 : memref<1x128x64xf32, #tpu.memory_space<vmem>> -> memref<128x64xf32, #tpu.memory_space<vmem>>
          %get3A_459 = arith.index_cast %scan3A_367 : i32 to index
          %get3A_460 = arith.constant 48 : index
          %get3A_461 = tpu.vector_load %get3A_458[%get3A_459, %get3A_460] {strides = array<i32>} : memref<128x64xf32, #tpu.memory_space<vmem>>, vector<1x16xf32>,
          %get3A_462 = vector.shape_cast %get3A_461 : vector<1x16xf32> to vector<16xf32>
          %get3A_463 = arith.constant 0 : i32
          %get3A_464 = arith.constant 0 : i32
          %get3A_465 = tpu.memref_slice %arg17[%scan3A_127, %get3A_463, %get3A_464] : memref<2x128x64xf32, #tpu.memory_space<vmem>> -> memref<1x128x64xf32, #tpu.memory_space<vmem>>
          %get3A_466 = tpu.memref_squeeze %get3A_465 : memref<1x128x64xf32, #tpu.memory_space<vmem>> -> memref<128x64xf32, #tpu.memory_space<vmem>>
          %get3A_467 = arith.index_cast %scan3A_367 : i32 to index
          %get3A_468 = arith.constant 48 : index
          %get3A_469 = tpu.vector_load %get3A_466[%get3A_467, %get3A_468] {strides = array<i32>} : memref<128x64xf32, #tpu.memory_space<vmem>>, vector<1x16xf32>,
          %get3A_470 = vector.shape_cast %get3A_469 : vector<1x16xf32> to vector<16xf32>
          %add3A_471 = arith.addf %get3A_462, %get3A_470 : vector<16xf32>
          %max3A_472 = arith.constant 0.000000e+00 : f32
          %max3A_473 = vector.broadcast %max3A_472 : f32 to vector<16xf32>
          %max3A_474 = arith.maximumf %add3A_471, %max3A_473 : vector<16xf32>
          %swap3A_475 = arith.constant 0 : i32
          %swap3A_476 = arith.constant 0 : i32
          %swap3A_477 = tpu.memref_slice %arg16[%scan3A_126, %swap3A_475, %swap3A_476] : memref<2x128x64xf32, #tpu.memory_space<vmem>> -> memref<1x128x64xf32, #tpu.memory_space<vmem>>
          %swap3A_478 = tpu.memref_squeeze %swap3A_477 : memref<1x128x64xf32, #tpu.memory_space<vmem>> -> memref<128x64xf32, #tpu.memory_space<vmem>>
          %swap3A_479 = arith.index_cast %scan3A_367 : i32 to index
          %swap3A_480 = arith.constant 48 : index
          %swap3A_481 = tpu.vector_load %swap3A_478[%swap3A_479, %swap3A_480] {strides = array<i32>} : memref<128x64xf32, #tpu.memory_space<vmem>>, vector<1x16xf32>,
          %swap3A_482 = vector.shape_cast %swap3A_481 : vector<1x16xf32> to vector<16xf32>
          %swap3A_483 = vector.shape_cast %max3A_474 : vector<16xf32> to vector<1x16xf32>
          tpu.vector_store %swap3A_478[%swap3A_479, %swap3A_480], %swap3A_483 {strides = array<i32>} : memref<128x64xf32, #tpu.memory_space<vmem>>, vector<1x16xf32>,
          %scan3A_484 = arith.constant 3 : i32
          %scan3A_485 = arith.addi %scan3A_134, %scan3A_484 : i32
          %get3A_486 = arith.constant 0 : i32
          %get3A_487 = arith.constant 0 : i32
          %get3A_488 = tpu.memref_slice %arg16[%scan3A_126, %get3A_486, %get3A_487] : memref<2x128x64xf32, #tpu.memory_space<vmem>> -> memref<1x128x64xf32, #tpu.memory_space<vmem>>
          %get3A_489 = tpu.memref_squeeze %get3A_488 : memref<1x128x64xf32, #tpu.memory_space<vmem>> -> memref<128x64xf32, #tpu.memory_space<vmem>>
          %get3A_490 = arith.index_cast %scan3A_485 : i32 to index
          %get3A_491 = arith.constant 0 : index
          %get3A_492 = tpu.vector_load %get3A_489[%get3A_490, %get3A_491] {strides = array<i32>} : memref<128x64xf32, #tpu.memory_space<vmem>>, vector<1x16xf32>,
          %get3A_493 = vector.shape_cast %get3A_492 : vector<1x16xf32> to vector<16xf32>
          %get3A_494 = arith.constant 0 : i32
          %get3A_495 = arith.constant 0 : i32
          %get3A_496 = tpu.memref_slice %arg17[%scan3A_127, %get3A_494, %get3A_495] : memref<2x128x64xf32, #tpu.memory_space<vmem>> -> memref<1x128x64xf32, #tpu.memory_space<vmem>>
          %get3A_497 = tpu.memref_squeeze %get3A_496 : memref<1x128x64xf32, #tpu.memory_space<vmem>> -> memref<128x64xf32, #tpu.memory_space<vmem>>
          %get3A_498 = arith.index_cast %scan3A_485 : i32 to index
          %get3A_499 = arith.constant 0 : index
          %get3A_500 = tpu.vector_load %get3A_497[%get3A_498, %get3A_499] {strides = array<i32>} : memref<128x64xf32, #tpu.memory_space<vmem>>, vector<1x16xf32>,
          %get3A_501 = vector.shape_cast %get3A_500 : vector<1x16xf32> to vector<16xf32>
          %add3A_502 = arith.addf %get3A_493, %get3A_501 : vector<16xf32>
          %max3A_503 = arith.constant 0.000000e+00 : f32
          %max3A_504 = vector.broadcast %max3A_503 : f32 to vector<16xf32>
          %max3A_505 = arith.maximumf %add3A_502, %max3A_504 : vector<16xf32>
          %swap3A_506 = arith.constant 0 : i32
          %swap3A_507 = arith.constant 0 : i32
          %swap3A_508 = tpu.memref_slice %arg16[%scan3A_126, %swap3A_506, %swap3A_507] : memref<2x128x64xf32, #tpu.memory_space<vmem>> -> memref<1x128x64xf32, #tpu.memory_space<vmem>>
          %swap3A_509 = tpu.memref_squeeze %swap3A_508 : memref<1x128x64xf32, #tpu.memory_space<vmem>> -> memref<128x64xf32, #tpu.memory_space<vmem>>
          %swap3A_510 = arith.index_cast %scan3A_485 : i32 to index
          %swap3A_511 = arith.constant 0 : index
          %swap3A_512 = tpu.vector_load %swap3A_509[%swap3A_510, %swap3A_511] {strides = array<i32>} : memref<128x64xf32, #tpu.memory_space<vmem>>, vector<1x16xf32>,
          %swap3A_513 = vector.shape_cast %swap3A_512 : vector<1x16xf32> to vector<16xf32>
          %swap3A_514 = vector.shape_cast %max3A_505 : vector<16xf32> to vector<1x16xf32>
          tpu.vector_store %swap3A_509[%swap3A_510, %swap3A_511], %swap3A_514 {strides = array<i32>} : memref<128x64xf32, #tpu.memory_space<vmem>>, vector<1x16xf32>,
          %get3A_515 = arith.constant 0 : i32
          %get3A_516 = arith.constant 0 : i32
          %get3A_517 = tpu.memref_slice %arg16[%scan3A_126, %get3A_515, %get3A_516] : memref<2x128x64xf32, #tpu.memory_space<vmem>> -> memref<1x128x64xf32, #tpu.memory_space<vmem>>
          %get3A_518 = tpu.memref_squeeze %get3A_517 : memref<1x128x64xf32, #tpu.memory_space<vmem>> -> memref<128x64xf32, #tpu.memory_space<vmem>>
          %get3A_519 = arith.index_cast %scan3A_485 : i32 to index
          %get3A_520 = arith.constant 16 : index
          %get3A_521 = tpu.vector_load %get3A_518[%get3A_519, %get3A_520] {strides = array<i32>} : memref<128x64xf32, #tpu.memory_space<vmem>>, vector<1x16xf32>,
          %get3A_522 = vector.shape_cast %get3A_521 : vector<1x16xf32> to vector<16xf32>
          %get3A_523 = arith.constant 0 : i32
          %get3A_524 = arith.constant 0 : i32
          %get3A_525 = tpu.memref_slice %arg17[%scan3A_127, %get3A_523, %get3A_524] : memref<2x128x64xf32, #tpu.memory_space<vmem>> -> memref<1x128x64xf32, #tpu.memory_space<vmem>>
          %get3A_526 = tpu.memref_squeeze %get3A_525 : memref<1x128x64xf32, #tpu.memory_space<vmem>> -> memref<128x64xf32, #tpu.memory_space<vmem>>
          %get3A_527 = arith.index_cast %scan3A_485 : i32 to index
          %get3A_528 = arith.constant 16 : index
          %get3A_529 = tpu.vector_load %get3A_526[%get3A_527, %get3A_528] {strides = array<i32>} : memref<128x64xf32, #tpu.memory_space<vmem>>, vector<1x16xf32>,
          %get3A_530 = vector.shape_cast %get3A_529 : vector<1x16xf32> to vector<16xf32>
          %add3A_531 = arith.addf %get3A_522, %get3A_530 : vector<16xf32>
          %max3A_532 = arith.constant 0.000000e+00 : f32
          %max3A_533 = vector.broadcast %max3A_532 : f32 to vector<16xf32>
          %max3A_534 = arith.maximumf %add3A_531, %max3A_533 : vector<16xf32>
          %swap3A_535 = arith.constant 0 : i32
          %swap3A_536 = arith.constant 0 : i32
          %swap3A_537 = tpu.memref_slice %arg16[%scan3A_126, %swap3A_535, %swap3A_536] : memref<2x128x64xf32, #tpu.memory_space<vmem>> -> memref<1x128x64xf32, #tpu.memory_space<vmem>>
          %swap3A_538 = tpu.memref_squeeze %swap3A_537 : memref<1x128x64xf32, #tpu.memory_space<vmem>> -> memref<128x64xf32, #tpu.memory_space<vmem>>
          %swap3A_539 = arith.index_cast %scan3A_485 : i32 to index
          %swap3A_540 = arith.constant 16 : index
          %swap3A_541 = tpu.vector_load %swap3A_538[%swap3A_539, %swap3A_540] {strides = array<i32>} : memref<128x64xf32, #tpu.memory_space<vmem>>, vector<1x16xf32>,
          %swap3A_542 = vector.shape_cast %swap3A_541 : vector<1x16xf32> to vector<16xf32>
          %swap3A_543 = vector.shape_cast %max3A_534 : vector<16xf32> to vector<1x16xf32>
          tpu.vector_store %swap3A_538[%swap3A_539, %swap3A_540], %swap3A_543 {strides = array<i32>} : memref<128x64xf32, #tpu.memory_space<vmem>>, vector<1x16xf32>,
          %get3A_544 = arith.constant 0 : i32
          %get3A_545 = arith.constant 0 : i32
          %get3A_546 = tpu.memref_slice %arg16[%scan3A_126, %get3A_544, %get3A_545] : memref<2x128x64xf32, #tpu.memory_space<vmem>> -> memref<1x128x64xf32, #tpu.memory_space<vmem>>
          %get3A_547 = tpu.memref_squeeze %get3A_546 : memref<1x128x64xf32, #tpu.memory_space<vmem>> -> memref<128x64xf32, #tpu.memory_space<vmem>>
          %get3A_548 = arith.index_cast %scan3A_485 : i32 to index
          %get3A_549 = arith.constant 32 : index
          %get3A_550 = tpu.vector_load %get3A_547[%get3A_548, %get3A_549] {strides = array<i32>} : memref<128x64xf32, #tpu.memory_space<vmem>>, vector<1x16xf32>,
          %get3A_551 = vector.shape_cast %get3A_550 : vector<1x16xf32> to vector<16xf32>
          %get3A_552 = arith.constant 0 : i32
          %get3A_553 = arith.constant 0 : i32
          %get3A_554 = tpu.memref_slice %arg17[%scan3A_127, %get3A_552, %get3A_553] : memref<2x128x64xf32, #tpu.memory_space<vmem>> -> memref<1x128x64xf32, #tpu.memory_space<vmem>>
          %get3A_555 = tpu.memref_squeeze %get3A_554 : memref<1x128x64xf32, #tpu.memory_space<vmem>> -> memref<128x64xf32, #tpu.memory_space<vmem>>
          %get3A_556 = arith.index_cast %scan3A_485 : i32 to index
          %get3A_557 = arith.constant 32 : index
          %get3A_558 = tpu.vector_load %get3A_555[%get3A_556, %get3A_557] {strides = array<i32>} : memref<128x64xf32, #tpu.memory_space<vmem>>, vector<1x16xf32>,
          %get3A_559 = vector.shape_cast %get3A_558 : vector<1x16xf32> to vector<16xf32>
          %add3A_560 = arith.addf %get3A_551, %get3A_559 : vector<16xf32>
          %max3A_561 = arith.constant 0.000000e+00 : f32
          %max3A_562 = vector.broadcast %max3A_561 : f32 to vector<16xf32>
          %max3A_563 = arith.maximumf %add3A_560, %max3A_562 : vector<16xf32>
          %swap3A_564 = arith.constant 0 : i32
          %swap3A_565 = arith.constant 0 : i32
          %swap3A_566 = tpu.memref_slice %arg16[%scan3A_126, %swap3A_564, %swap3A_565] : memref<2x128x64xf32, #tpu.memory_space<vmem>> -> memref<1x128x64xf32, #tpu.memory_space<vmem>>
          %swap3A_567 = tpu.memref_squeeze %swap3A_566 : memref<1x128x64xf32, #tpu.memory_space<vmem>> -> memref<128x64xf32, #tpu.memory_space<vmem>>
          %swap3A_568 = arith.index_cast %scan3A_485 : i32 to index
          %swap3A_569 = arith.constant 32 : index
          %swap3A_570 = tpu.vector_load %swap3A_567[%swap3A_568, %swap3A_569] {strides = array<i32>} : memref<128x64xf32, #tpu.memory_space<vmem>>, vector<1x16xf32>,
          %swap3A_571 = vector.shape_cast %swap3A_570 : vector<1x16xf32> to vector<16xf32>
          %swap3A_572 = vector.shape_cast %max3A_563 : vector<16xf32> to vector<1x16xf32>
          tpu.vector_store %swap3A_567[%swap3A_568, %swap3A_569], %swap3A_572 {strides = array<i32>} : memref<128x64xf32, #tpu.memory_space<vmem>>, vector<1x16xf32>,
          %get3A_573 = arith.constant 0 : i32
          %get3A_574 = arith.constant 0 : i32
          %get3A_575 = tpu.memref_slice %arg16[%scan3A_126, %get3A_573, %get3A_574] : memref<2x128x64xf32, #tpu.memory_space<vmem>> -> memref<1x128x64xf32, #tpu.memory_space<vmem>>
          %get3A_576 = tpu.memref_squeeze %get3A_575 : memref<1x128x64xf32, #tpu.memory_space<vmem>> -> memref<128x64xf32, #tpu.memory_space<vmem>>
          %get3A_577 = arith.index_cast %scan3A_485 : i32 to index
          %get3A_578 = arith.constant 48 : index
          %get3A_579 = tpu.vector_load %get3A_576[%get3A_577, %get3A_578] {strides = array<i32>} : memref<128x64xf32, #tpu.memory_space<vmem>>, vector<1x16xf32>,
          %get3A_580 = vector.shape_cast %get3A_579 : vector<1x16xf32> to vector<16xf32>
          %get3A_581 = arith.constant 0 : i32
          %get3A_582 = arith.constant 0 : i32
          %get3A_583 = tpu.memref_slice %arg17[%scan3A_127, %get3A_581, %get3A_582] : memref<2x128x64xf32, #tpu.memory_space<vmem>> -> memref<1x128x64xf32, #tpu.memory_space<vmem>>
          %get3A_584 = tpu.memref_squeeze %get3A_583 : memref<1x128x64xf32, #tpu.memory_space<vmem>> -> memref<128x64xf32, #tpu.memory_space<vmem>>
          %get3A_585 = arith.index_cast %scan3A_485 : i32 to index
          %get3A_586 = arith.constant 48 : index
          %get3A_587 = tpu.vector_load %get3A_584[%get3A_585, %get3A_586] {strides = array<i32>} : memref<128x64xf32, #tpu.memory_space<vmem>>, vector<1x16xf32>,
          %get3A_588 = vector.shape_cast %get3A_587 : vector<1x16xf32> to vector<16xf32>
          %add3A_589 = arith.addf %get3A_580, %get3A_588 : vector<16xf32>
          %max3A_590 = arith.constant 0.000000e+00 : f32
          %max3A_591 = vector.broadcast %max3A_590 : f32 to vector<16xf32>
          %max3A_592 = arith.maximumf %add3A_589, %max3A_591 : vector<16xf32>
          %swap3A_593 = arith.constant 0 : i32
          %swap3A_594 = arith.constant 0 : i32
          %swap3A_595 = tpu.memref_slice %arg16[%scan3A_126, %swap3A_593, %swap3A_594] : memref<2x128x64xf32, #tpu.memory_space<vmem>> -> memref<1x128x64xf32, #tpu.memory_space<vmem>>
          %swap3A_596 = tpu.memref_squeeze %swap3A_595 : memref<1x128x64xf32, #tpu.memory_space<vmem>> -> memref<128x64xf32, #tpu.memory_space<vmem>>
          %swap3A_597 = arith.index_cast %scan3A_485 : i32 to index
          %swap3A_598 = arith.constant 48 : index
          %swap3A_599 = tpu.vector_load %swap3A_596[%swap3A_597, %swap3A_598] {strides = array<i32>} : memref<128x64xf32, #tpu.memory_space<vmem>>, vector<1x16xf32>,
          %swap3A_600 = vector.shape_cast %swap3A_599 : vector<1x16xf32> to vector<16xf32>
          %swap3A_601 = vector.shape_cast %max3A_592 : vector<16xf32> to vector<1x16xf32>
          tpu.vector_store %swap3A_596[%swap3A_597, %swap3A_598], %swap3A_601 {strides = array<i32>} : memref<128x64xf32, #tpu.memory_space<vmem>>, vector<1x16xf32>,
        }
        %scan3A_132 = arith.constant 128 : i32
        %run_scoped3A_133 = arith.constant 1 : i32
        "tpu.region"() ({
          %run_scoped3A_134 = tpu.sem_alloc : memref<!tpu.dma_semaphore, #tpu.memory_space<semaphore_mem>>
          %dma_start3A_135 = arith.constant 0 : i32
          %dma_start3A_136 = arith.constant 0 : i32
          %dma_start3A_137 = tpu.memref_slice %arg16[%run_scoped3A_133, %dma_start3A_135, %dma_start3A_136] : memref<2x128x64xf32, #tpu.memory_space<vmem>> -> memref<1x128x64xf32, #tpu.memory_space<vmem>>
          %dma_start3A_138 = tpu.memref_squeeze %dma_start3A_137 : memref<1x128x64xf32, #tpu.memory_space<vmem>> -> memref<128x64xf32, #tpu.memory_space<vmem>>
          %dma_start3A_139 = arith.constant 0 : i32
          %dma_start3A_140 = tpu.memref_slice %arg15[%add3A_95, %dma_start3A_139] : memref<160x128xi32, #tpu.memory_space<vmem>> -> memref<1x128xi32, #tpu.memory_space<vmem>>
          %dma_start3A_141 = tpu.memref_squeeze %dma_start3A_140 : memref<1x128xi32, #tpu.memory_space<vmem>> -> memref<128xi32, #tpu.memory_space<vmem>>
          %dma_start3A_142 = arith.constant 0 : i32
          %dma_start3A_143 = arith.constant 0 : i32
          %dma_start3A_144 = tpu.memref_slice %arg19[%dma_start3A_142, %dma_start3A_143] : memref<10112x64xf32, #tpu.memory_space<vmem_shared>> -> memref<10112x64xf32, #tpu.memory_space<vmem_shared>>
          tpu.enqueue_indirect_dma source(%dma_start3A_138 : memref<128x64xf32, #tpu.memory_space<vmem>>) target(%dma_start3A_144 : memref<10112x64xf32, #tpu.memory_space<vmem_shared>>) offsets(%dma_start3A_141 : memref<128xi32, #tpu.memory_space<vmem>>) semaphore(%run_scoped3A_134 : memref<!tpu.dma_semaphore, #tpu.memory_space<semaphore_mem>>) {add = true}
          %dma_wait3A_145 = arith.constant 0 : i32
          %dma_wait3A_146 = arith.constant 0 : i32
          %dma_wait3A_147 = tpu.memref_slice %arg16[%run_scoped3A_133, %dma_wait3A_145, %dma_wait3A_146] : memref<2x128x64xf32, #tpu.memory_space<vmem>> -> memref<1x128x64xf32, #tpu.memory_space<vmem>>
          %dma_wait3A_148 = tpu.memref_squeeze %dma_wait3A_147 : memref<1x128x64xf32, #tpu.memory_space<vmem>> -> memref<128x64xf32, #tpu.memory_space<vmem>>
          %dma_wait3A_149 = arith.constant 0 : i32
          %dma_wait3A_150 = tpu.memref_slice %arg15[%add3A_95, %dma_wait3A_149] : memref<160x128xi32, #tpu.memory_space<vmem>> -> memref<1x128xi32, #tpu.memory_space<vmem>>
          %dma_wait3A_151 = tpu.memref_squeeze %dma_wait3A_150 : memref<1x128xi32, #tpu.memory_space<vmem>> -> memref<128xi32, #tpu.memory_space<vmem>>
          %dma_wait3A_152 = arith.constant 0 : i32
          %dma_wait3A_153 = arith.constant 0 : i32
          %dma_wait3A_154 = tpu.memref_slice %arg19[%dma_wait3A_152, %dma_wait3A_153] : memref<10112x64xf32, #tpu.memory_space<vmem_shared>> -> memref<10112x64xf32, #tpu.memory_space<vmem_shared>>
          tpu.wait_indirect_dma semaphore(%run_scoped3A_134 : memref<!tpu.dma_semaphore, #tpu.memory_space<semaphore_mem>>) src(%dma_wait3A_148 : memref<128x64xf32, #tpu.memory_space<vmem>>) dst(%dma_wait3A_154 : memref<10112x64xf32, #tpu.memory_space<vmem_shared>>)
          tpu.yield
        }) : () -> ()
      }
      %scan3A_51 = arith.constant 80 : i32
    } else {
    }
    %ne3A = arith.constant 0 : i32
    %ne3A_7 = arith.cmpi ne, %arg0, %ne3A : i32
    %convert_element_type3A_8 = arith.extui %ne3A_7 : i1 to i32
    %cond3A_9 = arith.constant 0 : i32
    %cond3A_10 = arith.cmpi ne, %convert_element_type3A_8, %cond3A_9 : i32
    scf.if %cond3A_10 {
      %dma_start3A = arith.constant 0 : i32
      %dma_start3A_24 = arith.constant 0 : i32
      %dma_start3A_25 = arith.constant 0 : i32
      %dma_start3A_26 = arith.constant 0 : i32
      %dma_start3A_27 = tpu.memref_slice %arg16[%dma_start3A_24, %dma_start3A_25, %dma_start3A_26] : memref<2x128x64xf32, #tpu.memory_space<vmem>> -> memref<1x128x64xf32, #tpu.memory_space<vmem>>
      %dma_start3A_28 = tpu.memref_squeeze %dma_start3A_27 : memref<1x128x64xf32, #tpu.memory_space<vmem>> -> memref<128x64xf32, #tpu.memory_space<vmem>>
      %dma_start3A_29 = arith.constant 0 : i32
      %dma_start3A_30 = tpu.memref_slice %arg14[%dma_start3A, %dma_start3A_29] : memref<160x128xi32, #tpu.memory_space<vmem>> -> memref<1x128xi32, #tpu.memory_space<vmem>>
      %dma_start3A_31 = tpu.memref_squeeze %dma_start3A_30 : memref<1x128xi32, #tpu.memory_space<vmem>> -> memref<128xi32, #tpu.memory_space<vmem>>
      %dma_start3A_32 = arith.constant 0 : i32
      %dma_start3A_33 = arith.constant 0 : i32
      %dma_start3A_34 = tpu.memref_slice %arg3[%dma_start3A_32, %dma_start3A_33] : memref<10000x64xf32, #tpu.memory_space<hbm>> -> memref<10000x64xf32, #tpu.memory_space<hbm>>
      tpu.enqueue_indirect_dma source(%dma_start3A_34 : memref<10000x64xf32, #tpu.memory_space<hbm>>) target(%dma_start3A_28 : memref<128x64xf32, #tpu.memory_space<vmem>>) offsets(%dma_start3A_31 : memref<128xi32, #tpu.memory_space<vmem>>) semaphore(%arg21 : memref<!tpu.dma_semaphore, #tpu.memory_space<semaphore_mem>>)
      %dma_start3A_35 = arith.constant 0 : i32
      %dma_start3A_36 = arith.constant 0 : i32
      %dma_start3A_37 = arith.constant 0 : i32
      %dma_start3A_38 = arith.constant 0 : i32
      %dma_start3A_39 = tpu.memref_slice %arg17[%dma_start3A_36, %dma_start3A_37, %dma_start3A_38] : memref<2x128x64xf32, #tpu.memory_space<vmem>> -> memref<1x128x64xf32, #tpu.memory_space<vmem>>
      %dma_start3A_40 = tpu.memref_squeeze %dma_start3A_39 : memref<1x128x64xf32, #tpu.memory_space<vmem>> -> memref<128x64xf32, #tpu.memory_space<vmem>>
      %dma_start3A_41 = arith.constant 0 : i32
      %dma_start3A_42 = tpu.memref_slice %arg15[%dma_start3A_35, %dma_start3A_41] : memref<160x128xi32, #tpu.memory_space<vmem>> -> memref<1x128xi32, #tpu.memory_space<vmem>>
      %dma_start3A_43 = tpu.memref_squeeze %dma_start3A_42 : memref<1x128xi32, #tpu.memory_space<vmem>> -> memref<128xi32, #tpu.memory_space<vmem>>
      %dma_start3A_44 = arith.constant 0 : i32
      %dma_start3A_45 = arith.constant 0 : i32
      %dma_start3A_46 = tpu.memref_slice %arg5[%dma_start3A_44, %dma_start3A_45] : memref<10000x64xf32, #tpu.memory_space<hbm>> -> memref<10000x64xf32, #tpu.memory_space<hbm>>
      tpu.enqueue_indirect_dma source(%dma_start3A_46 : memref<10000x64xf32, #tpu.memory_space<hbm>>) target(%dma_start3A_40 : memref<128x64xf32, #tpu.memory_space<vmem>>) offsets(%dma_start3A_43 : memref<128xi32, #tpu.memory_space<vmem>>) semaphore(%arg23 : memref<!tpu.dma_semaphore, #tpu.memory_space<semaphore_mem>>)
      %scan3A = arith.constant 0 : i32
      %scan3A_47 = arith.constant 0 : i32
      %scan3A_48 = arith.constant 80 : i32
      %scan3A_49 = arith.addi %scan3A_47, %scan3A_48 : i32
      %scan3A_50 = arith.constant 1 : i32
      scf.for %scan3A_52 = %scan3A_47 to %scan3A_49 step %scan3A_50  : i32 {
        %mul3A_53 = arith.constant 2 : i32
        %mul3A_54 = arith.muli %mul3A_53, %scan3A_52 : i32
        %add3A_55 = arith.constant 0 : i32
        %add3A_56 = arith.addi %mul3A_54, %add3A_55 : i32
        %dma_wait3A = arith.constant 0 : i32
        %dma_wait3A_57 = arith.constant 0 : i32
        %dma_wait3A_58 = arith.constant 0 : i32
        %dma_wait3A_59 = tpu.memref_slice %arg16[%dma_wait3A, %dma_wait3A_57, %dma_wait3A_58] : memref<2x128x64xf32, #tpu.memory_space<vmem>> -> memref<1x128x64xf32, #tpu.memory_space<vmem>>
        %dma_wait3A_60 = tpu.memref_squeeze %dma_wait3A_59 : memref<1x128x64xf32, #tpu.memory_space<vmem>> -> memref<128x64xf32, #tpu.memory_space<vmem>>
        %dma_wait3A_61 = arith.constant 0 : i32
        %dma_wait3A_62 = tpu.memref_slice %arg14[%add3A_56, %dma_wait3A_61] : memref<160x128xi32, #tpu.memory_space<vmem>> -> memref<1x128xi32, #tpu.memory_space<vmem>>
        %dma_wait3A_63 = tpu.memref_squeeze %dma_wait3A_62 : memref<1x128xi32, #tpu.memory_space<vmem>> -> memref<128xi32, #tpu.memory_space<vmem>>
        %dma_wait3A_64 = arith.constant 0 : i32
        %dma_wait3A_65 = arith.constant 0 : i32
        %dma_wait3A_66 = tpu.memref_slice %arg3[%dma_wait3A_64, %dma_wait3A_65] : memref<10000x64xf32, #tpu.memory_space<hbm>> -> memref<10000x64xf32, #tpu.memory_space<hbm>>
        tpu.wait_indirect_dma semaphore(%arg21 : memref<!tpu.dma_semaphore, #tpu.memory_space<semaphore_mem>>) src(%dma_wait3A_66 : memref<10000x64xf32, #tpu.memory_space<hbm>>) dst(%dma_wait3A_60 : memref<128x64xf32, #tpu.memory_space<vmem>>)
        %dma_wait3A_67 = arith.constant 0 : i32
        %dma_wait3A_68 = arith.constant 0 : i32
        %dma_wait3A_69 = arith.constant 0 : i32
        %dma_wait3A_70 = tpu.memref_slice %arg17[%dma_wait3A_67, %dma_wait3A_68, %dma_wait3A_69] : memref<2x128x64xf32, #tpu.memory_space<vmem>> -> memref<1x128x64xf32, #tpu.memory_space<vmem>>
        %dma_wait3A_71 = tpu.memref_squeeze %dma_wait3A_70 : memref<1x128x64xf32, #tpu.memory_space<vmem>> -> memref<128x64xf32, #tpu.memory_space<vmem>>
        %dma_wait3A_72 = arith.constant 0 : i32
        %dma_wait3A_73 = tpu.memref_slice %arg15[%add3A_56, %dma_wait3A_72] : memref<160x128xi32, #tpu.memory_space<vmem>> -> memref<1x128xi32, #tpu.memory_space<vmem>>
        %dma_wait3A_74 = tpu.memref_squeeze %dma_wait3A_73 : memref<1x128xi32, #tpu.memory_space<vmem>> -> memref<128xi32, #tpu.memory_space<vmem>>
        %dma_wait3A_75 = arith.constant 0 : i32
        %dma_wait3A_76 = arith.constant 0 : i32
        %dma_wait3A_77 = tpu.memref_slice %arg5[%dma_wait3A_75, %dma_wait3A_76] : memref<10000x64xf32, #tpu.memory_space<hbm>> -> memref<10000x64xf32, #tpu.memory_space<hbm>>
        tpu.wait_indirect_dma semaphore(%arg23 : memref<!tpu.dma_semaphore, #tpu.memory_space<semaphore_mem>>) src(%dma_wait3A_77 : memref<10000x64xf32, #tpu.memory_space<hbm>>) dst(%dma_wait3A_71 : memref<128x64xf32, #tpu.memory_space<vmem>>)
        %add3A_78 = arith.constant 1 : i32
        %add3A_79 = arith.addi %add3A_56, %add3A_78 : i32
        %lt3A = arith.constant 160 : i32
        %lt3A_80 = arith.cmpi slt, %add3A_79, %lt3A : i32
        %convert_element_type3A_81 = arith.extui %lt3A_80 : i1 to i32
        %cond3A_82 = arith.constant 0 : i32
        %cond3A_83 = arith.cmpi ne, %convert_element_type3A_81, %cond3A_82 : i32
        scf.if %cond3A_83 {
          %add3A_134 = arith.constant 1 : i32
          %add3A_135 = arith.addi %add3A_56, %add3A_134 : i32
          %dma_start3A_136 = arith.constant 1 : i32
          %dma_start3A_137 = arith.constant 0 : i32
          %dma_start3A_138 = arith.constant 0 : i32
          %dma_start3A_139 = tpu.memref_slice %arg16[%dma_start3A_136, %dma_start3A_137, %dma_start3A_138] : memref<2x128x64xf32, #tpu.memory_space<vmem>> -> memref<1x128x64xf32, #tpu.memory_space<vmem>>
          %dma_start3A_140 = tpu.memref_squeeze %dma_start3A_139 : memref<1x128x64xf32, #tpu.memory_space<vmem>> -> memref<128x64xf32, #tpu.memory_space<vmem>>
          %dma_start3A_141 = arith.constant 0 : i32
          %dma_start3A_142 = tpu.memref_slice %arg14[%add3A_135, %dma_start3A_141] : memref<160x128xi32, #tpu.memory_space<vmem>> -> memref<1x128xi32, #tpu.memory_space<vmem>>
          %dma_start3A_143 = tpu.memref_squeeze %dma_start3A_142 : memref<1x128xi32, #tpu.memory_space<vmem>> -> memref<128xi32, #tpu.memory_space<vmem>>
          %dma_start3A_144 = arith.constant 0 : i32
          %dma_start3A_145 = arith.constant 0 : i32
          %dma_start3A_146 = tpu.memref_slice %arg3[%dma_start3A_144, %dma_start3A_145] : memref<10000x64xf32, #tpu.memory_space<hbm>> -> memref<10000x64xf32, #tpu.memory_space<hbm>>
          tpu.enqueue_indirect_dma source(%dma_start3A_146 : memref<10000x64xf32, #tpu.memory_space<hbm>>) target(%dma_start3A_140 : memref<128x64xf32, #tpu.memory_space<vmem>>) offsets(%dma_start3A_143 : memref<128xi32, #tpu.memory_space<vmem>>) semaphore(%arg22 : memref<!tpu.dma_semaphore, #tpu.memory_space<semaphore_mem>>)
          %add3A_147 = arith.constant 1 : i32
          %add3A_148 = arith.addi %add3A_56, %add3A_147 : i32
          %dma_start3A_149 = arith.constant 1 : i32
          %dma_start3A_150 = arith.constant 0 : i32
          %dma_start3A_151 = arith.constant 0 : i32
          %dma_start3A_152 = tpu.memref_slice %arg17[%dma_start3A_149, %dma_start3A_150, %dma_start3A_151] : memref<2x128x64xf32, #tpu.memory_space<vmem>> -> memref<1x128x64xf32, #tpu.memory_space<vmem>>
          %dma_start3A_153 = tpu.memref_squeeze %dma_start3A_152 : memref<1x128x64xf32, #tpu.memory_space<vmem>> -> memref<128x64xf32, #tpu.memory_space<vmem>>
          %dma_start3A_154 = arith.constant 0 : i32
          %dma_start3A_155 = tpu.memref_slice %arg15[%add3A_148, %dma_start3A_154] : memref<160x128xi32, #tpu.memory_space<vmem>> -> memref<1x128xi32, #tpu.memory_space<vmem>>
          %dma_start3A_156 = tpu.memref_squeeze %dma_start3A_155 : memref<1x128xi32, #tpu.memory_space<vmem>> -> memref<128xi32, #tpu.memory_space<vmem>>
          %dma_start3A_157 = arith.constant 0 : i32
          %dma_start3A_158 = arith.constant 0 : i32
          %dma_start3A_159 = tpu.memref_slice %arg5[%dma_start3A_157, %dma_start3A_158] : memref<10000x64xf32, #tpu.memory_space<hbm>> -> memref<10000x64xf32, #tpu.memory_space<hbm>>
          tpu.enqueue_indirect_dma source(%dma_start3A_159 : memref<10000x64xf32, #tpu.memory_space<hbm>>) target(%dma_start3A_153 : memref<128x64xf32, #tpu.memory_space<vmem>>) offsets(%dma_start3A_156 : memref<128xi32, #tpu.memory_space<vmem>>) semaphore(%arg24 : memref<!tpu.dma_semaphore, #tpu.memory_space<semaphore_mem>>)
        } else {
        }
        %scan3A_84 = arith.constant 0 : i32
        %scan3A_85 = arith.constant 0 : i32
        %scan3A_86 = arith.constant 0 : i32
        %scan3A_87 = arith.constant 0 : i32
        %scan3A_88 = arith.constant 128 : i32
        %scan3A_89 = arith.addi %scan3A_87, %scan3A_88 : i32
        %scan3A_90 = arith.constant 4 : i32
        scf.for %scan3A_134 = %scan3A_87 to %scan3A_89 step %scan3A_90  : i32 {
          %get3A = arith.constant 0 : i32
          %get3A_135 = arith.constant 0 : i32
          %get3A_136 = tpu.memref_slice %arg16[%scan3A_85, %get3A, %get3A_135] : memref<2x128x64xf32, #tpu.memory_space<vmem>> -> memref<1x128x64xf32, #tpu.memory_space<vmem>>
          %get3A_137 = tpu.memref_squeeze %get3A_136 : memref<1x128x64xf32, #tpu.memory_space<vmem>> -> memref<128x64xf32, #tpu.memory_space<vmem>>
          %get3A_138 = arith.index_cast %scan3A_134 : i32 to index
          %get3A_139 = arith.constant 0 : index
          %get3A_140 = tpu.vector_load %get3A_137[%get3A_138, %get3A_139] {strides = array<i32>} : memref<128x64xf32, #tpu.memory_space<vmem>>, vector<1x16xf32>,
          %get3A_141 = vector.shape_cast %get3A_140 : vector<1x16xf32> to vector<16xf32>
          %get3A_142 = arith.constant 0 : i32
          %get3A_143 = arith.constant 0 : i32
          %get3A_144 = tpu.memref_slice %arg17[%scan3A_86, %get3A_142, %get3A_143] : memref<2x128x64xf32, #tpu.memory_space<vmem>> -> memref<1x128x64xf32, #tpu.memory_space<vmem>>
          %get3A_145 = tpu.memref_squeeze %get3A_144 : memref<1x128x64xf32, #tpu.memory_space<vmem>> -> memref<128x64xf32, #tpu.memory_space<vmem>>
          %get3A_146 = arith.index_cast %scan3A_134 : i32 to index
          %get3A_147 = arith.constant 0 : index
          %get3A_148 = tpu.vector_load %get3A_145[%get3A_146, %get3A_147] {strides = array<i32>} : memref<128x64xf32, #tpu.memory_space<vmem>>, vector<1x16xf32>,
          %get3A_149 = vector.shape_cast %get3A_148 : vector<1x16xf32> to vector<16xf32>
          %add3A_150 = arith.addf %get3A_141, %get3A_149 : vector<16xf32>
          %max3A = arith.constant 0.000000e+00 : f32
          %max3A_151 = vector.broadcast %max3A : f32 to vector<16xf32>
          %max3A_152 = arith.maximumf %add3A_150, %max3A_151 : vector<16xf32>
          %swap3A = arith.constant 0 : i32
          %swap3A_153 = arith.constant 0 : i32
          %swap3A_154 = tpu.memref_slice %arg16[%scan3A_85, %swap3A, %swap3A_153] : memref<2x128x64xf32, #tpu.memory_space<vmem>> -> memref<1x128x64xf32, #tpu.memory_space<vmem>>
          %swap3A_155 = tpu.memref_squeeze %swap3A_154 : memref<1x128x64xf32, #tpu.memory_space<vmem>> -> memref<128x64xf32, #tpu.memory_space<vmem>>
          %swap3A_156 = arith.index_cast %scan3A_134 : i32 to index
          %swap3A_157 = arith.constant 0 : index
          %swap3A_158 = tpu.vector_load %swap3A_155[%swap3A_156, %swap3A_157] {strides = array<i32>} : memref<128x64xf32, #tpu.memory_space<vmem>>, vector<1x16xf32>,
          %swap3A_159 = vector.shape_cast %swap3A_158 : vector<1x16xf32> to vector<16xf32>
          %swap3A_160 = vector.shape_cast %max3A_152 : vector<16xf32> to vector<1x16xf32>
          tpu.vector_store %swap3A_155[%swap3A_156, %swap3A_157], %swap3A_160 {strides = array<i32>} : memref<128x64xf32, #tpu.memory_space<vmem>>, vector<1x16xf32>,
          %get3A_161 = arith.constant 0 : i32
          %get3A_162 = arith.constant 0 : i32
          %get3A_163 = tpu.memref_slice %arg16[%scan3A_85, %get3A_161, %get3A_162] : memref<2x128x64xf32, #tpu.memory_space<vmem>> -> memref<1x128x64xf32, #tpu.memory_space<vmem>>
          %get3A_164 = tpu.memref_squeeze %get3A_163 : memref<1x128x64xf32, #tpu.memory_space<vmem>> -> memref<128x64xf32, #tpu.memory_space<vmem>>
          %get3A_165 = arith.index_cast %scan3A_134 : i32 to index
          %get3A_166 = arith.constant 16 : index
          %get3A_167 = tpu.vector_load %get3A_164[%get3A_165, %get3A_166] {strides = array<i32>} : memref<128x64xf32, #tpu.memory_space<vmem>>, vector<1x16xf32>,
          %get3A_168 = vector.shape_cast %get3A_167 : vector<1x16xf32> to vector<16xf32>
          %get3A_169 = arith.constant 0 : i32
          %get3A_170 = arith.constant 0 : i32
          %get3A_171 = tpu.memref_slice %arg17[%scan3A_86, %get3A_169, %get3A_170] : memref<2x128x64xf32, #tpu.memory_space<vmem>> -> memref<1x128x64xf32, #tpu.memory_space<vmem>>
          %get3A_172 = tpu.memref_squeeze %get3A_171 : memref<1x128x64xf32, #tpu.memory_space<vmem>> -> memref<128x64xf32, #tpu.memory_space<vmem>>
          %get3A_173 = arith.index_cast %scan3A_134 : i32 to index
          %get3A_174 = arith.constant 16 : index
          %get3A_175 = tpu.vector_load %get3A_172[%get3A_173, %get3A_174] {strides = array<i32>} : memref<128x64xf32, #tpu.memory_space<vmem>>, vector<1x16xf32>,
          %get3A_176 = vector.shape_cast %get3A_175 : vector<1x16xf32> to vector<16xf32>
          %add3A_177 = arith.addf %get3A_168, %get3A_176 : vector<16xf32>
          %max3A_178 = arith.constant 0.000000e+00 : f32
          %max3A_179 = vector.broadcast %max3A_178 : f32 to vector<16xf32>
          %max3A_180 = arith.maximumf %add3A_177, %max3A_179 : vector<16xf32>
          %swap3A_181 = arith.constant 0 : i32
          %swap3A_182 = arith.constant 0 : i32
          %swap3A_183 = tpu.memref_slice %arg16[%scan3A_85, %swap3A_181, %swap3A_182] : memref<2x128x64xf32, #tpu.memory_space<vmem>> -> memref<1x128x64xf32, #tpu.memory_space<vmem>>
          %swap3A_184 = tpu.memref_squeeze %swap3A_183 : memref<1x128x64xf32, #tpu.memory_space<vmem>> -> memref<128x64xf32, #tpu.memory_space<vmem>>
          %swap3A_185 = arith.index_cast %scan3A_134 : i32 to index
          %swap3A_186 = arith.constant 16 : index
          %swap3A_187 = tpu.vector_load %swap3A_184[%swap3A_185, %swap3A_186] {strides = array<i32>} : memref<128x64xf32, #tpu.memory_space<vmem>>, vector<1x16xf32>,
          %swap3A_188 = vector.shape_cast %swap3A_187 : vector<1x16xf32> to vector<16xf32>
          %swap3A_189 = vector.shape_cast %max3A_180 : vector<16xf32> to vector<1x16xf32>
          tpu.vector_store %swap3A_184[%swap3A_185, %swap3A_186], %swap3A_189 {strides = array<i32>} : memref<128x64xf32, #tpu.memory_space<vmem>>, vector<1x16xf32>,
          %get3A_190 = arith.constant 0 : i32
          %get3A_191 = arith.constant 0 : i32
          %get3A_192 = tpu.memref_slice %arg16[%scan3A_85, %get3A_190, %get3A_191] : memref<2x128x64xf32, #tpu.memory_space<vmem>> -> memref<1x128x64xf32, #tpu.memory_space<vmem>>
          %get3A_193 = tpu.memref_squeeze %get3A_192 : memref<1x128x64xf32, #tpu.memory_space<vmem>> -> memref<128x64xf32, #tpu.memory_space<vmem>>
          %get3A_194 = arith.index_cast %scan3A_134 : i32 to index
          %get3A_195 = arith.constant 32 : index
          %get3A_196 = tpu.vector_load %get3A_193[%get3A_194, %get3A_195] {strides = array<i32>} : memref<128x64xf32, #tpu.memory_space<vmem>>, vector<1x16xf32>,
          %get3A_197 = vector.shape_cast %get3A_196 : vector<1x16xf32> to vector<16xf32>
          %get3A_198 = arith.constant 0 : i32
          %get3A_199 = arith.constant 0 : i32
          %get3A_200 = tpu.memref_slice %arg17[%scan3A_86, %get3A_198, %get3A_199] : memref<2x128x64xf32, #tpu.memory_space<vmem>> -> memref<1x128x64xf32, #tpu.memory_space<vmem>>
          %get3A_201 = tpu.memref_squeeze %get3A_200 : memref<1x128x64xf32, #tpu.memory_space<vmem>> -> memref<128x64xf32, #tpu.memory_space<vmem>>
          %get3A_202 = arith.index_cast %scan3A_134 : i32 to index
          %get3A_203 = arith.constant 32 : index
          %get3A_204 = tpu.vector_load %get3A_201[%get3A_202, %get3A_203] {strides = array<i32>} : memref<128x64xf32, #tpu.memory_space<vmem>>, vector<1x16xf32>,
          %get3A_205 = vector.shape_cast %get3A_204 : vector<1x16xf32> to vector<16xf32>
          %add3A_206 = arith.addf %get3A_197, %get3A_205 : vector<16xf32>
          %max3A_207 = arith.constant 0.000000e+00 : f32
          %max3A_208 = vector.broadcast %max3A_207 : f32 to vector<16xf32>
          %max3A_209 = arith.maximumf %add3A_206, %max3A_208 : vector<16xf32>
          %swap3A_210 = arith.constant 0 : i32
          %swap3A_211 = arith.constant 0 : i32
          %swap3A_212 = tpu.memref_slice %arg16[%scan3A_85, %swap3A_210, %swap3A_211] : memref<2x128x64xf32, #tpu.memory_space<vmem>> -> memref<1x128x64xf32, #tpu.memory_space<vmem>>
          %swap3A_213 = tpu.memref_squeeze %swap3A_212 : memref<1x128x64xf32, #tpu.memory_space<vmem>> -> memref<128x64xf32, #tpu.memory_space<vmem>>
          %swap3A_214 = arith.index_cast %scan3A_134 : i32 to index
          %swap3A_215 = arith.constant 32 : index
          %swap3A_216 = tpu.vector_load %swap3A_213[%swap3A_214, %swap3A_215] {strides = array<i32>} : memref<128x64xf32, #tpu.memory_space<vmem>>, vector<1x16xf32>,
          %swap3A_217 = vector.shape_cast %swap3A_216 : vector<1x16xf32> to vector<16xf32>
          %swap3A_218 = vector.shape_cast %max3A_209 : vector<16xf32> to vector<1x16xf32>
          tpu.vector_store %swap3A_213[%swap3A_214, %swap3A_215], %swap3A_218 {strides = array<i32>} : memref<128x64xf32, #tpu.memory_space<vmem>>, vector<1x16xf32>,
          %get3A_219 = arith.constant 0 : i32
          %get3A_220 = arith.constant 0 : i32
          %get3A_221 = tpu.memref_slice %arg16[%scan3A_85, %get3A_219, %get3A_220] : memref<2x128x64xf32, #tpu.memory_space<vmem>> -> memref<1x128x64xf32, #tpu.memory_space<vmem>>
          %get3A_222 = tpu.memref_squeeze %get3A_221 : memref<1x128x64xf32, #tpu.memory_space<vmem>> -> memref<128x64xf32, #tpu.memory_space<vmem>>
          %get3A_223 = arith.index_cast %scan3A_134 : i32 to index
          %get3A_224 = arith.constant 48 : index
          %get3A_225 = tpu.vector_load %get3A_222[%get3A_223, %get3A_224] {strides = array<i32>} : memref<128x64xf32, #tpu.memory_space<vmem>>, vector<1x16xf32>,
          %get3A_226 = vector.shape_cast %get3A_225 : vector<1x16xf32> to vector<16xf32>
          %get3A_227 = arith.constant 0 : i32
          %get3A_228 = arith.constant 0 : i32
          %get3A_229 = tpu.memref_slice %arg17[%scan3A_86, %get3A_227, %get3A_228] : memref<2x128x64xf32, #tpu.memory_space<vmem>> -> memref<1x128x64xf32, #tpu.memory_space<vmem>>
          %get3A_230 = tpu.memref_squeeze %get3A_229 : memref<1x128x64xf32, #tpu.memory_space<vmem>> -> memref<128x64xf32, #tpu.memory_space<vmem>>
          %get3A_231 = arith.index_cast %scan3A_134 : i32 to index
          %get3A_232 = arith.constant 48 : index
          %get3A_233 = tpu.vector_load %get3A_230[%get3A_231, %get3A_232] {strides = array<i32>} : memref<128x64xf32, #tpu.memory_space<vmem>>, vector<1x16xf32>,
          %get3A_234 = vector.shape_cast %get3A_233 : vector<1x16xf32> to vector<16xf32>
          %add3A_235 = arith.addf %get3A_226, %get3A_234 : vector<16xf32>
          %max3A_236 = arith.constant 0.000000e+00 : f32
          %max3A_237 = vector.broadcast %max3A_236 : f32 to vector<16xf32>
          %max3A_238 = arith.maximumf %add3A_235, %max3A_237 : vector<16xf32>
          %swap3A_239 = arith.constant 0 : i32
          %swap3A_240 = arith.constant 0 : i32
          %swap3A_241 = tpu.memref_slice %arg16[%scan3A_85, %swap3A_239, %swap3A_240] : memref<2x128x64xf32, #tpu.memory_space<vmem>> -> memref<1x128x64xf32, #tpu.memory_space<vmem>>
          %swap3A_242 = tpu.memref_squeeze %swap3A_241 : memref<1x128x64xf32, #tpu.memory_space<vmem>> -> memref<128x64xf32, #tpu.memory_space<vmem>>
          %swap3A_243 = arith.index_cast %scan3A_134 : i32 to index
          %swap3A_244 = arith.constant 48 : index
          %swap3A_245 = tpu.vector_load %swap3A_242[%swap3A_243, %swap3A_244] {strides = array<i32>} : memref<128x64xf32, #tpu.memory_space<vmem>>, vector<1x16xf32>,
          %swap3A_246 = vector.shape_cast %swap3A_245 : vector<1x16xf32> to vector<16xf32>
          %swap3A_247 = vector.shape_cast %max3A_238 : vector<16xf32> to vector<1x16xf32>
          tpu.vector_store %swap3A_242[%swap3A_243, %swap3A_244], %swap3A_247 {strides = array<i32>} : memref<128x64xf32, #tpu.memory_space<vmem>>, vector<1x16xf32>,
          %scan3A_248 = arith.constant 1 : i32
          %scan3A_249 = arith.addi %scan3A_134, %scan3A_248 : i32
          %get3A_250 = arith.constant 0 : i32
          %get3A_251 = arith.constant 0 : i32
          %get3A_252 = tpu.memref_slice %arg16[%scan3A_85, %get3A_250, %get3A_251] : memref<2x128x64xf32, #tpu.memory_space<vmem>> -> memref<1x128x64xf32, #tpu.memory_space<vmem>>
          %get3A_253 = tpu.memref_squeeze %get3A_252 : memref<1x128x64xf32, #tpu.memory_space<vmem>> -> memref<128x64xf32, #tpu.memory_space<vmem>>
          %get3A_254 = arith.index_cast %scan3A_249 : i32 to index
          %get3A_255 = arith.constant 0 : index
          %get3A_256 = tpu.vector_load %get3A_253[%get3A_254, %get3A_255] {strides = array<i32>} : memref<128x64xf32, #tpu.memory_space<vmem>>, vector<1x16xf32>,
          %get3A_257 = vector.shape_cast %get3A_256 : vector<1x16xf32> to vector<16xf32>
          %get3A_258 = arith.constant 0 : i32
          %get3A_259 = arith.constant 0 : i32
          %get3A_260 = tpu.memref_slice %arg17[%scan3A_86, %get3A_258, %get3A_259] : memref<2x128x64xf32, #tpu.memory_space<vmem>> -> memref<1x128x64xf32, #tpu.memory_space<vmem>>
          %get3A_261 = tpu.memref_squeeze %get3A_260 : memref<1x128x64xf32, #tpu.memory_space<vmem>> -> memref<128x64xf32, #tpu.memory_space<vmem>>
          %get3A_262 = arith.index_cast %scan3A_249 : i32 to index
          %get3A_263 = arith.constant 0 : index
          %get3A_264 = tpu.vector_load %get3A_261[%get3A_262, %get3A_263] {strides = array<i32>} : memref<128x64xf32, #tpu.memory_space<vmem>>, vector<1x16xf32>,
          %get3A_265 = vector.shape_cast %get3A_264 : vector<1x16xf32> to vector<16xf32>
          %add3A_266 = arith.addf %get3A_257, %get3A_265 : vector<16xf32>
          %max3A_267 = arith.constant 0.000000e+00 : f32
          %max3A_268 = vector.broadcast %max3A_267 : f32 to vector<16xf32>
          %max3A_269 = arith.maximumf %add3A_266, %max3A_268 : vector<16xf32>
          %swap3A_270 = arith.constant 0 : i32
          %swap3A_271 = arith.constant 0 : i32
          %swap3A_272 = tpu.memref_slice %arg16[%scan3A_85, %swap3A_270, %swap3A_271] : memref<2x128x64xf32, #tpu.memory_space<vmem>> -> memref<1x128x64xf32, #tpu.memory_space<vmem>>
          %swap3A_273 = tpu.memref_squeeze %swap3A_272 : memref<1x128x64xf32, #tpu.memory_space<vmem>> -> memref<128x64xf32, #tpu.memory_space<vmem>>
          %swap3A_274 = arith.index_cast %scan3A_249 : i32 to index
          %swap3A_275 = arith.constant 0 : index
          %swap3A_276 = tpu.vector_load %swap3A_273[%swap3A_274, %swap3A_275] {strides = array<i32>} : memref<128x64xf32, #tpu.memory_space<vmem>>, vector<1x16xf32>,
          %swap3A_277 = vector.shape_cast %swap3A_276 : vector<1x16xf32> to vector<16xf32>
          %swap3A_278 = vector.shape_cast %max3A_269 : vector<16xf32> to vector<1x16xf32>
          tpu.vector_store %swap3A_273[%swap3A_274, %swap3A_275], %swap3A_278 {strides = array<i32>} : memref<128x64xf32, #tpu.memory_space<vmem>>, vector<1x16xf32>,
          %get3A_279 = arith.constant 0 : i32
          %get3A_280 = arith.constant 0 : i32
          %get3A_281 = tpu.memref_slice %arg16[%scan3A_85, %get3A_279, %get3A_280] : memref<2x128x64xf32, #tpu.memory_space<vmem>> -> memref<1x128x64xf32, #tpu.memory_space<vmem>>
          %get3A_282 = tpu.memref_squeeze %get3A_281 : memref<1x128x64xf32, #tpu.memory_space<vmem>> -> memref<128x64xf32, #tpu.memory_space<vmem>>
          %get3A_283 = arith.index_cast %scan3A_249 : i32 to index
          %get3A_284 = arith.constant 16 : index
          %get3A_285 = tpu.vector_load %get3A_282[%get3A_283, %get3A_284] {strides = array<i32>} : memref<128x64xf32, #tpu.memory_space<vmem>>, vector<1x16xf32>,
          %get3A_286 = vector.shape_cast %get3A_285 : vector<1x16xf32> to vector<16xf32>
          %get3A_287 = arith.constant 0 : i32
          %get3A_288 = arith.constant 0 : i32
          %get3A_289 = tpu.memref_slice %arg17[%scan3A_86, %get3A_287, %get3A_288] : memref<2x128x64xf32, #tpu.memory_space<vmem>> -> memref<1x128x64xf32, #tpu.memory_space<vmem>>
          %get3A_290 = tpu.memref_squeeze %get3A_289 : memref<1x128x64xf32, #tpu.memory_space<vmem>> -> memref<128x64xf32, #tpu.memory_space<vmem>>
          %get3A_291 = arith.index_cast %scan3A_249 : i32 to index
          %get3A_292 = arith.constant 16 : index
          %get3A_293 = tpu.vector_load %get3A_290[%get3A_291, %get3A_292] {strides = array<i32>} : memref<128x64xf32, #tpu.memory_space<vmem>>, vector<1x16xf32>,
          %get3A_294 = vector.shape_cast %get3A_293 : vector<1x16xf32> to vector<16xf32>
          %add3A_295 = arith.addf %get3A_286, %get3A_294 : vector<16xf32>
          %max3A_296 = arith.constant 0.000000e+00 : f32
          %max3A_297 = vector.broadcast %max3A_296 : f32 to vector<16xf32>
          %max3A_298 = arith.maximumf %add3A_295, %max3A_297 : vector<16xf32>
          %swap3A_299 = arith.constant 0 : i32
          %swap3A_300 = arith.constant 0 : i32
          %swap3A_301 = tpu.memref_slice %arg16[%scan3A_85, %swap3A_299, %swap3A_300] : memref<2x128x64xf32, #tpu.memory_space<vmem>> -> memref<1x128x64xf32, #tpu.memory_space<vmem>>
          %swap3A_302 = tpu.memref_squeeze %swap3A_301 : memref<1x128x64xf32, #tpu.memory_space<vmem>> -> memref<128x64xf32, #tpu.memory_space<vmem>>
          %swap3A_303 = arith.index_cast %scan3A_249 : i32 to index
          %swap3A_304 = arith.constant 16 : index
          %swap3A_305 = tpu.vector_load %swap3A_302[%swap3A_303, %swap3A_304] {strides = array<i32>} : memref<128x64xf32, #tpu.memory_space<vmem>>, vector<1x16xf32>,
          %swap3A_306 = vector.shape_cast %swap3A_305 : vector<1x16xf32> to vector<16xf32>
          %swap3A_307 = vector.shape_cast %max3A_298 : vector<16xf32> to vector<1x16xf32>
          tpu.vector_store %swap3A_302[%swap3A_303, %swap3A_304], %swap3A_307 {strides = array<i32>} : memref<128x64xf32, #tpu.memory_space<vmem>>, vector<1x16xf32>,
          %get3A_308 = arith.constant 0 : i32
          %get3A_309 = arith.constant 0 : i32
          %get3A_310 = tpu.memref_slice %arg16[%scan3A_85, %get3A_308, %get3A_309] : memref<2x128x64xf32, #tpu.memory_space<vmem>> -> memref<1x128x64xf32, #tpu.memory_space<vmem>>
          %get3A_311 = tpu.memref_squeeze %get3A_310 : memref<1x128x64xf32, #tpu.memory_space<vmem>> -> memref<128x64xf32, #tpu.memory_space<vmem>>
          %get3A_312 = arith.index_cast %scan3A_249 : i32 to index
          %get3A_313 = arith.constant 32 : index
          %get3A_314 = tpu.vector_load %get3A_311[%get3A_312, %get3A_313] {strides = array<i32>} : memref<128x64xf32, #tpu.memory_space<vmem>>, vector<1x16xf32>,
          %get3A_315 = vector.shape_cast %get3A_314 : vector<1x16xf32> to vector<16xf32>
          %get3A_316 = arith.constant 0 : i32
          %get3A_317 = arith.constant 0 : i32
          %get3A_318 = tpu.memref_slice %arg17[%scan3A_86, %get3A_316, %get3A_317] : memref<2x128x64xf32, #tpu.memory_space<vmem>> -> memref<1x128x64xf32, #tpu.memory_space<vmem>>
          %get3A_319 = tpu.memref_squeeze %get3A_318 : memref<1x128x64xf32, #tpu.memory_space<vmem>> -> memref<128x64xf32, #tpu.memory_space<vmem>>
          %get3A_320 = arith.index_cast %scan3A_249 : i32 to index
          %get3A_321 = arith.constant 32 : index
          %get3A_322 = tpu.vector_load %get3A_319[%get3A_320, %get3A_321] {strides = array<i32>} : memref<128x64xf32, #tpu.memory_space<vmem>>, vector<1x16xf32>,
          %get3A_323 = vector.shape_cast %get3A_322 : vector<1x16xf32> to vector<16xf32>
          %add3A_324 = arith.addf %get3A_315, %get3A_323 : vector<16xf32>
          %max3A_325 = arith.constant 0.000000e+00 : f32
          %max3A_326 = vector.broadcast %max3A_325 : f32 to vector<16xf32>
          %max3A_327 = arith.maximumf %add3A_324, %max3A_326 : vector<16xf32>
          %swap3A_328 = arith.constant 0 : i32
          %swap3A_329 = arith.constant 0 : i32
          %swap3A_330 = tpu.memref_slice %arg16[%scan3A_85, %swap3A_328, %swap3A_329] : memref<2x128x64xf32, #tpu.memory_space<vmem>> -> memref<1x128x64xf32, #tpu.memory_space<vmem>>
          %swap3A_331 = tpu.memref_squeeze %swap3A_330 : memref<1x128x64xf32, #tpu.memory_space<vmem>> -> memref<128x64xf32, #tpu.memory_space<vmem>>
          %swap3A_332 = arith.index_cast %scan3A_249 : i32 to index
          %swap3A_333 = arith.constant 32 : index
          %swap3A_334 = tpu.vector_load %swap3A_331[%swap3A_332, %swap3A_333] {strides = array<i32>} : memref<128x64xf32, #tpu.memory_space<vmem>>, vector<1x16xf32>,
          %swap3A_335 = vector.shape_cast %swap3A_334 : vector<1x16xf32> to vector<16xf32>
          %swap3A_336 = vector.shape_cast %max3A_327 : vector<16xf32> to vector<1x16xf32>
          tpu.vector_store %swap3A_331[%swap3A_332, %swap3A_333], %swap3A_336 {strides = array<i32>} : memref<128x64xf32, #tpu.memory_space<vmem>>, vector<1x16xf32>,
          %get3A_337 = arith.constant 0 : i32
          %get3A_338 = arith.constant 0 : i32
          %get3A_339 = tpu.memref_slice %arg16[%scan3A_85, %get3A_337, %get3A_338] : memref<2x128x64xf32, #tpu.memory_space<vmem>> -> memref<1x128x64xf32, #tpu.memory_space<vmem>>
          %get3A_340 = tpu.memref_squeeze %get3A_339 : memref<1x128x64xf32, #tpu.memory_space<vmem>> -> memref<128x64xf32, #tpu.memory_space<vmem>>
          %get3A_341 = arith.index_cast %scan3A_249 : i32 to index
          %get3A_342 = arith.constant 48 : index
          %get3A_343 = tpu.vector_load %get3A_340[%get3A_341, %get3A_342] {strides = array<i32>} : memref<128x64xf32, #tpu.memory_space<vmem>>, vector<1x16xf32>,
          %get3A_344 = vector.shape_cast %get3A_343 : vector<1x16xf32> to vector<16xf32>
          %get3A_345 = arith.constant 0 : i32
          %get3A_346 = arith.constant 0 : i32
          %get3A_347 = tpu.memref_slice %arg17[%scan3A_86, %get3A_345, %get3A_346] : memref<2x128x64xf32, #tpu.memory_space<vmem>> -> memref<1x128x64xf32, #tpu.memory_space<vmem>>
          %get3A_348 = tpu.memref_squeeze %get3A_347 : memref<1x128x64xf32, #tpu.memory_space<vmem>> -> memref<128x64xf32, #tpu.memory_space<vmem>>
          %get3A_349 = arith.index_cast %scan3A_249 : i32 to index
          %get3A_350 = arith.constant 48 : index
          %get3A_351 = tpu.vector_load %get3A_348[%get3A_349, %get3A_350] {strides = array<i32>} : memref<128x64xf32, #tpu.memory_space<vmem>>, vector<1x16xf32>,
          %get3A_352 = vector.shape_cast %get3A_351 : vector<1x16xf32> to vector<16xf32>
          %add3A_353 = arith.addf %get3A_344, %get3A_352 : vector<16xf32>
          %max3A_354 = arith.constant 0.000000e+00 : f32
          %max3A_355 = vector.broadcast %max3A_354 : f32 to vector<16xf32>
          %max3A_356 = arith.maximumf %add3A_353, %max3A_355 : vector<16xf32>
          %swap3A_357 = arith.constant 0 : i32
          %swap3A_358 = arith.constant 0 : i32
          %swap3A_359 = tpu.memref_slice %arg16[%scan3A_85, %swap3A_357, %swap3A_358] : memref<2x128x64xf32, #tpu.memory_space<vmem>> -> memref<1x128x64xf32, #tpu.memory_space<vmem>>
          %swap3A_360 = tpu.memref_squeeze %swap3A_359 : memref<1x128x64xf32, #tpu.memory_space<vmem>> -> memref<128x64xf32, #tpu.memory_space<vmem>>
          %swap3A_361 = arith.index_cast %scan3A_249 : i32 to index
          %swap3A_362 = arith.constant 48 : index
          %swap3A_363 = tpu.vector_load %swap3A_360[%swap3A_361, %swap3A_362] {strides = array<i32>} : memref<128x64xf32, #tpu.memory_space<vmem>>, vector<1x16xf32>,
          %swap3A_364 = vector.shape_cast %swap3A_363 : vector<1x16xf32> to vector<16xf32>
          %swap3A_365 = vector.shape_cast %max3A_356 : vector<16xf32> to vector<1x16xf32>
          tpu.vector_store %swap3A_360[%swap3A_361, %swap3A_362], %swap3A_365 {strides = array<i32>} : memref<128x64xf32, #tpu.memory_space<vmem>>, vector<1x16xf32>,
          %scan3A_366 = arith.constant 2 : i32
          %scan3A_367 = arith.addi %scan3A_134, %scan3A_366 : i32
          %get3A_368 = arith.constant 0 : i32
          %get3A_369 = arith.constant 0 : i32
          %get3A_370 = tpu.memref_slice %arg16[%scan3A_85, %get3A_368, %get3A_369] : memref<2x128x64xf32, #tpu.memory_space<vmem>> -> memref<1x128x64xf32, #tpu.memory_space<vmem>>
          %get3A_371 = tpu.memref_squeeze %get3A_370 : memref<1x128x64xf32, #tpu.memory_space<vmem>> -> memref<128x64xf32, #tpu.memory_space<vmem>>
          %get3A_372 = arith.index_cast %scan3A_367 : i32 to index
          %get3A_373 = arith.constant 0 : index
          %get3A_374 = tpu.vector_load %get3A_371[%get3A_372, %get3A_373] {strides = array<i32>} : memref<128x64xf32, #tpu.memory_space<vmem>>, vector<1x16xf32>,
          %get3A_375 = vector.shape_cast %get3A_374 : vector<1x16xf32> to vector<16xf32>
          %get3A_376 = arith.constant 0 : i32
          %get3A_377 = arith.constant 0 : i32
          %get3A_378 = tpu.memref_slice %arg17[%scan3A_86, %get3A_376, %get3A_377] : memref<2x128x64xf32, #tpu.memory_space<vmem>> -> memref<1x128x64xf32, #tpu.memory_space<vmem>>
          %get3A_379 = tpu.memref_squeeze %get3A_378 : memref<1x128x64xf32, #tpu.memory_space<vmem>> -> memref<128x64xf32, #tpu.memory_space<vmem>>
          %get3A_380 = arith.index_cast %scan3A_367 : i32 to index
          %get3A_381 = arith.constant 0 : index
          %get3A_382 = tpu.vector_load %get3A_379[%get3A_380, %get3A_381] {strides = array<i32>} : memref<128x64xf32, #tpu.memory_space<vmem>>, vector<1x16xf32>,
          %get3A_383 = vector.shape_cast %get3A_382 : vector<1x16xf32> to vector<16xf32>
          %add3A_384 = arith.addf %get3A_375, %get3A_383 : vector<16xf32>
          %max3A_385 = arith.constant 0.000000e+00 : f32
          %max3A_386 = vector.broadcast %max3A_385 : f32 to vector<16xf32>
          %max3A_387 = arith.maximumf %add3A_384, %max3A_386 : vector<16xf32>
          %swap3A_388 = arith.constant 0 : i32
          %swap3A_389 = arith.constant 0 : i32
          %swap3A_390 = tpu.memref_slice %arg16[%scan3A_85, %swap3A_388, %swap3A_389] : memref<2x128x64xf32, #tpu.memory_space<vmem>> -> memref<1x128x64xf32, #tpu.memory_space<vmem>>
          %swap3A_391 = tpu.memref_squeeze %swap3A_390 : memref<1x128x64xf32, #tpu.memory_space<vmem>> -> memref<128x64xf32, #tpu.memory_space<vmem>>
          %swap3A_392 = arith.index_cast %scan3A_367 : i32 to index
          %swap3A_393 = arith.constant 0 : index
          %swap3A_394 = tpu.vector_load %swap3A_391[%swap3A_392, %swap3A_393] {strides = array<i32>} : memref<128x64xf32, #tpu.memory_space<vmem>>, vector<1x16xf32>,
          %swap3A_395 = vector.shape_cast %swap3A_394 : vector<1x16xf32> to vector<16xf32>
          %swap3A_396 = vector.shape_cast %max3A_387 : vector<16xf32> to vector<1x16xf32>
          tpu.vector_store %swap3A_391[%swap3A_392, %swap3A_393], %swap3A_396 {strides = array<i32>} : memref<128x64xf32, #tpu.memory_space<vmem>>, vector<1x16xf32>,
          %get3A_397 = arith.constant 0 : i32
          %get3A_398 = arith.constant 0 : i32
          %get3A_399 = tpu.memref_slice %arg16[%scan3A_85, %get3A_397, %get3A_398] : memref<2x128x64xf32, #tpu.memory_space<vmem>> -> memref<1x128x64xf32, #tpu.memory_space<vmem>>
          %get3A_400 = tpu.memref_squeeze %get3A_399 : memref<1x128x64xf32, #tpu.memory_space<vmem>> -> memref<128x64xf32, #tpu.memory_space<vmem>>
          %get3A_401 = arith.index_cast %scan3A_367 : i32 to index
          %get3A_402 = arith.constant 16 : index
          %get3A_403 = tpu.vector_load %get3A_400[%get3A_401, %get3A_402] {strides = array<i32>} : memref<128x64xf32, #tpu.memory_space<vmem>>, vector<1x16xf32>,
          %get3A_404 = vector.shape_cast %get3A_403 : vector<1x16xf32> to vector<16xf32>
          %get3A_405 = arith.constant 0 : i32
          %get3A_406 = arith.constant 0 : i32
          %get3A_407 = tpu.memref_slice %arg17[%scan3A_86, %get3A_405, %get3A_406] : memref<2x128x64xf32, #tpu.memory_space<vmem>> -> memref<1x128x64xf32, #tpu.memory_space<vmem>>
          %get3A_408 = tpu.memref_squeeze %get3A_407 : memref<1x128x64xf32, #tpu.memory_space<vmem>> -> memref<128x64xf32, #tpu.memory_space<vmem>>
          %get3A_409 = arith.index_cast %scan3A_367 : i32 to index
          %get3A_410 = arith.constant 16 : index
          %get3A_411 = tpu.vector_load %get3A_408[%get3A_409, %get3A_410] {strides = array<i32>} : memref<128x64xf32, #tpu.memory_space<vmem>>, vector<1x16xf32>,
          %get3A_412 = vector.shape_cast %get3A_411 : vector<1x16xf32> to vector<16xf32>
          %add3A_413 = arith.addf %get3A_404, %get3A_412 : vector<16xf32>
          %max3A_414 = arith.constant 0.000000e+00 : f32
          %max3A_415 = vector.broadcast %max3A_414 : f32 to vector<16xf32>
          %max3A_416 = arith.maximumf %add3A_413, %max3A_415 : vector<16xf32>
          %swap3A_417 = arith.constant 0 : i32
          %swap3A_418 = arith.constant 0 : i32
          %swap3A_419 = tpu.memref_slice %arg16[%scan3A_85, %swap3A_417, %swap3A_418] : memref<2x128x64xf32, #tpu.memory_space<vmem>> -> memref<1x128x64xf32, #tpu.memory_space<vmem>>
          %swap3A_420 = tpu.memref_squeeze %swap3A_419 : memref<1x128x64xf32, #tpu.memory_space<vmem>> -> memref<128x64xf32, #tpu.memory_space<vmem>>
          %swap3A_421 = arith.index_cast %scan3A_367 : i32 to index
          %swap3A_422 = arith.constant 16 : index
          %swap3A_423 = tpu.vector_load %swap3A_420[%swap3A_421, %swap3A_422] {strides = array<i32>} : memref<128x64xf32, #tpu.memory_space<vmem>>, vector<1x16xf32>,
          %swap3A_424 = vector.shape_cast %swap3A_423 : vector<1x16xf32> to vector<16xf32>
          %swap3A_425 = vector.shape_cast %max3A_416 : vector<16xf32> to vector<1x16xf32>
          tpu.vector_store %swap3A_420[%swap3A_421, %swap3A_422], %swap3A_425 {strides = array<i32>} : memref<128x64xf32, #tpu.memory_space<vmem>>, vector<1x16xf32>,
          %get3A_426 = arith.constant 0 : i32
          %get3A_427 = arith.constant 0 : i32
          %get3A_428 = tpu.memref_slice %arg16[%scan3A_85, %get3A_426, %get3A_427] : memref<2x128x64xf32, #tpu.memory_space<vmem>> -> memref<1x128x64xf32, #tpu.memory_space<vmem>>
          %get3A_429 = tpu.memref_squeeze %get3A_428 : memref<1x128x64xf32, #tpu.memory_space<vmem>> -> memref<128x64xf32, #tpu.memory_space<vmem>>
          %get3A_430 = arith.index_cast %scan3A_367 : i32 to index
          %get3A_431 = arith.constant 32 : index
          %get3A_432 = tpu.vector_load %get3A_429[%get3A_430, %get3A_431] {strides = array<i32>} : memref<128x64xf32, #tpu.memory_space<vmem>>, vector<1x16xf32>,
          %get3A_433 = vector.shape_cast %get3A_432 : vector<1x16xf32> to vector<16xf32>
          %get3A_434 = arith.constant 0 : i32
          %get3A_435 = arith.constant 0 : i32
          %get3A_436 = tpu.memref_slice %arg17[%scan3A_86, %get3A_434, %get3A_435] : memref<2x128x64xf32, #tpu.memory_space<vmem>> -> memref<1x128x64xf32, #tpu.memory_space<vmem>>
          %get3A_437 = tpu.memref_squeeze %get3A_436 : memref<1x128x64xf32, #tpu.memory_space<vmem>> -> memref<128x64xf32, #tpu.memory_space<vmem>>
          %get3A_438 = arith.index_cast %scan3A_367 : i32 to index
          %get3A_439 = arith.constant 32 : index
          %get3A_440 = tpu.vector_load %get3A_437[%get3A_438, %get3A_439] {strides = array<i32>} : memref<128x64xf32, #tpu.memory_space<vmem>>, vector<1x16xf32>,
          %get3A_441 = vector.shape_cast %get3A_440 : vector<1x16xf32> to vector<16xf32>
          %add3A_442 = arith.addf %get3A_433, %get3A_441 : vector<16xf32>
          %max3A_443 = arith.constant 0.000000e+00 : f32
          %max3A_444 = vector.broadcast %max3A_443 : f32 to vector<16xf32>
          %max3A_445 = arith.maximumf %add3A_442, %max3A_444 : vector<16xf32>
          %swap3A_446 = arith.constant 0 : i32
          %swap3A_447 = arith.constant 0 : i32
          %swap3A_448 = tpu.memref_slice %arg16[%scan3A_85, %swap3A_446, %swap3A_447] : memref<2x128x64xf32, #tpu.memory_space<vmem>> -> memref<1x128x64xf32, #tpu.memory_space<vmem>>
          %swap3A_449 = tpu.memref_squeeze %swap3A_448 : memref<1x128x64xf32, #tpu.memory_space<vmem>> -> memref<128x64xf32, #tpu.memory_space<vmem>>
          %swap3A_450 = arith.index_cast %scan3A_367 : i32 to index
          %swap3A_451 = arith.constant 32 : index
          %swap3A_452 = tpu.vector_load %swap3A_449[%swap3A_450, %swap3A_451] {strides = array<i32>} : memref<128x64xf32, #tpu.memory_space<vmem>>, vector<1x16xf32>,
          %swap3A_453 = vector.shape_cast %swap3A_452 : vector<1x16xf32> to vector<16xf32>
          %swap3A_454 = vector.shape_cast %max3A_445 : vector<16xf32> to vector<1x16xf32>
          tpu.vector_store %swap3A_449[%swap3A_450, %swap3A_451], %swap3A_454 {strides = array<i32>} : memref<128x64xf32, #tpu.memory_space<vmem>>, vector<1x16xf32>,
          %get3A_455 = arith.constant 0 : i32
          %get3A_456 = arith.constant 0 : i32
          %get3A_457 = tpu.memref_slice %arg16[%scan3A_85, %get3A_455, %get3A_456] : memref<2x128x64xf32, #tpu.memory_space<vmem>> -> memref<1x128x64xf32, #tpu.memory_space<vmem>>
          %get3A_458 = tpu.memref_squeeze %get3A_457 : memref<1x128x64xf32, #tpu.memory_space<vmem>> -> memref<128x64xf32, #tpu.memory_space<vmem>>
          %get3A_459 = arith.index_cast %scan3A_367 : i32 to index
          %get3A_460 = arith.constant 48 : index
          %get3A_461 = tpu.vector_load %get3A_458[%get3A_459, %get3A_460] {strides = array<i32>} : memref<128x64xf32, #tpu.memory_space<vmem>>, vector<1x16xf32>,
          %get3A_462 = vector.shape_cast %get3A_461 : vector<1x16xf32> to vector<16xf32>
          %get3A_463 = arith.constant 0 : i32
          %get3A_464 = arith.constant 0 : i32
          %get3A_465 = tpu.memref_slice %arg17[%scan3A_86, %get3A_463, %get3A_464] : memref<2x128x64xf32, #tpu.memory_space<vmem>> -> memref<1x128x64xf32, #tpu.memory_space<vmem>>
          %get3A_466 = tpu.memref_squeeze %get3A_465 : memref<1x128x64xf32, #tpu.memory_space<vmem>> -> memref<128x64xf32, #tpu.memory_space<vmem>>
          %get3A_467 = arith.index_cast %scan3A_367 : i32 to index
          %get3A_468 = arith.constant 48 : index
          %get3A_469 = tpu.vector_load %get3A_466[%get3A_467, %get3A_468] {strides = array<i32>} : memref<128x64xf32, #tpu.memory_space<vmem>>, vector<1x16xf32>,
          %get3A_470 = vector.shape_cast %get3A_469 : vector<1x16xf32> to vector<16xf32>
          %add3A_471 = arith.addf %get3A_462, %get3A_470 : vector<16xf32>
          %max3A_472 = arith.constant 0.000000e+00 : f32
          %max3A_473 = vector.broadcast %max3A_472 : f32 to vector<16xf32>
          %max3A_474 = arith.maximumf %add3A_471, %max3A_473 : vector<16xf32>
          %swap3A_475 = arith.constant 0 : i32
          %swap3A_476 = arith.constant 0 : i32
          %swap3A_477 = tpu.memref_slice %arg16[%scan3A_85, %swap3A_475, %swap3A_476] : memref<2x128x64xf32, #tpu.memory_space<vmem>> -> memref<1x128x64xf32, #tpu.memory_space<vmem>>
          %swap3A_478 = tpu.memref_squeeze %swap3A_477 : memref<1x128x64xf32, #tpu.memory_space<vmem>> -> memref<128x64xf32, #tpu.memory_space<vmem>>
          %swap3A_479 = arith.index_cast %scan3A_367 : i32 to index
          %swap3A_480 = arith.constant 48 : index
          %swap3A_481 = tpu.vector_load %swap3A_478[%swap3A_479, %swap3A_480] {strides = array<i32>} : memref<128x64xf32, #tpu.memory_space<vmem>>, vector<1x16xf32>,
          %swap3A_482 = vector.shape_cast %swap3A_481 : vector<1x16xf32> to vector<16xf32>
          %swap3A_483 = vector.shape_cast %max3A_474 : vector<16xf32> to vector<1x16xf32>
          tpu.vector_store %swap3A_478[%swap3A_479, %swap3A_480], %swap3A_483 {strides = array<i32>} : memref<128x64xf32, #tpu.memory_space<vmem>>, vector<1x16xf32>,
          %scan3A_484 = arith.constant 3 : i32
          %scan3A_485 = arith.addi %scan3A_134, %scan3A_484 : i32
          %get3A_486 = arith.constant 0 : i32
          %get3A_487 = arith.constant 0 : i32
          %get3A_488 = tpu.memref_slice %arg16[%scan3A_85, %get3A_486, %get3A_487] : memref<2x128x64xf32, #tpu.memory_space<vmem>> -> memref<1x128x64xf32, #tpu.memory_space<vmem>>
          %get3A_489 = tpu.memref_squeeze %get3A_488 : memref<1x128x64xf32, #tpu.memory_space<vmem>> -> memref<128x64xf32, #tpu.memory_space<vmem>>
          %get3A_490 = arith.index_cast %scan3A_485 : i32 to index
          %get3A_491 = arith.constant 0 : index
          %get3A_492 = tpu.vector_load %get3A_489[%get3A_490, %get3A_491] {strides = array<i32>} : memref<128x64xf32, #tpu.memory_space<vmem>>, vector<1x16xf32>,
          %get3A_493 = vector.shape_cast %get3A_492 : vector<1x16xf32> to vector<16xf32>
          %get3A_494 = arith.constant 0 : i32
          %get3A_495 = arith.constant 0 : i32
          %get3A_496 = tpu.memref_slice %arg17[%scan3A_86, %get3A_494, %get3A_495] : memref<2x128x64xf32, #tpu.memory_space<vmem>> -> memref<1x128x64xf32, #tpu.memory_space<vmem>>
          %get3A_497 = tpu.memref_squeeze %get3A_496 : memref<1x128x64xf32, #tpu.memory_space<vmem>> -> memref<128x64xf32, #tpu.memory_space<vmem>>
          %get3A_498 = arith.index_cast %scan3A_485 : i32 to index
          %get3A_499 = arith.constant 0 : index
          %get3A_500 = tpu.vector_load %get3A_497[%get3A_498, %get3A_499] {strides = array<i32>} : memref<128x64xf32, #tpu.memory_space<vmem>>, vector<1x16xf32>,
          %get3A_501 = vector.shape_cast %get3A_500 : vector<1x16xf32> to vector<16xf32>
          %add3A_502 = arith.addf %get3A_493, %get3A_501 : vector<16xf32>
          %max3A_503 = arith.constant 0.000000e+00 : f32
          %max3A_504 = vector.broadcast %max3A_503 : f32 to vector<16xf32>
          %max3A_505 = arith.maximumf %add3A_502, %max3A_504 : vector<16xf32>
          %swap3A_506 = arith.constant 0 : i32
          %swap3A_507 = arith.constant 0 : i32
          %swap3A_508 = tpu.memref_slice %arg16[%scan3A_85, %swap3A_506, %swap3A_507] : memref<2x128x64xf32, #tpu.memory_space<vmem>> -> memref<1x128x64xf32, #tpu.memory_space<vmem>>
          %swap3A_509 = tpu.memref_squeeze %swap3A_508 : memref<1x128x64xf32, #tpu.memory_space<vmem>> -> memref<128x64xf32, #tpu.memory_space<vmem>>
          %swap3A_510 = arith.index_cast %scan3A_485 : i32 to index
          %swap3A_511 = arith.constant 0 : index
          %swap3A_512 = tpu.vector_load %swap3A_509[%swap3A_510, %swap3A_511] {strides = array<i32>} : memref<128x64xf32, #tpu.memory_space<vmem>>, vector<1x16xf32>,
          %swap3A_513 = vector.shape_cast %swap3A_512 : vector<1x16xf32> to vector<16xf32>
          %swap3A_514 = vector.shape_cast %max3A_505 : vector<16xf32> to vector<1x16xf32>
          tpu.vector_store %swap3A_509[%swap3A_510, %swap3A_511], %swap3A_514 {strides = array<i32>} : memref<128x64xf32, #tpu.memory_space<vmem>>, vector<1x16xf32>,
          %get3A_515 = arith.constant 0 : i32
          %get3A_516 = arith.constant 0 : i32
          %get3A_517 = tpu.memref_slice %arg16[%scan3A_85, %get3A_515, %get3A_516] : memref<2x128x64xf32, #tpu.memory_space<vmem>> -> memref<1x128x64xf32, #tpu.memory_space<vmem>>
          %get3A_518 = tpu.memref_squeeze %get3A_517 : memref<1x128x64xf32, #tpu.memory_space<vmem>> -> memref<128x64xf32, #tpu.memory_space<vmem>>
          %get3A_519 = arith.index_cast %scan3A_485 : i32 to index
          %get3A_520 = arith.constant 16 : index
          %get3A_521 = tpu.vector_load %get3A_518[%get3A_519, %get3A_520] {strides = array<i32>} : memref<128x64xf32, #tpu.memory_space<vmem>>, vector<1x16xf32>,
          %get3A_522 = vector.shape_cast %get3A_521 : vector<1x16xf32> to vector<16xf32>
          %get3A_523 = arith.constant 0 : i32
          %get3A_524 = arith.constant 0 : i32
          %get3A_525 = tpu.memref_slice %arg17[%scan3A_86, %get3A_523, %get3A_524] : memref<2x128x64xf32, #tpu.memory_space<vmem>> -> memref<1x128x64xf32, #tpu.memory_space<vmem>>
          %get3A_526 = tpu.memref_squeeze %get3A_525 : memref<1x128x64xf32, #tpu.memory_space<vmem>> -> memref<128x64xf32, #tpu.memory_space<vmem>>
          %get3A_527 = arith.index_cast %scan3A_485 : i32 to index
          %get3A_528 = arith.constant 16 : index
          %get3A_529 = tpu.vector_load %get3A_526[%get3A_527, %get3A_528] {strides = array<i32>} : memref<128x64xf32, #tpu.memory_space<vmem>>, vector<1x16xf32>,
          %get3A_530 = vector.shape_cast %get3A_529 : vector<1x16xf32> to vector<16xf32>
          %add3A_531 = arith.addf %get3A_522, %get3A_530 : vector<16xf32>
          %max3A_532 = arith.constant 0.000000e+00 : f32
          %max3A_533 = vector.broadcast %max3A_532 : f32 to vector<16xf32>
          %max3A_534 = arith.maximumf %add3A_531, %max3A_533 : vector<16xf32>
          %swap3A_535 = arith.constant 0 : i32
          %swap3A_536 = arith.constant 0 : i32
          %swap3A_537 = tpu.memref_slice %arg16[%scan3A_85, %swap3A_535, %swap3A_536] : memref<2x128x64xf32, #tpu.memory_space<vmem>> -> memref<1x128x64xf32, #tpu.memory_space<vmem>>
          %swap3A_538 = tpu.memref_squeeze %swap3A_537 : memref<1x128x64xf32, #tpu.memory_space<vmem>> -> memref<128x64xf32, #tpu.memory_space<vmem>>
          %swap3A_539 = arith.index_cast %scan3A_485 : i32 to index
          %swap3A_540 = arith.constant 16 : index
          %swap3A_541 = tpu.vector_load %swap3A_538[%swap3A_539, %swap3A_540] {strides = array<i32>} : memref<128x64xf32, #tpu.memory_space<vmem>>, vector<1x16xf32>,
          %swap3A_542 = vector.shape_cast %swap3A_541 : vector<1x16xf32> to vector<16xf32>
          %swap3A_543 = vector.shape_cast %max3A_534 : vector<16xf32> to vector<1x16xf32>
          tpu.vector_store %swap3A_538[%swap3A_539, %swap3A_540], %swap3A_543 {strides = array<i32>} : memref<128x64xf32, #tpu.memory_space<vmem>>, vector<1x16xf32>,
          %get3A_544 = arith.constant 0 : i32
          %get3A_545 = arith.constant 0 : i32
          %get3A_546 = tpu.memref_slice %arg16[%scan3A_85, %get3A_544, %get3A_545] : memref<2x128x64xf32, #tpu.memory_space<vmem>> -> memref<1x128x64xf32, #tpu.memory_space<vmem>>
          %get3A_547 = tpu.memref_squeeze %get3A_546 : memref<1x128x64xf32, #tpu.memory_space<vmem>> -> memref<128x64xf32, #tpu.memory_space<vmem>>
          %get3A_548 = arith.index_cast %scan3A_485 : i32 to index
          %get3A_549 = arith.constant 32 : index
          %get3A_550 = tpu.vector_load %get3A_547[%get3A_548, %get3A_549] {strides = array<i32>} : memref<128x64xf32, #tpu.memory_space<vmem>>, vector<1x16xf32>,
          %get3A_551 = vector.shape_cast %get3A_550 : vector<1x16xf32> to vector<16xf32>
          %get3A_552 = arith.constant 0 : i32
          %get3A_553 = arith.constant 0 : i32
          %get3A_554 = tpu.memref_slice %arg17[%scan3A_86, %get3A_552, %get3A_553] : memref<2x128x64xf32, #tpu.memory_space<vmem>> -> memref<1x128x64xf32, #tpu.memory_space<vmem>>
          %get3A_555 = tpu.memref_squeeze %get3A_554 : memref<1x128x64xf32, #tpu.memory_space<vmem>> -> memref<128x64xf32, #tpu.memory_space<vmem>>
          %get3A_556 = arith.index_cast %scan3A_485 : i32 to index
          %get3A_557 = arith.constant 32 : index
          %get3A_558 = tpu.vector_load %get3A_555[%get3A_556, %get3A_557] {strides = array<i32>} : memref<128x64xf32, #tpu.memory_space<vmem>>, vector<1x16xf32>,
          %get3A_559 = vector.shape_cast %get3A_558 : vector<1x16xf32> to vector<16xf32>
          %add3A_560 = arith.addf %get3A_551, %get3A_559 : vector<16xf32>
          %max3A_561 = arith.constant 0.000000e+00 : f32
          %max3A_562 = vector.broadcast %max3A_561 : f32 to vector<16xf32>
          %max3A_563 = arith.maximumf %add3A_560, %max3A_562 : vector<16xf32>
          %swap3A_564 = arith.constant 0 : i32
          %swap3A_565 = arith.constant 0 : i32
          %swap3A_566 = tpu.memref_slice %arg16[%scan3A_85, %swap3A_564, %swap3A_565] : memref<2x128x64xf32, #tpu.memory_space<vmem>> -> memref<1x128x64xf32, #tpu.memory_space<vmem>>
          %swap3A_567 = tpu.memref_squeeze %swap3A_566 : memref<1x128x64xf32, #tpu.memory_space<vmem>> -> memref<128x64xf32, #tpu.memory_space<vmem>>
          %swap3A_568 = arith.index_cast %scan3A_485 : i32 to index
          %swap3A_569 = arith.constant 32 : index
          %swap3A_570 = tpu.vector_load %swap3A_567[%swap3A_568, %swap3A_569] {strides = array<i32>} : memref<128x64xf32, #tpu.memory_space<vmem>>, vector<1x16xf32>,
          %swap3A_571 = vector.shape_cast %swap3A_570 : vector<1x16xf32> to vector<16xf32>
          %swap3A_572 = vector.shape_cast %max3A_563 : vector<16xf32> to vector<1x16xf32>
          tpu.vector_store %swap3A_567[%swap3A_568, %swap3A_569], %swap3A_572 {strides = array<i32>} : memref<128x64xf32, #tpu.memory_space<vmem>>, vector<1x16xf32>,
          %get3A_573 = arith.constant 0 : i32
          %get3A_574 = arith.constant 0 : i32
          %get3A_575 = tpu.memref_slice %arg16[%scan3A_85, %get3A_573, %get3A_574] : memref<2x128x64xf32, #tpu.memory_space<vmem>> -> memref<1x128x64xf32, #tpu.memory_space<vmem>>
          %get3A_576 = tpu.memref_squeeze %get3A_575 : memref<1x128x64xf32, #tpu.memory_space<vmem>> -> memref<128x64xf32, #tpu.memory_space<vmem>>
          %get3A_577 = arith.index_cast %scan3A_485 : i32 to index
          %get3A_578 = arith.constant 48 : index
          %get3A_579 = tpu.vector_load %get3A_576[%get3A_577, %get3A_578] {strides = array<i32>} : memref<128x64xf32, #tpu.memory_space<vmem>>, vector<1x16xf32>,
          %get3A_580 = vector.shape_cast %get3A_579 : vector<1x16xf32> to vector<16xf32>
          %get3A_581 = arith.constant 0 : i32
          %get3A_582 = arith.constant 0 : i32
          %get3A_583 = tpu.memref_slice %arg17[%scan3A_86, %get3A_581, %get3A_582] : memref<2x128x64xf32, #tpu.memory_space<vmem>> -> memref<1x128x64xf32, #tpu.memory_space<vmem>>
          %get3A_584 = tpu.memref_squeeze %get3A_583 : memref<1x128x64xf32, #tpu.memory_space<vmem>> -> memref<128x64xf32, #tpu.memory_space<vmem>>
          %get3A_585 = arith.index_cast %scan3A_485 : i32 to index
          %get3A_586 = arith.constant 48 : index
          %get3A_587 = tpu.vector_load %get3A_584[%get3A_585, %get3A_586] {strides = array<i32>} : memref<128x64xf32, #tpu.memory_space<vmem>>, vector<1x16xf32>,
          %get3A_588 = vector.shape_cast %get3A_587 : vector<1x16xf32> to vector<16xf32>
          %add3A_589 = arith.addf %get3A_580, %get3A_588 : vector<16xf32>
          %max3A_590 = arith.constant 0.000000e+00 : f32
          %max3A_591 = vector.broadcast %max3A_590 : f32 to vector<16xf32>
          %max3A_592 = arith.maximumf %add3A_589, %max3A_591 : vector<16xf32>
          %swap3A_593 = arith.constant 0 : i32
          %swap3A_594 = arith.constant 0 : i32
          %swap3A_595 = tpu.memref_slice %arg16[%scan3A_85, %swap3A_593, %swap3A_594] : memref<2x128x64xf32, #tpu.memory_space<vmem>> -> memref<1x128x64xf32, #tpu.memory_space<vmem>>
          %swap3A_596 = tpu.memref_squeeze %swap3A_595 : memref<1x128x64xf32, #tpu.memory_space<vmem>> -> memref<128x64xf32, #tpu.memory_space<vmem>>
          %swap3A_597 = arith.index_cast %scan3A_485 : i32 to index
          %swap3A_598 = arith.constant 48 : index
          %swap3A_599 = tpu.vector_load %swap3A_596[%swap3A_597, %swap3A_598] {strides = array<i32>} : memref<128x64xf32, #tpu.memory_space<vmem>>, vector<1x16xf32>,
          %swap3A_600 = vector.shape_cast %swap3A_599 : vector<1x16xf32> to vector<16xf32>
          %swap3A_601 = vector.shape_cast %max3A_592 : vector<16xf32> to vector<1x16xf32>
          tpu.vector_store %swap3A_596[%swap3A_597, %swap3A_598], %swap3A_601 {strides = array<i32>} : memref<128x64xf32, #tpu.memory_space<vmem>>, vector<1x16xf32>,
        }
        %scan3A_91 = arith.constant 128 : i32
        %run_scoped3A = arith.constant 0 : i32
        "tpu.region"() ({
          %run_scoped3A_134 = tpu.sem_alloc : memref<!tpu.dma_semaphore, #tpu.memory_space<semaphore_mem>>
          %dma_start3A_135 = arith.constant 0 : i32
          %dma_start3A_136 = arith.constant 0 : i32
          %dma_start3A_137 = tpu.memref_slice %arg16[%run_scoped3A, %dma_start3A_135, %dma_start3A_136] : memref<2x128x64xf32, #tpu.memory_space<vmem>> -> memref<1x128x64xf32, #tpu.memory_space<vmem>>
          %dma_start3A_138 = tpu.memref_squeeze %dma_start3A_137 : memref<1x128x64xf32, #tpu.memory_space<vmem>> -> memref<128x64xf32, #tpu.memory_space<vmem>>
          %dma_start3A_139 = arith.constant 0 : i32
          %dma_start3A_140 = tpu.memref_slice %arg15[%add3A_56, %dma_start3A_139] : memref<160x128xi32, #tpu.memory_space<vmem>> -> memref<1x128xi32, #tpu.memory_space<vmem>>
          %dma_start3A_141 = tpu.memref_squeeze %dma_start3A_140 : memref<1x128xi32, #tpu.memory_space<vmem>> -> memref<128xi32, #tpu.memory_space<vmem>>
          %dma_start3A_142 = arith.constant 0 : i32
          %dma_start3A_143 = arith.constant 0 : i32
          %dma_start3A_144 = tpu.memref_slice %arg19[%dma_start3A_142, %dma_start3A_143] : memref<10112x64xf32, #tpu.memory_space<vmem_shared>> -> memref<10112x64xf32, #tpu.memory_space<vmem_shared>>
          tpu.enqueue_indirect_dma source(%dma_start3A_138 : memref<128x64xf32, #tpu.memory_space<vmem>>) target(%dma_start3A_144 : memref<10112x64xf32, #tpu.memory_space<vmem_shared>>) offsets(%dma_start3A_141 : memref<128xi32, #tpu.memory_space<vmem>>) semaphore(%run_scoped3A_134 : memref<!tpu.dma_semaphore, #tpu.memory_space<semaphore_mem>>) {add = true}
          %dma_wait3A_145 = arith.constant 0 : i32
          %dma_wait3A_146 = arith.constant 0 : i32
          %dma_wait3A_147 = tpu.memref_slice %arg16[%run_scoped3A, %dma_wait3A_145, %dma_wait3A_146] : memref<2x128x64xf32, #tpu.memory_space<vmem>> -> memref<1x128x64xf32, #tpu.memory_space<vmem>>
          %dma_wait3A_148 = tpu.memref_squeeze %dma_wait3A_147 : memref<1x128x64xf32, #tpu.memory_space<vmem>> -> memref<128x64xf32, #tpu.memory_space<vmem>>
          %dma_wait3A_149 = arith.constant 0 : i32
          %dma_wait3A_150 = tpu.memref_slice %arg15[%add3A_56, %dma_wait3A_149] : memref<160x128xi32, #tpu.memory_space<vmem>> -> memref<1x128xi32, #tpu.memory_space<vmem>>
          %dma_wait3A_151 = tpu.memref_squeeze %dma_wait3A_150 : memref<1x128xi32, #tpu.memory_space<vmem>> -> memref<128xi32, #tpu.memory_space<vmem>>
          %dma_wait3A_152 = arith.constant 0 : i32
          %dma_wait3A_153 = arith.constant 0 : i32
          %dma_wait3A_154 = tpu.memref_slice %arg19[%dma_wait3A_152, %dma_wait3A_153] : memref<10112x64xf32, #tpu.memory_space<vmem_shared>> -> memref<10112x64xf32, #tpu.memory_space<vmem_shared>>
          tpu.wait_indirect_dma semaphore(%run_scoped3A_134 : memref<!tpu.dma_semaphore, #tpu.memory_space<semaphore_mem>>) src(%dma_wait3A_148 : memref<128x64xf32, #tpu.memory_space<vmem>>) dst(%dma_wait3A_154 : memref<10112x64xf32, #tpu.memory_space<vmem_shared>>)
          tpu.yield
        }) : () -> ()
        %mul3A_92 = arith.constant 2 : i32
        %mul3A_93 = arith.muli %mul3A_92, %scan3A_52 : i32
        %add3A_94 = arith.constant 1 : i32
        %add3A_95 = arith.addi %mul3A_93, %add3A_94 : i32
        %dma_wait3A_96 = arith.constant 1 : i32
        %dma_wait3A_97 = arith.constant 0 : i32
        %dma_wait3A_98 = arith.constant 0 : i32
        %dma_wait3A_99 = tpu.memref_slice %arg16[%dma_wait3A_96, %dma_wait3A_97, %dma_wait3A_98] : memref<2x128x64xf32, #tpu.memory_space<vmem>> -> memref<1x128x64xf32, #tpu.memory_space<vmem>>
        %dma_wait3A_100 = tpu.memref_squeeze %dma_wait3A_99 : memref<1x128x64xf32, #tpu.memory_space<vmem>> -> memref<128x64xf32, #tpu.memory_space<vmem>>
        %dma_wait3A_101 = arith.constant 0 : i32
        %dma_wait3A_102 = tpu.memref_slice %arg14[%add3A_95, %dma_wait3A_101] : memref<160x128xi32, #tpu.memory_space<vmem>> -> memref<1x128xi32, #tpu.memory_space<vmem>>
        %dma_wait3A_103 = tpu.memref_squeeze %dma_wait3A_102 : memref<1x128xi32, #tpu.memory_space<vmem>> -> memref<128xi32, #tpu.memory_space<vmem>>
        %dma_wait3A_104 = arith.constant 0 : i32
        %dma_wait3A_105 = arith.constant 0 : i32
        %dma_wait3A_106 = tpu.memref_slice %arg3[%dma_wait3A_104, %dma_wait3A_105] : memref<10000x64xf32, #tpu.memory_space<hbm>> -> memref<10000x64xf32, #tpu.memory_space<hbm>>
        tpu.wait_indirect_dma semaphore(%arg22 : memref<!tpu.dma_semaphore, #tpu.memory_space<semaphore_mem>>) src(%dma_wait3A_106 : memref<10000x64xf32, #tpu.memory_space<hbm>>) dst(%dma_wait3A_100 : memref<128x64xf32, #tpu.memory_space<vmem>>)
        %dma_wait3A_107 = arith.constant 1 : i32
        %dma_wait3A_108 = arith.constant 0 : i32
        %dma_wait3A_109 = arith.constant 0 : i32
        %dma_wait3A_110 = tpu.memref_slice %arg17[%dma_wait3A_107, %dma_wait3A_108, %dma_wait3A_109] : memref<2x128x64xf32, #tpu.memory_space<vmem>> -> memref<1x128x64xf32, #tpu.memory_space<vmem>>
        %dma_wait3A_111 = tpu.memref_squeeze %dma_wait3A_110 : memref<1x128x64xf32, #tpu.memory_space<vmem>> -> memref<128x64xf32, #tpu.memory_space<vmem>>
        %dma_wait3A_112 = arith.constant 0 : i32
        %dma_wait3A_113 = tpu.memref_slice %arg15[%add3A_95, %dma_wait3A_112] : memref<160x128xi32, #tpu.memory_space<vmem>> -> memref<1x128xi32, #tpu.memory_space<vmem>>
        %dma_wait3A_114 = tpu.memref_squeeze %dma_wait3A_113 : memref<1x128xi32, #tpu.memory_space<vmem>> -> memref<128xi32, #tpu.memory_space<vmem>>
        %dma_wait3A_115 = arith.constant 0 : i32
        %dma_wait3A_116 = arith.constant 0 : i32
        %dma_wait3A_117 = tpu.memref_slice %arg5[%dma_wait3A_115, %dma_wait3A_116] : memref<10000x64xf32, #tpu.memory_space<hbm>> -> memref<10000x64xf32, #tpu.memory_space<hbm>>
        tpu.wait_indirect_dma semaphore(%arg24 : memref<!tpu.dma_semaphore, #tpu.memory_space<semaphore_mem>>) src(%dma_wait3A_117 : memref<10000x64xf32, #tpu.memory_space<hbm>>) dst(%dma_wait3A_111 : memref<128x64xf32, #tpu.memory_space<vmem>>)
        %add3A_118 = arith.constant 1 : i32
        %add3A_119 = arith.addi %add3A_95, %add3A_118 : i32
        %lt3A_120 = arith.constant 160 : i32
        %lt3A_121 = arith.cmpi slt, %add3A_119, %lt3A_120 : i32
        %convert_element_type3A_122 = arith.extui %lt3A_121 : i1 to i32
        %cond3A_123 = arith.constant 0 : i32
        %cond3A_124 = arith.cmpi ne, %convert_element_type3A_122, %cond3A_123 : i32
        scf.if %cond3A_124 {
          %add3A_134 = arith.constant 1 : i32
          %add3A_135 = arith.addi %add3A_95, %add3A_134 : i32
          %dma_start3A_136 = arith.constant 0 : i32
          %dma_start3A_137 = arith.constant 0 : i32
          %dma_start3A_138 = arith.constant 0 : i32
          %dma_start3A_139 = tpu.memref_slice %arg16[%dma_start3A_136, %dma_start3A_137, %dma_start3A_138] : memref<2x128x64xf32, #tpu.memory_space<vmem>> -> memref<1x128x64xf32, #tpu.memory_space<vmem>>
          %dma_start3A_140 = tpu.memref_squeeze %dma_start3A_139 : memref<1x128x64xf32, #tpu.memory_space<vmem>> -> memref<128x64xf32, #tpu.memory_space<vmem>>
          %dma_start3A_141 = arith.constant 0 : i32
          %dma_start3A_142 = tpu.memref_slice %arg14[%add3A_135, %dma_start3A_141] : memref<160x128xi32, #tpu.memory_space<vmem>> -> memref<1x128xi32, #tpu.memory_space<vmem>>
          %dma_start3A_143 = tpu.memref_squeeze %dma_start3A_142 : memref<1x128xi32, #tpu.memory_space<vmem>> -> memref<128xi32, #tpu.memory_space<vmem>>
          %dma_start3A_144 = arith.constant 0 : i32
          %dma_start3A_145 = arith.constant 0 : i32
          %dma_start3A_146 = tpu.memref_slice %arg3[%dma_start3A_144, %dma_start3A_145] : memref<10000x64xf32, #tpu.memory_space<hbm>> -> memref<10000x64xf32, #tpu.memory_space<hbm>>
          tpu.enqueue_indirect_dma source(%dma_start3A_146 : memref<10000x64xf32, #tpu.memory_space<hbm>>) target(%dma_start3A_140 : memref<128x64xf32, #tpu.memory_space<vmem>>) offsets(%dma_start3A_143 : memref<128xi32, #tpu.memory_space<vmem>>) semaphore(%arg21 : memref<!tpu.dma_semaphore, #tpu.memory_space<semaphore_mem>>)
          %add3A_147 = arith.constant 1 : i32
          %add3A_148 = arith.addi %add3A_95, %add3A_147 : i32
          %dma_start3A_149 = arith.constant 0 : i32
          %dma_start3A_150 = arith.constant 0 : i32
          %dma_start3A_151 = arith.constant 0 : i32
          %dma_start3A_152 = tpu.memref_slice %arg17[%dma_start3A_149, %dma_start3A_150, %dma_start3A_151] : memref<2x128x64xf32, #tpu.memory_space<vmem>> -> memref<1x128x64xf32, #tpu.memory_space<vmem>>
          %dma_start3A_153 = tpu.memref_squeeze %dma_start3A_152 : memref<1x128x64xf32, #tpu.memory_space<vmem>> -> memref<128x64xf32, #tpu.memory_space<vmem>>
          %dma_start3A_154 = arith.constant 0 : i32
          %dma_start3A_155 = tpu.memref_slice %arg15[%add3A_148, %dma_start3A_154] : memref<160x128xi32, #tpu.memory_space<vmem>> -> memref<1x128xi32, #tpu.memory_space<vmem>>
          %dma_start3A_156 = tpu.memref_squeeze %dma_start3A_155 : memref<1x128xi32, #tpu.memory_space<vmem>> -> memref<128xi32, #tpu.memory_space<vmem>>
          %dma_start3A_157 = arith.constant 0 : i32
          %dma_start3A_158 = arith.constant 0 : i32
          %dma_start3A_159 = tpu.memref_slice %arg5[%dma_start3A_157, %dma_start3A_158] : memref<10000x64xf32, #tpu.memory_space<hbm>> -> memref<10000x64xf32, #tpu.memory_space<hbm>>
          tpu.enqueue_indirect_dma source(%dma_start3A_159 : memref<10000x64xf32, #tpu.memory_space<hbm>>) target(%dma_start3A_153 : memref<128x64xf32, #tpu.memory_space<vmem>>) offsets(%dma_start3A_156 : memref<128xi32, #tpu.memory_space<vmem>>) semaphore(%arg23 : memref<!tpu.dma_semaphore, #tpu.memory_space<semaphore_mem>>)
        } else {
        }
        %scan3A_125 = arith.constant 0 : i32
        %scan3A_126 = arith.constant 1 : i32
        %scan3A_127 = arith.constant 1 : i32
        %scan3A_128 = arith.constant 0 : i32
        %scan3A_129 = arith.constant 128 : i32
        %scan3A_130 = arith.addi %scan3A_128, %scan3A_129 : i32
        %scan3A_131 = arith.constant 4 : i32
        scf.for %scan3A_134 = %scan3A_128 to %scan3A_130 step %scan3A_131  : i32 {
          %get3A = arith.constant 0 : i32
          %get3A_135 = arith.constant 0 : i32
          %get3A_136 = tpu.memref_slice %arg16[%scan3A_126, %get3A, %get3A_135] : memref<2x128x64xf32, #tpu.memory_space<vmem>> -> memref<1x128x64xf32, #tpu.memory_space<vmem>>
          %get3A_137 = tpu.memref_squeeze %get3A_136 : memref<1x128x64xf32, #tpu.memory_space<vmem>> -> memref<128x64xf32, #tpu.memory_space<vmem>>
          %get3A_138 = arith.index_cast %scan3A_134 : i32 to index
          %get3A_139 = arith.constant 0 : index
          %get3A_140 = tpu.vector_load %get3A_137[%get3A_138, %get3A_139] {strides = array<i32>} : memref<128x64xf32, #tpu.memory_space<vmem>>, vector<1x16xf32>,
          %get3A_141 = vector.shape_cast %get3A_140 : vector<1x16xf32> to vector<16xf32>
          %get3A_142 = arith.constant 0 : i32
          %get3A_143 = arith.constant 0 : i32
          %get3A_144 = tpu.memref_slice %arg17[%scan3A_127, %get3A_142, %get3A_143] : memref<2x128x64xf32, #tpu.memory_space<vmem>> -> memref<1x128x64xf32, #tpu.memory_space<vmem>>
          %get3A_145 = tpu.memref_squeeze %get3A_144 : memref<1x128x64xf32, #tpu.memory_space<vmem>> -> memref<128x64xf32, #tpu.memory_space<vmem>>
          %get3A_146 = arith.index_cast %scan3A_134 : i32 to index
          %get3A_147 = arith.constant 0 : index
          %get3A_148 = tpu.vector_load %get3A_145[%get3A_146, %get3A_147] {strides = array<i32>} : memref<128x64xf32, #tpu.memory_space<vmem>>, vector<1x16xf32>,
          %get3A_149 = vector.shape_cast %get3A_148 : vector<1x16xf32> to vector<16xf32>
          %add3A_150 = arith.addf %get3A_141, %get3A_149 : vector<16xf32>
          %max3A = arith.constant 0.000000e+00 : f32
          %max3A_151 = vector.broadcast %max3A : f32 to vector<16xf32>
          %max3A_152 = arith.maximumf %add3A_150, %max3A_151 : vector<16xf32>
          %swap3A = arith.constant 0 : i32
          %swap3A_153 = arith.constant 0 : i32
          %swap3A_154 = tpu.memref_slice %arg16[%scan3A_126, %swap3A, %swap3A_153] : memref<2x128x64xf32, #tpu.memory_space<vmem>> -> memref<1x128x64xf32, #tpu.memory_space<vmem>>
          %swap3A_155 = tpu.memref_squeeze %swap3A_154 : memref<1x128x64xf32, #tpu.memory_space<vmem>> -> memref<128x64xf32, #tpu.memory_space<vmem>>
          %swap3A_156 = arith.index_cast %scan3A_134 : i32 to index
          %swap3A_157 = arith.constant 0 : index
          %swap3A_158 = tpu.vector_load %swap3A_155[%swap3A_156, %swap3A_157] {strides = array<i32>} : memref<128x64xf32, #tpu.memory_space<vmem>>, vector<1x16xf32>,
          %swap3A_159 = vector.shape_cast %swap3A_158 : vector<1x16xf32> to vector<16xf32>
          %swap3A_160 = vector.shape_cast %max3A_152 : vector<16xf32> to vector<1x16xf32>
          tpu.vector_store %swap3A_155[%swap3A_156, %swap3A_157], %swap3A_160 {strides = array<i32>} : memref<128x64xf32, #tpu.memory_space<vmem>>, vector<1x16xf32>,
          %get3A_161 = arith.constant 0 : i32
          %get3A_162 = arith.constant 0 : i32
          %get3A_163 = tpu.memref_slice %arg16[%scan3A_126, %get3A_161, %get3A_162] : memref<2x128x64xf32, #tpu.memory_space<vmem>> -> memref<1x128x64xf32, #tpu.memory_space<vmem>>
          %get3A_164 = tpu.memref_squeeze %get3A_163 : memref<1x128x64xf32, #tpu.memory_space<vmem>> -> memref<128x64xf32, #tpu.memory_space<vmem>>
          %get3A_165 = arith.index_cast %scan3A_134 : i32 to index
          %get3A_166 = arith.constant 16 : index
          %get3A_167 = tpu.vector_load %get3A_164[%get3A_165, %get3A_166] {strides = array<i32>} : memref<128x64xf32, #tpu.memory_space<vmem>>, vector<1x16xf32>,
          %get3A_168 = vector.shape_cast %get3A_167 : vector<1x16xf32> to vector<16xf32>
          %get3A_169 = arith.constant 0 : i32
          %get3A_170 = arith.constant 0 : i32
          %get3A_171 = tpu.memref_slice %arg17[%scan3A_127, %get3A_169, %get3A_170] : memref<2x128x64xf32, #tpu.memory_space<vmem>> -> memref<1x128x64xf32, #tpu.memory_space<vmem>>
          %get3A_172 = tpu.memref_squeeze %get3A_171 : memref<1x128x64xf32, #tpu.memory_space<vmem>> -> memref<128x64xf32, #tpu.memory_space<vmem>>
          %get3A_173 = arith.index_cast %scan3A_134 : i32 to index
          %get3A_174 = arith.constant 16 : index
          %get3A_175 = tpu.vector_load %get3A_172[%get3A_173, %get3A_174] {strides = array<i32>} : memref<128x64xf32, #tpu.memory_space<vmem>>, vector<1x16xf32>,
          %get3A_176 = vector.shape_cast %get3A_175 : vector<1x16xf32> to vector<16xf32>
          %add3A_177 = arith.addf %get3A_168, %get3A_176 : vector<16xf32>
          %max3A_178 = arith.constant 0.000000e+00 : f32
          %max3A_179 = vector.broadcast %max3A_178 : f32 to vector<16xf32>
          %max3A_180 = arith.maximumf %add3A_177, %max3A_179 : vector<16xf32>
          %swap3A_181 = arith.constant 0 : i32
          %swap3A_182 = arith.constant 0 : i32
          %swap3A_183 = tpu.memref_slice %arg16[%scan3A_126, %swap3A_181, %swap3A_182] : memref<2x128x64xf32, #tpu.memory_space<vmem>> -> memref<1x128x64xf32, #tpu.memory_space<vmem>>
          %swap3A_184 = tpu.memref_squeeze %swap3A_183 : memref<1x128x64xf32, #tpu.memory_space<vmem>> -> memref<128x64xf32, #tpu.memory_space<vmem>>
          %swap3A_185 = arith.index_cast %scan3A_134 : i32 to index
          %swap3A_186 = arith.constant 16 : index
          %swap3A_187 = tpu.vector_load %swap3A_184[%swap3A_185, %swap3A_186] {strides = array<i32>} : memref<128x64xf32, #tpu.memory_space<vmem>>, vector<1x16xf32>,
          %swap3A_188 = vector.shape_cast %swap3A_187 : vector<1x16xf32> to vector<16xf32>
          %swap3A_189 = vector.shape_cast %max3A_180 : vector<16xf32> to vector<1x16xf32>
          tpu.vector_store %swap3A_184[%swap3A_185, %swap3A_186], %swap3A_189 {strides = array<i32>} : memref<128x64xf32, #tpu.memory_space<vmem>>, vector<1x16xf32>,
          %get3A_190 = arith.constant 0 : i32
          %get3A_191 = arith.constant 0 : i32
          %get3A_192 = tpu.memref_slice %arg16[%scan3A_126, %get3A_190, %get3A_191] : memref<2x128x64xf32, #tpu.memory_space<vmem>> -> memref<1x128x64xf32, #tpu.memory_space<vmem>>
          %get3A_193 = tpu.memref_squeeze %get3A_192 : memref<1x128x64xf32, #tpu.memory_space<vmem>> -> memref<128x64xf32, #tpu.memory_space<vmem>>
          %get3A_194 = arith.index_cast %scan3A_134 : i32 to index
          %get3A_195 = arith.constant 32 : index
          %get3A_196 = tpu.vector_load %get3A_193[%get3A_194, %get3A_195] {strides = array<i32>} : memref<128x64xf32, #tpu.memory_space<vmem>>, vector<1x16xf32>,
          %get3A_197 = vector.shape_cast %get3A_196 : vector<1x16xf32> to vector<16xf32>
          %get3A_198 = arith.constant 0 : i32
          %get3A_199 = arith.constant 0 : i32
          %get3A_200 = tpu.memref_slice %arg17[%scan3A_127, %get3A_198, %get3A_199] : memref<2x128x64xf32, #tpu.memory_space<vmem>> -> memref<1x128x64xf32, #tpu.memory_space<vmem>>
          %get3A_201 = tpu.memref_squeeze %get3A_200 : memref<1x128x64xf32, #tpu.memory_space<vmem>> -> memref<128x64xf32, #tpu.memory_space<vmem>>
          %get3A_202 = arith.index_cast %scan3A_134 : i32 to index
          %get3A_203 = arith.constant 32 : index
          %get3A_204 = tpu.vector_load %get3A_201[%get3A_202, %get3A_203] {strides = array<i32>} : memref<128x64xf32, #tpu.memory_space<vmem>>, vector<1x16xf32>,
          %get3A_205 = vector.shape_cast %get3A_204 : vector<1x16xf32> to vector<16xf32>
          %add3A_206 = arith.addf %get3A_197, %get3A_205 : vector<16xf32>
          %max3A_207 = arith.constant 0.000000e+00 : f32
          %max3A_208 = vector.broadcast %max3A_207 : f32 to vector<16xf32>
          %max3A_209 = arith.maximumf %add3A_206, %max3A_208 : vector<16xf32>
          %swap3A_210 = arith.constant 0 : i32
          %swap3A_211 = arith.constant 0 : i32
          %swap3A_212 = tpu.memref_slice %arg16[%scan3A_126, %swap3A_210, %swap3A_211] : memref<2x128x64xf32, #tpu.memory_space<vmem>> -> memref<1x128x64xf32, #tpu.memory_space<vmem>>
          %swap3A_213 = tpu.memref_squeeze %swap3A_212 : memref<1x128x64xf32, #tpu.memory_space<vmem>> -> memref<128x64xf32, #tpu.memory_space<vmem>>
          %swap3A_214 = arith.index_cast %scan3A_134 : i32 to index
          %swap3A_215 = arith.constant 32 : index
          %swap3A_216 = tpu.vector_load %swap3A_213[%swap3A_214, %swap3A_215] {strides = array<i32>} : memref<128x64xf32, #tpu.memory_space<vmem>>, vector<1x16xf32>,
          %swap3A_217 = vector.shape_cast %swap3A_216 : vector<1x16xf32> to vector<16xf32>
          %swap3A_218 = vector.shape_cast %max3A_209 : vector<16xf32> to vector<1x16xf32>
          tpu.vector_store %swap3A_213[%swap3A_214, %swap3A_215], %swap3A_218 {strides = array<i32>} : memref<128x64xf32, #tpu.memory_space<vmem>>, vector<1x16xf32>,
          %get3A_219 = arith.constant 0 : i32
          %get3A_220 = arith.constant 0 : i32
          %get3A_221 = tpu.memref_slice %arg16[%scan3A_126, %get3A_219, %get3A_220] : memref<2x128x64xf32, #tpu.memory_space<vmem>> -> memref<1x128x64xf32, #tpu.memory_space<vmem>>
          %get3A_222 = tpu.memref_squeeze %get3A_221 : memref<1x128x64xf32, #tpu.memory_space<vmem>> -> memref<128x64xf32, #tpu.memory_space<vmem>>
          %get3A_223 = arith.index_cast %scan3A_134 : i32 to index
          %get3A_224 = arith.constant 48 : index
          %get3A_225 = tpu.vector_load %get3A_222[%get3A_223, %get3A_224] {strides = array<i32>} : memref<128x64xf32, #tpu.memory_space<vmem>>, vector<1x16xf32>,
          %get3A_226 = vector.shape_cast %get3A_225 : vector<1x16xf32> to vector<16xf32>
          %get3A_227 = arith.constant 0 : i32
          %get3A_228 = arith.constant 0 : i32
          %get3A_229 = tpu.memref_slice %arg17[%scan3A_127, %get3A_227, %get3A_228] : memref<2x128x64xf32, #tpu.memory_space<vmem>> -> memref<1x128x64xf32, #tpu.memory_space<vmem>>
          %get3A_230 = tpu.memref_squeeze %get3A_229 : memref<1x128x64xf32, #tpu.memory_space<vmem>> -> memref<128x64xf32, #tpu.memory_space<vmem>>
          %get3A_231 = arith.index_cast %scan3A_134 : i32 to index
          %get3A_232 = arith.constant 48 : index
          %get3A_233 = tpu.vector_load %get3A_230[%get3A_231, %get3A_232] {strides = array<i32>} : memref<128x64xf32, #tpu.memory_space<vmem>>, vector<1x16xf32>,
          %get3A_234 = vector.shape_cast %get3A_233 : vector<1x16xf32> to vector<16xf32>
          %add3A_235 = arith.addf %get3A_226, %get3A_234 : vector<16xf32>
          %max3A_236 = arith.constant 0.000000e+00 : f32
          %max3A_237 = vector.broadcast %max3A_236 : f32 to vector<16xf32>
          %max3A_238 = arith.maximumf %add3A_235, %max3A_237 : vector<16xf32>
          %swap3A_239 = arith.constant 0 : i32
          %swap3A_240 = arith.constant 0 : i32
          %swap3A_241 = tpu.memref_slice %arg16[%scan3A_126, %swap3A_239, %swap3A_240] : memref<2x128x64xf32, #tpu.memory_space<vmem>> -> memref<1x128x64xf32, #tpu.memory_space<vmem>>
          %swap3A_242 = tpu.memref_squeeze %swap3A_241 : memref<1x128x64xf32, #tpu.memory_space<vmem>> -> memref<128x64xf32, #tpu.memory_space<vmem>>
          %swap3A_243 = arith.index_cast %scan3A_134 : i32 to index
          %swap3A_244 = arith.constant 48 : index
          %swap3A_245 = tpu.vector_load %swap3A_242[%swap3A_243, %swap3A_244] {strides = array<i32>} : memref<128x64xf32, #tpu.memory_space<vmem>>, vector<1x16xf32>,
          %swap3A_246 = vector.shape_cast %swap3A_245 : vector<1x16xf32> to vector<16xf32>
          %swap3A_247 = vector.shape_cast %max3A_238 : vector<16xf32> to vector<1x16xf32>
          tpu.vector_store %swap3A_242[%swap3A_243, %swap3A_244], %swap3A_247 {strides = array<i32>} : memref<128x64xf32, #tpu.memory_space<vmem>>, vector<1x16xf32>,
          %scan3A_248 = arith.constant 1 : i32
          %scan3A_249 = arith.addi %scan3A_134, %scan3A_248 : i32
          %get3A_250 = arith.constant 0 : i32
          %get3A_251 = arith.constant 0 : i32
          %get3A_252 = tpu.memref_slice %arg16[%scan3A_126, %get3A_250, %get3A_251] : memref<2x128x64xf32, #tpu.memory_space<vmem>> -> memref<1x128x64xf32, #tpu.memory_space<vmem>>
          %get3A_253 = tpu.memref_squeeze %get3A_252 : memref<1x128x64xf32, #tpu.memory_space<vmem>> -> memref<128x64xf32, #tpu.memory_space<vmem>>
          %get3A_254 = arith.index_cast %scan3A_249 : i32 to index
          %get3A_255 = arith.constant 0 : index
          %get3A_256 = tpu.vector_load %get3A_253[%get3A_254, %get3A_255] {strides = array<i32>} : memref<128x64xf32, #tpu.memory_space<vmem>>, vector<1x16xf32>,
          %get3A_257 = vector.shape_cast %get3A_256 : vector<1x16xf32> to vector<16xf32>
          %get3A_258 = arith.constant 0 : i32
          %get3A_259 = arith.constant 0 : i32
          %get3A_260 = tpu.memref_slice %arg17[%scan3A_127, %get3A_258, %get3A_259] : memref<2x128x64xf32, #tpu.memory_space<vmem>> -> memref<1x128x64xf32, #tpu.memory_space<vmem>>
          %get3A_261 = tpu.memref_squeeze %get3A_260 : memref<1x128x64xf32, #tpu.memory_space<vmem>> -> memref<128x64xf32, #tpu.memory_space<vmem>>
          %get3A_262 = arith.index_cast %scan3A_249 : i32 to index
          %get3A_263 = arith.constant 0 : index
          %get3A_264 = tpu.vector_load %get3A_261[%get3A_262, %get3A_263] {strides = array<i32>} : memref<128x64xf32, #tpu.memory_space<vmem>>, vector<1x16xf32>,
          %get3A_265 = vector.shape_cast %get3A_264 : vector<1x16xf32> to vector<16xf32>
          %add3A_266 = arith.addf %get3A_257, %get3A_265 : vector<16xf32>
          %max3A_267 = arith.constant 0.000000e+00 : f32
          %max3A_268 = vector.broadcast %max3A_267 : f32 to vector<16xf32>
          %max3A_269 = arith.maximumf %add3A_266, %max3A_268 : vector<16xf32>
          %swap3A_270 = arith.constant 0 : i32
          %swap3A_271 = arith.constant 0 : i32
          %swap3A_272 = tpu.memref_slice %arg16[%scan3A_126, %swap3A_270, %swap3A_271] : memref<2x128x64xf32, #tpu.memory_space<vmem>> -> memref<1x128x64xf32, #tpu.memory_space<vmem>>
          %swap3A_273 = tpu.memref_squeeze %swap3A_272 : memref<1x128x64xf32, #tpu.memory_space<vmem>> -> memref<128x64xf32, #tpu.memory_space<vmem>>
          %swap3A_274 = arith.index_cast %scan3A_249 : i32 to index
          %swap3A_275 = arith.constant 0 : index
          %swap3A_276 = tpu.vector_load %swap3A_273[%swap3A_274, %swap3A_275] {strides = array<i32>} : memref<128x64xf32, #tpu.memory_space<vmem>>, vector<1x16xf32>,
          %swap3A_277 = vector.shape_cast %swap3A_276 : vector<1x16xf32> to vector<16xf32>
          %swap3A_278 = vector.shape_cast %max3A_269 : vector<16xf32> to vector<1x16xf32>
          tpu.vector_store %swap3A_273[%swap3A_274, %swap3A_275], %swap3A_278 {strides = array<i32>} : memref<128x64xf32, #tpu.memory_space<vmem>>, vector<1x16xf32>,
          %get3A_279 = arith.constant 0 : i32
          %get3A_280 = arith.constant 0 : i32
          %get3A_281 = tpu.memref_slice %arg16[%scan3A_126, %get3A_279, %get3A_280] : memref<2x128x64xf32, #tpu.memory_space<vmem>> -> memref<1x128x64xf32, #tpu.memory_space<vmem>>
          %get3A_282 = tpu.memref_squeeze %get3A_281 : memref<1x128x64xf32, #tpu.memory_space<vmem>> -> memref<128x64xf32, #tpu.memory_space<vmem>>
          %get3A_283 = arith.index_cast %scan3A_249 : i32 to index
          %get3A_284 = arith.constant 16 : index
          %get3A_285 = tpu.vector_load %get3A_282[%get3A_283, %get3A_284] {strides = array<i32>} : memref<128x64xf32, #tpu.memory_space<vmem>>, vector<1x16xf32>,
          %get3A_286 = vector.shape_cast %get3A_285 : vector<1x16xf32> to vector<16xf32>
          %get3A_287 = arith.constant 0 : i32
          %get3A_288 = arith.constant 0 : i32
          %get3A_289 = tpu.memref_slice %arg17[%scan3A_127, %get3A_287, %get3A_288] : memref<2x128x64xf32, #tpu.memory_space<vmem>> -> memref<1x128x64xf32, #tpu.memory_space<vmem>>
          %get3A_290 = tpu.memref_squeeze %get3A_289 : memref<1x128x64xf32, #tpu.memory_space<vmem>> -> memref<128x64xf32, #tpu.memory_space<vmem>>
          %get3A_291 = arith.index_cast %scan3A_249 : i32 to index
          %get3A_292 = arith.constant 16 : index
          %get3A_293 = tpu.vector_load %get3A_290[%get3A_291, %get3A_292] {strides = array<i32>} : memref<128x64xf32, #tpu.memory_space<vmem>>, vector<1x16xf32>,
          %get3A_294 = vector.shape_cast %get3A_293 : vector<1x16xf32> to vector<16xf32>
          %add3A_295 = arith.addf %get3A_286, %get3A_294 : vector<16xf32>
          %max3A_296 = arith.constant 0.000000e+00 : f32
          %max3A_297 = vector.broadcast %max3A_296 : f32 to vector<16xf32>
          %max3A_298 = arith.maximumf %add3A_295, %max3A_297 : vector<16xf32>
          %swap3A_299 = arith.constant 0 : i32
          %swap3A_300 = arith.constant 0 : i32
          %swap3A_301 = tpu.memref_slice %arg16[%scan3A_126, %swap3A_299, %swap3A_300] : memref<2x128x64xf32, #tpu.memory_space<vmem>> -> memref<1x128x64xf32, #tpu.memory_space<vmem>>
          %swap3A_302 = tpu.memref_squeeze %swap3A_301 : memref<1x128x64xf32, #tpu.memory_space<vmem>> -> memref<128x64xf32, #tpu.memory_space<vmem>>
          %swap3A_303 = arith.index_cast %scan3A_249 : i32 to index
          %swap3A_304 = arith.constant 16 : index
          %swap3A_305 = tpu.vector_load %swap3A_302[%swap3A_303, %swap3A_304] {strides = array<i32>} : memref<128x64xf32, #tpu.memory_space<vmem>>, vector<1x16xf32>,
          %swap3A_306 = vector.shape_cast %swap3A_305 : vector<1x16xf32> to vector<16xf32>
          %swap3A_307 = vector.shape_cast %max3A_298 : vector<16xf32> to vector<1x16xf32>
          tpu.vector_store %swap3A_302[%swap3A_303, %swap3A_304], %swap3A_307 {strides = array<i32>} : memref<128x64xf32, #tpu.memory_space<vmem>>, vector<1x16xf32>,
          %get3A_308 = arith.constant 0 : i32
          %get3A_309 = arith.constant 0 : i32
          %get3A_310 = tpu.memref_slice %arg16[%scan3A_126, %get3A_308, %get3A_309] : memref<2x128x64xf32, #tpu.memory_space<vmem>> -> memref<1x128x64xf32, #tpu.memory_space<vmem>>
          %get3A_311 = tpu.memref_squeeze %get3A_310 : memref<1x128x64xf32, #tpu.memory_space<vmem>> -> memref<128x64xf32, #tpu.memory_space<vmem>>
          %get3A_312 = arith.index_cast %scan3A_249 : i32 to index
          %get3A_313 = arith.constant 32 : index
          %get3A_314 = tpu.vector_load %get3A_311[%get3A_312, %get3A_313] {strides = array<i32>} : memref<128x64xf32, #tpu.memory_space<vmem>>, vector<1x16xf32>,
          %get3A_315 = vector.shape_cast %get3A_314 : vector<1x16xf32> to vector<16xf32>
          %get3A_316 = arith.constant 0 : i32
          %get3A_317 = arith.constant 0 : i32
          %get3A_318 = tpu.memref_slice %arg17[%scan3A_127, %get3A_316, %get3A_317] : memref<2x128x64xf32, #tpu.memory_space<vmem>> -> memref<1x128x64xf32, #tpu.memory_space<vmem>>
          %get3A_319 = tpu.memref_squeeze %get3A_318 : memref<1x128x64xf32, #tpu.memory_space<vmem>> -> memref<128x64xf32, #tpu.memory_space<vmem>>
          %get3A_320 = arith.index_cast %scan3A_249 : i32 to index
          %get3A_321 = arith.constant 32 : index
          %get3A_322 = tpu.vector_load %get3A_319[%get3A_320, %get3A_321] {strides = array<i32>} : memref<128x64xf32, #tpu.memory_space<vmem>>, vector<1x16xf32>,
          %get3A_323 = vector.shape_cast %get3A_322 : vector<1x16xf32> to vector<16xf32>
          %add3A_324 = arith.addf %get3A_315, %get3A_323 : vector<16xf32>
          %max3A_325 = arith.constant 0.000000e+00 : f32
          %max3A_326 = vector.broadcast %max3A_325 : f32 to vector<16xf32>
          %max3A_327 = arith.maximumf %add3A_324, %max3A_326 : vector<16xf32>
          %swap3A_328 = arith.constant 0 : i32
          %swap3A_329 = arith.constant 0 : i32
          %swap3A_330 = tpu.memref_slice %arg16[%scan3A_126, %swap3A_328, %swap3A_329] : memref<2x128x64xf32, #tpu.memory_space<vmem>> -> memref<1x128x64xf32, #tpu.memory_space<vmem>>
          %swap3A_331 = tpu.memref_squeeze %swap3A_330 : memref<1x128x64xf32, #tpu.memory_space<vmem>> -> memref<128x64xf32, #tpu.memory_space<vmem>>
          %swap3A_332 = arith.index_cast %scan3A_249 : i32 to index
          %swap3A_333 = arith.constant 32 : index
          %swap3A_334 = tpu.vector_load %swap3A_331[%swap3A_332, %swap3A_333] {strides = array<i32>} : memref<128x64xf32, #tpu.memory_space<vmem>>, vector<1x16xf32>,
          %swap3A_335 = vector.shape_cast %swap3A_334 : vector<1x16xf32> to vector<16xf32>
          %swap3A_336 = vector.shape_cast %max3A_327 : vector<16xf32> to vector<1x16xf32>
          tpu.vector_store %swap3A_331[%swap3A_332, %swap3A_333], %swap3A_336 {strides = array<i32>} : memref<128x64xf32, #tpu.memory_space<vmem>>, vector<1x16xf32>,
          %get3A_337 = arith.constant 0 : i32
          %get3A_338 = arith.constant 0 : i32
          %get3A_339 = tpu.memref_slice %arg16[%scan3A_126, %get3A_337, %get3A_338] : memref<2x128x64xf32, #tpu.memory_space<vmem>> -> memref<1x128x64xf32, #tpu.memory_space<vmem>>
          %get3A_340 = tpu.memref_squeeze %get3A_339 : memref<1x128x64xf32, #tpu.memory_space<vmem>> -> memref<128x64xf32, #tpu.memory_space<vmem>>
          %get3A_341 = arith.index_cast %scan3A_249 : i32 to index
          %get3A_342 = arith.constant 48 : index
          %get3A_343 = tpu.vector_load %get3A_340[%get3A_341, %get3A_342] {strides = array<i32>} : memref<128x64xf32, #tpu.memory_space<vmem>>, vector<1x16xf32>,
          %get3A_344 = vector.shape_cast %get3A_343 : vector<1x16xf32> to vector<16xf32>
          %get3A_345 = arith.constant 0 : i32
          %get3A_346 = arith.constant 0 : i32
          %get3A_347 = tpu.memref_slice %arg17[%scan3A_127, %get3A_345, %get3A_346] : memref<2x128x64xf32, #tpu.memory_space<vmem>> -> memref<1x128x64xf32, #tpu.memory_space<vmem>>
          %get3A_348 = tpu.memref_squeeze %get3A_347 : memref<1x128x64xf32, #tpu.memory_space<vmem>> -> memref<128x64xf32, #tpu.memory_space<vmem>>
          %get3A_349 = arith.index_cast %scan3A_249 : i32 to index
          %get3A_350 = arith.constant 48 : index
          %get3A_351 = tpu.vector_load %get3A_348[%get3A_349, %get3A_350] {strides = array<i32>} : memref<128x64xf32, #tpu.memory_space<vmem>>, vector<1x16xf32>,
          %get3A_352 = vector.shape_cast %get3A_351 : vector<1x16xf32> to vector<16xf32>
          %add3A_353 = arith.addf %get3A_344, %get3A_352 : vector<16xf32>
          %max3A_354 = arith.constant 0.000000e+00 : f32
          %max3A_355 = vector.broadcast %max3A_354 : f32 to vector<16xf32>
          %max3A_356 = arith.maximumf %add3A_353, %max3A_355 : vector<16xf32>
          %swap3A_357 = arith.constant 0 : i32
          %swap3A_358 = arith.constant 0 : i32
          %swap3A_359 = tpu.memref_slice %arg16[%scan3A_126, %swap3A_357, %swap3A_358] : memref<2x128x64xf32, #tpu.memory_space<vmem>> -> memref<1x128x64xf32, #tpu.memory_space<vmem>>
          %swap3A_360 = tpu.memref_squeeze %swap3A_359 : memref<1x128x64xf32, #tpu.memory_space<vmem>> -> memref<128x64xf32, #tpu.memory_space<vmem>>
          %swap3A_361 = arith.index_cast %scan3A_249 : i32 to index
          %swap3A_362 = arith.constant 48 : index
          %swap3A_363 = tpu.vector_load %swap3A_360[%swap3A_361, %swap3A_362] {strides = array<i32>} : memref<128x64xf32, #tpu.memory_space<vmem>>, vector<1x16xf32>,
          %swap3A_364 = vector.shape_cast %swap3A_363 : vector<1x16xf32> to vector<16xf32>
          %swap3A_365 = vector.shape_cast %max3A_356 : vector<16xf32> to vector<1x16xf32>
          tpu.vector_store %swap3A_360[%swap3A_361, %swap3A_362], %swap3A_365 {strides = array<i32>} : memref<128x64xf32, #tpu.memory_space<vmem>>, vector<1x16xf32>,
          %scan3A_366 = arith.constant 2 : i32
          %scan3A_367 = arith.addi %scan3A_134, %scan3A_366 : i32
          %get3A_368 = arith.constant 0 : i32
          %get3A_369 = arith.constant 0 : i32
          %get3A_370 = tpu.memref_slice %arg16[%scan3A_126, %get3A_368, %get3A_369] : memref<2x128x64xf32, #tpu.memory_space<vmem>> -> memref<1x128x64xf32, #tpu.memory_space<vmem>>
          %get3A_371 = tpu.memref_squeeze %get3A_370 : memref<1x128x64xf32, #tpu.memory_space<vmem>> -> memref<128x64xf32, #tpu.memory_space<vmem>>
          %get3A_372 = arith.index_cast %scan3A_367 : i32 to index
          %get3A_373 = arith.constant 0 : index
          %get3A_374 = tpu.vector_load %get3A_371[%get3A_372, %get3A_373] {strides = array<i32>} : memref<128x64xf32, #tpu.memory_space<vmem>>, vector<1x16xf32>,
          %get3A_375 = vector.shape_cast %get3A_374 : vector<1x16xf32> to vector<16xf32>
          %get3A_376 = arith.constant 0 : i32
          %get3A_377 = arith.constant 0 : i32
          %get3A_378 = tpu.memref_slice %arg17[%scan3A_127, %get3A_376, %get3A_377] : memref<2x128x64xf32, #tpu.memory_space<vmem>> -> memref<1x128x64xf32, #tpu.memory_space<vmem>>
          %get3A_379 = tpu.memref_squeeze %get3A_378 : memref<1x128x64xf32, #tpu.memory_space<vmem>> -> memref<128x64xf32, #tpu.memory_space<vmem>>
          %get3A_380 = arith.index_cast %scan3A_367 : i32 to index
          %get3A_381 = arith.constant 0 : index
          %get3A_382 = tpu.vector_load %get3A_379[%get3A_380, %get3A_381] {strides = array<i32>} : memref<128x64xf32, #tpu.memory_space<vmem>>, vector<1x16xf32>,
          %get3A_383 = vector.shape_cast %get3A_382 : vector<1x16xf32> to vector<16xf32>
          %add3A_384 = arith.addf %get3A_375, %get3A_383 : vector<16xf32>
          %max3A_385 = arith.constant 0.000000e+00 : f32
          %max3A_386 = vector.broadcast %max3A_385 : f32 to vector<16xf32>
          %max3A_387 = arith.maximumf %add3A_384, %max3A_386 : vector<16xf32>
          %swap3A_388 = arith.constant 0 : i32
          %swap3A_389 = arith.constant 0 : i32
          %swap3A_390 = tpu.memref_slice %arg16[%scan3A_126, %swap3A_388, %swap3A_389] : memref<2x128x64xf32, #tpu.memory_space<vmem>> -> memref<1x128x64xf32, #tpu.memory_space<vmem>>
          %swap3A_391 = tpu.memref_squeeze %swap3A_390 : memref<1x128x64xf32, #tpu.memory_space<vmem>> -> memref<128x64xf32, #tpu.memory_space<vmem>>
          %swap3A_392 = arith.index_cast %scan3A_367 : i32 to index
          %swap3A_393 = arith.constant 0 : index
          %swap3A_394 = tpu.vector_load %swap3A_391[%swap3A_392, %swap3A_393] {strides = array<i32>} : memref<128x64xf32, #tpu.memory_space<vmem>>, vector<1x16xf32>,
          %swap3A_395 = vector.shape_cast %swap3A_394 : vector<1x16xf32> to vector<16xf32>
          %swap3A_396 = vector.shape_cast %max3A_387 : vector<16xf32> to vector<1x16xf32>
          tpu.vector_store %swap3A_391[%swap3A_392, %swap3A_393], %swap3A_396 {strides = array<i32>} : memref<128x64xf32, #tpu.memory_space<vmem>>, vector<1x16xf32>,
          %get3A_397 = arith.constant 0 : i32
          %get3A_398 = arith.constant 0 : i32
          %get3A_399 = tpu.memref_slice %arg16[%scan3A_126, %get3A_397, %get3A_398] : memref<2x128x64xf32, #tpu.memory_space<vmem>> -> memref<1x128x64xf32, #tpu.memory_space<vmem>>
          %get3A_400 = tpu.memref_squeeze %get3A_399 : memref<1x128x64xf32, #tpu.memory_space<vmem>> -> memref<128x64xf32, #tpu.memory_space<vmem>>
          %get3A_401 = arith.index_cast %scan3A_367 : i32 to index
          %get3A_402 = arith.constant 16 : index
          %get3A_403 = tpu.vector_load %get3A_400[%get3A_401, %get3A_402] {strides = array<i32>} : memref<128x64xf32, #tpu.memory_space<vmem>>, vector<1x16xf32>,
          %get3A_404 = vector.shape_cast %get3A_403 : vector<1x16xf32> to vector<16xf32>
          %get3A_405 = arith.constant 0 : i32
          %get3A_406 = arith.constant 0 : i32
          %get3A_407 = tpu.memref_slice %arg17[%scan3A_127, %get3A_405, %get3A_406] : memref<2x128x64xf32, #tpu.memory_space<vmem>> -> memref<1x128x64xf32, #tpu.memory_space<vmem>>
          %get3A_408 = tpu.memref_squeeze %get3A_407 : memref<1x128x64xf32, #tpu.memory_space<vmem>> -> memref<128x64xf32, #tpu.memory_space<vmem>>
          %get3A_409 = arith.index_cast %scan3A_367 : i32 to index
          %get3A_410 = arith.constant 16 : index
          %get3A_411 = tpu.vector_load %get3A_408[%get3A_409, %get3A_410] {strides = array<i32>} : memref<128x64xf32, #tpu.memory_space<vmem>>, vector<1x16xf32>,
          %get3A_412 = vector.shape_cast %get3A_411 : vector<1x16xf32> to vector<16xf32>
          %add3A_413 = arith.addf %get3A_404, %get3A_412 : vector<16xf32>
          %max3A_414 = arith.constant 0.000000e+00 : f32
          %max3A_415 = vector.broadcast %max3A_414 : f32 to vector<16xf32>
          %max3A_416 = arith.maximumf %add3A_413, %max3A_415 : vector<16xf32>
          %swap3A_417 = arith.constant 0 : i32
          %swap3A_418 = arith.constant 0 : i32
          %swap3A_419 = tpu.memref_slice %arg16[%scan3A_126, %swap3A_417, %swap3A_418] : memref<2x128x64xf32, #tpu.memory_space<vmem>> -> memref<1x128x64xf32, #tpu.memory_space<vmem>>
          %swap3A_420 = tpu.memref_squeeze %swap3A_419 : memref<1x128x64xf32, #tpu.memory_space<vmem>> -> memref<128x64xf32, #tpu.memory_space<vmem>>
          %swap3A_421 = arith.index_cast %scan3A_367 : i32 to index
          %swap3A_422 = arith.constant 16 : index
          %swap3A_423 = tpu.vector_load %swap3A_420[%swap3A_421, %swap3A_422] {strides = array<i32>} : memref<128x64xf32, #tpu.memory_space<vmem>>, vector<1x16xf32>,
          %swap3A_424 = vector.shape_cast %swap3A_423 : vector<1x16xf32> to vector<16xf32>
          %swap3A_425 = vector.shape_cast %max3A_416 : vector<16xf32> to vector<1x16xf32>
          tpu.vector_store %swap3A_420[%swap3A_421, %swap3A_422], %swap3A_425 {strides = array<i32>} : memref<128x64xf32, #tpu.memory_space<vmem>>, vector<1x16xf32>,
          %get3A_426 = arith.constant 0 : i32
          %get3A_427 = arith.constant 0 : i32
          %get3A_428 = tpu.memref_slice %arg16[%scan3A_126, %get3A_426, %get3A_427] : memref<2x128x64xf32, #tpu.memory_space<vmem>> -> memref<1x128x64xf32, #tpu.memory_space<vmem>>
          %get3A_429 = tpu.memref_squeeze %get3A_428 : memref<1x128x64xf32, #tpu.memory_space<vmem>> -> memref<128x64xf32, #tpu.memory_space<vmem>>
          %get3A_430 = arith.index_cast %scan3A_367 : i32 to index
          %get3A_431 = arith.constant 32 : index
          %get3A_432 = tpu.vector_load %get3A_429[%get3A_430, %get3A_431] {strides = array<i32>} : memref<128x64xf32, #tpu.memory_space<vmem>>, vector<1x16xf32>,
          %get3A_433 = vector.shape_cast %get3A_432 : vector<1x16xf32> to vector<16xf32>
          %get3A_434 = arith.constant 0 : i32
          %get3A_435 = arith.constant 0 : i32
          %get3A_436 = tpu.memref_slice %arg17[%scan3A_127, %get3A_434, %get3A_435] : memref<2x128x64xf32, #tpu.memory_space<vmem>> -> memref<1x128x64xf32, #tpu.memory_space<vmem>>
          %get3A_437 = tpu.memref_squeeze %get3A_436 : memref<1x128x64xf32, #tpu.memory_space<vmem>> -> memref<128x64xf32, #tpu.memory_space<vmem>>
          %get3A_438 = arith.index_cast %scan3A_367 : i32 to index
          %get3A_439 = arith.constant 32 : index
          %get3A_440 = tpu.vector_load %get3A_437[%get3A_438, %get3A_439] {strides = array<i32>} : memref<128x64xf32, #tpu.memory_space<vmem>>, vector<1x16xf32>,
          %get3A_441 = vector.shape_cast %get3A_440 : vector<1x16xf32> to vector<16xf32>
          %add3A_442 = arith.addf %get3A_433, %get3A_441 : vector<16xf32>
          %max3A_443 = arith.constant 0.000000e+00 : f32
          %max3A_444 = vector.broadcast %max3A_443 : f32 to vector<16xf32>
          %max3A_445 = arith.maximumf %add3A_442, %max3A_444 : vector<16xf32>
          %swap3A_446 = arith.constant 0 : i32
          %swap3A_447 = arith.constant 0 : i32
          %swap3A_448 = tpu.memref_slice %arg16[%scan3A_126, %swap3A_446, %swap3A_447] : memref<2x128x64xf32, #tpu.memory_space<vmem>> -> memref<1x128x64xf32, #tpu.memory_space<vmem>>
          %swap3A_449 = tpu.memref_squeeze %swap3A_448 : memref<1x128x64xf32, #tpu.memory_space<vmem>> -> memref<128x64xf32, #tpu.memory_space<vmem>>
          %swap3A_450 = arith.index_cast %scan3A_367 : i32 to index
          %swap3A_451 = arith.constant 32 : index
          %swap3A_452 = tpu.vector_load %swap3A_449[%swap3A_450, %swap3A_451] {strides = array<i32>} : memref<128x64xf32, #tpu.memory_space<vmem>>, vector<1x16xf32>,
          %swap3A_453 = vector.shape_cast %swap3A_452 : vector<1x16xf32> to vector<16xf32>
          %swap3A_454 = vector.shape_cast %max3A_445 : vector<16xf32> to vector<1x16xf32>
          tpu.vector_store %swap3A_449[%swap3A_450, %swap3A_451], %swap3A_454 {strides = array<i32>} : memref<128x64xf32, #tpu.memory_space<vmem>>, vector<1x16xf32>,
          %get3A_455 = arith.constant 0 : i32
          %get3A_456 = arith.constant 0 : i32
          %get3A_457 = tpu.memref_slice %arg16[%scan3A_126, %get3A_455, %get3A_456] : memref<2x128x64xf32, #tpu.memory_space<vmem>> -> memref<1x128x64xf32, #tpu.memory_space<vmem>>
          %get3A_458 = tpu.memref_squeeze %get3A_457 : memref<1x128x64xf32, #tpu.memory_space<vmem>> -> memref<128x64xf32, #tpu.memory_space<vmem>>
          %get3A_459 = arith.index_cast %scan3A_367 : i32 to index
          %get3A_460 = arith.constant 48 : index
          %get3A_461 = tpu.vector_load %get3A_458[%get3A_459, %get3A_460] {strides = array<i32>} : memref<128x64xf32, #tpu.memory_space<vmem>>, vector<1x16xf32>,
          %get3A_462 = vector.shape_cast %get3A_461 : vector<1x16xf32> to vector<16xf32>
          %get3A_463 = arith.constant 0 : i32
          %get3A_464 = arith.constant 0 : i32
          %get3A_465 = tpu.memref_slice %arg17[%scan3A_127, %get3A_463, %get3A_464] : memref<2x128x64xf32, #tpu.memory_space<vmem>> -> memref<1x128x64xf32, #tpu.memory_space<vmem>>
          %get3A_466 = tpu.memref_squeeze %get3A_465 : memref<1x128x64xf32, #tpu.memory_space<vmem>> -> memref<128x64xf32, #tpu.memory_space<vmem>>
          %get3A_467 = arith.index_cast %scan3A_367 : i32 to index
          %get3A_468 = arith.constant 48 : index
          %get3A_469 = tpu.vector_load %get3A_466[%get3A_467, %get3A_468] {strides = array<i32>} : memref<128x64xf32, #tpu.memory_space<vmem>>, vector<1x16xf32>,
          %get3A_470 = vector.shape_cast %get3A_469 : vector<1x16xf32> to vector<16xf32>
          %add3A_471 = arith.addf %get3A_462, %get3A_470 : vector<16xf32>
          %max3A_472 = arith.constant 0.000000e+00 : f32
          %max3A_473 = vector.broadcast %max3A_472 : f32 to vector<16xf32>
          %max3A_474 = arith.maximumf %add3A_471, %max3A_473 : vector<16xf32>
          %swap3A_475 = arith.constant 0 : i32
          %swap3A_476 = arith.constant 0 : i32
          %swap3A_477 = tpu.memref_slice %arg16[%scan3A_126, %swap3A_475, %swap3A_476] : memref<2x128x64xf32, #tpu.memory_space<vmem>> -> memref<1x128x64xf32, #tpu.memory_space<vmem>>
          %swap3A_478 = tpu.memref_squeeze %swap3A_477 : memref<1x128x64xf32, #tpu.memory_space<vmem>> -> memref<128x64xf32, #tpu.memory_space<vmem>>
          %swap3A_479 = arith.index_cast %scan3A_367 : i32 to index
          %swap3A_480 = arith.constant 48 : index
          %swap3A_481 = tpu.vector_load %swap3A_478[%swap3A_479, %swap3A_480] {strides = array<i32>} : memref<128x64xf32, #tpu.memory_space<vmem>>, vector<1x16xf32>,
          %swap3A_482 = vector.shape_cast %swap3A_481 : vector<1x16xf32> to vector<16xf32>
          %swap3A_483 = vector.shape_cast %max3A_474 : vector<16xf32> to vector<1x16xf32>
          tpu.vector_store %swap3A_478[%swap3A_479, %swap3A_480], %swap3A_483 {strides = array<i32>} : memref<128x64xf32, #tpu.memory_space<vmem>>, vector<1x16xf32>,
          %scan3A_484 = arith.constant 3 : i32
          %scan3A_485 = arith.addi %scan3A_134, %scan3A_484 : i32
          %get3A_486 = arith.constant 0 : i32
          %get3A_487 = arith.constant 0 : i32
          %get3A_488 = tpu.memref_slice %arg16[%scan3A_126, %get3A_486, %get3A_487] : memref<2x128x64xf32, #tpu.memory_space<vmem>> -> memref<1x128x64xf32, #tpu.memory_space<vmem>>
          %get3A_489 = tpu.memref_squeeze %get3A_488 : memref<1x128x64xf32, #tpu.memory_space<vmem>> -> memref<128x64xf32, #tpu.memory_space<vmem>>
          %get3A_490 = arith.index_cast %scan3A_485 : i32 to index
          %get3A_491 = arith.constant 0 : index
          %get3A_492 = tpu.vector_load %get3A_489[%get3A_490, %get3A_491] {strides = array<i32>} : memref<128x64xf32, #tpu.memory_space<vmem>>, vector<1x16xf32>,
          %get3A_493 = vector.shape_cast %get3A_492 : vector<1x16xf32> to vector<16xf32>
          %get3A_494 = arith.constant 0 : i32
          %get3A_495 = arith.constant 0 : i32
          %get3A_496 = tpu.memref_slice %arg17[%scan3A_127, %get3A_494, %get3A_495] : memref<2x128x64xf32, #tpu.memory_space<vmem>> -> memref<1x128x64xf32, #tpu.memory_space<vmem>>
          %get3A_497 = tpu.memref_squeeze %get3A_496 : memref<1x128x64xf32, #tpu.memory_space<vmem>> -> memref<128x64xf32, #tpu.memory_space<vmem>>
          %get3A_498 = arith.index_cast %scan3A_485 : i32 to index
          %get3A_499 = arith.constant 0 : index
          %get3A_500 = tpu.vector_load %get3A_497[%get3A_498, %get3A_499] {strides = array<i32>} : memref<128x64xf32, #tpu.memory_space<vmem>>, vector<1x16xf32>,
          %get3A_501 = vector.shape_cast %get3A_500 : vector<1x16xf32> to vector<16xf32>
          %add3A_502 = arith.addf %get3A_493, %get3A_501 : vector<16xf32>
          %max3A_503 = arith.constant 0.000000e+00 : f32
          %max3A_504 = vector.broadcast %max3A_503 : f32 to vector<16xf32>
          %max3A_505 = arith.maximumf %add3A_502, %max3A_504 : vector<16xf32>
          %swap3A_506 = arith.constant 0 : i32
          %swap3A_507 = arith.constant 0 : i32
          %swap3A_508 = tpu.memref_slice %arg16[%scan3A_126, %swap3A_506, %swap3A_507] : memref<2x128x64xf32, #tpu.memory_space<vmem>> -> memref<1x128x64xf32, #tpu.memory_space<vmem>>
          %swap3A_509 = tpu.memref_squeeze %swap3A_508 : memref<1x128x64xf32, #tpu.memory_space<vmem>> -> memref<128x64xf32, #tpu.memory_space<vmem>>
          %swap3A_510 = arith.index_cast %scan3A_485 : i32 to index
          %swap3A_511 = arith.constant 0 : index
          %swap3A_512 = tpu.vector_load %swap3A_509[%swap3A_510, %swap3A_511] {strides = array<i32>} : memref<128x64xf32, #tpu.memory_space<vmem>>, vector<1x16xf32>,
          %swap3A_513 = vector.shape_cast %swap3A_512 : vector<1x16xf32> to vector<16xf32>
          %swap3A_514 = vector.shape_cast %max3A_505 : vector<16xf32> to vector<1x16xf32>
          tpu.vector_store %swap3A_509[%swap3A_510, %swap3A_511], %swap3A_514 {strides = array<i32>} : memref<128x64xf32, #tpu.memory_space<vmem>>, vector<1x16xf32>,
          %get3A_515 = arith.constant 0 : i32
          %get3A_516 = arith.constant 0 : i32
          %get3A_517 = tpu.memref_slice %arg16[%scan3A_126, %get3A_515, %get3A_516] : memref<2x128x64xf32, #tpu.memory_space<vmem>> -> memref<1x128x64xf32, #tpu.memory_space<vmem>>
          %get3A_518 = tpu.memref_squeeze %get3A_517 : memref<1x128x64xf32, #tpu.memory_space<vmem>> -> memref<128x64xf32, #tpu.memory_space<vmem>>
          %get3A_519 = arith.index_cast %scan3A_485 : i32 to index
          %get3A_520 = arith.constant 16 : index
          %get3A_521 = tpu.vector_load %get3A_518[%get3A_519, %get3A_520] {strides = array<i32>} : memref<128x64xf32, #tpu.memory_space<vmem>>, vector<1x16xf32>,
          %get3A_522 = vector.shape_cast %get3A_521 : vector<1x16xf32> to vector<16xf32>
          %get3A_523 = arith.constant 0 : i32
          %get3A_524 = arith.constant 0 : i32
          %get3A_525 = tpu.memref_slice %arg17[%scan3A_127, %get3A_523, %get3A_524] : memref<2x128x64xf32, #tpu.memory_space<vmem>> -> memref<1x128x64xf32, #tpu.memory_space<vmem>>
          %get3A_526 = tpu.memref_squeeze %get3A_525 : memref<1x128x64xf32, #tpu.memory_space<vmem>> -> memref<128x64xf32, #tpu.memory_space<vmem>>
          %get3A_527 = arith.index_cast %scan3A_485 : i32 to index
          %get3A_528 = arith.constant 16 : index
          %get3A_529 = tpu.vector_load %get3A_526[%get3A_527, %get3A_528] {strides = array<i32>} : memref<128x64xf32, #tpu.memory_space<vmem>>, vector<1x16xf32>,
          %get3A_530 = vector.shape_cast %get3A_529 : vector<1x16xf32> to vector<16xf32>
          %add3A_531 = arith.addf %get3A_522, %get3A_530 : vector<16xf32>
          %max3A_532 = arith.constant 0.000000e+00 : f32
          %max3A_533 = vector.broadcast %max3A_532 : f32 to vector<16xf32>
          %max3A_534 = arith.maximumf %add3A_531, %max3A_533 : vector<16xf32>
          %swap3A_535 = arith.constant 0 : i32
          %swap3A_536 = arith.constant 0 : i32
          %swap3A_537 = tpu.memref_slice %arg16[%scan3A_126, %swap3A_535, %swap3A_536] : memref<2x128x64xf32, #tpu.memory_space<vmem>> -> memref<1x128x64xf32, #tpu.memory_space<vmem>>
          %swap3A_538 = tpu.memref_squeeze %swap3A_537 : memref<1x128x64xf32, #tpu.memory_space<vmem>> -> memref<128x64xf32, #tpu.memory_space<vmem>>
          %swap3A_539 = arith.index_cast %scan3A_485 : i32 to index
          %swap3A_540 = arith.constant 16 : index
          %swap3A_541 = tpu.vector_load %swap3A_538[%swap3A_539, %swap3A_540] {strides = array<i32>} : memref<128x64xf32, #tpu.memory_space<vmem>>, vector<1x16xf32>,
          %swap3A_542 = vector.shape_cast %swap3A_541 : vector<1x16xf32> to vector<16xf32>
          %swap3A_543 = vector.shape_cast %max3A_534 : vector<16xf32> to vector<1x16xf32>
          tpu.vector_store %swap3A_538[%swap3A_539, %swap3A_540], %swap3A_543 {strides = array<i32>} : memref<128x64xf32, #tpu.memory_space<vmem>>, vector<1x16xf32>,
          %get3A_544 = arith.constant 0 : i32
          %get3A_545 = arith.constant 0 : i32
          %get3A_546 = tpu.memref_slice %arg16[%scan3A_126, %get3A_544, %get3A_545] : memref<2x128x64xf32, #tpu.memory_space<vmem>> -> memref<1x128x64xf32, #tpu.memory_space<vmem>>
          %get3A_547 = tpu.memref_squeeze %get3A_546 : memref<1x128x64xf32, #tpu.memory_space<vmem>> -> memref<128x64xf32, #tpu.memory_space<vmem>>
          %get3A_548 = arith.index_cast %scan3A_485 : i32 to index
          %get3A_549 = arith.constant 32 : index
          %get3A_550 = tpu.vector_load %get3A_547[%get3A_548, %get3A_549] {strides = array<i32>} : memref<128x64xf32, #tpu.memory_space<vmem>>, vector<1x16xf32>,
          %get3A_551 = vector.shape_cast %get3A_550 : vector<1x16xf32> to vector<16xf32>
          %get3A_552 = arith.constant 0 : i32
          %get3A_553 = arith.constant 0 : i32
          %get3A_554 = tpu.memref_slice %arg17[%scan3A_127, %get3A_552, %get3A_553] : memref<2x128x64xf32, #tpu.memory_space<vmem>> -> memref<1x128x64xf32, #tpu.memory_space<vmem>>
          %get3A_555 = tpu.memref_squeeze %get3A_554 : memref<1x128x64xf32, #tpu.memory_space<vmem>> -> memref<128x64xf32, #tpu.memory_space<vmem>>
          %get3A_556 = arith.index_cast %scan3A_485 : i32 to index
          %get3A_557 = arith.constant 32 : index
          %get3A_558 = tpu.vector_load %get3A_555[%get3A_556, %get3A_557] {strides = array<i32>} : memref<128x64xf32, #tpu.memory_space<vmem>>, vector<1x16xf32>,
          %get3A_559 = vector.shape_cast %get3A_558 : vector<1x16xf32> to vector<16xf32>
          %add3A_560 = arith.addf %get3A_551, %get3A_559 : vector<16xf32>
          %max3A_561 = arith.constant 0.000000e+00 : f32
          %max3A_562 = vector.broadcast %max3A_561 : f32 to vector<16xf32>
          %max3A_563 = arith.maximumf %add3A_560, %max3A_562 : vector<16xf32>
          %swap3A_564 = arith.constant 0 : i32
          %swap3A_565 = arith.constant 0 : i32
          %swap3A_566 = tpu.memref_slice %arg16[%scan3A_126, %swap3A_564, %swap3A_565] : memref<2x128x64xf32, #tpu.memory_space<vmem>> -> memref<1x128x64xf32, #tpu.memory_space<vmem>>
          %swap3A_567 = tpu.memref_squeeze %swap3A_566 : memref<1x128x64xf32, #tpu.memory_space<vmem>> -> memref<128x64xf32, #tpu.memory_space<vmem>>
          %swap3A_568 = arith.index_cast %scan3A_485 : i32 to index
          %swap3A_569 = arith.constant 32 : index
          %swap3A_570 = tpu.vector_load %swap3A_567[%swap3A_568, %swap3A_569] {strides = array<i32>} : memref<128x64xf32, #tpu.memory_space<vmem>>, vector<1x16xf32>,
          %swap3A_571 = vector.shape_cast %swap3A_570 : vector<1x16xf32> to vector<16xf32>
          %swap3A_572 = vector.shape_cast %max3A_563 : vector<16xf32> to vector<1x16xf32>
          tpu.vector_store %swap3A_567[%swap3A_568, %swap3A_569], %swap3A_572 {strides = array<i32>} : memref<128x64xf32, #tpu.memory_space<vmem>>, vector<1x16xf32>,
          %get3A_573 = arith.constant 0 : i32
          %get3A_574 = arith.constant 0 : i32
          %get3A_575 = tpu.memref_slice %arg16[%scan3A_126, %get3A_573, %get3A_574] : memref<2x128x64xf32, #tpu.memory_space<vmem>> -> memref<1x128x64xf32, #tpu.memory_space<vmem>>
          %get3A_576 = tpu.memref_squeeze %get3A_575 : memref<1x128x64xf32, #tpu.memory_space<vmem>> -> memref<128x64xf32, #tpu.memory_space<vmem>>
          %get3A_577 = arith.index_cast %scan3A_485 : i32 to index
          %get3A_578 = arith.constant 48 : index
          %get3A_579 = tpu.vector_load %get3A_576[%get3A_577, %get3A_578] {strides = array<i32>} : memref<128x64xf32, #tpu.memory_space<vmem>>, vector<1x16xf32>,
          %get3A_580 = vector.shape_cast %get3A_579 : vector<1x16xf32> to vector<16xf32>
          %get3A_581 = arith.constant 0 : i32
          %get3A_582 = arith.constant 0 : i32
          %get3A_583 = tpu.memref_slice %arg17[%scan3A_127, %get3A_581, %get3A_582] : memref<2x128x64xf32, #tpu.memory_space<vmem>> -> memref<1x128x64xf32, #tpu.memory_space<vmem>>
          %get3A_584 = tpu.memref_squeeze %get3A_583 : memref<1x128x64xf32, #tpu.memory_space<vmem>> -> memref<128x64xf32, #tpu.memory_space<vmem>>
          %get3A_585 = arith.index_cast %scan3A_485 : i32 to index
          %get3A_586 = arith.constant 48 : index
          %get3A_587 = tpu.vector_load %get3A_584[%get3A_585, %get3A_586] {strides = array<i32>} : memref<128x64xf32, #tpu.memory_space<vmem>>, vector<1x16xf32>,
          %get3A_588 = vector.shape_cast %get3A_587 : vector<1x16xf32> to vector<16xf32>
          %add3A_589 = arith.addf %get3A_580, %get3A_588 : vector<16xf32>
          %max3A_590 = arith.constant 0.000000e+00 : f32
          %max3A_591 = vector.broadcast %max3A_590 : f32 to vector<16xf32>
          %max3A_592 = arith.maximumf %add3A_589, %max3A_591 : vector<16xf32>
          %swap3A_593 = arith.constant 0 : i32
          %swap3A_594 = arith.constant 0 : i32
          %swap3A_595 = tpu.memref_slice %arg16[%scan3A_126, %swap3A_593, %swap3A_594] : memref<2x128x64xf32, #tpu.memory_space<vmem>> -> memref<1x128x64xf32, #tpu.memory_space<vmem>>
          %swap3A_596 = tpu.memref_squeeze %swap3A_595 : memref<1x128x64xf32, #tpu.memory_space<vmem>> -> memref<128x64xf32, #tpu.memory_space<vmem>>
          %swap3A_597 = arith.index_cast %scan3A_485 : i32 to index
          %swap3A_598 = arith.constant 48 : index
          %swap3A_599 = tpu.vector_load %swap3A_596[%swap3A_597, %swap3A_598] {strides = array<i32>} : memref<128x64xf32, #tpu.memory_space<vmem>>, vector<1x16xf32>,
          %swap3A_600 = vector.shape_cast %swap3A_599 : vector<1x16xf32> to vector<16xf32>
          %swap3A_601 = vector.shape_cast %max3A_592 : vector<16xf32> to vector<1x16xf32>
          tpu.vector_store %swap3A_596[%swap3A_597, %swap3A_598], %swap3A_601 {strides = array<i32>} : memref<128x64xf32, #tpu.memory_space<vmem>>, vector<1x16xf32>,
        }
        %scan3A_132 = arith.constant 128 : i32
        %run_scoped3A_133 = arith.constant 1 : i32
        "tpu.region"() ({
          %run_scoped3A_134 = tpu.sem_alloc : memref<!tpu.dma_semaphore, #tpu.memory_space<semaphore_mem>>
          %dma_start3A_135 = arith.constant 0 : i32
          %dma_start3A_136 = arith.constant 0 : i32
          %dma_start3A_137 = tpu.memref_slice %arg16[%run_scoped3A_133, %dma_start3A_135, %dma_start3A_136] : memref<2x128x64xf32, #tpu.memory_space<vmem>> -> memref<1x128x64xf32, #tpu.memory_space<vmem>>
          %dma_start3A_138 = tpu.memref_squeeze %dma_start3A_137 : memref<1x128x64xf32, #tpu.memory_space<vmem>> -> memref<128x64xf32, #tpu.memory_space<vmem>>
          %dma_start3A_139 = arith.constant 0 : i32
          %dma_start3A_140 = tpu.memref_slice %arg15[%add3A_95, %dma_start3A_139] : memref<160x128xi32, #tpu.memory_space<vmem>> -> memref<1x128xi32, #tpu.memory_space<vmem>>
          %dma_start3A_141 = tpu.memref_squeeze %dma_start3A_140 : memref<1x128xi32, #tpu.memory_space<vmem>> -> memref<128xi32, #tpu.memory_space<vmem>>
          %dma_start3A_142 = arith.constant 0 : i32
          %dma_start3A_143 = arith.constant 0 : i32
          %dma_start3A_144 = tpu.memref_slice %arg19[%dma_start3A_142, %dma_start3A_143] : memref<10112x64xf32, #tpu.memory_space<vmem_shared>> -> memref<10112x64xf32, #tpu.memory_space<vmem_shared>>
          tpu.enqueue_indirect_dma source(%dma_start3A_138 : memref<128x64xf32, #tpu.memory_space<vmem>>) target(%dma_start3A_144 : memref<10112x64xf32, #tpu.memory_space<vmem_shared>>) offsets(%dma_start3A_141 : memref<128xi32, #tpu.memory_space<vmem>>) semaphore(%run_scoped3A_134 : memref<!tpu.dma_semaphore, #tpu.memory_space<semaphore_mem>>) {add = true}
          %dma_wait3A_145 = arith.constant 0 : i32
          %dma_wait3A_146 = arith.constant 0 : i32
          %dma_wait3A_147 = tpu.memref_slice %arg16[%run_scoped3A_133, %dma_wait3A_145, %dma_wait3A_146] : memref<2x128x64xf32, #tpu.memory_space<vmem>> -> memref<1x128x64xf32, #tpu.memory_space<vmem>>
          %dma_wait3A_148 = tpu.memref_squeeze %dma_wait3A_147 : memref<1x128x64xf32, #tpu.memory_space<vmem>> -> memref<128x64xf32, #tpu.memory_space<vmem>>
          %dma_wait3A_149 = arith.constant 0 : i32
          %dma_wait3A_150 = tpu.memref_slice %arg15[%add3A_95, %dma_wait3A_149] : memref<160x128xi32, #tpu.memory_space<vmem>> -> memref<1x128xi32, #tpu.memory_space<vmem>>
          %dma_wait3A_151 = tpu.memref_squeeze %dma_wait3A_150 : memref<1x128xi32, #tpu.memory_space<vmem>> -> memref<128xi32, #tpu.memory_space<vmem>>
          %dma_wait3A_152 = arith.constant 0 : i32
          %dma_wait3A_153 = arith.constant 0 : i32
          %dma_wait3A_154 = tpu.memref_slice %arg19[%dma_wait3A_152, %dma_wait3A_153] : memref<10112x64xf32, #tpu.memory_space<vmem_shared>> -> memref<10112x64xf32, #tpu.memory_space<vmem_shared>>
          tpu.wait_indirect_dma semaphore(%run_scoped3A_134 : memref<!tpu.dma_semaphore, #tpu.memory_space<semaphore_mem>>) src(%dma_wait3A_148 : memref<128x64xf32, #tpu.memory_space<vmem>>) dst(%dma_wait3A_154 : memref<10112x64xf32, #tpu.memory_space<vmem_shared>>)
          tpu.yield
        }) : () -> ()
        "tpu.region"() ({
          %run_scoped3A_134 = tpu.sem_alloc : memref<!tpu.dma_semaphore, #tpu.memory_space<semaphore_mem>>
          %dma_start3A_135 = arith.constant 0 : i32
          %dma_start3A_136 = tpu.memref_slice %arg15[%add3A_95, %dma_start3A_135] : memref<160x128xi32, #tpu.memory_space<vmem>> -> memref<1x128xi32, #tpu.memory_space<vmem>>
          %dma_start3A_137 = tpu.memref_squeeze %dma_start3A_136 : memref<1x128xi32, #tpu.memory_space<vmem>> -> memref<128xi32, #tpu.memory_space<vmem>>
          %dma_start3A_138 = arith.constant 0 : i32
          %dma_start3A_139 = arith.constant 0 : i32
          %dma_start3A_140 = tpu.memref_slice %arg20[%dma_start3A_138, %dma_start3A_139] : memref<10112x16xf32, #tpu.memory_space<vmem_shared>> -> memref<10112x16xf32, #tpu.memory_space<vmem_shared>>
          tpu.enqueue_indirect_dma source(%arg18 : memref<128x16xf32, #tpu.memory_space<vmem>>) target(%dma_start3A_140 : memref<10112x16xf32, #tpu.memory_space<vmem_shared>>) offsets(%dma_start3A_137 : memref<128xi32, #tpu.memory_space<vmem>>) semaphore(%run_scoped3A_134 : memref<!tpu.dma_semaphore, #tpu.memory_space<semaphore_mem>>) {add = true}
          %dma_wait3A_141 = arith.constant 0 : i32
          %dma_wait3A_142 = tpu.memref_slice %arg15[%add3A_95, %dma_wait3A_141] : memref<160x128xi32, #tpu.memory_space<vmem>> -> memref<1x128xi32, #tpu.memory_space<vmem>>
          %dma_wait3A_143 = tpu.memref_squeeze %dma_wait3A_142 : memref<1x128xi32, #tpu.memory_space<vmem>> -> memref<128xi32, #tpu.memory_space<vmem>>
          %dma_wait3A_144 = arith.constant 0 : i32
          %dma_wait3A_145 = arith.constant 0 : i32
          %dma_wait3A_146 = tpu.memref_slice %arg20[%dma_wait3A_144, %dma_wait3A_145] : memref<10112x16xf32, #tpu.memory_space<vmem_shared>> -> memref<10112x16xf32, #tpu.memory_space<vmem_shared>>
          tpu.wait_indirect_dma semaphore(%run_scoped3A_134 : memref<!tpu.dma_semaphore, #tpu.memory_space<semaphore_mem>>) src(%arg18 : memref<128x16xf32, #tpu.memory_space<vmem>>) dst(%dma_wait3A_146 : memref<10112x16xf32, #tpu.memory_space<vmem_shared>>)
          tpu.yield
        }) : () -> ()
      }
      %scan3A_51 = arith.constant 80 : i32
    } else {
    }
    %barrier3A_11 = arith.constant 0 : index
    tpu.barrier barrier_id(%barrier3A_11)
    %eq3A_12 = arith.constant 0 : i32
    %eq3A_13 = arith.cmpi eq, %arg0, %eq3A_12 : i32
    %convert_element_type3A_14 = arith.extui %eq3A_13 : i1 to i32
    %cond3A_15 = arith.constant 0 : i32
    %cond3A_16 = arith.cmpi ne, %convert_element_type3A_14, %cond3A_15 : i32
    scf.if %cond3A_16 {
      "tpu.region"() ({
        %run_scoped3A = tpu.sem_alloc : memref<!tpu.dma_semaphore, #tpu.memory_space<semaphore_mem>>
        %dma_start3A = arith.constant 0 : i32
        %dma_start3A_24 = tpu.memref_slice %arg11[%mul3A_0, %dma_start3A] : memref<10112x64xf32, #tpu.memory_space<hbm>> -> memref<632x64xf32, #tpu.memory_space<hbm>>
        %dma_start3A_25 = arith.constant 0 : i32
        %dma_start3A_26 = tpu.memref_slice %arg19[%mul3A_0, %dma_start3A_25] : memref<10112x64xf32, #tpu.memory_space<vmem_shared>> -> memref<632x64xf32, #tpu.memory_space<vmem_shared>>
        tpu.enqueue_dma source(%dma_start3A_26 : memref<632x64xf32, #tpu.memory_space<vmem_shared>>) target(%dma_start3A_24 : memref<632x64xf32, #tpu.memory_space<hbm>>) target_semaphore(%run_scoped3A : memref<!tpu.dma_semaphore, #tpu.memory_space<semaphore_mem>>)
        %dma_wait3A = arith.constant 0 : i32
        %dma_wait3A_27 = tpu.memref_slice %arg11[%mul3A_0, %dma_wait3A] : memref<10112x64xf32, #tpu.memory_space<hbm>> -> memref<632x64xf32, #tpu.memory_space<hbm>>
        %dma_wait3A_28 = arith.constant 0 : i32
        %dma_wait3A_29 = tpu.memref_slice %arg19[%mul3A_0, %dma_wait3A_28] : memref<10112x64xf32, #tpu.memory_space<vmem_shared>> -> memref<632x64xf32, #tpu.memory_space<vmem_shared>>
        tpu.wait_dma2 semaphore(%run_scoped3A : memref<!tpu.dma_semaphore, #tpu.memory_space<semaphore_mem>>) src(%dma_wait3A_29 : memref<632x64xf32, #tpu.memory_space<vmem_shared>>) dst(%dma_wait3A_27 : memref<632x64xf32, #tpu.memory_space<hbm>>)
        tpu.yield
      }) : () -> ()
    } else {
    }
    %ne3A_17 = arith.constant 0 : i32
    %ne3A_18 = arith.cmpi ne, %arg0, %ne3A_17 : i32
    %convert_element_type3A_19 = arith.extui %ne3A_18 : i1 to i32
    %cond3A_20 = arith.constant 0 : i32
    %cond3A_21 = arith.cmpi ne, %convert_element_type3A_19, %cond3A_20 : i32
    scf.if %cond3A_21 {
      "tpu.region"() ({
        %run_scoped3A = tpu.sem_alloc : memref<!tpu.dma_semaphore, #tpu.memory_space<semaphore_mem>>
        %dma_start3A = arith.constant 0 : i32
        %dma_start3A_24 = tpu.memref_slice %arg12[%mul3A_0, %dma_start3A] : memref<10112x64xf32, #tpu.memory_space<hbm>> -> memref<632x64xf32, #tpu.memory_space<hbm>>
        %dma_start3A_25 = arith.constant 0 : i32
        %dma_start3A_26 = tpu.memref_slice %arg19[%mul3A_0, %dma_start3A_25] : memref<10112x64xf32, #tpu.memory_space<vmem_shared>> -> memref<632x64xf32, #tpu.memory_space<vmem_shared>>
        tpu.enqueue_dma source(%dma_start3A_26 : memref<632x64xf32, #tpu.memory_space<vmem_shared>>) target(%dma_start3A_24 : memref<632x64xf32, #tpu.memory_space<hbm>>) target_semaphore(%run_scoped3A : memref<!tpu.dma_semaphore, #tpu.memory_space<semaphore_mem>>)
        %dma_wait3A = arith.constant 0 : i32
        %dma_wait3A_27 = tpu.memref_slice %arg12[%mul3A_0, %dma_wait3A] : memref<10112x64xf32, #tpu.memory_space<hbm>> -> memref<632x64xf32, #tpu.memory_space<hbm>>
        %dma_wait3A_28 = arith.constant 0 : i32
        %dma_wait3A_29 = tpu.memref_slice %arg19[%mul3A_0, %dma_wait3A_28] : memref<10112x64xf32, #tpu.memory_space<vmem_shared>> -> memref<632x64xf32, #tpu.memory_space<vmem_shared>>
        tpu.wait_dma2 semaphore(%run_scoped3A : memref<!tpu.dma_semaphore, #tpu.memory_space<semaphore_mem>>) src(%dma_wait3A_29 : memref<632x64xf32, #tpu.memory_space<vmem_shared>>) dst(%dma_wait3A_27 : memref<632x64xf32, #tpu.memory_space<hbm>>)
        tpu.yield
      }) : () -> ()
    } else {
    }
    %mul3A_22 = arith.constant 10112 : i32
    %mul3A_23 = arith.muli %arg0, %mul3A_22 : i32
    %add3A = arith.addi %mul3A_23, %mul3A_0 : i32
    "tpu.region"() ({
      %run_scoped3A = tpu.sem_alloc : memref<!tpu.dma_semaphore, #tpu.memory_space<semaphore_mem>>
      %dma_start3A = arith.constant 0 : i32
      %dma_start3A_24 = tpu.memref_slice %arg13[%add3A, %dma_start3A] : memref<20224x16xf32, #tpu.memory_space<hbm>> -> memref<632x16xf32, #tpu.memory_space<hbm>>
      %dma_start3A_25 = arith.constant 0 : i32
      %dma_start3A_26 = tpu.memref_slice %arg20[%mul3A_0, %dma_start3A_25] : memref<10112x16xf32, #tpu.memory_space<vmem_shared>> -> memref<632x16xf32, #tpu.memory_space<vmem_shared>>
      tpu.enqueue_dma source(%dma_start3A_26 : memref<632x16xf32, #tpu.memory_space<vmem_shared>>) target(%dma_start3A_24 : memref<632x16xf32, #tpu.memory_space<hbm>>) target_semaphore(%run_scoped3A : memref<!tpu.dma_semaphore, #tpu.memory_space<semaphore_mem>>)
      %dma_wait3A = arith.constant 0 : i32
      %dma_wait3A_27 = tpu.memref_slice %arg13[%add3A, %dma_wait3A] : memref<20224x16xf32, #tpu.memory_space<hbm>> -> memref<632x16xf32, #tpu.memory_space<hbm>>
      %dma_wait3A_28 = arith.constant 0 : i32
      %dma_wait3A_29 = tpu.memref_slice %arg20[%mul3A_0, %dma_wait3A_28] : memref<10112x16xf32, #tpu.memory_space<vmem_shared>> -> memref<632x16xf32, #tpu.memory_space<vmem_shared>>
      tpu.wait_dma2 semaphore(%run_scoped3A : memref<!tpu.dma_semaphore, #tpu.memory_space<semaphore_mem>>) src(%dma_wait3A_29 : memref<632x16xf32, #tpu.memory_space<vmem_shared>>) dst(%dma_wait3A_27 : memref<632x16xf32, #tpu.memory_space<hbm>>)
      tpu.yield
    }) : () -> ()
    return
  }
}

module attributes {stable_mosaic.version = 14 : i64} {
  func.func @_tc1_body(%arg0: i32, %arg1: memref<2000x128xf32, #tpu.memory_space<vmem>>, %arg2: memref<128x64xf32, #tpu.memory_space<vmem>>, %arg3: memref<128x64xf32, #tpu.memory_space<vmem>>, %arg4: memref<128x64xf32, #tpu.memory_space<vmem>>, %arg5: memref<128x64xf32, #tpu.memory_space<vmem>>, %arg6: memref<1x64xf32, #tpu.memory_space<vmem>>, %arg7: memref<1x64xf32, #tpu.memory_space<vmem>>, %arg8: memref<2000x64xf32, #tpu.memory_space<vmem>>, %arg9: memref<2000x64xf32, #tpu.memory_space<vmem>>, %arg10: memref<2000x64xf32, #tpu.memory_space<vmem>>, %arg11: memref<2000x64xf32, #tpu.memory_space<vmem>>) attributes {dimension_semantics = [#tpu.dimension_semantics<arbitrary>], iteration_bounds = array<i64: 5>, scalar_prefetch = 0 : i64, scratch_operands = 0 : i64, tpu.core_type = #tpu.core_type<tc>, window_params = [{transform_indices = @transform_0, window_bounds = array<i64: 2000, 128>}, {pipeline_mode = #tpu.pipeline_mode<synchronous>, transform_indices = @transform_1, window_bounds = array<i64: 128, 64>}, {pipeline_mode = #tpu.pipeline_mode<synchronous>, transform_indices = @transform_2, window_bounds = array<i64: 128, 64>}, {pipeline_mode = #tpu.pipeline_mode<synchronous>, transform_indices = @transform_3, window_bounds = array<i64: 128, 64>}, {pipeline_mode = #tpu.pipeline_mode<synchronous>, transform_indices = @transform_4, window_bounds = array<i64: 128, 64>}, {pipeline_mode = #tpu.pipeline_mode<synchronous>, transform_indices = @transform_5, window_bounds = array<i64: 1, 64>}, {pipeline_mode = #tpu.pipeline_mode<synchronous>, transform_indices = @transform_6, window_bounds = array<i64: 1, 64>}, {transform_indices = @transform_7, window_bounds = array<i64: 2000, 64>}, {transform_indices = @transform_8, window_bounds = array<i64: 2000, 64>}, {transform_indices = @transform_9, window_bounds = array<i64: 2000, 64>}, {transform_indices = @transform_10, window_bounds = array<i64: 2000, 64>}]} {
    %get3A = arith.constant 0 : index
    %get3A_0 = arith.constant 0 : index
    %get3A_1 = vector.load %arg1[%get3A, %get3A_0] : memref<2000x128xf32, #tpu.memory_space<vmem>>, vector<2000x128xf32>
    %get3A_2 = arith.constant 0 : index
    %get3A_3 = arith.constant 0 : index
    %get3A_4 = vector.load %arg2[%get3A_2, %get3A_3] : memref<128x64xf32, #tpu.memory_space<vmem>>, vector<128x64xf32>
    %dot_general3A = arith.constant dense<0.000000e+00> : vector<2000x64xf32>
    %dot_general3A_5 = tpu.matmul %get3A_1, %get3A_4, %dot_general3A {dimension_numbers = #tpu.dot_dimension_numbers<[1], [0], [0], [1], [0, 0, 1, 1], [], []>, transpose_lhs_hint = false} : vector<2000x128xf32>, vector<128x64xf32>, vector<2000x64xf32> -> vector<2000x64xf32>
    %swap3A = arith.constant 0 : index
    %swap3A_6 = arith.constant 0 : index
    %swap3A_7 = vector.load %arg8[%swap3A, %swap3A_6] : memref<2000x64xf32, #tpu.memory_space<vmem>>, vector<2000x64xf32>
    tpu.vector_store %arg8[%swap3A, %swap3A_6], %dot_general3A_5 {strides = array<i32>} : memref<2000x64xf32, #tpu.memory_space<vmem>>, vector<2000x64xf32>,
    %get3A_8 = arith.constant 0 : index
    %get3A_9 = arith.constant 0 : index
    %get3A_10 = vector.load %arg3[%get3A_8, %get3A_9] : memref<128x64xf32, #tpu.memory_space<vmem>>, vector<128x64xf32>
    %dot_general3A_11 = arith.constant dense<0.000000e+00> : vector<2000x64xf32>
    %dot_general3A_12 = tpu.matmul %get3A_1, %get3A_10, %dot_general3A_11 {dimension_numbers = #tpu.dot_dimension_numbers<[1], [0], [0], [1], [0, 0, 1, 1], [], []>, transpose_lhs_hint = false} : vector<2000x128xf32>, vector<128x64xf32>, vector<2000x64xf32> -> vector<2000x64xf32>
    %swap3A_13 = arith.constant 0 : index
    %swap3A_14 = arith.constant 0 : index
    %swap3A_15 = vector.load %arg9[%swap3A_13, %swap3A_14] : memref<2000x64xf32, #tpu.memory_space<vmem>>, vector<2000x64xf32>
    tpu.vector_store %arg9[%swap3A_13, %swap3A_14], %dot_general3A_12 {strides = array<i32>} : memref<2000x64xf32, #tpu.memory_space<vmem>>, vector<2000x64xf32>,
    %get3A_16 = arith.constant 0 : index
    %get3A_17 = arith.constant 0 : index
    %get3A_18 = vector.load %arg4[%get3A_16, %get3A_17] : memref<128x64xf32, #tpu.memory_space<vmem>>, vector<128x64xf32>
    %dot_general3A_19 = arith.constant dense<0.000000e+00> : vector<2000x64xf32>
    %dot_general3A_20 = tpu.matmul %get3A_1, %get3A_18, %dot_general3A_19 {dimension_numbers = #tpu.dot_dimension_numbers<[1], [0], [0], [1], [0, 0, 1, 1], [], []>, transpose_lhs_hint = false} : vector<2000x128xf32>, vector<128x64xf32>, vector<2000x64xf32> -> vector<2000x64xf32>
    %get3A_21 = arith.constant 0 : index
    %get3A_22 = arith.constant 0 : index
    %get3A_23 = vector.load %arg6[%get3A_21, %get3A_22] : memref<1x64xf32, #tpu.memory_space<vmem>>, vector<1x64xf32>
    %add3A = vector.broadcast %get3A_23 : vector<1x64xf32> to vector<2000x64xf32>
    %add3A_24 = arith.addf %dot_general3A_20, %add3A : vector<2000x64xf32>
    %swap3A_25 = arith.constant 0 : index
    %swap3A_26 = arith.constant 0 : index
    %swap3A_27 = vector.load %arg10[%swap3A_25, %swap3A_26] : memref<2000x64xf32, #tpu.memory_space<vmem>>, vector<2000x64xf32>
    tpu.vector_store %arg10[%swap3A_25, %swap3A_26], %add3A_24 {strides = array<i32>} : memref<2000x64xf32, #tpu.memory_space<vmem>>, vector<2000x64xf32>,
    %get3A_28 = arith.constant 0 : index
    %get3A_29 = arith.constant 0 : index
    %get3A_30 = vector.load %arg5[%get3A_28, %get3A_29] : memref<128x64xf32, #tpu.memory_space<vmem>>, vector<128x64xf32>
    %dot_general3A_31 = arith.constant dense<0.000000e+00> : vector<2000x64xf32>
    %dot_general3A_32 = tpu.matmul %get3A_1, %get3A_30, %dot_general3A_31 {dimension_numbers = #tpu.dot_dimension_numbers<[1], [0], [0], [1], [0, 0, 1, 1], [], []>, transpose_lhs_hint = false} : vector<2000x128xf32>, vector<128x64xf32>, vector<2000x64xf32> -> vector<2000x64xf32>
    %get3A_33 = arith.constant 0 : index
    %get3A_34 = arith.constant 0 : index
    %get3A_35 = vector.load %arg7[%get3A_33, %get3A_34] : memref<1x64xf32, #tpu.memory_space<vmem>>, vector<1x64xf32>
    %add3A_36 = vector.broadcast %get3A_35 : vector<1x64xf32> to vector<2000x64xf32>
    %add3A_37 = arith.addf %dot_general3A_32, %add3A_36 : vector<2000x64xf32>
    %swap3A_38 = arith.constant 0 : index
    %swap3A_39 = arith.constant 0 : index
    %swap3A_40 = vector.load %arg11[%swap3A_38, %swap3A_39] : memref<2000x64xf32, #tpu.memory_space<vmem>>, vector<2000x64xf32>
    tpu.vector_store %arg11[%swap3A_38, %swap3A_39], %add3A_37 {strides = array<i32>} : memref<2000x64xf32, #tpu.memory_space<vmem>>, vector<2000x64xf32>,
    return
  }
  func.func @transform_0(%arg0: i32) -> (i32, i32) {
    %c0_i32 = arith.constant 0 : i32
    %c0_i32_0 = arith.constant 0 : i32
    return %arg0, %c0_i32 : i32, i32
  }
  func.func @transform_1(%arg0: i32) -> (i32, i32) {
    %c0_i32 = arith.constant 0 : i32
    %c0_i32_0 = arith.constant 0 : i32
    %c0_i32_1 = arith.constant 0 : i32
    return %c0_i32, %c0_i32_0 : i32, i32
  }
  func.func @transform_2(%arg0: i32) -> (i32, i32) {
    %c0_i32 = arith.constant 0 : i32
    %c0_i32_0 = arith.constant 0 : i32
    %c0_i32_1 = arith.constant 0 : i32
    return %c0_i32, %c0_i32_0 : i32, i32
  }
  func.func @transform_3(%arg0: i32) -> (i32, i32) {
    %c0_i32 = arith.constant 0 : i32
    %c0_i32_0 = arith.constant 0 : i32
    %c0_i32_1 = arith.constant 0 : i32
    return %c0_i32, %c0_i32_0 : i32, i32
  }
  func.func @transform_4(%arg0: i32) -> (i32, i32) {
    %c0_i32 = arith.constant 0 : i32
    %c0_i32_0 = arith.constant 0 : i32
    %c0_i32_1 = arith.constant 0 : i32
    return %c0_i32, %c0_i32_0 : i32, i32
  }
  func.func @transform_5(%arg0: i32) -> (i32, i32) {
    %c0_i32 = arith.constant 0 : i32
    %c0_i32_0 = arith.constant 0 : i32
    %c0_i32_1 = arith.constant 0 : i32
    return %c0_i32, %c0_i32_0 : i32, i32
  }
  func.func @transform_6(%arg0: i32) -> (i32, i32) {
    %c0_i32 = arith.constant 0 : i32
    %c0_i32_0 = arith.constant 0 : i32
    %c0_i32_1 = arith.constant 0 : i32
    return %c0_i32, %c0_i32_0 : i32, i32
  }
  func.func @transform_7(%arg0: i32) -> (i32, i32) {
    %c0_i32 = arith.constant 0 : i32
    %c0_i32_0 = arith.constant 0 : i32
    return %arg0, %c0_i32 : i32, i32
  }
  func.func @transform_8(%arg0: i32) -> (i32, i32) {
    %c0_i32 = arith.constant 0 : i32
    %c0_i32_0 = arith.constant 0 : i32
    return %arg0, %c0_i32 : i32, i32
  }
  func.func @transform_9(%arg0: i32) -> (i32, i32) {
    %c0_i32 = arith.constant 0 : i32
    %c0_i32_0 = arith.constant 0 : i32
    return %arg0, %c0_i32 : i32, i32
  }
  func.func @transform_10(%arg0: i32) -> (i32, i32) {
    %c0_i32 = arith.constant 0 : i32
    %c0_i32_0 = arith.constant 0 : i32
    return %arg0, %c0_i32 : i32, i32
  }
}

module attributes {stable_mosaic.version = 14 : i64} {
  func.func @_tc2_body(%arg0: i32, %arg1: memref<2000x64xf32, #tpu.memory_space<vmem>>, %arg2: memref<2000x64xf32, #tpu.memory_space<vmem>>, %arg3: memref<2000x16xf32, #tpu.memory_space<vmem>>, %arg4: memref<2000x16xf32, #tpu.memory_space<vmem>>, %arg5: memref<2000x128xf32, #tpu.memory_space<vmem>>, %arg6: memref<64x128xf32, #tpu.memory_space<vmem>>, %arg7: memref<64x128xf32, #tpu.memory_space<vmem>>, %arg8: memref<128x128xf32, #tpu.memory_space<vmem>>, %arg9: memref<128x128xf32, #tpu.memory_space<vmem>>, %arg10: memref<1x128xf32, #tpu.memory_space<vmem>>, %arg11: memref<128x64xf32, #tpu.memory_space<vmem>>, %arg12: memref<1x128xf32, #tpu.memory_space<vmem>>, %arg13: memref<1x64xf32, #tpu.memory_space<vmem>>, %arg14: memref<2000x64xf32, #tpu.memory_space<vmem>>) attributes {dimension_semantics = [#tpu.dimension_semantics<arbitrary>], iteration_bounds = array<i64: 5>, scalar_prefetch = 0 : i64, scratch_operands = 0 : i64, tpu.core_type = #tpu.core_type<tc>, window_params = [{transform_indices = @transform_0, window_bounds = array<i64: 2000, 64>}, {transform_indices = @transform_1, window_bounds = array<i64: 2000, 64>}, {transform_indices = @transform_2, window_bounds = array<i64: 2000, 16>}, {transform_indices = @transform_3, window_bounds = array<i64: 2000, 16>}, {transform_indices = @transform_4, window_bounds = array<i64: 2000, 128>}, {pipeline_mode = #tpu.pipeline_mode<synchronous>, transform_indices = @transform_5, window_bounds = array<i64: 64, 128>}, {pipeline_mode = #tpu.pipeline_mode<synchronous>, transform_indices = @transform_6, window_bounds = array<i64: 64, 128>}, {pipeline_mode = #tpu.pipeline_mode<synchronous>, transform_indices = @transform_7, window_bounds = array<i64: 128, 128>}, {pipeline_mode = #tpu.pipeline_mode<synchronous>, transform_indices = @transform_8, window_bounds = array<i64: 128, 128>}, {pipeline_mode = #tpu.pipeline_mode<synchronous>, transform_indices = @transform_9, window_bounds = array<i64: 1, 128>}, {pipeline_mode = #tpu.pipeline_mode<synchronous>, transform_indices = @transform_10, window_bounds = array<i64: 128, 64>}, {pipeline_mode = #tpu.pipeline_mode<synchronous>, transform_indices = @transform_11, window_bounds = array<i64: 1, 128>}, {pipeline_mode = #tpu.pipeline_mode<synchronous>, transform_indices = @transform_12, window_bounds = array<i64: 1, 64>}, {transform_indices = @transform_13, window_bounds = array<i64: 2000, 64>}]} {
    %get3A = arith.constant 0 : index
    %get3A_0 = arith.constant 0 : index
    %get3A_1 = vector.load %arg3[%get3A, %get3A_0] : memref<2000x16xf32, #tpu.memory_space<vmem>>, vector<2000x16xf32>
    %get3A_2 = arith.constant 0 : index
    %get3A_3 = arith.constant 0 : index
    %get3A_4 = vector.load %arg4[%get3A_2, %get3A_3] : memref<2000x16xf32, #tpu.memory_space<vmem>>, vector<2000x16xf32>
    %add3A = arith.addf %get3A_1, %get3A_4 : vector<2000x16xf32>
    %slice3A = vector.extract_strided_slice %add3A {offsets = [0, 0], sizes = [2000, 1], strides = [1, 1]} : vector<2000x16xf32> to vector<2000x1xf32>
    %get3A_5 = arith.constant 0 : index
    %get3A_6 = arith.constant 0 : index
    %get3A_7 = vector.load %arg1[%get3A_5, %get3A_6] : memref<2000x64xf32, #tpu.memory_space<vmem>>, vector<2000x64xf32>
    %get3A_8 = arith.constant 0 : index
    %get3A_9 = arith.constant 0 : index
    %get3A_10 = vector.load %arg6[%get3A_8, %get3A_9] : memref<64x128xf32, #tpu.memory_space<vmem>>, vector<64x128xf32>
    %dot_general3A = arith.constant dense<0.000000e+00> : vector<2000x128xf32>
    %dot_general3A_11 = tpu.matmul %get3A_7, %get3A_10, %dot_general3A {dimension_numbers = #tpu.dot_dimension_numbers<[1], [0], [0], [1], [0, 0, 1, 1], [], []>, transpose_lhs_hint = false} : vector<2000x64xf32>, vector<64x128xf32>, vector<2000x128xf32> -> vector<2000x128xf32>
    %get3A_12 = arith.constant 0 : index
    %get3A_13 = arith.constant 0 : index
    %get3A_14 = vector.load %arg2[%get3A_12, %get3A_13] : memref<2000x64xf32, #tpu.memory_space<vmem>>, vector<2000x64xf32>
    %get3A_15 = arith.constant 0 : index
    %get3A_16 = arith.constant 0 : index
    %get3A_17 = vector.load %arg7[%get3A_15, %get3A_16] : memref<64x128xf32, #tpu.memory_space<vmem>>, vector<64x128xf32>
    %dot_general3A_18 = arith.constant dense<0.000000e+00> : vector<2000x128xf32>
    %dot_general3A_19 = tpu.matmul %get3A_14, %get3A_17, %dot_general3A_18 {dimension_numbers = #tpu.dot_dimension_numbers<[1], [0], [0], [1], [0, 0, 1, 1], [], []>, transpose_lhs_hint = false} : vector<2000x64xf32>, vector<64x128xf32>, vector<2000x128xf32> -> vector<2000x128xf32>
    %add3A_20 = arith.addf %dot_general3A_11, %dot_general3A_19 : vector<2000x128xf32>
    %get3A_21 = arith.constant 0 : index
    %get3A_22 = arith.constant 0 : index
    %get3A_23 = vector.load %arg12[%get3A_21, %get3A_22] : memref<1x128xf32, #tpu.memory_space<vmem>>, vector<1x128xf32>
    %mul3A = vector.broadcast %slice3A : vector<2000x1xf32> to vector<2000x128xf32>
    %mul3A_24 = vector.broadcast %get3A_23 : vector<1x128xf32> to vector<2000x128xf32>
    %mul3A_25 = arith.mulf %mul3A, %mul3A_24 : vector<2000x128xf32>
    %add3A_26 = arith.addf %add3A_20, %mul3A_25 : vector<2000x128xf32>
    %get3A_27 = arith.constant 0 : index
    %get3A_28 = arith.constant 0 : index
    %get3A_29 = vector.load %arg5[%get3A_27, %get3A_28] : memref<2000x128xf32, #tpu.memory_space<vmem>>, vector<2000x128xf32>
    %get3A_30 = arith.constant 0 : index
    %get3A_31 = arith.constant 0 : index
    %get3A_32 = vector.load %arg8[%get3A_30, %get3A_31] : memref<128x128xf32, #tpu.memory_space<vmem>>, vector<128x128xf32>
    %dot_general3A_33 = arith.constant dense<0.000000e+00> : vector<2000x128xf32>
    %dot_general3A_34 = tpu.matmul %get3A_29, %get3A_32, %dot_general3A_33 {dimension_numbers = #tpu.dot_dimension_numbers<[1], [0], [0], [1], [0, 0, 1, 1], [], []>, transpose_lhs_hint = false} : vector<2000x128xf32>, vector<128x128xf32>, vector<2000x128xf32> -> vector<2000x128xf32>
    %get3A_35 = arith.constant 0 : index
    %get3A_36 = arith.constant 0 : index
    %get3A_37 = vector.load %arg9[%get3A_35, %get3A_36] : memref<128x128xf32, #tpu.memory_space<vmem>>, vector<128x128xf32>
    %dot_general3A_38 = arith.constant dense<0.000000e+00> : vector<2000x128xf32>
    %dot_general3A_39 = tpu.matmul %add3A_26, %get3A_37, %dot_general3A_38 {dimension_numbers = #tpu.dot_dimension_numbers<[1], [0], [0], [1], [0, 0, 1, 1], [], []>, transpose_lhs_hint = false} : vector<2000x128xf32>, vector<128x128xf32>, vector<2000x128xf32> -> vector<2000x128xf32>
    %add3A_40 = arith.addf %dot_general3A_34, %dot_general3A_39 : vector<2000x128xf32>
    %get3A_41 = arith.constant 0 : index
    %get3A_42 = arith.constant 0 : index
    %get3A_43 = vector.load %arg10[%get3A_41, %get3A_42] : memref<1x128xf32, #tpu.memory_space<vmem>>, vector<1x128xf32>
    %add3A_44 = vector.broadcast %get3A_43 : vector<1x128xf32> to vector<2000x128xf32>
    %add3A_45 = arith.addf %add3A_40, %add3A_44 : vector<2000x128xf32>
    %max3A = arith.constant 0.000000e+00 : f32
    %max3A_46 = vector.broadcast %max3A : f32 to vector<2000x128xf32>
    %max3A_47 = arith.maximumf %add3A_45, %max3A_46 : vector<2000x128xf32>
    %get3A_48 = arith.constant 0 : index
    %get3A_49 = arith.constant 0 : index
    %get3A_50 = vector.load %arg11[%get3A_48, %get3A_49] : memref<128x64xf32, #tpu.memory_space<vmem>>, vector<128x64xf32>
    %dot_general3A_51 = arith.constant dense<0.000000e+00> : vector<2000x64xf32>
    %dot_general3A_52 = tpu.matmul %max3A_47, %get3A_50, %dot_general3A_51 {dimension_numbers = #tpu.dot_dimension_numbers<[1], [0], [0], [1], [0, 0, 1, 1], [], []>, transpose_lhs_hint = false} : vector<2000x128xf32>, vector<128x64xf32>, vector<2000x64xf32> -> vector<2000x64xf32>
    %get3A_53 = arith.constant 0 : index
    %get3A_54 = arith.constant 0 : index
    %get3A_55 = vector.load %arg13[%get3A_53, %get3A_54] : memref<1x64xf32, #tpu.memory_space<vmem>>, vector<1x64xf32>
    %add3A_56 = vector.broadcast %get3A_55 : vector<1x64xf32> to vector<2000x64xf32>
    %add3A_57 = arith.addf %dot_general3A_52, %add3A_56 : vector<2000x64xf32>
    %swap3A = arith.constant 0 : index
    %swap3A_58 = arith.constant 0 : index
    %swap3A_59 = vector.load %arg14[%swap3A, %swap3A_58] : memref<2000x64xf32, #tpu.memory_space<vmem>>, vector<2000x64xf32>
    tpu.vector_store %arg14[%swap3A, %swap3A_58], %add3A_57 {strides = array<i32>} : memref<2000x64xf32, #tpu.memory_space<vmem>>, vector<2000x64xf32>,
    return
  }
  func.func @transform_0(%arg0: i32) -> (i32, i32) {
    %c0_i32 = arith.constant 0 : i32
    %c0_i32_0 = arith.constant 0 : i32
    return %arg0, %c0_i32 : i32, i32
  }
  func.func @transform_1(%arg0: i32) -> (i32, i32) {
    %c0_i32 = arith.constant 0 : i32
    %c0_i32_0 = arith.constant 0 : i32
    return %arg0, %c0_i32 : i32, i32
  }
  func.func @transform_2(%arg0: i32) -> (i32, i32) {
    %c0_i32 = arith.constant 0 : i32
    %c0_i32_0 = arith.constant 0 : i32
    return %arg0, %c0_i32 : i32, i32
  }
  func.func @transform_3(%arg0: i32) -> (i32, i32) {
    %c0_i32 = arith.constant 0 : i32
    %c0_i32_0 = arith.constant 0 : i32
    return %arg0, %c0_i32 : i32, i32
  }
  func.func @transform_4(%arg0: i32) -> (i32, i32) {
    %c0_i32 = arith.constant 0 : i32
    %c0_i32_0 = arith.constant 0 : i32
    return %arg0, %c0_i32 : i32, i32
  }
  func.func @transform_5(%arg0: i32) -> (i32, i32) {
    %c0_i32 = arith.constant 0 : i32
    %c0_i32_0 = arith.constant 0 : i32
    %c0_i32_1 = arith.constant 0 : i32
    return %c0_i32, %c0_i32_0 : i32, i32
  }
  func.func @transform_6(%arg0: i32) -> (i32, i32) {
    %c0_i32 = arith.constant 0 : i32
    %c0_i32_0 = arith.constant 0 : i32
    %c0_i32_1 = arith.constant 0 : i32
    return %c0_i32, %c0_i32_0 : i32, i32
  }
  func.func @transform_7(%arg0: i32) -> (i32, i32) {
    %c0_i32 = arith.constant 0 : i32
    %c0_i32_0 = arith.constant 0 : i32
    %c0_i32_1 = arith.constant 0 : i32
    return %c0_i32, %c0_i32_0 : i32, i32
  }
  func.func @transform_8(%arg0: i32) -> (i32, i32) {
    %c0_i32 = arith.constant 0 : i32
    %c0_i32_0 = arith.constant 0 : i32
    %c0_i32_1 = arith.constant 0 : i32
    return %c0_i32, %c0_i32_0 : i32, i32
  }
  func.func @transform_9(%arg0: i32) -> (i32, i32) {
    %c0_i32 = arith.constant 0 : i32
    %c0_i32_0 = arith.constant 0 : i32
    %c0_i32_1 = arith.constant 0 : i32
    return %c0_i32, %c0_i32_0 : i32, i32
  }
  func.func @transform_10(%arg0: i32) -> (i32, i32) {
    %c0_i32 = arith.constant 0 : i32
    %c0_i32_0 = arith.constant 0 : i32
    %c0_i32_1 = arith.constant 0 : i32
    return %c0_i32, %c0_i32_0 : i32, i32
  }
  func.func @transform_11(%arg0: i32) -> (i32, i32) {
    %c0_i32 = arith.constant 0 : i32
    %c0_i32_0 = arith.constant 0 : i32
    %c0_i32_1 = arith.constant 0 : i32
    return %c0_i32, %c0_i32_0 : i32, i32
  }
  func.func @transform_12(%arg0: i32) -> (i32, i32) {
    %c0_i32 = arith.constant 0 : i32
    %c0_i32_0 = arith.constant 0 : i32
    %c0_i32_1 = arith.constant 0 : i32
    return %c0_i32, %c0_i32_0 : i32, i32
  }
  func.func @transform_13(%arg0: i32) -> (i32, i32) {
    %c0_i32 = arith.constant 0 : i32
    %c0_i32_0 = arith.constant 0 : i32
    return %arg0, %c0_i32 : i32, i32
  }
}

</mosaic_0001>

<sc_bundles>
// kernel: _run.5.cloned.1.call-start
scs
__scs_entry_jumppad:
0x0: {  	(pc) =	sbr.rel $0x88, $3  }
0x1: {  	(tag) =	ssettag $0x0;
	lr =	simm.s32 $0x1  }
0x2: {  	[smem:$0x3F96] =	sst lr;
	_ =	strace $0xD0000000  }
0x3: {  	_ = 	snop  }
0x4: {  	_ = 	snop  }
0x5: {  	_ = 	snop  }
0x6: {  	_ = 	snop  }
0x7: {  	_ = 	snop  }
__scs_overlays_trampoline_lowered:
0x8: {  	[smem:$0x3FA5] =	sst s0  }
0x9: {  	[smem:$0x3FA6] =	sst s1  }
0xa: {  	[smem:$0x3FA7] =	sst s2  }
0xb: {  	[smem:$0x3FA8] =	sst s3  }
0xc: {  	[smem:$0x3FA9] =	sst s4  }
0xd: {  	[smem:$0x3FAA] =	sst s5  }
0xe: {  	[smem:$0x3FAB] =	sst s6  }
0xf: {  	[smem:$0x3FAC] =	sst s7  }
0x10: {  	[smem:$0x3FAD] =	sst s8  }
0x11: {  	[smem:$0x3FAE] =	sst s9;
	s0 =	simm.s32 @!p0 $0x0  }
0x12: {  	s1 =	sld [smem:$0x3F94];
	s0 =	simm.s32 @p0 $0x1  }
0x13: {  	[smem:$0x3FAF] =	sst s0;
	s0 =	simm.s32 @!p1 $0x0  }
0x14: {  	s2 =	sld [smem:$0x3F93];
	s0 =	simm.s32 @p1 $0x1  }
0x15: {  	[smem:$0x3FB0] =	sst s0;
	s0 =	simm.s32 @!p2 $0x0  }
0x16: {  	s3 =	sld [smem:$0x3FDB];
	s0 =	simm.s32 @p2 $0x1  }
0x17: {  	s4 =	simm.s32 $0x1BF5;
	[smem:$0x3FB2] =	sst s0  }
0x18: {  	s0 =	sld [smem:$0x3F95];
	_ =	swait.ge [sflag:s4], $0x0  }
0x19: {  	s7 =	sld [smem:$0x3F96]  }
0x1a: {  	s8 =	sadd.s32 $0xFFFFE003, lr  }
0x1b: {  	s9 =	sadd.s32 $0xFFFFFEF7, lr;
	s5 =	simm.s32 $0xFFFFFFFF;
	p2 =	slt.u32 s8, $0xFFFFF086  }
0x1c: {  	p1 =	slt.u32 s9, $0xF7A;
	s5 =	simm.s32 @!p2 $0x0  }
0x1d: {  	s5 =	simm.s32 @p1 $0x1;
	p0 =	seq.s32 s7, s2  }
0x1e: {  	s7 =	smul.u32 @!p0 $0xF7A, s2;
	p2 =	seq.s32 @!p0 s5, $0x0  }
0x1f: {  	s9 =	smul.u32 $0xF7A, s1;
	s8 =	simm.s32 @!p0 $0x1BF5;
	p2 =	por !p2, p0  }
0x20: {  	[sflag:s8] =	ssyncset.s32 @!p0 $0xFFFFF086;
	s6 =	sadd.s32 @!p0 s3, s7;
	s7 =	simm.s32 @!p0 $0x108  }
0x21: {  	s3 =	sadd.s32 s3, s9;
	s6 =	sadd.s32 @!p0 $0x88, s6;
	s7 =	simm.s32 @p2 $0x1082  }
0x22: {  	[simem:s7], [sflag:s8] =	dma.local @!p0 [hbm:s6], $0xF7A  }
0x23: {  	s9 =	sor.u32 $0xD0000000, s2;
	s6 =	simm.s32 $0x108;
	_ =	swait.ge @!p0 [sflag:s8], $0x0  }
0x24: {  	s3 =	sadd.s32 $0x88, s3;
	s6 =	simm.s32 @!p1 $0x1082;
	[sflag:s4] =	ssyncset.s32 $0xFFFFF086  }
0x25: {  	[simem:s6], [sflag:s4] =	dma.local [hbm:s3], $0xF7A  }
0x26: {  	[smem:$0x3F96] =	sst s1;
	(tag) =	ssettag s2;
	_ =	strace s9  }
0x27: {  	s1 =	sld [smem:$0x3FA6]  }
0x28: {  	s2 =	sld [smem:$0x3FA7]  }
0x29: {  	s4 =	sld [smem:$0x3FA9]  }
0x2a: {  	p0 =	seq.s32 s5, $0x0;
	s5 =	sld [smem:$0x3FAA]  }
0x2b: {  	s6 =	sld [smem:$0x3FAB]  }
0x2c: {  	s7 =	sld [smem:$0x3FAC]  }
0x2d: {  	s3 =	simm.s32 $0x108;
	s8 =	sld [smem:$0x3FAD]  }
0x2e: {  	s3 =	simm.s32 @!p0 $0x1082;
	s9 =	sld [smem:$0x3FAE]  }
0x2f: {  	lr =	sadd.s32 s0, s3;
	s0 =	sld [smem:$0x3FA5]  }
0x30: {  	s3 =	sld [smem:$0x3FA8]  }
0x31: {  	[smem:$0x3FB1] =	sst s10  }
0x32: {  	s10 =	sld [smem:$0x3FAF];
	_ =	sdelay $0x3  }
0x33: {  	p0 =	seq.s32 s10, $0x1;
	s10 =	sld [smem:$0x3FB1];
	_ =	sdelay $0x3  }
0x34: {  	[smem:$0x3FB1] =	sst s10  }
0x35: {  	s10 =	sld [smem:$0x3FB0];
	_ =	sdelay $0x3  }
0x36: {  	p1 =	seq.s32 s10, $0x1;
	s10 =	sld [smem:$0x3FB1];
	_ =	sdelay $0x3  }
0x37: {  	[smem:$0x3FB1] =	sst s10  }
0x38: {  	s10 =	sld [smem:$0x3FB2]  }
0x39: {  	_ = 	snop;
	(pc) =	sbr.ind lr, $3  }
0x3a: {  	_ = 	snop  }
0x3b: {  	_ = 	snop  }
0x3c: {  	p2 =	seq.s32 s10, $0x1;
	s10 =	sld [smem:$0x3FB1]  }
0x3d: {  	_ =	shalt  }
0x3e: {  	_ =	shalt  }
0x3f: {  	_ =	shalt  }
0x40: {  	_ =	shalt  }
0x41: {  	_ =	shalt  }
0x42: {  	_ =	shalt  }
0x43: {  	_ =	shalt  }
0x44: {  	_ =	shalt  }
0x45: {  	_ =	shalt  }
0x46: {  	_ =	shalt  }
0x47: {  	_ =	shalt  }
0x48: {  	_ =	shalt  }
0x49: {  	_ =	shalt  }
0x4a: {  	_ =	shalt  }
0x4b: {  	_ =	shalt  }
0x4c: {  	_ =	shalt  }
0x4d: {  	_ =	shalt  }
0x4e: {  	_ =	shalt  }
0x4f: {  	_ =	shalt  }
0x50: {  	_ =	shalt  }
0x51: {  	_ =	shalt  }
0x52: {  	_ =	shalt  }
0x53: {  	_ =	shalt  }
0x54: {  	_ =	shalt  }
0x55: {  	_ =	shalt  }
0x56: {  	_ =	shalt  }
0x57: {  	_ =	shalt  }
0x58: {  	_ =	shalt  }
0x59: {  	_ =	shalt  }
0x5a: {  	_ =	shalt  }
0x5b: {  	_ =	shalt  }
0x5c: {  	_ =	shalt  }
0x5d: {  	_ =	shalt  }
0x5e: {  	_ =	shalt  }
0x5f: {  	_ =	shalt  }
0x60: {  	_ =	shalt  }
0x61: {  	_ =	shalt  }
0x62: {  	_ =	shalt  }
0x63: {  	_ =	shalt  }
0x64: {  	_ =	shalt  }
0x65: {  	_ =	shalt  }
0x66: {  	_ =	shalt  }
0x67: {  	_ =	shalt  }
0x68: {  	_ =	shalt  }
0x69: {  	_ =	shalt  }
0x6a: {  	_ =	shalt  }
0x6b: {  	_ =	shalt  }
0x6c: {  	_ =	shalt  }
0x6d: {  	_ =	shalt  }
0x6e: {  	_ =	shalt  }
0x6f: {  	_ =	shalt  }
0x70: {  	_ =	shalt  }
0x71: {  	_ =	shalt  }
0x72: {  	_ =	shalt  }
0x73: {  	_ =	shalt  }
0x74: {  	_ =	shalt  }
0x75: {  	_ =	shalt  }
0x76: {  	_ =	shalt  }
0x77: {  	_ =	shalt  }
0x78: {  	_ =	shalt  }
0x79: {  	_ =	shalt  }
0x7a: {  	_ =	shalt  }
0x7b: {  	_ =	shalt  }
0x7c: {  	_ =	shalt  }
0x7d: {  	_ =	shalt  }
0x7e: {  	_ =	shalt  }
0x7f: {  	_ =	shalt  }
0x80: {  	_ =	shalt  }
0x81: {  	_ =	shalt  }
0x82: {  	_ =	shalt  }
0x83: {  	_ =	shalt  }
0x84: {  	_ =	shalt  }
0x85: {  	_ =	shalt  }
0x86: {  	_ =	shalt  }
0x87: {  	_ =	shalt  }
.Lfunc_end0:
.L_simem_size_0:
called_computation_lowered:
.L_overlay_start_0:
0x88: {  	s2 =	sld [smem:$0x3FD9]  }
0x89: {  	s3 =	sld [smem:$0x3FFE];
	_ =	sdelay $0x1  }
0x8a: {  	s1 =	srdreg.scid  }
0x8b: {  	s0 =	sand.u32 $0x1, s1  }
0x8c: {  	s17 =	sshll.u32 s0, $0xA;
	s2 =	sadd.s32 s3, s2  }
0x8d: {  	s2 =	sadd.s32 s2, s17  }
0x8e: {  	[smem:$0x3FBD] =	sst s2  }
0x8f: {  	_ = 	snop  }
0x90: {  	s2 =	sld [smem:$0x3FD0];
	(tm) =	ssettm $0x1  }
0x91: {  	s18 =	sld [smem:$0x3FFB];
	_ =	sdelay $0x3  }
0x92: {  	_ =	strace s18  }
0x93: {  	s3 =	sld [smem:$0x3FFC];
	_ =	sdelay $0x3  }
0x94: {  	_ =	strace s3  }
0x95: {  	s3 =	sld [smem:$0x3FFD];
	_ =	sdelay $0x3  }
0x96: {  	_ =	strace s3  }
0x97: {  	_ =	strace $0x8FFFFFFF  }
0x98: {  	s19 =	sld [smem:$0x3FDB];
	_ =	sdelay $0x1  }
0x99: {  	s4 =	simm.s32 $_scs_section_size  }
0x9a: {  	s5 =	simm.s32 $_size__tile_overlayer_lowered;
	s6 =	simm.s32 $_tile_overlayer_lowered  }
0x9b: {  	s22 =	simm.s32 $0x1BFF;
	s21 =	sshll.u32 s6, $0x1;
	s3 =	sadd.s32 s4, s19  }
0x9c: {  	s7 =	simm.s32 $0x0;
	s20 =	sshll.u32 s5, $0x1;
	s5 =	sadd.s32 s21, s3  }
0x9d: {  	[timem:s7], [sflag:s22] =	dma.local [hbm:s5], s20  }
0x9e: {  	_ =	swait.ge [sflag:s22], s20  }
0x9f: {  	s4 =	ssub.s32 $0x0, s20;
	[sflag:s22] =	ssyncset.done $0x0  }
0xa0: {  	[sflag:s22] =	ssyncadd.s32 s4;
	_ =	sdelay $0x1  }
0xa1: {  	s23 =	simm.s32 $0x1B8B  }
0xa2: {  	_ =	swait.ge [sflag:s23], $0x1  }
0xa3: {  	[sflag:s23] =	ssyncset.done $0x0  }
0xa4: {  	s25 =	simm.s32 $0x1B8E;
	s24 =	sld [smem:$0x3FFE];
	[sflag:s23] =	ssyncadd.s32 $0xFFFFFFFF  }
0xa5: {  	s26 =	simm.s32 $execute0_lowered;
	[smem:$0x3FD2] =	sst s25  }
0xa6: {  	s5 =	sshll.u32 s26, $0x1;
	_ =	strace $0x80000046;
	[dreg:$0x1] =	wrdreg $0xFFFFFFFF  }
0xa7: {  	s28 =	simm.s32 $_size_execute0_lowered;
	s3 =	sadd.s32 s3, s5;
	[dreg:$0x0] =	wrdreg $0x0  }
0xa8: {  	s5 =	sshll.u32 s28, $0x1;
	[dreg:$0x2] =	wrdreg s3  }
0xa9: {  	[dreg:$0x3] =	wrdreg s5  }
0xaa: {  	[dreg:$0x4] =	wrdreg $0xC0  }
0xab: {  	_ =	task [dreg:s7], $0x5FFFF  }
0xac: {  	[dreg:$0x1] =	wrdreg $0xFFFFFFFF  }
0xad: {  	[dreg:$0x0] =	wrdreg $0x60  }
0xae: {  	[dreg:$0x2] =	wrdreg s24  }
0xaf: {  	[dreg:$0x3] =	wrdreg s2  }
0xb0: {  	[dreg:$0x4] =	wrdreg $0x128000  }
0xb1: {  	[dreg:$0x5] =	wrdreg $0x1C6000  }
0xb2: {  	[dreg:$0x6] =	wrdreg $0x9  }
0xb3: {  	_ =	task.clear_ibuf [dreg:s7], $0x7FFFF;
	_ =	strace $0x90000046  }
0xb4: {  	s29 =	simm.s32 $0x9;
	_ =	strace $0x80000048  }
0xb5: {  	_ =	swait.ge [sflag:s29], $0x1  }
0xb6: {  	[sflag:s29] =	ssyncadd.s32 $0xFFFFFFFF  }
0xb7: {  	_ =	strace $0x90000048  }
0xb8: {  	_ =	sfence  }
0xb9: {  	s30 =	sld [smem:$0x0];
	_ =	sdelay $0x2  }
0xba: {  	s31 =	sshll.u32 s1, $0xD;
	s1 =	sshrl.u32 s1, $0x2  }
0xbb: {  	s3 =	sand.u32 $0x4000, s31;
	s1 =	sadd.s32 s1, s30  }
0xbc: {  	s0 =	sor.u32 s3, s0;
	s1 =	sshll.u32 s1, $0x11  }
0xbd: {  	s0 =	sor.u32 s1, s0  }
0xbe: {  	s0 =	sadd.s32 $0x8F2B, s0  }
0xbf: {  	[sflag:s0] =	ssyncadd.remote.s32 $0x1  }
0xc0: {  	_ =	sfence.sel $0xFFFF  }
0xc1: {  	[dreg:$0x0] =	wrdreg $0xFFFFFFFF;
	(pc) =	sbr.abs _section_cstart, $3  }
0xc2: {  	[dreg:$0x1] =	wrdreg $0xFFFFFFFF  }
0xc3: {  	_ =	task.clear_ibuf [dreg:s7], $0x2FFFF;
	_ =	strace $0x9FFFFFFF  }
0xc4: {  	(tm) =	ssettm $0x7FFFFFFF  }
0xc5: {  	_ =	shalt  }
tec
execute0_lowered:
.L_overlay_start_1:
0x0: {  	(tag) =	ssettag $0x1  }
0x1: {  	s0 =	rddreg [dreg:$0x0]  }
0x2: {  	s2 =	rddreg [dreg:$0x2]  }
0x3: {  	s3 =	rddreg [dreg:$0x3];
	s5 =	simm.s32 $0x0  }
0x4: {  	s13 =	stileid.u32;
	s4 =	srdreg.scid;
	s29 =	simm.s32 $0x1  }
0x5: {  	s30 =	simm.s32 $0x3;
	s31 =	simm.s32 $0xC000;
	s28 =	simm.s32 $0x0  }
0x6: {  	[smem:$0x7FF] =	sst s5;
	s6 =	sadd.s32 $0x16A00, s0;
	s7 =	sadd.s32 $0x3000, s0  }
0x7: {  	s1 =	smul.u32 $0xA00, s13;
	s8 =	sadd.s32 $0x3DE00, s0;
	s4 =	sand.u32 $0x1, s4  }
0x8: {  	s10 =	smul.u32 $0x4F0, s13;
	s9 =	sadd.s32 $0x2A400, s0;
	s12 =	sadd.s32 $0x65800, s0  }
0x9: {  	s18 =	sadd.s32 $0x66C00, s0;
	_ =	strace $0x80000047;
	[dreg:$0x5] =	wrdreg s12  }
0xa: {  	s19 =	sadd.s32 $0x67200, s0;
	s21 =	smul.u32 $0x9E00, s13;
	[dreg:$0x6] =	wrdreg s18  }
0xb: {  	s14 =	sadd.s32 $0x71200, s0;
	s23 =	sshll.u32 s13, $0x6;
	[dreg:$0x7] =	wrdreg s19  }
0xc: {  	s11 =	smul.u32 $0x4F00, s4;
	s20 =	ssub.s32 $0x2, s4;
	[dreg:$0x8] =	wrdreg s14  }
0xd: {  	s14 =	sor.u32 $0x1C05, s23;
	p0 =	sne.s32 s4, $0x0;
	s23 =	simm.s32 $0x12000  }
0xe: {  	s4 =	simm.s32 $0x2;
	s1 =	sadd.s32 s1, s0;
	s22 =	sshrl.u32 s20, $0x1  }
0xf: {  	s24 =	sshrl.u32 s21, $0x2;
	s15 =	sadd.s32 s21, s2;
	s17 =	sshrl.u32 s21, $0x3  }
0x10: {  	s21 =	simm.s32 $0x5;
	s10 =	sadd.s32 s10, s11;
	s25 =	sadd.s32 s24, s3  }
.Ltmp0:
0x11: {  	s26 =	sadd.s32 $0x5B800, s1;
	s16 =	sadd.s32 $0x51800, s1;
	(pc) =	sbr.rel .LBB2_1-.Ltmp0, $4  }
0x12: {  	s11 =	simm.s32 $0x5000;
	s1 =	simm.s32 $0x4;
	s0 =	sadd.s32 s10, s0  }
0x13: {  	s10 =	ssub.s32 s20, s22;
	[dreg:$0x9] =	wrdreg s26;
	s20 =	sshrl.u32 s15, $0x3  }
0x14: {  	s22 =	sshrl.u32 s25, $0x3;
	s25 =	simm.s32 $0x80;
	s26 =	simm.s32 $0xA000  }
0x15: {  	s18 =	sadd.s32 $0x67400, s0;
	s19 =	smax.u32 s10, $0x1;
	s0 =	simm.s32 $0x10000  }
.LBB2_16:
0x16: {  	s10 =	sadd.s32 s10, s17;
	[bflag:$0x0] =	sbarrier.arrive $0xFFFF  }
0x17: {  	[hbm:s10], [sflag:s14] =	dma.local [spmem:s20], $0x13C0  }
0x18: {  	s28 =	sadd.s32 $0x1, s28;
	_ =	swait.ge [sflag:s21], $0x13C0  }
0x19: {  	p1 =	sne.s32 s28, s19;
	[sflag:s21] =	ssyncset.done $0x0  }
.Ltmp1:
0x1a: {  	[sflag:s21] =	ssyncadd.s32 $0xFFFFEC40;
	(pc) =	sbr.rel @!p1 .LBB2_17-.Ltmp1, $4  }
0x1b: {  	[hbm:s18], [sflag:s14] =	dma.local [spmem:s22], $0x4F0  }
0x1c: {  	_ =	swait.ge [sflag:s21], $0x4F0  }
0x1d: {  	[sflag:s21] =	ssyncset.done $0x0  }
0x1e: {  	s11 =	simm.s32 $0x5000;
	[sflag:s21] =	ssyncadd.s32 $0xFFFFFB10  }
.LBB2_1:
0x1f: {  	s10 =	rddreg [dreg:$0x5]  }
0x20: {  	[spmem:s20], [sflag:s14] =	dma.local [hbm:s10], $0x13C0  }
0x21: {  	_ =	swait.ge [sflag:s21], $0x13C0  }
0x22: {  	[sflag:s21] =	ssyncset.done $0x0  }
0x23: {  	s13 =	rddreg [dreg:$0x6];
	[sflag:s21] =	ssyncadd.s32 $0xFFFFEC40  }
0x24: {  	[spmem:s22], [sflag:s14] =	dma.local [hbm:s13], $0x4F0  }
0x25: {  	_ =	swait.ge [sflag:s21], $0x4F0  }
0x26: {  	[sflag:s21] =	ssyncset.done $0x0  }
0x27: {  	s15 =	rddreg [dreg:$0x7];
	[sflag:s21] =	ssyncadd.s32 $0xFFFFFB10  }
0x28: {  	[tilespmem:s23], [sflag:$0x5] =	stream.linear.gather [hbm4b:s15+s5], $0x800, $0x38;
	[tilespmem:$0x1ED80] =	vst v63  }
0x29: {  	_ =	swait.ge [sflag:s21], $0x800  }
0x2a: {  	[sflag:s21] =	ssyncset.done $0x0  }
0x2b: {  	s24 =	rddreg [dreg:$0x9];
	[sflag:s21] =	ssyncadd.s32 $0xFFFFF800  }
0x2c: {  	[tilespmem:s5], [sflag:$0x5] =	stream.linear.gather [hbm4b:s24+s5], $0x5000, $0x38;
	[tilespmem:$0x1ED80] =	vst v63  }
0x2d: {  	_ =	swait.ge [sflag:s21], $0x5000  }
0x2e: {  	[sflag:s21] =	ssyncset.done $0x0  }
0x2f: {  	[sflag:s21] =	ssyncadd.s32 $0xFFFFB000  }
0x30: {  	[tilespmem:s11], [sflag:$0x5] =	stream.linear.gather [hbm4b:s16+s5], $0x5000, $0x38;
	[tilespmem:$0x1ED80] =	vst v63  }
.Ltmp2:
0x31: {  	_ =	swait.ge [sflag:s21], $0x5000;
	(pc) =	sbr.rel @p0 .LBB2_9-.Ltmp2, $4  }
0x32: {  	[sflag:s21] =	ssyncset.done $0x0  }
0x33: {  	[sflag:s21] =	ssyncadd.s32 $0xFFFFB000  }
0x34: {  	[bflag:$0x0] =	sbarrier.arrive $0xFFFF  }
0x35: {  	s13 =	simm.s32 $0x0  }
0x36: {  	[tilespmem:s26], [sflag:$0x1] =	stream.indirect.gather [hbm4b:s6+s25], $0x40, s13, s25, $0xb8;
	[tilespmem:$0x1ED80] =	vst v63  }
0x37: {  	s10 =	simm.s32 $0xE000  }
0x38: {  	[tilespmem:s10], [sflag:$0x3] =	stream.indirect.gather [hbm4b:s8+s25], $0x40, s11, s25, $0xb8;
	[tilespmem:$0x1ED80] =	vst v63  }
.LBB2_3:
0x39: {  	_ =	swait.ge [sflag:s29], $0x2000  }
0x3a: {  	[sflag:s29] =	ssyncset.done $0x0  }
0x3b: {  	[sflag:s29] =	ssyncadd.s32 $0xFFFFE000  }
0x3c: {  	_ =	swait.ge [sflag:s30], $0x2000  }
0x3d: {  	s10 =	sshllo.u32 s13, $0x1;
	[sflag:s30] =	ssyncset.done $0x0  }
0x3e: {  	s10 =	sshll.u32 s10, $0x7;
	[sflag:s30] =	ssyncadd.s32 $0xFFFFE000  }
0x3f: {  	[tilespmem:s31], [sflag:$0x2] =	stream.indirect.gather [hbm4b:s6+s25], $0x40, s10, s25, $0xb8;
	[tilespmem:$0x1ED80] =	vst v63  }
0x40: {  	s11 =	sadd.s32 $0x5000, s10  }
0x41: {  	[tilespmem:s0], [sflag:$0x4] =	stream.indirect.gather [hbm4b:s8+s25], $0x40, s11, s25, $0xb8;
	[tilespmem:$0x1ED80] =	vst v63  }
0x42: {  	s11 =	simm.s32 $0xA080  }
0x43: {  	s12 =	simm.s32 $0xE080;
	v0 =	vld [tilespmem:s11+$0xFFFFFF80]  }
0x44: {  	v1 =	vld [tilespmem:s12+$0xFFFFFF80];
	_ =	sdelay $0x4  }
0x45: {  	v0 =	vadd.f32 v1, v0;
	_ =	sdelay $0x1  }
0x46: {  	v0 =	vmax.f32 v0, $0.0e+00  }
0x47: {  	[tilespmem:s11+$0xFFFFFF80] =	vst v0;
	v0 =	vld [tilespmem:s11+$0xFFFFFF90]  }
0x48: {  	v1 =	vld [tilespmem:s12+$0xFFFFFF90];
	_ =	sdelay $0x4  }
0x49: {  	v0 =	vadd.f32 v1, v0;
	_ =	sdelay $0x1  }
0x4a: {  	v0 =	vmax.f32 v0, $0.0e+00  }
0x4b: {  	[tilespmem:s11+$0xFFFFFF90] =	vst v0;
	v0 =	vld [tilespmem:s11+$0xFFFFFFA0]  }
0x4c: {  	v1 =	vld [tilespmem:s12+$0xFFFFFFA0];
	_ =	sdelay $0x4  }
0x4d: {  	v0 =	vadd.f32 v1, v0;
	_ =	sdelay $0x1  }
0x4e: {  	v0 =	vmax.f32 v0, $0.0e+00  }
0x4f: {  	[tilespmem:s11+$0xFFFFFFA0] =	vst v0;
	v0 =	vld [tilespmem:s11+$0xFFFFFFB0]  }
0x50: {  	v1 =	vld [tilespmem:s12+$0xFFFFFFB0];
	_ =	sdelay $0x4  }
0x51: {  	v0 =	vadd.f32 v1, v0;
	_ =	sdelay $0x1  }
0x52: {  	v0 =	vmax.f32 v0, $0.0e+00  }
0x53: {  	[tilespmem:s11+$0xFFFFFFB0] =	vst v0;
	v0 =	vld [tilespmem:s11+$0xFFFFFFC0]  }
0x54: {  	v1 =	vld [tilespmem:s12+$0xFFFFFFC0];
	_ =	sdelay $0x4  }
0x55: {  	v0 =	vadd.f32 v1, v0;
	_ =	sdelay $0x1  }
0x56: {  	v0 =	vmax.f32 v0, $0.0e+00  }
0x57: {  	[tilespmem:s11+$0xFFFFFFC0] =	vst v0;
	v0 =	vld [tilespmem:s11+$0xFFFFFFD0]  }
0x58: {  	v1 =	vld [tilespmem:s12+$0xFFFFFFD0];
	_ =	sdelay $0x4  }
0x59: {  	v0 =	vadd.f32 v1, v0;
	_ =	sdelay $0x1  }
0x5a: {  	v0 =	vmax.f32 v0, $0.0e+00  }
0x5b: {  	[tilespmem:s11+$0xFFFFFFD0] =	vst v0;
	v0 =	vld [tilespmem:s11+$0xFFFFFFE0]  }
0x5c: {  	v1 =	vld [tilespmem:s12+$0xFFFFFFE0];
	_ =	sdelay $0x4  }
0x5d: {  	v0 =	vadd.f32 v1, v0;
	_ =	sdelay $0x1  }
0x5e: {  	v0 =	vmax.f32 v0, $0.0e+00  }
0x5f: {  	[tilespmem:s11+$0xFFFFFFE0] =	vst v0;
	v0 =	vld [tilespmem:s11+$0xFFFFFFF0]  }
0x60: {  	v1 =	vld [tilespmem:s12+$0xFFFFFFF0];
	_ =	sdelay $0x4  }
0x61: {  	v0 =	vadd.f32 v1, v0;
	_ =	sdelay $0x1  }
0x62: {  	v0 =	vmax.f32 v0, $0.0e+00  }
0x63: {  	[tilespmem:s11+$0xFFFFFFF0] =	vst v0;
	v0 =	vld [tilespmem:s11+$0x0]  }
0x64: {  	v1 =	vld [tilespmem:s12+$0x0];
	_ =	sdelay $0x4  }
0x65: {  	v0 =	vadd.f32 v1, v0;
	_ =	sdelay $0x1  }
0x66: {  	v0 =	vmax.f32 v0, $0.0e+00  }
0x67: {  	[tilespmem:s11+$0x0] =	vst v0;
	v0 =	vld [tilespmem:s11+$0x10]  }
0x68: {  	v1 =	vld [tilespmem:s12+$0x10];
	_ =	sdelay $0x4  }
0x69: {  	v0 =	vadd.f32 v1, v0;
	_ =	sdelay $0x1  }
0x6a: {  	v0 =	vmax.f32 v0, $0.0e+00  }
0x6b: {  	[tilespmem:s11+$0x10] =	vst v0;
	v0 =	vld [tilespmem:s11+$0x20]  }
0x6c: {  	v1 =	vld [tilespmem:s12+$0x20];
	_ =	sdelay $0x4  }
0x6d: {  	v0 =	vadd.f32 v1, v0;
	_ =	sdelay $0x1  }
0x6e: {  	v0 =	vmax.f32 v0, $0.0e+00  }
0x6f: {  	[tilespmem:s11+$0x20] =	vst v0;
	v0 =	vld [tilespmem:s11+$0x30]  }
0x70: {  	v1 =	vld [tilespmem:s12+$0x30];
	_ =	sdelay $0x4  }
0x71: {  	v0 =	vadd.f32 v1, v0;
	_ =	sdelay $0x1  }
0x72: {  	v0 =	vmax.f32 v0, $0.0e+00  }
0x73: {  	[tilespmem:s11+$0x30] =	vst v0;
	v0 =	vld [tilespmem:s11+$0x40]  }
0x74: {  	v1 =	vld [tilespmem:s12+$0x40];
	_ =	sdelay $0x4  }
0x75: {  	v0 =	vadd.f32 v1, v0;
	_ =	sdelay $0x1  }
0x76: {  	v0 =	vmax.f32 v0, $0.0e+00  }
0x77: {  	[tilespmem:s11+$0x40] =	vst v0;
	v0 =	vld [tilespmem:s11+$0x50]  }
0x78: {  	v1 =	vld [tilespmem:s12+$0x50];
	_ =	sdelay $0x4  }
0x79: {  	v0 =	vadd.f32 v1, v0;
	_ =	sdelay $0x1  }
0x7a: {  	v0 =	vmax.f32 v0, $0.0e+00  }
0x7b: {  	[tilespmem:s11+$0x50] =	vst v0;
	v0 =	vld [tilespmem:s11+$0x60]  }
0x7c: {  	v1 =	vld [tilespmem:s12+$0x60];
	_ =	sdelay $0x4  }
0x7d: {  	v0 =	vadd.f32 v1, v0;
	_ =	sdelay $0x1  }
0x7e: {  	v0 =	vmax.f32 v0, $0.0e+00  }
0x7f: {  	[tilespmem:s11+$0x60] =	vst v0;
	v0 =	vld [tilespmem:s11+$0x70]  }
0x80: {  	v1 =	vld [tilespmem:s12+$0x70];
	_ =	sdelay $0x4  }
0x81: {  	v0 =	vadd.f32 v1, v0;
	_ =	sdelay $0x1  }
0x82: {  	s24 =	simm.s32 $0x0;
	s15 =	simm.s32 $0xA180;
	v0 =	vmax.f32 v0, $0.0e+00  }
.LBB2_4:
0x83: {  	v1 =	vld [tilespmem:s15+$0xFFFFFF80];
	[tilespmem:s11+$0x70] =	vst v0;
	s12 =	sadd.s32 $0x100, s12;
	s11 =	smov.u32 s15  }
0x84: {  	s24 =	sadd.s32 $0x4, s24;
	v0 =	vld [tilespmem:s12+$0xFFFFFF80]  }
0x85: {  	p1 =	slt.u32 s24, $0x7C;
	_ =	sdelay $0x3  }
0x86: {  	v0 =	vadd.f32 v0, v1;
	_ =	sdelay $0x1  }
0x87: {  	v0 =	vmax.f32 v0, $0.0e+00  }
0x88: {  	[tilespmem:s15+$0xFFFFFF80] =	vst v0;
	v0 =	vld [tilespmem:s15+$0xFFFFFF90]  }
0x89: {  	v1 =	vld [tilespmem:s12+$0xFFFFFF90];
	_ =	sdelay $0x4  }
0x8a: {  	v0 =	vadd.f32 v1, v0;
	_ =	sdelay $0x1  }
0x8b: {  	v0 =	vmax.f32 v0, $0.0e+00  }
0x8c: {  	[tilespmem:s15+$0xFFFFFF90] =	vst v0;
	v0 =	vld [tilespmem:s15+$0xFFFFFFA0]  }
0x8d: {  	v1 =	vld [tilespmem:s12+$0xFFFFFFA0];
	_ =	sdelay $0x4  }
0x8e: {  	v0 =	vadd.f32 v1, v0;
	_ =	sdelay $0x1  }
0x8f: {  	v0 =	vmax.f32 v0, $0.0e+00  }
0x90: {  	[tilespmem:s15+$0xFFFFFFA0] =	vst v0;
	v0 =	vld [tilespmem:s15+$0xFFFFFFB0]  }
0x91: {  	v1 =	vld [tilespmem:s12+$0xFFFFFFB0];
	_ =	sdelay $0x4  }
0x92: {  	v0 =	vadd.f32 v1, v0;
	_ =	sdelay $0x1  }
0x93: {  	v0 =	vmax.f32 v0, $0.0e+00  }
0x94: {  	[tilespmem:s15+$0xFFFFFFB0] =	vst v0;
	v0 =	vld [tilespmem:s15+$0xFFFFFFC0]  }
0x95: {  	v1 =	vld [tilespmem:s12+$0xFFFFFFC0];
	_ =	sdelay $0x4  }
0x96: {  	v0 =	vadd.f32 v1, v0;
	_ =	sdelay $0x1  }
0x97: {  	v0 =	vmax.f32 v0, $0.0e+00  }
0x98: {  	[tilespmem:s15+$0xFFFFFFC0] =	vst v0;
	v0 =	vld [tilespmem:s15+$0xFFFFFFD0]  }
0x99: {  	v1 =	vld [tilespmem:s12+$0xFFFFFFD0];
	_ =	sdelay $0x4  }
0x9a: {  	v0 =	vadd.f32 v1, v0;
	_ =	sdelay $0x1  }
0x9b: {  	v0 =	vmax.f32 v0, $0.0e+00  }
0x9c: {  	[tilespmem:s15+$0xFFFFFFD0] =	vst v0;
	v0 =	vld [tilespmem:s15+$0xFFFFFFE0]  }
0x9d: {  	v1 =	vld [tilespmem:s12+$0xFFFFFFE0];
	_ =	sdelay $0x4  }
0x9e: {  	v0 =	vadd.f32 v1, v0;
	_ =	sdelay $0x1  }
0x9f: {  	v0 =	vmax.f32 v0, $0.0e+00  }
0xa0: {  	[tilespmem:s15+$0xFFFFFFE0] =	vst v0;
	v0 =	vld [tilespmem:s15+$0xFFFFFFF0]  }
0xa1: {  	v1 =	vld [tilespmem:s12+$0xFFFFFFF0];
	_ =	sdelay $0x4  }
0xa2: {  	v0 =	vadd.f32 v1, v0;
	_ =	sdelay $0x1  }
0xa3: {  	v0 =	vmax.f32 v0, $0.0e+00  }
0xa4: {  	[tilespmem:s15+$0xFFFFFFF0] =	vst v0;
	v0 =	vld [tilespmem:s15+$0x0]  }
0xa5: {  	v1 =	vld [tilespmem:s12+$0x0];
	_ =	sdelay $0x4  }
0xa6: {  	v0 =	vadd.f32 v1, v0;
	_ =	sdelay $0x1  }
0xa7: {  	v0 =	vmax.f32 v0, $0.0e+00  }
0xa8: {  	[tilespmem:s15+$0x0] =	vst v0;
	v0 =	vld [tilespmem:s15+$0x10]  }
0xa9: {  	v1 =	vld [tilespmem:s12+$0x10];
	_ =	sdelay $0x4  }
0xaa: {  	v0 =	vadd.f32 v1, v0;
	_ =	sdelay $0x1  }
0xab: {  	v0 =	vmax.f32 v0, $0.0e+00  }
0xac: {  	[tilespmem:s15+$0x10] =	vst v0;
	v0 =	vld [tilespmem:s15+$0x20]  }
0xad: {  	v1 =	vld [tilespmem:s12+$0x20];
	_ =	sdelay $0x4  }
0xae: {  	v0 =	vadd.f32 v1, v0;
	_ =	sdelay $0x1  }
0xaf: {  	v0 =	vmax.f32 v0, $0.0e+00  }
0xb0: {  	[tilespmem:s15+$0x20] =	vst v0;
	v0 =	vld [tilespmem:s15+$0x30]  }
0xb1: {  	v1 =	vld [tilespmem:s12+$0x30];
	_ =	sdelay $0x4  }
0xb2: {  	v0 =	vadd.f32 v1, v0;
	_ =	sdelay $0x1  }
0xb3: {  	v0 =	vmax.f32 v0, $0.0e+00  }
0xb4: {  	[tilespmem:s15+$0x30] =	vst v0;
	v0 =	vld [tilespmem:s15+$0x40]  }
0xb5: {  	v1 =	vld [tilespmem:s12+$0x40];
	_ =	sdelay $0x4  }
0xb6: {  	v0 =	vadd.f32 v1, v0;
	_ =	sdelay $0x1  }
0xb7: {  	v0 =	vmax.f32 v0, $0.0e+00  }
0xb8: {  	[tilespmem:s15+$0x40] =	vst v0;
	v0 =	vld [tilespmem:s15+$0x50]  }
0xb9: {  	v1 =	vld [tilespmem:s12+$0x50];
	_ =	sdelay $0x4  }
0xba: {  	v0 =	vadd.f32 v1, v0;
	_ =	sdelay $0x1  }
0xbb: {  	v0 =	vmax.f32 v0, $0.0e+00  }
0xbc: {  	[tilespmem:s15+$0x50] =	vst v0;
	v0 =	vld [tilespmem:s15+$0x60]  }
0xbd: {  	v1 =	vld [tilespmem:s12+$0x60];
	_ =	sdelay $0x4  }
0xbe: {  	v0 =	vadd.f32 v1, v0;
	_ =	sdelay $0x1  }
0xbf: {  	v0 =	vmax.f32 v0, $0.0e+00  }
0xc0: {  	[tilespmem:s15+$0x60] =	vst v0;
	v0 =	vld [tilespmem:s15+$0x70]  }
0xc1: {  	v1 =	vld [tilespmem:s12+$0x70];
	_ =	sdelay $0x2  }
.Ltmp3:
0xc2: {  	(pc) =	sbr.rel @p1 .LBB2_4-.Ltmp3, $3  }
0xc3: {  	_ = 	snop  }
0xc4: {  	v0 =	vadd.f32 v1, v0;
	_ =	sdelay $0x1  }
0xc5: {  	s15 =	sadd.s32 $0x100, s15;
	v0 =	vmax.f32 v0, $0.0e+00  }
0xc6: {  	s12 =	sshll.u32 s13, $0x8  }
0xc7: {  	s12 =	sand.u32 $0x3FFFFF00, s12  }
0xc8: {  	[tilespmem:s11+$0x70] =	vst v0;
	s24 =	sadd.s32 $0x5000, s12  }
0xc9: {  	[spmem:s2] =	stream.indirect.scatter.add.f32 [tilespmem:s26], [sflag:$0x5], $0x40, s24, s25, $0xb8;
	[tilespmem:$0x1ED80] =	vst v63  }
0xca: {  	_ =	swait.ge [sflag:s21], $0x2000  }
0xcb: {  	[sflag:s21] =	ssyncset.done $0x0  }
0xcc: {  	[sflag:s21] =	ssyncadd.s32 $0xFFFFE000  }
0xcd: {  	[spmem:s3] =	stream.indirect.scatter.add.f32 [tilespmem:s23], [sflag:$0x5], $0x10, s24, s25, $0xb8;
	[tilespmem:$0x1ED80] =	vst v63  }
0xce: {  	_ =	swait.ge [sflag:s21], $0x800  }
0xcf: {  	[sflag:s21] =	ssyncset.done $0x0  }
0xd0: {  	[sflag:s21] =	ssyncadd.s32 $0xFFFFF800  }
0xd1: {  	_ =	swait.ge [sflag:s4], $0x2000  }
0xd2: {  	[sflag:s4] =	ssyncset.done $0x0  }
0xd3: {  	[sflag:s4] =	ssyncadd.s32 $0xFFFFE000  }
0xd4: {  	p1 =	seq.s32 s13, $0x4F;
	_ =	swait.ge [sflag:s1], $0x2000  }
0xd5: {  	s11 =	sshll.u32 @!p1 s13, $0x8;
	s15 =	simm.s32 @!p1 $0x80;
	[sflag:s1] =	ssyncset.done $0x0  }
0xd6: {  	s12 =	sadd.s32 @!p1 $0x100, s11;
	s24 =	simm.s32 @!p1 $0xA000;
	[sflag:s1] =	ssyncadd.s32 $0xFFFFE000  }
0xd7: {  	[tilespmem:s24], [sflag:$0x1] =	stream.indirect.gather @!p1 [hbm4b:s6+s15], $0x40, s12, s15, $0xb8;
	[tilespmem:$0x1ED80] =	vst v63  }
0xd8: {  	s11 =	sadd.s32 @!p1 $0x5100, s11;
	s12 =	simm.s32 @!p1 $0xE000  }
0xd9: {  	[tilespmem:s12], [sflag:$0x3] =	stream.indirect.gather @!p1 [hbm4b:s8+s15], $0x40, s11, s15, $0xb8;
	[tilespmem:$0x1ED80] =	vst v63  }
0xda: {  	s11 =	simm.s32 $0xC0F0  }
0xdb: {  	s12 =	simm.s32 $0x100F0;
	v0 =	vld [tilespmem:s11+$0xFFFFFF10]  }
0xdc: {  	v1 =	vld [tilespmem:s12+$0xFFFFFF10];
	_ =	sdelay $0x4  }
0xdd: {  	v0 =	vadd.f32 v1, v0;
	_ =	sdelay $0x1  }
0xde: {  	v0 =	vmax.f32 v0, $0.0e+00  }
0xdf: {  	[tilespmem:s11+$0xFFFFFF10] =	vst v0;
	v0 =	vld [tilespmem:s11+$0xFFFFFF20]  }
0xe0: {  	v1 =	vld [tilespmem:s12+$0xFFFFFF20];
	_ =	sdelay $0x4  }
0xe1: {  	v0 =	vadd.f32 v1, v0;
	_ =	sdelay $0x1  }
0xe2: {  	v0 =	vmax.f32 v0, $0.0e+00  }
0xe3: {  	[tilespmem:s11+$0xFFFFFF20] =	vst v0;
	v0 =	vld [tilespmem:s11+$0xFFFFFF30]  }
0xe4: {  	v1 =	vld [tilespmem:s12+$0xFFFFFF30];
	_ =	sdelay $0x4  }
0xe5: {  	v0 =	vadd.f32 v1, v0;
	_ =	sdelay $0x1  }
0xe6: {  	v0 =	vmax.f32 v0, $0.0e+00  }
0xe7: {  	[tilespmem:s11+$0xFFFFFF30] =	vst v0;
	v0 =	vld [tilespmem:s11+$0xFFFFFF40]  }
0xe8: {  	v1 =	vld [tilespmem:s12+$0xFFFFFF40];
	_ =	sdelay $0x4  }
0xe9: {  	v0 =	vadd.f32 v1, v0;
	_ =	sdelay $0x1  }
0xea: {  	v0 =	vmax.f32 v0, $0.0e+00  }
0xeb: {  	[tilespmem:s11+$0xFFFFFF40] =	vst v0;
	v0 =	vld [tilespmem:s11+$0xFFFFFF50]  }
0xec: {  	v1 =	vld [tilespmem:s12+$0xFFFFFF50];
	_ =	sdelay $0x4  }
0xed: {  	v0 =	vadd.f32 v1, v0;
	_ =	sdelay $0x1  }
0xee: {  	v0 =	vmax.f32 v0, $0.0e+00  }
0xef: {  	[tilespmem:s11+$0xFFFFFF50] =	vst v0;
	v0 =	vld [tilespmem:s11+$0xFFFFFF60]  }
0xf0: {  	v1 =	vld [tilespmem:s12+$0xFFFFFF60];
	_ =	sdelay $0x4  }
0xf1: {  	v0 =	vadd.f32 v1, v0;
	_ =	sdelay $0x1  }
0xf2: {  	v0 =	vmax.f32 v0, $0.0e+00  }
0xf3: {  	[tilespmem:s11+$0xFFFFFF60] =	vst v0;
	v0 =	vld [tilespmem:s11+$0xFFFFFF70]  }
0xf4: {  	v1 =	vld [tilespmem:s12+$0xFFFFFF70];
	_ =	sdelay $0x4  }
0xf5: {  	v0 =	vadd.f32 v1, v0;
	_ =	sdelay $0x1  }
0xf6: {  	v0 =	vmax.f32 v0, $0.0e+00  }
0xf7: {  	[tilespmem:s11+$0xFFFFFF70] =	vst v0;
	v0 =	vld [tilespmem:s11+$0xFFFFFF80]  }
0xf8: {  	v1 =	vld [tilespmem:s12+$0xFFFFFF80];
	_ =	sdelay $0x4  }
0xf9: {  	v0 =	vadd.f32 v1, v0;
	_ =	sdelay $0x1  }
0xfa: {  	v0 =	vmax.f32 v0, $0.0e+00  }
0xfb: {  	[tilespmem:s11+$0xFFFFFF80] =	vst v0;
	v0 =	vld [tilespmem:s11+$0xFFFFFF90]  }
0xfc: {  	v1 =	vld [tilespmem:s12+$0xFFFFFF90];
	_ =	sdelay $0x4  }
0xfd: {  	v0 =	vadd.f32 v1, v0;
	_ =	sdelay $0x1  }
0xfe: {  	v0 =	vmax.f32 v0, $0.0e+00  }
0xff: {  	[tilespmem:s11+$0xFFFFFF90] =	vst v0;
	v0 =	vld [tilespmem:s11+$0xFFFFFFA0]  }
0x100: {  	v1 =	vld [tilespmem:s12+$0xFFFFFFA0];
	_ =	sdelay $0x4  }
0x101: {  	v0 =	vadd.f32 v1, v0;
	_ =	sdelay $0x1  }
0x102: {  	v0 =	vmax.f32 v0, $0.0e+00  }
0x103: {  	[tilespmem:s11+$0xFFFFFFA0] =	vst v0;
	v0 =	vld [tilespmem:s11+$0xFFFFFFB0]  }
0x104: {  	v1 =	vld [tilespmem:s12+$0xFFFFFFB0];
	_ =	sdelay $0x4  }
0x105: {  	v0 =	vadd.f32 v1, v0;
	_ =	sdelay $0x1  }
0x106: {  	v0 =	vmax.f32 v0, $0.0e+00  }
0x107: {  	[tilespmem:s11+$0xFFFFFFB0] =	vst v0;
	v0 =	vld [tilespmem:s11+$0xFFFFFFC0]  }
0x108: {  	v1 =	vld [tilespmem:s12+$0xFFFFFFC0];
	_ =	sdelay $0x4  }
0x109: {  	v0 =	vadd.f32 v1, v0;
	_ =	sdelay $0x1  }
0x10a: {  	v0 =	vmax.f32 v0, $0.0e+00  }
0x10b: {  	[tilespmem:s11+$0xFFFFFFC0] =	vst v0;
	v0 =	vld [tilespmem:s11+$0xFFFFFFD0]  }
0x10c: {  	v1 =	vld [tilespmem:s12+$0xFFFFFFD0];
	_ =	sdelay $0x4  }
0x10d: {  	v0 =	vadd.f32 v1, v0;
	_ =	sdelay $0x1  }
0x10e: {  	v0 =	vmax.f32 v0, $0.0e+00  }
0x10f: {  	[tilespmem:s11+$0xFFFFFFD0] =	vst v0;
	v0 =	vld [tilespmem:s11+$0xFFFFFFE0]  }
0x110: {  	v1 =	vld [tilespmem:s12+$0xFFFFFFE0];
	_ =	sdelay $0x4  }
0x111: {  	v0 =	vadd.f32 v1, v0;
	_ =	sdelay $0x1  }
0x112: {  	v0 =	vmax.f32 v0, $0.0e+00  }
0x113: {  	[tilespmem:s11+$0xFFFFFFE0] =	vst v0;
	v0 =	vld [tilespmem:s11+$0xFFFFFFF0]  }
0x114: {  	v1 =	vld [tilespmem:s12+$0xFFFFFFF0];
	_ =	sdelay $0x4  }
0x115: {  	v0 =	vadd.f32 v1, v0;
	_ =	sdelay $0x1  }
0x116: {  	v0 =	vmax.f32 v0, $0.0e+00  }
0x117: {  	[tilespmem:s11+$0xFFFFFFF0] =	vst v0;
	v0 =	vld [tilespmem:s11+$0x0]  }
0x118: {  	v1 =	vld [tilespmem:s12+$0x0];
	_ =	sdelay $0x4  }
0x119: {  	v0 =	vadd.f32 v1, v0;
	_ =	sdelay $0x1  }
0x11a: {  	s24 =	simm.s32 $0x0;
	s15 =	simm.s32 $0xC1F0;
	v0 =	vmax.f32 v0, $0.0e+00  }
.LBB2_6:
0x11b: {  	v1 =	vld [tilespmem:s15+$0xFFFFFF10];
	[tilespmem:s11+$0x0] =	vst v0;
	s12 =	sadd.s32 $0x100, s12;
	s11 =	smov.u32 s15  }
0x11c: {  	s24 =	sadd.s32 $0x4, s24;
	v0 =	vld [tilespmem:s12+$0xFFFFFF10]  }
0x11d: {  	p1 =	slt.u32 s24, $0x7C;
	_ =	sdelay $0x3  }
0x11e: {  	v0 =	vadd.f32 v0, v1;
	_ =	sdelay $0x1  }
0x11f: {  	v0 =	vmax.f32 v0, $0.0e+00  }
0x120: {  	[tilespmem:s15+$0xFFFFFF10] =	vst v0;
	v0 =	vld [tilespmem:s15+$0xFFFFFF20]  }
0x121: {  	v1 =	vld [tilespmem:s12+$0xFFFFFF20];
	_ =	sdelay $0x4  }
0x122: {  	v0 =	vadd.f32 v1, v0;
	_ =	sdelay $0x1  }
0x123: {  	v0 =	vmax.f32 v0, $0.0e+00  }
0x124: {  	[tilespmem:s15+$0xFFFFFF20] =	vst v0;
	v0 =	vld [tilespmem:s15+$0xFFFFFF30]  }
0x125: {  	v1 =	vld [tilespmem:s12+$0xFFFFFF30];
	_ =	sdelay $0x4  }
0x126: {  	v0 =	vadd.f32 v1, v0;
	_ =	sdelay $0x1  }
0x127: {  	v0 =	vmax.f32 v0, $0.0e+00  }
0x128: {  	[tilespmem:s15+$0xFFFFFF30] =	vst v0;
	v0 =	vld [tilespmem:s15+$0xFFFFFF40]  }
0x129: {  	v1 =	vld [tilespmem:s12+$0xFFFFFF40];
	_ =	sdelay $0x4  }
0x12a: {  	v0 =	vadd.f32 v1, v0;
	_ =	sdelay $0x1  }
0x12b: {  	v0 =	vmax.f32 v0, $0.0e+00  }
0x12c: {  	[tilespmem:s15+$0xFFFFFF40] =	vst v0;
	v0 =	vld [tilespmem:s15+$0xFFFFFF50]  }
0x12d: {  	v1 =	vld [tilespmem:s12+$0xFFFFFF50];
	_ =	sdelay $0x4  }
0x12e: {  	v0 =	vadd.f32 v1, v0;
	_ =	sdelay $0x1  }
0x12f: {  	v0 =	vmax.f32 v0, $0.0e+00  }
0x130: {  	[tilespmem:s15+$0xFFFFFF50] =	vst v0;
	v0 =	vld [tilespmem:s15+$0xFFFFFF60]  }
0x131: {  	v1 =	vld [tilespmem:s12+$0xFFFFFF60];
	_ =	sdelay $0x4  }
0x132: {  	v0 =	vadd.f32 v1, v0;
	_ =	sdelay $0x1  }
0x133: {  	v0 =	vmax.f32 v0, $0.0e+00  }
0x134: {  	[tilespmem:s15+$0xFFFFFF60] =	vst v0;
	v0 =	vld [tilespmem:s15+$0xFFFFFF70]  }
0x135: {  	v1 =	vld [tilespmem:s12+$0xFFFFFF70];
	_ =	sdelay $0x4  }
0x136: {  	v0 =	vadd.f32 v1, v0;
	_ =	sdelay $0x1  }
0x137: {  	v0 =	vmax.f32 v0, $0.0e+00  }
0x138: {  	[tilespmem:s15+$0xFFFFFF70] =	vst v0;
	v0 =	vld [tilespmem:s15+$0xFFFFFF80]  }
0x139: {  	v1 =	vld [tilespmem:s12+$0xFFFFFF80];
	_ =	sdelay $0x4  }
0x13a: {  	v0 =	vadd.f32 v1, v0;
	_ =	sdelay $0x1  }
0x13b: {  	v0 =	vmax.f32 v0, $0.0e+00  }
0x13c: {  	[tilespmem:s15+$0xFFFFFF80] =	vst v0;
	v0 =	vld [tilespmem:s15+$0xFFFFFF90]  }
0x13d: {  	v1 =	vld [tilespmem:s12+$0xFFFFFF90];
	_ =	sdelay $0x4  }
0x13e: {  	v0 =	vadd.f32 v1, v0;
	_ =	sdelay $0x1  }
0x13f: {  	v0 =	vmax.f32 v0, $0.0e+00  }
0x140: {  	[tilespmem:s15+$0xFFFFFF90] =	vst v0;
	v0 =	vld [tilespmem:s15+$0xFFFFFFA0]  }
0x141: {  	v1 =	vld [tilespmem:s12+$0xFFFFFFA0];
	_ =	sdelay $0x4  }
0x142: {  	v0 =	vadd.f32 v1, v0;
	_ =	sdelay $0x1  }
0x143: {  	v0 =	vmax.f32 v0, $0.0e+00  }
0x144: {  	[tilespmem:s15+$0xFFFFFFA0] =	vst v0;
	v0 =	vld [tilespmem:s15+$0xFFFFFFB0]  }
0x145: {  	v1 =	vld [tilespmem:s12+$0xFFFFFFB0];
	_ =	sdelay $0x4  }
0x146: {  	v0 =	vadd.f32 v1, v0;
	_ =	sdelay $0x1  }
0x147: {  	v0 =	vmax.f32 v0, $0.0e+00  }
0x148: {  	[tilespmem:s15+$0xFFFFFFB0] =	vst v0;
	v0 =	vld [tilespmem:s15+$0xFFFFFFC0]  }
0x149: {  	v1 =	vld [tilespmem:s12+$0xFFFFFFC0];
	_ =	sdelay $0x4  }
0x14a: {  	v0 =	vadd.f32 v1, v0;
	_ =	sdelay $0x1  }
0x14b: {  	v0 =	vmax.f32 v0, $0.0e+00  }
0x14c: {  	[tilespmem:s15+$0xFFFFFFC0] =	vst v0;
	v0 =	vld [tilespmem:s15+$0xFFFFFFD0]  }
0x14d: {  	v1 =	vld [tilespmem:s12+$0xFFFFFFD0];
	_ =	sdelay $0x4  }
0x14e: {  	v0 =	vadd.f32 v1, v0;
	_ =	sdelay $0x1  }
0x14f: {  	v0 =	vmax.f32 v0, $0.0e+00  }
0x150: {  	[tilespmem:s15+$0xFFFFFFD0] =	vst v0;
	v0 =	vld [tilespmem:s15+$0xFFFFFFE0]  }
0x151: {  	v1 =	vld [tilespmem:s12+$0xFFFFFFE0];
	_ =	sdelay $0x4  }
0x152: {  	v0 =	vadd.f32 v1, v0;
	_ =	sdelay $0x1  }
0x153: {  	v0 =	vmax.f32 v0, $0.0e+00  }
0x154: {  	[tilespmem:s15+$0xFFFFFFE0] =	vst v0;
	v0 =	vld [tilespmem:s15+$0xFFFFFFF0]  }
0x155: {  	v1 =	vld [tilespmem:s12+$0xFFFFFFF0];
	_ =	sdelay $0x4  }
0x156: {  	v0 =	vadd.f32 v1, v0;
	_ =	sdelay $0x1  }
0x157: {  	v0 =	vmax.f32 v0, $0.0e+00  }
0x158: {  	[tilespmem:s15+$0xFFFFFFF0] =	vst v0;
	v0 =	vld [tilespmem:s15+$0x0]  }
0x159: {  	v1 =	vld [tilespmem:s12+$0x0];
	_ =	sdelay $0x2  }
.Ltmp4:
0x15a: {  	(pc) =	sbr.rel @p1 .LBB2_6-.Ltmp4, $3  }
0x15b: {  	_ = 	snop  }
0x15c: {  	v0 =	vadd.f32 v1, v0;
	_ =	sdelay $0x1  }
0x15d: {  	s15 =	sadd.s32 $0x100, s15;
	v0 =	vmax.f32 v0, $0.0e+00  }
0x15e: {  	s13 =	sadd.s32 $0x1, s13  }
0x15f: {  	s10 =	sand.u32 $0x3FFFFF80, s10;
	p1 =	seq.s32 s13, $0x50  }
.Ltmp5:
0x160: {  	[tilespmem:s11+$0x0] =	vst v0;
	s10 =	sadd.s32 $0x5000, s10;
	(pc) =	sbr.rel @!p1 .LBB2_3-.Ltmp5, $4  }
0x161: {  	[spmem:s2] =	stream.indirect.scatter.add.f32 [tilespmem:s31], [sflag:$0x5], $0x40, s10, s25, $0xb8;
	[tilespmem:$0x1ED80] =	vst v63  }
0x162: {  	_ =	swait.ge [sflag:s21], $0x2000  }
0x163: {  	[sflag:s21] =	ssyncset.done $0x0  }
0x164: {  	[sflag:s21] =	ssyncadd.s32 $0xFFFFE000  }
.Ltmp6:
0x165: {  	(pc) =	sbr.rel .LBB2_16-.Ltmp6, $2  }
0x166: {  	_ =	sdelay $0x2  }
0x167: {  	s10 =	rddreg [dreg:$0x1]  }
.LBB2_9:
0x168: {  	[tilespmem:s26], [sflag:$0x1] =	stream.indirect.gather [hbm4b:s7+s25], $0x40, s13, s25, $0xb8;
	[tilespmem:$0x1ED80] =	vst v63  }
0x169: {  	s10 =	simm.s32 $0xE000  }
0x16a: {  	[tilespmem:s10], [sflag:$0x3] =	stream.indirect.gather [hbm4b:s9+s25], $0x40, s11, s25, $0xb8;
	[tilespmem:$0x1ED80] =	vst v63  }
.LBB2_10:
0x16b: {  	_ =	swait.ge [sflag:s29], $0x2000  }
0x16c: {  	[sflag:s29] =	ssyncset.done $0x0  }
0x16d: {  	[sflag:s29] =	ssyncadd.s32 $0xFFFFE000  }
0x16e: {  	_ =	swait.ge [sflag:s30], $0x2000  }
0x16f: {  	s10 =	sshllo.u32 s13, $0x1;
	[sflag:s30] =	ssyncset.done $0x0  }
0x170: {  	s10 =	sshll.u32 s10, $0x7;
	[sflag:s30] =	ssyncadd.s32 $0xFFFFE000  }
0x171: {  	[tilespmem:s31], [sflag:$0x2] =	stream.indirect.gather [hbm4b:s7+s25], $0x40, s10, s25, $0xb8;
	[tilespmem:$0x1ED80] =	vst v63  }
0x172: {  	s11 =	sadd.s32 $0x5000, s10  }
0x173: {  	[tilespmem:s0], [sflag:$0x4] =	stream.indirect.gather [hbm4b:s9+s25], $0x40, s11, s25, $0xb8;
	[tilespmem:$0x1ED80] =	vst v63  }
0x174: {  	s11 =	simm.s32 $0xA080  }
0x175: {  	s12 =	simm.s32 $0xE080;
	v0 =	vld [tilespmem:s11+$0xFFFFFF80]  }
0x176: {  	v1 =	vld [tilespmem:s12+$0xFFFFFF80];
	_ =	sdelay $0x4  }
0x177: {  	v0 =	vadd.f32 v1, v0;
	_ =	sdelay $0x1  }
0x178: {  	v0 =	vmax.f32 v0, $0.0e+00  }
0x179: {  	[tilespmem:s11+$0xFFFFFF80] =	vst v0;
	v0 =	vld [tilespmem:s11+$0xFFFFFF90]  }
0x17a: {  	v1 =	vld [tilespmem:s12+$0xFFFFFF90];
	_ =	sdelay $0x4  }
0x17b: {  	v0 =	vadd.f32 v1, v0;
	_ =	sdelay $0x1  }
0x17c: {  	v0 =	vmax.f32 v0, $0.0e+00  }
0x17d: {  	[tilespmem:s11+$0xFFFFFF90] =	vst v0;
	v0 =	vld [tilespmem:s11+$0xFFFFFFA0]  }
0x17e: {  	v1 =	vld [tilespmem:s12+$0xFFFFFFA0];
	_ =	sdelay $0x4  }
0x17f: {  	v0 =	vadd.f32 v1, v0;
	_ =	sdelay $0x1  }
0x180: {  	v0 =	vmax.f32 v0, $0.0e+00  }
0x181: {  	[tilespmem:s11+$0xFFFFFFA0] =	vst v0;
	v0 =	vld [tilespmem:s11+$0xFFFFFFB0]  }
0x182: {  	v1 =	vld [tilespmem:s12+$0xFFFFFFB0];
	_ =	sdelay $0x4  }
0x183: {  	v0 =	vadd.f32 v1, v0;
	_ =	sdelay $0x1  }
0x184: {  	v0 =	vmax.f32 v0, $0.0e+00  }
0x185: {  	[tilespmem:s11+$0xFFFFFFB0] =	vst v0;
	v0 =	vld [tilespmem:s11+$0xFFFFFFC0]  }
0x186: {  	v1 =	vld [tilespmem:s12+$0xFFFFFFC0];
	_ =	sdelay $0x4  }
0x187: {  	v0 =	vadd.f32 v1, v0;
	_ =	sdelay $0x1  }
0x188: {  	v0 =	vmax.f32 v0, $0.0e+00  }
0x189: {  	[tilespmem:s11+$0xFFFFFFC0] =	vst v0;
	v0 =	vld [tilespmem:s11+$0xFFFFFFD0]  }
0x18a: {  	v1 =	vld [tilespmem:s12+$0xFFFFFFD0];
	_ =	sdelay $0x4  }
0x18b: {  	v0 =	vadd.f32 v1, v0;
	_ =	sdelay $0x1  }
0x18c: {  	v0 =	vmax.f32 v0, $0.0e+00  }
0x18d: {  	[tilespmem:s11+$0xFFFFFFD0] =	vst v0;
	v0 =	vld [tilespmem:s11+$0xFFFFFFE0]  }
0x18e: {  	v1 =	vld [tilespmem:s12+$0xFFFFFFE0];
	_ =	sdelay $0x4  }
0x18f: {  	v0 =	vadd.f32 v1, v0;
	_ =	sdelay $0x1  }
0x190: {  	v0 =	vmax.f32 v0, $0.0e+00  }
0x191: {  	[tilespmem:s11+$0xFFFFFFE0] =	vst v0;
	v0 =	vld [tilespmem:s11+$0xFFFFFFF0]  }
0x192: {  	v1 =	vld [tilespmem:s12+$0xFFFFFFF0];
	_ =	sdelay $0x4  }
0x193: {  	v0 =	vadd.f32 v1, v0;
	_ =	sdelay $0x1  }
0x194: {  	v0 =	vmax.f32 v0, $0.0e+00  }
0x195: {  	[tilespmem:s11+$0xFFFFFFF0] =	vst v0;
	v0 =	vld [tilespmem:s11+$0x0]  }
0x196: {  	v1 =	vld [tilespmem:s12+$0x0];
	_ =	sdelay $0x4  }
0x197: {  	v0 =	vadd.f32 v1, v0;
	_ =	sdelay $0x1  }
0x198: {  	v0 =	vmax.f32 v0, $0.0e+00  }
0x199: {  	[tilespmem:s11+$0x0] =	vst v0;
	v0 =	vld [tilespmem:s11+$0x10]  }
0x19a: {  	v1 =	vld [tilespmem:s12+$0x10];
	_ =	sdelay $0x4  }
0x19b: {  	v0 =	vadd.f32 v1, v0;
	_ =	sdelay $0x1  }
0x19c: {  	v0 =	vmax.f32 v0, $0.0e+00  }
0x19d: {  	[tilespmem:s11+$0x10] =	vst v0;
	v0 =	vld [tilespmem:s11+$0x20]  }
0x19e: {  	v1 =	vld [tilespmem:s12+$0x20];
	_ =	sdelay $0x4  }
0x19f: {  	v0 =	vadd.f32 v1, v0;
	_ =	sdelay $0x1  }
0x1a0: {  	v0 =	vmax.f32 v0, $0.0e+00  }
0x1a1: {  	[tilespmem:s11+$0x20] =	vst v0;
	v0 =	vld [tilespmem:s11+$0x30]  }
0x1a2: {  	v1 =	vld [tilespmem:s12+$0x30];
	_ =	sdelay $0x4  }
0x1a3: {  	v0 =	vadd.f32 v1, v0;
	_ =	sdelay $0x1  }
0x1a4: {  	v0 =	vmax.f32 v0, $0.0e+00  }
0x1a5: {  	[tilespmem:s11+$0x30] =	vst v0;
	v0 =	vld [tilespmem:s11+$0x40]  }
0x1a6: {  	v1 =	vld [tilespmem:s12+$0x40];
	_ =	sdelay $0x4  }
0x1a7: {  	v0 =	vadd.f32 v1, v0;
	_ =	sdelay $0x1  }
0x1a8: {  	v0 =	vmax.f32 v0, $0.0e+00  }
0x1a9: {  	[tilespmem:s11+$0x40] =	vst v0;
	v0 =	vld [tilespmem:s11+$0x50]  }
0x1aa: {  	v1 =	vld [tilespmem:s12+$0x50];
	_ =	sdelay $0x4  }
0x1ab: {  	v0 =	vadd.f32 v1, v0;
	_ =	sdelay $0x1  }
0x1ac: {  	v0 =	vmax.f32 v0, $0.0e+00  }
0x1ad: {  	[tilespmem:s11+$0x50] =	vst v0;
	v0 =	vld [tilespmem:s11+$0x60]  }
0x1ae: {  	v1 =	vld [tilespmem:s12+$0x60];
	_ =	sdelay $0x4  }
0x1af: {  	v0 =	vadd.f32 v1, v0;
	_ =	sdelay $0x1  }
0x1b0: {  	v0 =	vmax.f32 v0, $0.0e+00  }
0x1b1: {  	[tilespmem:s11+$0x60] =	vst v0;
	v0 =	vld [tilespmem:s11+$0x70]  }
0x1b2: {  	v1 =	vld [tilespmem:s12+$0x70];
	_ =	sdelay $0x4  }
0x1b3: {  	v0 =	vadd.f32 v1, v0;
	_ =	sdelay $0x1  }
0x1b4: {  	s24 =	simm.s32 $0x0;
	s15 =	simm.s32 $0xA180;
	v0 =	vmax.f32 v0, $0.0e+00  }
.LBB2_11:
0x1b5: {  	v1 =	vld [tilespmem:s15+$0xFFFFFF80];
	[tilespmem:s11+$0x70] =	vst v0;
	s12 =	sadd.s32 $0x100, s12;
	s11 =	smov.u32 s15  }
0x1b6: {  	s24 =	sadd.s32 $0x4, s24;
	v0 =	vld [tilespmem:s12+$0xFFFFFF80]  }
0x1b7: {  	p1 =	slt.u32 s24, $0x7C;
	_ =	sdelay $0x3  }
0x1b8: {  	v0 =	vadd.f32 v0, v1;
	_ =	sdelay $0x1  }
0x1b9: {  	v0 =	vmax.f32 v0, $0.0e+00  }
0x1ba: {  	[tilespmem:s15+$0xFFFFFF80] =	vst v0;
	v0 =	vld [tilespmem:s15+$0xFFFFFF90]  }
0x1bb: {  	v1 =	vld [tilespmem:s12+$0xFFFFFF90];
	_ =	sdelay $0x4  }
0x1bc: {  	v0 =	vadd.f32 v1, v0;
	_ =	sdelay $0x1  }
0x1bd: {  	v0 =	vmax.f32 v0, $0.0e+00  }
0x1be: {  	[tilespmem:s15+$0xFFFFFF90] =	vst v0;
	v0 =	vld [tilespmem:s15+$0xFFFFFFA0]  }
0x1bf: {  	v1 =	vld [tilespmem:s12+$0xFFFFFFA0];
	_ =	sdelay $0x4  }
0x1c0: {  	v0 =	vadd.f32 v1, v0;
	_ =	sdelay $0x1  }
0x1c1: {  	v0 =	vmax.f32 v0, $0.0e+00  }
0x1c2: {  	[tilespmem:s15+$0xFFFFFFA0] =	vst v0;
	v0 =	vld [tilespmem:s15+$0xFFFFFFB0]  }
0x1c3: {  	v1 =	vld [tilespmem:s12+$0xFFFFFFB0];
	_ =	sdelay $0x4  }
0x1c4: {  	v0 =	vadd.f32 v1, v0;
	_ =	sdelay $0x1  }
0x1c5: {  	v0 =	vmax.f32 v0, $0.0e+00  }
0x1c6: {  	[tilespmem:s15+$0xFFFFFFB0] =	vst v0;
	v0 =	vld [tilespmem:s15+$0xFFFFFFC0]  }
0x1c7: {  	v1 =	vld [tilespmem:s12+$0xFFFFFFC0];
	_ =	sdelay $0x4  }
0x1c8: {  	v0 =	vadd.f32 v1, v0;
	_ =	sdelay $0x1  }
0x1c9: {  	v0 =	vmax.f32 v0, $0.0e+00  }
0x1ca: {  	[tilespmem:s15+$0xFFFFFFC0] =	vst v0;
	v0 =	vld [tilespmem:s15+$0xFFFFFFD0]  }
0x1cb: {  	v1 =	vld [tilespmem:s12+$0xFFFFFFD0];
	_ =	sdelay $0x4  }
0x1cc: {  	v0 =	vadd.f32 v1, v0;
	_ =	sdelay $0x1  }
0x1cd: {  	v0 =	vmax.f32 v0, $0.0e+00  }
0x1ce: {  	[tilespmem:s15+$0xFFFFFFD0] =	vst v0;
	v0 =	vld [tilespmem:s15+$0xFFFFFFE0]  }
0x1cf: {  	v1 =	vld [tilespmem:s12+$0xFFFFFFE0];
	_ =	sdelay $0x4  }
0x1d0: {  	v0 =	vadd.f32 v1, v0;
	_ =	sdelay $0x1  }
0x1d1: {  	v0 =	vmax.f32 v0, $0.0e+00  }
0x1d2: {  	[tilespmem:s15+$0xFFFFFFE0] =	vst v0;
	v0 =	vld [tilespmem:s15+$0xFFFFFFF0]  }
0x1d3: {  	v1 =	vld [tilespmem:s12+$0xFFFFFFF0];
	_ =	sdelay $0x4  }
0x1d4: {  	v0 =	vadd.f32 v1, v0;
	_ =	sdelay $0x1  }
0x1d5: {  	v0 =	vmax.f32 v0, $0.0e+00  }
0x1d6: {  	[tilespmem:s15+$0xFFFFFFF0] =	vst v0;
	v0 =	vld [tilespmem:s15+$0x0]  }
0x1d7: {  	v1 =	vld [tilespmem:s12+$0x0];
	_ =	sdelay $0x4  }
0x1d8: {  	v0 =	vadd.f32 v1, v0;
	_ =	sdelay $0x1  }
0x1d9: {  	v0 =	vmax.f32 v0, $0.0e+00  }
0x1da: {  	[tilespmem:s15+$0x0] =	vst v0;
	v0 =	vld [tilespmem:s15+$0x10]  }
0x1db: {  	v1 =	vld [tilespmem:s12+$0x10];
	_ =	sdelay $0x4  }
0x1dc: {  	v0 =	vadd.f32 v1, v0;
	_ =	sdelay $0x1  }
0x1dd: {  	v0 =	vmax.f32 v0, $0.0e+00  }
0x1de: {  	[tilespmem:s15+$0x10] =	vst v0;
	v0 =	vld [tilespmem:s15+$0x20]  }
0x1df: {  	v1 =	vld [tilespmem:s12+$0x20];
	_ =	sdelay $0x4  }
0x1e0: {  	v0 =	vadd.f32 v1, v0;
	_ =	sdelay $0x1  }
0x1e1: {  	v0 =	vmax.f32 v0, $0.0e+00  }
0x1e2: {  	[tilespmem:s15+$0x20] =	vst v0;
	v0 =	vld [tilespmem:s15+$0x30]  }
0x1e3: {  	v1 =	vld [tilespmem:s12+$0x30];
	_ =	sdelay $0x4  }
0x1e4: {  	v0 =	vadd.f32 v1, v0;
	_ =	sdelay $0x1  }
0x1e5: {  	v0 =	vmax.f32 v0, $0.0e+00  }
0x1e6: {  	[tilespmem:s15+$0x30] =	vst v0;
	v0 =	vld [tilespmem:s15+$0x40]  }
0x1e7: {  	v1 =	vld [tilespmem:s12+$0x40];
	_ =	sdelay $0x4  }
0x1e8: {  	v0 =	vadd.f32 v1, v0;
	_ =	sdelay $0x1  }
0x1e9: {  	v0 =	vmax.f32 v0, $0.0e+00  }
0x1ea: {  	[tilespmem:s15+$0x40] =	vst v0;
	v0 =	vld [tilespmem:s15+$0x50]  }
0x1eb: {  	v1 =	vld [tilespmem:s12+$0x50];
	_ =	sdelay $0x4  }
0x1ec: {  	v0 =	vadd.f32 v1, v0;
	_ =	sdelay $0x1  }
0x1ed: {  	v0 =	vmax.f32 v0, $0.0e+00  }
0x1ee: {  	[tilespmem:s15+$0x50] =	vst v0;
	v0 =	vld [tilespmem:s15+$0x60]  }
0x1ef: {  	v1 =	vld [tilespmem:s12+$0x60];
	_ =	sdelay $0x4  }
0x1f0: {  	v0 =	vadd.f32 v1, v0;
	_ =	sdelay $0x1  }
0x1f1: {  	v0 =	vmax.f32 v0, $0.0e+00  }
0x1f2: {  	[tilespmem:s15+$0x60] =	vst v0;
	v0 =	vld [tilespmem:s15+$0x70]  }
0x1f3: {  	v1 =	vld [tilespmem:s12+$0x70];
	_ =	sdelay $0x2  }
.Ltmp7:
0x1f4: {  	(pc) =	sbr.rel @p1 .LBB2_11-.Ltmp7, $3  }
0x1f5: {  	_ = 	snop  }
0x1f6: {  	v0 =	vadd.f32 v1, v0;
	_ =	sdelay $0x1  }
0x1f7: {  	s15 =	sadd.s32 $0x100, s15;
	v0 =	vmax.f32 v0, $0.0e+00  }
0x1f8: {  	s12 =	sshll.u32 s13, $0x8  }
0x1f9: {  	s12 =	sand.u32 $0x3FFFFF00, s12  }
0x1fa: {  	[tilespmem:s11+$0x70] =	vst v0;
	s24 =	sadd.s32 $0x5000, s12  }
0x1fb: {  	[spmem:s2] =	stream.indirect.scatter.add.f32 [tilespmem:s26], [sflag:$0x5], $0x40, s24, s25, $0xb8;
	[tilespmem:$0x1ED80] =	vst v63  }
0x1fc: {  	_ =	swait.ge [sflag:s21], $0x2000  }
0x1fd: {  	[sflag:s21] =	ssyncset.done $0x0  }
0x1fe: {  	[sflag:s21] =	ssyncadd.s32 $0xFFFFE000  }
0x1ff: {  	_ =	swait.ge [sflag:s4], $0x2000  }
0x200: {  	[sflag:s4] =	ssyncset.done $0x0  }
0x201: {  	[sflag:s4] =	ssyncadd.s32 $0xFFFFE000  }
0x202: {  	p1 =	seq.s32 s13, $0x4F;
	_ =	swait.ge [sflag:s1], $0x2000  }
0x203: {  	s11 =	sshll.u32 @!p1 s13, $0x8;
	s15 =	simm.s32 @!p1 $0x80;
	[sflag:s1] =	ssyncset.done $0x0  }
0x204: {  	s12 =	sadd.s32 @!p1 $0x100, s11;
	s24 =	simm.s32 @!p1 $0xA000;
	[sflag:s1] =	ssyncadd.s32 $0xFFFFE000  }
0x205: {  	[tilespmem:s24], [sflag:$0x1] =	stream.indirect.gather @!p1 [hbm4b:s7+s15], $0x40, s12, s15, $0xb8;
	[tilespmem:$0x1ED80] =	vst v63  }
0x206: {  	s11 =	sadd.s32 @!p1 $0x5100, s11;
	s12 =	simm.s32 @!p1 $0xE000  }
0x207: {  	[tilespmem:s12], [sflag:$0x3] =	stream.indirect.gather @!p1 [hbm4b:s9+s15], $0x40, s11, s15, $0xb8;
	[tilespmem:$0x1ED80] =	vst v63  }
0x208: {  	s11 =	simm.s32 $0xC0F0  }
0x209: {  	s12 =	simm.s32 $0x100F0;
	v0 =	vld [tilespmem:s11+$0xFFFFFF10]  }
0x20a: {  	v1 =	vld [tilespmem:s12+$0xFFFFFF10];
	_ =	sdelay $0x4  }
0x20b: {  	v0 =	vadd.f32 v1, v0;
	_ =	sdelay $0x1  }
0x20c: {  	v0 =	vmax.f32 v0, $0.0e+00  }
0x20d: {  	[tilespmem:s11+$0xFFFFFF10] =	vst v0;
	v0 =	vld [tilespmem:s11+$0xFFFFFF20]  }
0x20e: {  	v1 =	vld [tilespmem:s12+$0xFFFFFF20];
	_ =	sdelay $0x4  }
0x20f: {  	v0 =	vadd.f32 v1, v0;
	_ =	sdelay $0x1  }
0x210: {  	v0 =	vmax.f32 v0, $0.0e+00  }
0x211: {  	[tilespmem:s11+$0xFFFFFF20] =	vst v0;
	v0 =	vld [tilespmem:s11+$0xFFFFFF30]  }
0x212: {  	v1 =	vld [tilespmem:s12+$0xFFFFFF30];
	_ =	sdelay $0x4  }
0x213: {  	v0 =	vadd.f32 v1, v0;
	_ =	sdelay $0x1  }
0x214: {  	v0 =	vmax.f32 v0, $0.0e+00  }
0x215: {  	[tilespmem:s11+$0xFFFFFF30] =	vst v0;
	v0 =	vld [tilespmem:s11+$0xFFFFFF40]  }
0x216: {  	v1 =	vld [tilespmem:s12+$0xFFFFFF40];
	_ =	sdelay $0x4  }
0x217: {  	v0 =	vadd.f32 v1, v0;
	_ =	sdelay $0x1  }
0x218: {  	v0 =	vmax.f32 v0, $0.0e+00  }
0x219: {  	[tilespmem:s11+$0xFFFFFF40] =	vst v0;
	v0 =	vld [tilespmem:s11+$0xFFFFFF50]  }
0x21a: {  	v1 =	vld [tilespmem:s12+$0xFFFFFF50];
	_ =	sdelay $0x4  }
0x21b: {  	v0 =	vadd.f32 v1, v0;
	_ =	sdelay $0x1  }
0x21c: {  	v0 =	vmax.f32 v0, $0.0e+00  }
0x21d: {  	[tilespmem:s11+$0xFFFFFF50] =	vst v0;
	v0 =	vld [tilespmem:s11+$0xFFFFFF60]  }
0x21e: {  	v1 =	vld [tilespmem:s12+$0xFFFFFF60];
	_ =	sdelay $0x4  }
0x21f: {  	v0 =	vadd.f32 v1, v0;
	_ =	sdelay $0x1  }
0x220: {  	v0 =	vmax.f32 v0, $0.0e+00  }
0x221: {  	[tilespmem:s11+$0xFFFFFF60] =	vst v0;
	v0 =	vld [tilespmem:s11+$0xFFFFFF70]  }
0x222: {  	v1 =	vld [tilespmem:s12+$0xFFFFFF70];
	_ =	sdelay $0x4  }
0x223: {  	v0 =	vadd.f32 v1, v0;
	_ =	sdelay $0x1  }
0x224: {  	v0 =	vmax.f32 v0, $0.0e+00  }
0x225: {  	[tilespmem:s11+$0xFFFFFF70] =	vst v0;
	v0 =	vld [tilespmem:s11+$0xFFFFFF80]  }
0x226: {  	v1 =	vld [tilespmem:s12+$0xFFFFFF80];
	_ =	sdelay $0x4  }
0x227: {  	v0 =	vadd.f32 v1, v0;
	_ =	sdelay $0x1  }
0x228: {  	v0 =	vmax.f32 v0, $0.0e+00  }
0x229: {  	[tilespmem:s11+$0xFFFFFF80] =	vst v0;
	v0 =	vld [tilespmem:s11+$0xFFFFFF90]  }
0x22a: {  	v1 =	vld [tilespmem:s12+$0xFFFFFF90];
	_ =	sdelay $0x4  }
0x22b: {  	v0 =	vadd.f32 v1, v0;
	_ =	sdelay $0x1  }
0x22c: {  	v0 =	vmax.f32 v0, $0.0e+00  }
0x22d: {  	[tilespmem:s11+$0xFFFFFF90] =	vst v0;
	v0 =	vld [tilespmem:s11+$0xFFFFFFA0]  }
0x22e: {  	v1 =	vld [tilespmem:s12+$0xFFFFFFA0];
	_ =	sdelay $0x4  }
0x22f: {  	v0 =	vadd.f32 v1, v0;
	_ =	sdelay $0x1  }
0x230: {  	v0 =	vmax.f32 v0, $0.0e+00  }
0x231: {  	[tilespmem:s11+$0xFFFFFFA0] =	vst v0;
	v0 =	vld [tilespmem:s11+$0xFFFFFFB0]  }
0x232: {  	v1 =	vld [tilespmem:s12+$0xFFFFFFB0];
	_ =	sdelay $0x4  }
0x233: {  	v0 =	vadd.f32 v1, v0;
	_ =	sdelay $0x1  }
0x234: {  	v0 =	vmax.f32 v0, $0.0e+00  }
0x235: {  	[tilespmem:s11+$0xFFFFFFB0] =	vst v0;
	v0 =	vld [tilespmem:s11+$0xFFFFFFC0]  }
0x236: {  	v1 =	vld [tilespmem:s12+$0xFFFFFFC0];
	_ =	sdelay $0x4  }
0x237: {  	v0 =	vadd.f32 v1, v0;
	_ =	sdelay $0x1  }
0x238: {  	v0 =	vmax.f32 v0, $0.0e+00  }
0x239: {  	[tilespmem:s11+$0xFFFFFFC0] =	vst v0;
	v0 =	vld [tilespmem:s11+$0xFFFFFFD0]  }
0x23a: {  	v1 =	vld [tilespmem:s12+$0xFFFFFFD0];
	_ =	sdelay $0x4  }
0x23b: {  	v0 =	vadd.f32 v1, v0;
	_ =	sdelay $0x1  }
0x23c: {  	v0 =	vmax.f32 v0, $0.0e+00  }
0x23d: {  	[tilespmem:s11+$0xFFFFFFD0] =	vst v0;
	v0 =	vld [tilespmem:s11+$0xFFFFFFE0]  }
0x23e: {  	v1 =	vld [tilespmem:s12+$0xFFFFFFE0];
	_ =	sdelay $0x4  }
0x23f: {  	v0 =	vadd.f32 v1, v0;
	_ =	sdelay $0x1  }
0x240: {  	v0 =	vmax.f32 v0, $0.0e+00  }
0x241: {  	[tilespmem:s11+$0xFFFFFFE0] =	vst v0;
	v0 =	vld [tilespmem:s11+$0xFFFFFFF0]  }
0x242: {  	v1 =	vld [tilespmem:s12+$0xFFFFFFF0];
	_ =	sdelay $0x4  }
0x243: {  	v0 =	vadd.f32 v1, v0;
	_ =	sdelay $0x1  }
0x244: {  	v0 =	vmax.f32 v0, $0.0e+00  }
0x245: {  	[tilespmem:s11+$0xFFFFFFF0] =	vst v0;
	v0 =	vld [tilespmem:s11+$0x0]  }
0x246: {  	v1 =	vld [tilespmem:s12+$0x0];
	_ =	sdelay $0x4  }
0x247: {  	v0 =	vadd.f32 v1, v0;
	_ =	sdelay $0x1  }
0x248: {  	s24 =	simm.s32 $0x0;
	s15 =	simm.s32 $0xC1F0;
	v0 =	vmax.f32 v0, $0.0e+00  }
.LBB2_13:
0x249: {  	v1 =	vld [tilespmem:s15+$0xFFFFFF10];
	[tilespmem:s11+$0x0] =	vst v0;
	s12 =	sadd.s32 $0x100, s12;
	s11 =	smov.u32 s15  }
0x24a: {  	s24 =	sadd.s32 $0x4, s24;
	v0 =	vld [tilespmem:s12+$0xFFFFFF10]  }
0x24b: {  	p1 =	slt.u32 s24, $0x7C;
	_ =	sdelay $0x3  }
0x24c: {  	v0 =	vadd.f32 v0, v1;
	_ =	sdelay $0x1  }
0x24d: {  	v0 =	vmax.f32 v0, $0.0e+00  }
0x24e: {  	[tilespmem:s15+$0xFFFFFF10] =	vst v0;
	v0 =	vld [tilespmem:s15+$0xFFFFFF20]  }
0x24f: {  	v1 =	vld [tilespmem:s12+$0xFFFFFF20];
	_ =	sdelay $0x4  }
0x250: {  	v0 =	vadd.f32 v1, v0;
	_ =	sdelay $0x1  }
0x251: {  	v0 =	vmax.f32 v0, $0.0e+00  }
0x252: {  	[tilespmem:s15+$0xFFFFFF20] =	vst v0;
	v0 =	vld [tilespmem:s15+$0xFFFFFF30]  }
0x253: {  	v1 =	vld [tilespmem:s12+$0xFFFFFF30];
	_ =	sdelay $0x4  }
0x254: {  	v0 =	vadd.f32 v1, v0;
	_ =	sdelay $0x1  }
0x255: {  	v0 =	vmax.f32 v0, $0.0e+00  }
0x256: {  	[tilespmem:s15+$0xFFFFFF30] =	vst v0;
	v0 =	vld [tilespmem:s15+$0xFFFFFF40]  }
0x257: {  	v1 =	vld [tilespmem:s12+$0xFFFFFF40];
	_ =	sdelay $0x4  }
0x258: {  	v0 =	vadd.f32 v1, v0;
	_ =	sdelay $0x1  }
0x259: {  	v0 =	vmax.f32 v0, $0.0e+00  }
0x25a: {  	[tilespmem:s15+$0xFFFFFF40] =	vst v0;
	v0 =	vld [tilespmem:s15+$0xFFFFFF50]  }
0x25b: {  	v1 =	vld [tilespmem:s12+$0xFFFFFF50];
	_ =	sdelay $0x4  }
0x25c: {  	v0 =	vadd.f32 v1, v0;
	_ =	sdelay $0x1  }
0x25d: {  	v0 =	vmax.f32 v0, $0.0e+00  }
0x25e: {  	[tilespmem:s15+$0xFFFFFF50] =	vst v0;
	v0 =	vld [tilespmem:s15+$0xFFFFFF60]  }
0x25f: {  	v1 =	vld [tilespmem:s12+$0xFFFFFF60];
	_ =	sdelay $0x4  }
0x260: {  	v0 =	vadd.f32 v1, v0;
	_ =	sdelay $0x1  }
0x261: {  	v0 =	vmax.f32 v0, $0.0e+00  }
0x262: {  	[tilespmem:s15+$0xFFFFFF60] =	vst v0;
	v0 =	vld [tilespmem:s15+$0xFFFFFF70]  }
0x263: {  	v1 =	vld [tilespmem:s12+$0xFFFFFF70];
	_ =	sdelay $0x4  }
0x264: {  	v0 =	vadd.f32 v1, v0;
	_ =	sdelay $0x1  }
0x265: {  	v0 =	vmax.f32 v0, $0.0e+00  }
0x266: {  	[tilespmem:s15+$0xFFFFFF70] =	vst v0;
	v0 =	vld [tilespmem:s15+$0xFFFFFF80]  }
0x267: {  	v1 =	vld [tilespmem:s12+$0xFFFFFF80];
	_ =	sdelay $0x4  }
0x268: {  	v0 =	vadd.f32 v1, v0;
	_ =	sdelay $0x1  }
0x269: {  	v0 =	vmax.f32 v0, $0.0e+00  }
0x26a: {  	[tilespmem:s15+$0xFFFFFF80] =	vst v0;
	v0 =	vld [tilespmem:s15+$0xFFFFFF90]  }
0x26b: {  	v1 =	vld [tilespmem:s12+$0xFFFFFF90];
	_ =	sdelay $0x4  }
0x26c: {  	v0 =	vadd.f32 v1, v0;
	_ =	sdelay $0x1  }
0x26d: {  	v0 =	vmax.f32 v0, $0.0e+00  }
0x26e: {  	[tilespmem:s15+$0xFFFFFF90] =	vst v0;
	v0 =	vld [tilespmem:s15+$0xFFFFFFA0]  }
0x26f: {  	v1 =	vld [tilespmem:s12+$0xFFFFFFA0];
	_ =	sdelay $0x4  }
0x270: {  	v0 =	vadd.f32 v1, v0;
	_ =	sdelay $0x1  }
0x271: {  	v0 =	vmax.f32 v0, $0.0e+00  }
0x272: {  	[tilespmem:s15+$0xFFFFFFA0] =	vst v0;
	v0 =	vld [tilespmem:s15+$0xFFFFFFB0]  }
0x273: {  	v1 =	vld [tilespmem:s12+$0xFFFFFFB0];
	_ =	sdelay $0x4  }
0x274: {  	v0 =	vadd.f32 v1, v0;
	_ =	sdelay $0x1  }
0x275: {  	v0 =	vmax.f32 v0, $0.0e+00  }
0x276: {  	[tilespmem:s15+$0xFFFFFFB0] =	vst v0;
	v0 =	vld [tilespmem:s15+$0xFFFFFFC0]  }
0x277: {  	v1 =	vld [tilespmem:s12+$0xFFFFFFC0];
	_ =	sdelay $0x4  }
0x278: {  	v0 =	vadd.f32 v1, v0;
	_ =	sdelay $0x1  }
0x279: {  	v0 =	vmax.f32 v0, $0.0e+00  }
0x27a: {  	[tilespmem:s15+$0xFFFFFFC0] =	vst v0;
	v0 =	vld [tilespmem:s15+$0xFFFFFFD0]  }
0x27b: {  	v1 =	vld [tilespmem:s12+$0xFFFFFFD0];
	_ =	sdelay $0x4  }
0x27c: {  	v0 =	vadd.f32 v1, v0;
	_ =	sdelay $0x1  }
0x27d: {  	v0 =	vmax.f32 v0, $0.0e+00  }
0x27e: {  	[tilespmem:s15+$0xFFFFFFD0] =	vst v0;
	v0 =	vld [tilespmem:s15+$0xFFFFFFE0]  }
0x27f: {  	v1 =	vld [tilespmem:s12+$0xFFFFFFE0];
	_ =	sdelay $0x4  }
0x280: {  	v0 =	vadd.f32 v1, v0;
	_ =	sdelay $0x1  }
0x281: {  	v0 =	vmax.f32 v0, $0.0e+00  }
0x282: {  	[tilespmem:s15+$0xFFFFFFE0] =	vst v0;
	v0 =	vld [tilespmem:s15+$0xFFFFFFF0]  }
0x283: {  	v1 =	vld [tilespmem:s12+$0xFFFFFFF0];
	_ =	sdelay $0x4  }
0x284: {  	v0 =	vadd.f32 v1, v0;
	_ =	sdelay $0x1  }
0x285: {  	v0 =	vmax.f32 v0, $0.0e+00  }
0x286: {  	[tilespmem:s15+$0xFFFFFFF0] =	vst v0;
	v0 =	vld [tilespmem:s15+$0x0]  }
0x287: {  	v1 =	vld [tilespmem:s12+$0x0];
	_ =	sdelay $0x2  }
.Ltmp8:
0x288: {  	(pc) =	sbr.rel @p1 .LBB2_13-.Ltmp8, $3  }
0x289: {  	_ = 	snop  }
0x28a: {  	v0 =	vadd.f32 v1, v0;
	_ =	sdelay $0x1  }
0x28b: {  	s15 =	sadd.s32 $0x100, s15;
	v0 =	vmax.f32 v0, $0.0e+00  }
0x28c: {  	s10 =	sand.u32 $0x3FFFFF80, s10  }
0x28d: {  	[tilespmem:s11+$0x0] =	vst v0;
	s10 =	sadd.s32 $0x5000, s10  }
0x28e: {  	[spmem:s2] =	stream.indirect.scatter.add.f32 [tilespmem:s31], [sflag:$0x5], $0x40, s10, s25, $0xb8;
	[tilespmem:$0x1ED80] =	vst v63  }
0x28f: {  	s13 =	sadd.s32 $0x1, s13;
	_ =	swait.ge [sflag:s21], $0x2000  }
0x290: {  	p1 =	sne.s32 s13, $0x50;
	[sflag:s21] =	ssyncset.done $0x0  }
.Ltmp9:
0x291: {  	[sflag:s21] =	ssyncadd.s32 $0xFFFFE000;
	(pc) =	sbr.rel @p1 .LBB2_10-.Ltmp9, $4  }
0x292: {  	[spmem:s3] =	stream.indirect.scatter.add.f32 [tilespmem:s23], [sflag:$0x5], $0x10, s10, s25, $0xb8;
	[tilespmem:$0x1ED80] =	vst v63  }
0x293: {  	_ =	swait.ge [sflag:s21], $0x800  }
0x294: {  	[sflag:s21] =	ssyncset.done $0x0  }
0x295: {  	[sflag:s21] =	ssyncadd.s32 $0xFFFFF800  }
.Ltmp10:
0x296: {  	(pc) =	sbr.rel .LBB2_16-.Ltmp10, $2  }
0x297: {  	_ =	sdelay $0x2  }
0x298: {  	s10 =	rddreg [dreg:$0x8]  }
.LBB2_17:
0x299: {  	_ =	sfence.sel $0x180000  }
0x29a: {  	[bflag:$0x0] =	sbarrier.arrive $0xFFFF  }
0x29b: {  	_ =	strace $0x90000047  }
0x29c: {  	s0 =	stileid.u32;
	[bflag:$0x2] =	sbarrier.arrive $0xFFFF  }
0x29d: {  	p0 =	sne.s32 s0, $0x0;
	s0 =	rddreg [dreg:$0x4]  }
0x29e: {  	s0 =	sadd.s32 @!p0 $0x100000, s0  }
0x29f: {  	[sflag:s0] =	ssyncadd.tile.s32 @!p0 $0x1;
	_ =	shalt  }
.Lfunc_end2:
_tile_overlayer_lowered:
.L_overlay_start_2:
0x2a0: {  	(tag) =	ssettag $0x2  }
0x2a1: {  	s0 =	rddreg [dreg:$0x0];
	s2 =	stileid.u32  }
0x2a2: {  	s1 =	rddreg [dreg:$0x1];
	p0 =	sne.s32 s2, $0x0  }
0x2a3: {  	s3 =	rddreg [dreg:$0x2];
	[bflag:$0x3] =	sbarrier.arrive $0xFFFF;
	s2 =	simm.s32 @!p0 $0x1C05  }
0x2a4: {  	[timem:s3], [sflag:s2] =	dma.local @!p0 [hbm:s0], s1  }
0x2a5: {  	s0 =	simm.s32 @!p0 $0x5  }
0x2a6: {  	_ =	swait.ge @!p0 [sflag:s0], s1  }
0x2a7: {  	s1 =	ssub.s32 @!p0 $0x0, s1;
	[sflag:s0] =	ssyncset.done @!p0 $0x0  }
0x2a8: {  	[sflag:s0] =	ssyncadd.s32 @!p0 s1  }
0x2a9: {  	[bflag:$0x3] =	sbarrier.arrive $0xFFFF  }
0x2aa: {  	_ =	shalt  }

</sc_bundles>
